<compile_context>
chip_gen: v7x
topology: tpu7x:2x2x1
jax: 0.10.2.dev20260603
libtpu: 0.0.44.dev20260713+nightly
codegen_flags: <defaults>
</compile_context>

<pallas_src>
import jax
import jax.numpy as jnp
import numpy as np
from jax import lax
from jax.experimental import pallas as pl
from jax.experimental.pallas import tpu as pltpu
from jax.experimental.pallas import tpu_sc as plsc

jax.config.update("jax_enable_x64", True)

B = 16384
KD = 64
ROWW = 128
NC = 2
NS = 16
L = 16
NW = NC * NS
BPW = B // NW
CB = 128
NCHUNK = BPW // CB
GPC = CB // L


def _sc_body(ih0, ih1, ih2, pb0, pb1, pb2, t0, t1, t2, out,
             idx_v,
             pv00, pv01, pv02, pv10, pv11, pv12,
             r00, r01, r02, r10, r11, r12,
             out_v,
             s00, s01, s02, s10, s11, s12):
    wid = lax.axis_index("s") * np.int32(NC) + lax.axis_index("c")
    base = wid * np.int32(BPW)
    iot = lax.iota(jnp.int32, L)
    pvs = ((pv00, pv01, pv02), (pv10, pv11, pv12))
    rws = ((r00, r01, r02), (r10, r11, r12))
    sms = ((s00, s01, s02), (s10, s11, s12))

    def start_chunk(c, buf):
        off = base + np.int32(c * CB)
        pltpu.sync_copy(ih0.at[pl.ds(off, CB)], idx_v.at[np.int32(0)])
        pltpu.sync_copy(ih1.at[pl.ds(off, CB)], idx_v.at[np.int32(1)])
        pltpu.sync_copy(ih2.at[pl.ds(off, CB)], idx_v.at[np.int32(2)])
        pltpu.sync_copy(pb0.at[pl.ds(off, CB)], pvs[buf][0])
        pltpu.sync_copy(pb1.at[pl.ds(off, CB)], pvs[buf][1])
        pltpu.sync_copy(pb2.at[pl.ds(off, CB)], pvs[buf][2])
        return (
            pltpu.async_copy(t0.at[idx_v.at[np.int32(0)]], rws[buf][0],
                             sms[buf][0]),
            pltpu.async_copy(t1.at[idx_v.at[np.int32(1)]], rws[buf][1],
                             sms[buf][1]),
            pltpu.async_copy(t2.at[idx_v.at[np.int32(2)]], rws[buf][2],
                             sms[buf][2]),
        )

    def compute_chunk(c, buf):
        r0_v, r1_v, r2_v = rws[buf]
        pb0_v, pb1_v, pb2_v = pvs[buf]

        def group_body(g, carry):
            offs, loc = carry
            row_idx = jnp.broadcast_to(loc, (L,)) + iot
            pv0 = pb0_v[pl.ds(loc, L)]
            pv1 = pb1_v[pl.ds(loc, L)]
            pv2 = pb2_v[pl.ds(loc, L)]
            half = np.int32(KD // 2)

            def k_body(k, kcarry):
                acc_a, acc_b, c0, c1, c2 = kcarry
                v0 = plsc.load_gather(r0_v, [row_idx, c0])
                v1 = plsc.load_gather(r1_v, [row_idx, c1])
                v2 = plsc.load_gather(r2_v, [row_idx, c2])
                w0 = plsc.load_gather(r0_v, [row_idx, c0 + half])
                w1 = plsc.load_gather(r1_v, [row_idx, c1 + half])
                w2 = plsc.load_gather(r2_v, [row_idx, c2 + half])
                return (acc_a + v0 * v1 * v2, acc_b + w0 * w1 * w2,
                        c0 + np.int32(1), c1 + np.int32(1), c2 + np.int32(1))

            acc_a, acc_b, _, _, _ = lax.fori_loop(
                np.int32(0), half, k_body,
                (jnp.zeros((L,), jnp.float32), jnp.zeros((L,), jnp.float32),
                 pv0, pv1, pv2),
                unroll=8)
            out_v[pl.ds(offs, L)] = acc_a + acc_b
            return (offs + np.int32(L), loc + np.int32(L))

        lax.fori_loop(np.int32(0), np.int32(GPC), group_body,
                      (jnp.full((), c * CB, jnp.int32),
                       jnp.full((), 0, jnp.int32)))

    cps = start_chunk(0, 0)
    for c in range(NCHUNK):
        for cp in cps:
            cp.wait()
        if c + 1 < NCHUNK:
            nxt = start_chunk(c + 1, (c + 1) % 2)
        compute_chunk(c, c % 2)
        if c + 1 < NCHUNK:
            cps = nxt
    pltpu.sync_copy(out_v, out.at[pl.ds(base, BPW)])


def _sc_call(ih0, ih1, ih2, pb0, pb1, pb2, t0, t1, t2):
    mesh = plsc.VectorSubcoreMesh(core_axis_name="c", subcore_axis_name="s")
    return pl.kernel(
        _sc_body,
        out_type=jax.ShapeDtypeStruct((B,), jnp.float32),
        mesh=mesh,
        compiler_params=pltpu.CompilerParams(needs_layout_passes=False),
        scratch_types=(
            [pltpu.VMEM((3, CB), jnp.int32)]
            + [pltpu.VMEM((CB,), jnp.int32) for _ in range(6)]
            + [pltpu.VMEM((CB, ROWW), jnp.float32) for _ in range(6)]
            + [pltpu.VMEM((BPW,), jnp.float32)]
            + [pltpu.SemaphoreType.DMA for _ in range(6)]
        ),
    )(ih0, ih1, ih2, pb0, pb1, pb2, t0, t1, t2)


def kernel(indices, f0, f1, f2, log_sigma):
    idx = indices.astype(jnp.int32)
    ih = idx >> 1
    pb = (idx & 1) << 6
    t0 = f0.reshape(f0.shape[0] // 2, ROWW).astype(jnp.float32)
    t1 = f1.reshape(f1.shape[0] // 2, ROWW).astype(jnp.float32)
    t2 = f2.reshape(f2.shape[0] // 2, ROWW).astype(jnp.float32)
    res32 = _sc_call(ih[:, 0], ih[:, 1], ih[:, 2],
                     pb[:, 0], pb[:, 1], pb[:, 2], t0, t1, t2)
    return (res32.astype(jnp.float64), jnp.clip(log_sigma, -2.5, 0.0))

# --- scband reference (transcript-rebuilt; emitter-appended) ---
"""Pipeline reference for scband-policy-parafac-9904194584578 (READ-ONLY COPY).

The authoritative reference and input builder live on the scoring server;
editing this copy changes nothing except your own understanding.
"""

import jax, jax.numpy as jnp
import numpy as np

jax.config.update("jax_enable_x64", True)

DIMS = [100000, 100000, 100000]
K = 64
BATCH = 16384


def setup_inputs(seed: int = 0) -> dict:
    key = jax.random.key(seed)
    k_idx, k0, k1, k2 = jax.random.split(key, 4)
    indices = jax.random.randint(k_idx, (BATCH, 3), 0, 100000, dtype=jnp.int64)
    f0 = jax.random.normal(k0, (DIMS[0], K), dtype=jnp.float64)
    f1 = jax.random.normal(k1, (DIMS[1], K), dtype=jnp.float64)
    f2 = jax.random.normal(k2, (DIMS[2], K), dtype=jnp.float64)
    log_sigma = jnp.zeros((1,), dtype=jnp.float32)
    return {"indices": indices, "f0": f0, "f1": f1, "f2": f2, "log_sigma": log_sigma}


def reference(indices, f0, f1, f2, log_sigma):
    indices = indices.astype(jnp.int64)
    if indices.ndim == 1:
        indices = indices.reshape(1, -1)
    factors = [f0, f1, f2]
    bsz = indices.shape[0]
    prod = jnp.ones((bsz, K), dtype=jnp.float64)
    for i in range(indices.shape[1]):
        idx = indices[:, i]
        prod = prod * jnp.take(factors[i], idx, axis=0)
    # indices cover all factors -> sum over rank dimension
    res = jnp.sum(prod, axis=-1)
    return (res, jnp.clip(log_sigma, -2.5, 0.0))

if __name__ == "__main__":
    import jax
    _d = setup_inputs()
    print(jax.jit(kernel)(*tuple(_d.values())))

</pallas_src>

<mosaic_0001>
#map = affine_map<(d0, d1) -> (0)>
#map1 = affine_map<(d0, d1) -> (0, 0)>
module attributes {stable_mosaic.version = 14 : i64} {
  func.func @_sc_body(%arg0: i32, %arg1: i32, %arg2: memref<16384xi32, #tpu.memory_space<hbm>>, %arg3: memref<16384xi32, #tpu.memory_space<hbm>>, %arg4: memref<16384xi32, #tpu.memory_space<hbm>>, %arg5: memref<16384xi32, #tpu.memory_space<hbm>>, %arg6: memref<16384xi32, #tpu.memory_space<hbm>>, %arg7: memref<16384xi32, #tpu.memory_space<hbm>>, %arg8: memref<50000x128xf32, #tpu.memory_space<hbm>>, %arg9: memref<50000x128xf32, #tpu.memory_space<hbm>>, %arg10: memref<50000x128xf32, #tpu.memory_space<hbm>>, %arg11: memref<16384xf32, #tpu.memory_space<hbm>>, %arg12: memref<3x128xi32, #tpu.memory_space<vmem>>, %arg13: memref<128xi32, #tpu.memory_space<vmem>>, %arg14: memref<128xi32, #tpu.memory_space<vmem>>, %arg15: memref<128xi32, #tpu.memory_space<vmem>>, %arg16: memref<128xi32, #tpu.memory_space<vmem>>, %arg17: memref<128xi32, #tpu.memory_space<vmem>>, %arg18: memref<128xi32, #tpu.memory_space<vmem>>, %arg19: memref<128x128xf32, #tpu.memory_space<vmem>>, %arg20: memref<128x128xf32, #tpu.memory_space<vmem>>, %arg21: memref<128x128xf32, #tpu.memory_space<vmem>>, %arg22: memref<128x128xf32, #tpu.memory_space<vmem>>, %arg23: memref<128x128xf32, #tpu.memory_space<vmem>>, %arg24: memref<128x128xf32, #tpu.memory_space<vmem>>, %arg25: memref<512xf32, #tpu.memory_space<vmem>>, %arg26: memref<!tpu.dma_semaphore, #tpu.memory_space<semaphore_mem>>, %arg27: memref<!tpu.dma_semaphore, #tpu.memory_space<semaphore_mem>>, %arg28: memref<!tpu.dma_semaphore, #tpu.memory_space<semaphore_mem>>, %arg29: memref<!tpu.dma_semaphore, #tpu.memory_space<semaphore_mem>>, %arg30: memref<!tpu.dma_semaphore, #tpu.memory_space<semaphore_mem>>, %arg31: memref<!tpu.dma_semaphore, #tpu.memory_space<semaphore_mem>>) attributes {dimension_semantics = [#tpu.dimension_semantics<core_parallel>, #tpu.dimension_semantics<subcore_parallel>], iteration_bounds = array<i64: 2, 16>, scalar_prefetch = 0 : i64, scratch_operands = 20 : i64, tpu.core_type = #tpu.core_type<sc_vector_subcore>, window_params = [{transform_indices = #map}, {transform_indices = #map}, {transform_indices = #map}, {transform_indices = #map}, {transform_indices = #map}, {transform_indices = #map}, {transform_indices = #map1}, {transform_indices = #map1}, {transform_indices = #map1}, {transform_indices = #map}]} {
    %mul3A = arith.constant 2 : i32
    %mul3A_0 = arith.muli %arg1, %mul3A : i32
    %add3A = arith.addi %mul3A_0, %arg0 : i32
    %mul3A_1 = arith.constant 512 : i32
    %mul3A_2 = arith.muli %add3A, %mul3A_1 : i32
    %iota3A = tpu.iota {dimensions = array<i32: 0>} : vector<16xi32>
    %add3A_3 = arith.constant 0 : i32
    %add3A_4 = arith.addi %mul3A_2, %add3A_3 : i32
    %run_scoped3A = arith.constant 0 : i32
    "tpu.region"() ({
      %run_scoped3A_219 = tpu.sem_alloc : memref<!tpu.dma_semaphore, #tpu.memory_space<semaphore_mem>>
      %dma_start3A_220 = arith.constant 0 : i32
      %dma_start3A_221 = tpu.memref_slice %arg12[%run_scoped3A, %dma_start3A_220] : memref<3x128xi32, #tpu.memory_space<vmem>> -> memref<1x128xi32, #tpu.memory_space<vmem>>
      %dma_start3A_222 = tpu.memref_squeeze %dma_start3A_221 : memref<1x128xi32, #tpu.memory_space<vmem>> -> memref<128xi32, #tpu.memory_space<vmem>>
      %dma_start3A_223 = tpu.memref_slice %arg2[%add3A_4] : memref<16384xi32, #tpu.memory_space<hbm>> -> memref<128xi32, #tpu.memory_space<hbm>>
      %dma_start3A_224 = arith.constant 0 : i32
      %dma_start3A_225 = tpu.memref_slice %arg12[%run_scoped3A, %dma_start3A_224] : memref<3x128xi32, #tpu.memory_space<vmem>> -> memref<1x128xi32, #tpu.memory_space<vmem>>
      %dma_start3A_226 = tpu.memref_squeeze %dma_start3A_225 : memref<1x128xi32, #tpu.memory_space<vmem>> -> memref<128xi32, #tpu.memory_space<vmem>>
      %dma_start3A_227 = tpu.memref_slice %arg2[%add3A_4] : memref<16384xi32, #tpu.memory_space<hbm>> -> memref<128xi32, #tpu.memory_space<hbm>>
      tpu.enqueue_dma source(%dma_start3A_227 : memref<128xi32, #tpu.memory_space<hbm>>) target(%dma_start3A_226 : memref<128xi32, #tpu.memory_space<vmem>>) target_semaphore(%run_scoped3A_219 : memref<!tpu.dma_semaphore, #tpu.memory_space<semaphore_mem>>)
      %dma_wait3A_228 = arith.constant 0 : i32
      %dma_wait3A_229 = tpu.memref_slice %arg12[%run_scoped3A, %dma_wait3A_228] : memref<3x128xi32, #tpu.memory_space<vmem>> -> memref<1x128xi32, #tpu.memory_space<vmem>>
      %dma_wait3A_230 = tpu.memref_squeeze %dma_wait3A_229 : memref<1x128xi32, #tpu.memory_space<vmem>> -> memref<128xi32, #tpu.memory_space<vmem>>
      %dma_wait3A_231 = tpu.memref_slice %arg2[%add3A_4] : memref<16384xi32, #tpu.memory_space<hbm>> -> memref<128xi32, #tpu.memory_space<hbm>>
      %dma_wait3A_232 = arith.constant 0 : i32
      %dma_wait3A_233 = tpu.memref_slice %arg12[%run_scoped3A, %dma_wait3A_232] : memref<3x128xi32, #tpu.memory_space<vmem>> -> memref<1x128xi32, #tpu.memory_space<vmem>>
      %dma_wait3A_234 = tpu.memref_squeeze %dma_wait3A_233 : memref<1x128xi32, #tpu.memory_space<vmem>> -> memref<128xi32, #tpu.memory_space<vmem>>
      %dma_wait3A_235 = tpu.memref_slice %arg2[%add3A_4] : memref<16384xi32, #tpu.memory_space<hbm>> -> memref<128xi32, #tpu.memory_space<hbm>>
      tpu.wait_dma2 semaphore(%run_scoped3A_219 : memref<!tpu.dma_semaphore, #tpu.memory_space<semaphore_mem>>) src(%dma_wait3A_235 : memref<128xi32, #tpu.memory_space<hbm>>) dst(%dma_wait3A_234 : memref<128xi32, #tpu.memory_space<vmem>>)
      tpu.yield
    }) : () -> ()
    %run_scoped3A_5 = arith.constant 1 : i32
    "tpu.region"() ({
      %run_scoped3A_219 = tpu.sem_alloc : memref<!tpu.dma_semaphore, #tpu.memory_space<semaphore_mem>>
      %dma_start3A_220 = arith.constant 0 : i32
      %dma_start3A_221 = tpu.memref_slice %arg12[%run_scoped3A_5, %dma_start3A_220] : memref<3x128xi32, #tpu.memory_space<vmem>> -> memref<1x128xi32, #tpu.memory_space<vmem>>
      %dma_start3A_222 = tpu.memref_squeeze %dma_start3A_221 : memref<1x128xi32, #tpu.memory_space<vmem>> -> memref<128xi32, #tpu.memory_space<vmem>>
      %dma_start3A_223 = tpu.memref_slice %arg3[%add3A_4] : memref<16384xi32, #tpu.memory_space<hbm>> -> memref<128xi32, #tpu.memory_space<hbm>>
      %dma_start3A_224 = arith.constant 0 : i32
      %dma_start3A_225 = tpu.memref_slice %arg12[%run_scoped3A_5, %dma_start3A_224] : memref<3x128xi32, #tpu.memory_space<vmem>> -> memref<1x128xi32, #tpu.memory_space<vmem>>
      %dma_start3A_226 = tpu.memref_squeeze %dma_start3A_225 : memref<1x128xi32, #tpu.memory_space<vmem>> -> memref<128xi32, #tpu.memory_space<vmem>>
      %dma_start3A_227 = tpu.memref_slice %arg3[%add3A_4] : memref<16384xi32, #tpu.memory_space<hbm>> -> memref<128xi32, #tpu.memory_space<hbm>>
      tpu.enqueue_dma source(%dma_start3A_227 : memref<128xi32, #tpu.memory_space<hbm>>) target(%dma_start3A_226 : memref<128xi32, #tpu.memory_space<vmem>>) target_semaphore(%run_scoped3A_219 : memref<!tpu.dma_semaphore, #tpu.memory_space<semaphore_mem>>)
      %dma_wait3A_228 = arith.constant 0 : i32
      %dma_wait3A_229 = tpu.memref_slice %arg12[%run_scoped3A_5, %dma_wait3A_228] : memref<3x128xi32, #tpu.memory_space<vmem>> -> memref<1x128xi32, #tpu.memory_space<vmem>>
      %dma_wait3A_230 = tpu.memref_squeeze %dma_wait3A_229 : memref<1x128xi32, #tpu.memory_space<vmem>> -> memref<128xi32, #tpu.memory_space<vmem>>
      %dma_wait3A_231 = tpu.memref_slice %arg3[%add3A_4] : memref<16384xi32, #tpu.memory_space<hbm>> -> memref<128xi32, #tpu.memory_space<hbm>>
      %dma_wait3A_232 = arith.constant 0 : i32
      %dma_wait3A_233 = tpu.memref_slice %arg12[%run_scoped3A_5, %dma_wait3A_232] : memref<3x128xi32, #tpu.memory_space<vmem>> -> memref<1x128xi32, #tpu.memory_space<vmem>>
      %dma_wait3A_234 = tpu.memref_squeeze %dma_wait3A_233 : memref<1x128xi32, #tpu.memory_space<vmem>> -> memref<128xi32, #tpu.memory_space<vmem>>
      %dma_wait3A_235 = tpu.memref_slice %arg3[%add3A_4] : memref<16384xi32, #tpu.memory_space<hbm>> -> memref<128xi32, #tpu.memory_space<hbm>>
      tpu.wait_dma2 semaphore(%run_scoped3A_219 : memref<!tpu.dma_semaphore, #tpu.memory_space<semaphore_mem>>) src(%dma_wait3A_235 : memref<128xi32, #tpu.memory_space<hbm>>) dst(%dma_wait3A_234 : memref<128xi32, #tpu.memory_space<vmem>>)
      tpu.yield
    }) : () -> ()
    %run_scoped3A_6 = arith.constant 2 : i32
    "tpu.region"() ({
      %run_scoped3A_219 = tpu.sem_alloc : memref<!tpu.dma_semaphore, #tpu.memory_space<semaphore_mem>>
      %dma_start3A_220 = arith.constant 0 : i32
      %dma_start3A_221 = tpu.memref_slice %arg12[%run_scoped3A_6, %dma_start3A_220] : memref<3x128xi32, #tpu.memory_space<vmem>> -> memref<1x128xi32, #tpu.memory_space<vmem>>
      %dma_start3A_222 = tpu.memref_squeeze %dma_start3A_221 : memref<1x128xi32, #tpu.memory_space<vmem>> -> memref<128xi32, #tpu.memory_space<vmem>>
      %dma_start3A_223 = tpu.memref_slice %arg4[%add3A_4] : memref<16384xi32, #tpu.memory_space<hbm>> -> memref<128xi32, #tpu.memory_space<hbm>>
      %dma_start3A_224 = arith.constant 0 : i32
      %dma_start3A_225 = tpu.memref_slice %arg12[%run_scoped3A_6, %dma_start3A_224] : memref<3x128xi32, #tpu.memory_space<vmem>> -> memref<1x128xi32, #tpu.memory_space<vmem>>
      %dma_start3A_226 = tpu.memref_squeeze %dma_start3A_225 : memref<1x128xi32, #tpu.memory_space<vmem>> -> memref<128xi32, #tpu.memory_space<vmem>>
      %dma_start3A_227 = tpu.memref_slice %arg4[%add3A_4] : memref<16384xi32, #tpu.memory_space<hbm>> -> memref<128xi32, #tpu.memory_space<hbm>>
      tpu.enqueue_dma source(%dma_start3A_227 : memref<128xi32, #tpu.memory_space<hbm>>) target(%dma_start3A_226 : memref<128xi32, #tpu.memory_space<vmem>>) target_semaphore(%run_scoped3A_219 : memref<!tpu.dma_semaphore, #tpu.memory_space<semaphore_mem>>)
      %dma_wait3A_228 = arith.constant 0 : i32
      %dma_wait3A_229 = tpu.memref_slice %arg12[%run_scoped3A_6, %dma_wait3A_228] : memref<3x128xi32, #tpu.memory_space<vmem>> -> memref<1x128xi32, #tpu.memory_space<vmem>>
      %dma_wait3A_230 = tpu.memref_squeeze %dma_wait3A_229 : memref<1x128xi32, #tpu.memory_space<vmem>> -> memref<128xi32, #tpu.memory_space<vmem>>
      %dma_wait3A_231 = tpu.memref_slice %arg4[%add3A_4] : memref<16384xi32, #tpu.memory_space<hbm>> -> memref<128xi32, #tpu.memory_space<hbm>>
      %dma_wait3A_232 = arith.constant 0 : i32
      %dma_wait3A_233 = tpu.memref_slice %arg12[%run_scoped3A_6, %dma_wait3A_232] : memref<3x128xi32, #tpu.memory_space<vmem>> -> memref<1x128xi32, #tpu.memory_space<vmem>>
      %dma_wait3A_234 = tpu.memref_squeeze %dma_wait3A_233 : memref<1x128xi32, #tpu.memory_space<vmem>> -> memref<128xi32, #tpu.memory_space<vmem>>
      %dma_wait3A_235 = tpu.memref_slice %arg4[%add3A_4] : memref<16384xi32, #tpu.memory_space<hbm>> -> memref<128xi32, #tpu.memory_space<hbm>>
      tpu.wait_dma2 semaphore(%run_scoped3A_219 : memref<!tpu.dma_semaphore, #tpu.memory_space<semaphore_mem>>) src(%dma_wait3A_235 : memref<128xi32, #tpu.memory_space<hbm>>) dst(%dma_wait3A_234 : memref<128xi32, #tpu.memory_space<vmem>>)
      tpu.yield
    }) : () -> ()
    "tpu.region"() ({
      %run_scoped3A_219 = tpu.sem_alloc : memref<!tpu.dma_semaphore, #tpu.memory_space<semaphore_mem>>
      %dma_start3A_220 = tpu.memref_slice %arg5[%add3A_4] : memref<16384xi32, #tpu.memory_space<hbm>> -> memref<128xi32, #tpu.memory_space<hbm>>
      %dma_start3A_221 = tpu.memref_slice %arg5[%add3A_4] : memref<16384xi32, #tpu.memory_space<hbm>> -> memref<128xi32, #tpu.memory_space<hbm>>
      tpu.enqueue_dma source(%dma_start3A_221 : memref<128xi32, #tpu.memory_space<hbm>>) target(%arg13 : memref<128xi32, #tpu.memory_space<vmem>>) target_semaphore(%run_scoped3A_219 : memref<!tpu.dma_semaphore, #tpu.memory_space<semaphore_mem>>)
      %dma_wait3A_222 = tpu.memref_slice %arg5[%add3A_4] : memref<16384xi32, #tpu.memory_space<hbm>> -> memref<128xi32, #tpu.memory_space<hbm>>
      %dma_wait3A_223 = tpu.memref_slice %arg5[%add3A_4] : memref<16384xi32, #tpu.memory_space<hbm>> -> memref<128xi32, #tpu.memory_space<hbm>>
      tpu.wait_dma2 semaphore(%run_scoped3A_219 : memref<!tpu.dma_semaphore, #tpu.memory_space<semaphore_mem>>) src(%dma_wait3A_223 : memref<128xi32, #tpu.memory_space<hbm>>) dst(%arg13 : memref<128xi32, #tpu.memory_space<vmem>>)
      tpu.yield
    }) : () -> ()
    "tpu.region"() ({
      %run_scoped3A_219 = tpu.sem_alloc : memref<!tpu.dma_semaphore, #tpu.memory_space<semaphore_mem>>
      %dma_start3A_220 = tpu.memref_slice %arg6[%add3A_4] : memref<16384xi32, #tpu.memory_space<hbm>> -> memref<128xi32, #tpu.memory_space<hbm>>
      %dma_start3A_221 = tpu.memref_slice %arg6[%add3A_4] : memref<16384xi32, #tpu.memory_space<hbm>> -> memref<128xi32, #tpu.memory_space<hbm>>
      tpu.enqueue_dma source(%dma_start3A_221 : memref<128xi32, #tpu.memory_space<hbm>>) target(%arg14 : memref<128xi32, #tpu.memory_space<vmem>>) target_semaphore(%run_scoped3A_219 : memref<!tpu.dma_semaphore, #tpu.memory_space<semaphore_mem>>)
      %dma_wait3A_222 = tpu.memref_slice %arg6[%add3A_4] : memref<16384xi32, #tpu.memory_space<hbm>> -> memref<128xi32, #tpu.memory_space<hbm>>
      %dma_wait3A_223 = tpu.memref_slice %arg6[%add3A_4] : memref<16384xi32, #tpu.memory_space<hbm>> -> memref<128xi32, #tpu.memory_space<hbm>>
      tpu.wait_dma2 semaphore(%run_scoped3A_219 : memref<!tpu.dma_semaphore, #tpu.memory_space<semaphore_mem>>) src(%dma_wait3A_223 : memref<128xi32, #tpu.memory_space<hbm>>) dst(%arg14 : memref<128xi32, #tpu.memory_space<vmem>>)
      tpu.yield
    }) : () -> ()
    "tpu.region"() ({
      %run_scoped3A_219 = tpu.sem_alloc : memref<!tpu.dma_semaphore, #tpu.memory_space<semaphore_mem>>
      %dma_start3A_220 = tpu.memref_slice %arg7[%add3A_4] : memref<16384xi32, #tpu.memory_space<hbm>> -> memref<128xi32, #tpu.memory_space<hbm>>
      %dma_start3A_221 = tpu.memref_slice %arg7[%add3A_4] : memref<16384xi32, #tpu.memory_space<hbm>> -> memref<128xi32, #tpu.memory_space<hbm>>
      tpu.enqueue_dma source(%dma_start3A_221 : memref<128xi32, #tpu.memory_space<hbm>>) target(%arg15 : memref<128xi32, #tpu.memory_space<vmem>>) target_semaphore(%run_scoped3A_219 : memref<!tpu.dma_semaphore, #tpu.memory_space<semaphore_mem>>)
      %dma_wait3A_222 = tpu.memref_slice %arg7[%add3A_4] : memref<16384xi32, #tpu.memory_space<hbm>> -> memref<128xi32, #tpu.memory_space<hbm>>
      %dma_wait3A_223 = tpu.memref_slice %arg7[%add3A_4] : memref<16384xi32, #tpu.memory_space<hbm>> -> memref<128xi32, #tpu.memory_space<hbm>>
      tpu.wait_dma2 semaphore(%run_scoped3A_219 : memref<!tpu.dma_semaphore, #tpu.memory_space<semaphore_mem>>) src(%dma_wait3A_223 : memref<128xi32, #tpu.memory_space<hbm>>) dst(%arg15 : memref<128xi32, #tpu.memory_space<vmem>>)
      tpu.yield
    }) : () -> ()
    %dma_start3A = arith.constant 0 : i32
    %dma_start3A_7 = arith.constant 0 : i32
    %dma_start3A_8 = tpu.memref_slice %arg12[%dma_start3A, %dma_start3A_7] : memref<3x128xi32, #tpu.memory_space<vmem>> -> memref<1x128xi32, #tpu.memory_space<vmem>>
    %dma_start3A_9 = tpu.memref_squeeze %dma_start3A_8 : memref<1x128xi32, #tpu.memory_space<vmem>> -> memref<128xi32, #tpu.memory_space<vmem>>
    %dma_start3A_10 = arith.constant 0 : i32
    %dma_start3A_11 = arith.constant 0 : i32
    %dma_start3A_12 = tpu.memref_slice %arg8[%dma_start3A_10, %dma_start3A_11] : memref<50000x128xf32, #tpu.memory_space<hbm>> -> memref<50000x128xf32, #tpu.memory_space<hbm>>
    tpu.enqueue_indirect_dma source(%dma_start3A_12 : memref<50000x128xf32, #tpu.memory_space<hbm>>) target(%arg19 : memref<128x128xf32, #tpu.memory_space<vmem>>) offsets(%dma_start3A_9 : memref<128xi32, #tpu.memory_space<vmem>>) semaphore(%arg26 : memref<!tpu.dma_semaphore, #tpu.memory_space<semaphore_mem>>)
    %dma_start3A_13 = arith.constant 1 : i32
    %dma_start3A_14 = arith.constant 0 : i32
    %dma_start3A_15 = tpu.memref_slice %arg12[%dma_start3A_13, %dma_start3A_14] : memref<3x128xi32, #tpu.memory_space<vmem>> -> memref<1x128xi32, #tpu.memory_space<vmem>>
    %dma_start3A_16 = tpu.memref_squeeze %dma_start3A_15 : memref<1x128xi32, #tpu.memory_space<vmem>> -> memref<128xi32, #tpu.memory_space<vmem>>
    %dma_start3A_17 = arith.constant 0 : i32
    %dma_start3A_18 = arith.constant 0 : i32
    %dma_start3A_19 = tpu.memref_slice %arg9[%dma_start3A_17, %dma_start3A_18] : memref<50000x128xf32, #tpu.memory_space<hbm>> -> memref<50000x128xf32, #tpu.memory_space<hbm>>
    tpu.enqueue_indirect_dma source(%dma_start3A_19 : memref<50000x128xf32, #tpu.memory_space<hbm>>) target(%arg20 : memref<128x128xf32, #tpu.memory_space<vmem>>) offsets(%dma_start3A_16 : memref<128xi32, #tpu.memory_space<vmem>>) semaphore(%arg27 : memref<!tpu.dma_semaphore, #tpu.memory_space<semaphore_mem>>)
    %dma_start3A_20 = arith.constant 2 : i32
    %dma_start3A_21 = arith.constant 0 : i32
    %dma_start3A_22 = tpu.memref_slice %arg12[%dma_start3A_20, %dma_start3A_21] : memref<3x128xi32, #tpu.memory_space<vmem>> -> memref<1x128xi32, #tpu.memory_space<vmem>>
    %dma_start3A_23 = tpu.memref_squeeze %dma_start3A_22 : memref<1x128xi32, #tpu.memory_space<vmem>> -> memref<128xi32, #tpu.memory_space<vmem>>
    %dma_start3A_24 = arith.constant 0 : i32
    %dma_start3A_25 = arith.constant 0 : i32
    %dma_start3A_26 = tpu.memref_slice %arg10[%dma_start3A_24, %dma_start3A_25] : memref<50000x128xf32, #tpu.memory_space<hbm>> -> memref<50000x128xf32, #tpu.memory_space<hbm>>
    tpu.enqueue_indirect_dma source(%dma_start3A_26 : memref<50000x128xf32, #tpu.memory_space<hbm>>) target(%arg21 : memref<128x128xf32, #tpu.memory_space<vmem>>) offsets(%dma_start3A_23 : memref<128xi32, #tpu.memory_space<vmem>>) semaphore(%arg28 : memref<!tpu.dma_semaphore, #tpu.memory_space<semaphore_mem>>)
    %dma_wait3A = arith.constant 0 : i32
    %dma_wait3A_27 = arith.constant 0 : i32
    %dma_wait3A_28 = tpu.memref_slice %arg12[%dma_wait3A, %dma_wait3A_27] : memref<3x128xi32, #tpu.memory_space<vmem>> -> memref<1x128xi32, #tpu.memory_space<vmem>>
    %dma_wait3A_29 = tpu.memref_squeeze %dma_wait3A_28 : memref<1x128xi32, #tpu.memory_space<vmem>> -> memref<128xi32, #tpu.memory_space<vmem>>
    %dma_wait3A_30 = arith.constant 0 : i32
    %dma_wait3A_31 = arith.constant 0 : i32
    %dma_wait3A_32 = tpu.memref_slice %arg8[%dma_wait3A_30, %dma_wait3A_31] : memref<50000x128xf32, #tpu.memory_space<hbm>> -> memref<50000x128xf32, #tpu.memory_space<hbm>>
    tpu.wait_indirect_dma semaphore(%arg26 : memref<!tpu.dma_semaphore, #tpu.memory_space<semaphore_mem>>) src(%dma_wait3A_32 : memref<50000x128xf32, #tpu.memory_space<hbm>>) dst(%arg19 : memref<128x128xf32, #tpu.memory_space<vmem>>)
    %dma_wait3A_33 = arith.constant 1 : i32
    %dma_wait3A_34 = arith.constant 0 : i32
    %dma_wait3A_35 = tpu.memref_slice %arg12[%dma_wait3A_33, %dma_wait3A_34] : memref<3x128xi32, #tpu.memory_space<vmem>> -> memref<1x128xi32, #tpu.memory_space<vmem>>
    %dma_wait3A_36 = tpu.memref_squeeze %dma_wait3A_35 : memref<1x128xi32, #tpu.memory_space<vmem>> -> memref<128xi32, #tpu.memory_space<vmem>>
    %dma_wait3A_37 = arith.constant 0 : i32
    %dma_wait3A_38 = arith.constant 0 : i32
    %dma_wait3A_39 = tpu.memref_slice %arg9[%dma_wait3A_37, %dma_wait3A_38] : memref<50000x128xf32, #tpu.memory_space<hbm>> -> memref<50000x128xf32, #tpu.memory_space<hbm>>
    tpu.wait_indirect_dma semaphore(%arg27 : memref<!tpu.dma_semaphore, #tpu.memory_space<semaphore_mem>>) src(%dma_wait3A_39 : memref<50000x128xf32, #tpu.memory_space<hbm>>) dst(%arg20 : memref<128x128xf32, #tpu.memory_space<vmem>>)
    %dma_wait3A_40 = arith.constant 2 : i32
    %dma_wait3A_41 = arith.constant 0 : i32
    %dma_wait3A_42 = tpu.memref_slice %arg12[%dma_wait3A_40, %dma_wait3A_41] : memref<3x128xi32, #tpu.memory_space<vmem>> -> memref<1x128xi32, #tpu.memory_space<vmem>>
    %dma_wait3A_43 = tpu.memref_squeeze %dma_wait3A_42 : memref<1x128xi32, #tpu.memory_space<vmem>> -> memref<128xi32, #tpu.memory_space<vmem>>
    %dma_wait3A_44 = arith.constant 0 : i32
    %dma_wait3A_45 = arith.constant 0 : i32
    %dma_wait3A_46 = tpu.memref_slice %arg10[%dma_wait3A_44, %dma_wait3A_45] : memref<50000x128xf32, #tpu.memory_space<hbm>> -> memref<50000x128xf32, #tpu.memory_space<hbm>>
    tpu.wait_indirect_dma semaphore(%arg28 : memref<!tpu.dma_semaphore, #tpu.memory_space<semaphore_mem>>) src(%dma_wait3A_46 : memref<50000x128xf32, #tpu.memory_space<hbm>>) dst(%arg21 : memref<128x128xf32, #tpu.memory_space<vmem>>)
    %add3A_47 = arith.constant 128 : i32
    %add3A_48 = arith.addi %mul3A_2, %add3A_47 : i32
    %run_scoped3A_49 = arith.constant 0 : i32
    "tpu.region"() ({
      %run_scoped3A_219 = tpu.sem_alloc : memref<!tpu.dma_semaphore, #tpu.memory_space<semaphore_mem>>
      %dma_start3A_220 = arith.constant 0 : i32
      %dma_start3A_221 = tpu.memref_slice %arg12[%run_scoped3A_49, %dma_start3A_220] : memref<3x128xi32, #tpu.memory_space<vmem>> -> memref<1x128xi32, #tpu.memory_space<vmem>>
      %dma_start3A_222 = tpu.memref_squeeze %dma_start3A_221 : memref<1x128xi32, #tpu.memory_space<vmem>> -> memref<128xi32, #tpu.memory_space<vmem>>
      %dma_start3A_223 = tpu.memref_slice %arg2[%add3A_48] : memref<16384xi32, #tpu.memory_space<hbm>> -> memref<128xi32, #tpu.memory_space<hbm>>
      %dma_start3A_224 = arith.constant 0 : i32
      %dma_start3A_225 = tpu.memref_slice %arg12[%run_scoped3A_49, %dma_start3A_224] : memref<3x128xi32, #tpu.memory_space<vmem>> -> memref<1x128xi32, #tpu.memory_space<vmem>>
      %dma_start3A_226 = tpu.memref_squeeze %dma_start3A_225 : memref<1x128xi32, #tpu.memory_space<vmem>> -> memref<128xi32, #tpu.memory_space<vmem>>
      %dma_start3A_227 = tpu.memref_slice %arg2[%add3A_48] : memref<16384xi32, #tpu.memory_space<hbm>> -> memref<128xi32, #tpu.memory_space<hbm>>
      tpu.enqueue_dma source(%dma_start3A_227 : memref<128xi32, #tpu.memory_space<hbm>>) target(%dma_start3A_226 : memref<128xi32, #tpu.memory_space<vmem>>) target_semaphore(%run_scoped3A_219 : memref<!tpu.dma_semaphore, #tpu.memory_space<semaphore_mem>>)
      %dma_wait3A_228 = arith.constant 0 : i32
      %dma_wait3A_229 = tpu.memref_slice %arg12[%run_scoped3A_49, %dma_wait3A_228] : memref<3x128xi32, #tpu.memory_space<vmem>> -> memref<1x128xi32, #tpu.memory_space<vmem>>
      %dma_wait3A_230 = tpu.memref_squeeze %dma_wait3A_229 : memref<1x128xi32, #tpu.memory_space<vmem>> -> memref<128xi32, #tpu.memory_space<vmem>>
      %dma_wait3A_231 = tpu.memref_slice %arg2[%add3A_48] : memref<16384xi32, #tpu.memory_space<hbm>> -> memref<128xi32, #tpu.memory_space<hbm>>
      %dma_wait3A_232 = arith.constant 0 : i32
      %dma_wait3A_233 = tpu.memref_slice %arg12[%run_scoped3A_49, %dma_wait3A_232] : memref<3x128xi32, #tpu.memory_space<vmem>> -> memref<1x128xi32, #tpu.memory_space<vmem>>
      %dma_wait3A_234 = tpu.memref_squeeze %dma_wait3A_233 : memref<1x128xi32, #tpu.memory_space<vmem>> -> memref<128xi32, #tpu.memory_space<vmem>>
      %dma_wait3A_235 = tpu.memref_slice %arg2[%add3A_48] : memref<16384xi32, #tpu.memory_space<hbm>> -> memref<128xi32, #tpu.memory_space<hbm>>
      tpu.wait_dma2 semaphore(%run_scoped3A_219 : memref<!tpu.dma_semaphore, #tpu.memory_space<semaphore_mem>>) src(%dma_wait3A_235 : memref<128xi32, #tpu.memory_space<hbm>>) dst(%dma_wait3A_234 : memref<128xi32, #tpu.memory_space<vmem>>)
      tpu.yield
    }) : () -> ()
    %run_scoped3A_50 = arith.constant 1 : i32
    "tpu.region"() ({
      %run_scoped3A_219 = tpu.sem_alloc : memref<!tpu.dma_semaphore, #tpu.memory_space<semaphore_mem>>
      %dma_start3A_220 = arith.constant 0 : i32
      %dma_start3A_221 = tpu.memref_slice %arg12[%run_scoped3A_50, %dma_start3A_220] : memref<3x128xi32, #tpu.memory_space<vmem>> -> memref<1x128xi32, #tpu.memory_space<vmem>>
      %dma_start3A_222 = tpu.memref_squeeze %dma_start3A_221 : memref<1x128xi32, #tpu.memory_space<vmem>> -> memref<128xi32, #tpu.memory_space<vmem>>
      %dma_start3A_223 = tpu.memref_slice %arg3[%add3A_48] : memref<16384xi32, #tpu.memory_space<hbm>> -> memref<128xi32, #tpu.memory_space<hbm>>
      %dma_start3A_224 = arith.constant 0 : i32
      %dma_start3A_225 = tpu.memref_slice %arg12[%run_scoped3A_50, %dma_start3A_224] : memref<3x128xi32, #tpu.memory_space<vmem>> -> memref<1x128xi32, #tpu.memory_space<vmem>>
      %dma_start3A_226 = tpu.memref_squeeze %dma_start3A_225 : memref<1x128xi32, #tpu.memory_space<vmem>> -> memref<128xi32, #tpu.memory_space<vmem>>
      %dma_start3A_227 = tpu.memref_slice %arg3[%add3A_48] : memref<16384xi32, #tpu.memory_space<hbm>> -> memref<128xi32, #tpu.memory_space<hbm>>
      tpu.enqueue_dma source(%dma_start3A_227 : memref<128xi32, #tpu.memory_space<hbm>>) target(%dma_start3A_226 : memref<128xi32, #tpu.memory_space<vmem>>) target_semaphore(%run_scoped3A_219 : memref<!tpu.dma_semaphore, #tpu.memory_space<semaphore_mem>>)
      %dma_wait3A_228 = arith.constant 0 : i32
      %dma_wait3A_229 = tpu.memref_slice %arg12[%run_scoped3A_50, %dma_wait3A_228] : memref<3x128xi32, #tpu.memory_space<vmem>> -> memref<1x128xi32, #tpu.memory_space<vmem>>
      %dma_wait3A_230 = tpu.memref_squeeze %dma_wait3A_229 : memref<1x128xi32, #tpu.memory_space<vmem>> -> memref<128xi32, #tpu.memory_space<vmem>>
      %dma_wait3A_231 = tpu.memref_slice %arg3[%add3A_48] : memref<16384xi32, #tpu.memory_space<hbm>> -> memref<128xi32, #tpu.memory_space<hbm>>
      %dma_wait3A_232 = arith.constant 0 : i32
      %dma_wait3A_233 = tpu.memref_slice %arg12[%run_scoped3A_50, %dma_wait3A_232] : memref<3x128xi32, #tpu.memory_space<vmem>> -> memref<1x128xi32, #tpu.memory_space<vmem>>
      %dma_wait3A_234 = tpu.memref_squeeze %dma_wait3A_233 : memref<1x128xi32, #tpu.memory_space<vmem>> -> memref<128xi32, #tpu.memory_space<vmem>>
      %dma_wait3A_235 = tpu.memref_slice %arg3[%add3A_48] : memref<16384xi32, #tpu.memory_space<hbm>> -> memref<128xi32, #tpu.memory_space<hbm>>
      tpu.wait_dma2 semaphore(%run_scoped3A_219 : memref<!tpu.dma_semaphore, #tpu.memory_space<semaphore_mem>>) src(%dma_wait3A_235 : memref<128xi32, #tpu.memory_space<hbm>>) dst(%dma_wait3A_234 : memref<128xi32, #tpu.memory_space<vmem>>)
      tpu.yield
    }) : () -> ()
    %run_scoped3A_51 = arith.constant 2 : i32
    "tpu.region"() ({
      %run_scoped3A_219 = tpu.sem_alloc : memref<!tpu.dma_semaphore, #tpu.memory_space<semaphore_mem>>
      %dma_start3A_220 = arith.constant 0 : i32
      %dma_start3A_221 = tpu.memref_slice %arg12[%run_scoped3A_51, %dma_start3A_220] : memref<3x128xi32, #tpu.memory_space<vmem>> -> memref<1x128xi32, #tpu.memory_space<vmem>>
      %dma_start3A_222 = tpu.memref_squeeze %dma_start3A_221 : memref<1x128xi32, #tpu.memory_space<vmem>> -> memref<128xi32, #tpu.memory_space<vmem>>
      %dma_start3A_223 = tpu.memref_slice %arg4[%add3A_48] : memref<16384xi32, #tpu.memory_space<hbm>> -> memref<128xi32, #tpu.memory_space<hbm>>
      %dma_start3A_224 = arith.constant 0 : i32
      %dma_start3A_225 = tpu.memref_slice %arg12[%run_scoped3A_51, %dma_start3A_224] : memref<3x128xi32, #tpu.memory_space<vmem>> -> memref<1x128xi32, #tpu.memory_space<vmem>>
      %dma_start3A_226 = tpu.memref_squeeze %dma_start3A_225 : memref<1x128xi32, #tpu.memory_space<vmem>> -> memref<128xi32, #tpu.memory_space<vmem>>
      %dma_start3A_227 = tpu.memref_slice %arg4[%add3A_48] : memref<16384xi32, #tpu.memory_space<hbm>> -> memref<128xi32, #tpu.memory_space<hbm>>
      tpu.enqueue_dma source(%dma_start3A_227 : memref<128xi32, #tpu.memory_space<hbm>>) target(%dma_start3A_226 : memref<128xi32, #tpu.memory_space<vmem>>) target_semaphore(%run_scoped3A_219 : memref<!tpu.dma_semaphore, #tpu.memory_space<semaphore_mem>>)
      %dma_wait3A_228 = arith.constant 0 : i32
      %dma_wait3A_229 = tpu.memref_slice %arg12[%run_scoped3A_51, %dma_wait3A_228] : memref<3x128xi32, #tpu.memory_space<vmem>> -> memref<1x128xi32, #tpu.memory_space<vmem>>
      %dma_wait3A_230 = tpu.memref_squeeze %dma_wait3A_229 : memref<1x128xi32, #tpu.memory_space<vmem>> -> memref<128xi32, #tpu.memory_space<vmem>>
      %dma_wait3A_231 = tpu.memref_slice %arg4[%add3A_48] : memref<16384xi32, #tpu.memory_space<hbm>> -> memref<128xi32, #tpu.memory_space<hbm>>
      %dma_wait3A_232 = arith.constant 0 : i32
      %dma_wait3A_233 = tpu.memref_slice %arg12[%run_scoped3A_51, %dma_wait3A_232] : memref<3x128xi32, #tpu.memory_space<vmem>> -> memref<1x128xi32, #tpu.memory_space<vmem>>
      %dma_wait3A_234 = tpu.memref_squeeze %dma_wait3A_233 : memref<1x128xi32, #tpu.memory_space<vmem>> -> memref<128xi32, #tpu.memory_space<vmem>>
      %dma_wait3A_235 = tpu.memref_slice %arg4[%add3A_48] : memref<16384xi32, #tpu.memory_space<hbm>> -> memref<128xi32, #tpu.memory_space<hbm>>
      tpu.wait_dma2 semaphore(%run_scoped3A_219 : memref<!tpu.dma_semaphore, #tpu.memory_space<semaphore_mem>>) src(%dma_wait3A_235 : memref<128xi32, #tpu.memory_space<hbm>>) dst(%dma_wait3A_234 : memref<128xi32, #tpu.memory_space<vmem>>)
      tpu.yield
    }) : () -> ()
    "tpu.region"() ({
      %run_scoped3A_219 = tpu.sem_alloc : memref<!tpu.dma_semaphore, #tpu.memory_space<semaphore_mem>>
      %dma_start3A_220 = tpu.memref_slice %arg5[%add3A_48] : memref<16384xi32, #tpu.memory_space<hbm>> -> memref<128xi32, #tpu.memory_space<hbm>>
      %dma_start3A_221 = tpu.memref_slice %arg5[%add3A_48] : memref<16384xi32, #tpu.memory_space<hbm>> -> memref<128xi32, #tpu.memory_space<hbm>>
      tpu.enqueue_dma source(%dma_start3A_221 : memref<128xi32, #tpu.memory_space<hbm>>) target(%arg16 : memref<128xi32, #tpu.memory_space<vmem>>) target_semaphore(%run_scoped3A_219 : memref<!tpu.dma_semaphore, #tpu.memory_space<semaphore_mem>>)
      %dma_wait3A_222 = tpu.memref_slice %arg5[%add3A_48] : memref<16384xi32, #tpu.memory_space<hbm>> -> memref<128xi32, #tpu.memory_space<hbm>>
      %dma_wait3A_223 = tpu.memref_slice %arg5[%add3A_48] : memref<16384xi32, #tpu.memory_space<hbm>> -> memref<128xi32, #tpu.memory_space<hbm>>
      tpu.wait_dma2 semaphore(%run_scoped3A_219 : memref<!tpu.dma_semaphore, #tpu.memory_space<semaphore_mem>>) src(%dma_wait3A_223 : memref<128xi32, #tpu.memory_space<hbm>>) dst(%arg16 : memref<128xi32, #tpu.memory_space<vmem>>)
      tpu.yield
    }) : () -> ()
    "tpu.region"() ({
      %run_scoped3A_219 = tpu.sem_alloc : memref<!tpu.dma_semaphore, #tpu.memory_space<semaphore_mem>>
      %dma_start3A_220 = tpu.memref_slice %arg6[%add3A_48] : memref<16384xi32, #tpu.memory_space<hbm>> -> memref<128xi32, #tpu.memory_space<hbm>>
      %dma_start3A_221 = tpu.memref_slice %arg6[%add3A_48] : memref<16384xi32, #tpu.memory_space<hbm>> -> memref<128xi32, #tpu.memory_space<hbm>>
      tpu.enqueue_dma source(%dma_start3A_221 : memref<128xi32, #tpu.memory_space<hbm>>) target(%arg17 : memref<128xi32, #tpu.memory_space<vmem>>) target_semaphore(%run_scoped3A_219 : memref<!tpu.dma_semaphore, #tpu.memory_space<semaphore_mem>>)
      %dma_wait3A_222 = tpu.memref_slice %arg6[%add3A_48] : memref<16384xi32, #tpu.memory_space<hbm>> -> memref<128xi32, #tpu.memory_space<hbm>>
      %dma_wait3A_223 = tpu.memref_slice %arg6[%add3A_48] : memref<16384xi32, #tpu.memory_space<hbm>> -> memref<128xi32, #tpu.memory_space<hbm>>
      tpu.wait_dma2 semaphore(%run_scoped3A_219 : memref<!tpu.dma_semaphore, #tpu.memory_space<semaphore_mem>>) src(%dma_wait3A_223 : memref<128xi32, #tpu.memory_space<hbm>>) dst(%arg17 : memref<128xi32, #tpu.memory_space<vmem>>)
      tpu.yield
    }) : () -> ()
    "tpu.region"() ({
      %run_scoped3A_219 = tpu.sem_alloc : memref<!tpu.dma_semaphore, #tpu.memory_space<semaphore_mem>>
      %dma_start3A_220 = tpu.memref_slice %arg7[%add3A_48] : memref<16384xi32, #tpu.memory_space<hbm>> -> memref<128xi32, #tpu.memory_space<hbm>>
      %dma_start3A_221 = tpu.memref_slice %arg7[%add3A_48] : memref<16384xi32, #tpu.memory_space<hbm>> -> memref<128xi32, #tpu.memory_space<hbm>>
      tpu.enqueue_dma source(%dma_start3A_221 : memref<128xi32, #tpu.memory_space<hbm>>) target(%arg18 : memref<128xi32, #tpu.memory_space<vmem>>) target_semaphore(%run_scoped3A_219 : memref<!tpu.dma_semaphore, #tpu.memory_space<semaphore_mem>>)
      %dma_wait3A_222 = tpu.memref_slice %arg7[%add3A_48] : memref<16384xi32, #tpu.memory_space<hbm>> -> memref<128xi32, #tpu.memory_space<hbm>>
      %dma_wait3A_223 = tpu.memref_slice %arg7[%add3A_48] : memref<16384xi32, #tpu.memory_space<hbm>> -> memref<128xi32, #tpu.memory_space<hbm>>
      tpu.wait_dma2 semaphore(%run_scoped3A_219 : memref<!tpu.dma_semaphore, #tpu.memory_space<semaphore_mem>>) src(%dma_wait3A_223 : memref<128xi32, #tpu.memory_space<hbm>>) dst(%arg18 : memref<128xi32, #tpu.memory_space<vmem>>)
      tpu.yield
    }) : () -> ()
    %dma_start3A_52 = arith.constant 0 : i32
    %dma_start3A_53 = arith.constant 0 : i32
    %dma_start3A_54 = tpu.memref_slice %arg12[%dma_start3A_52, %dma_start3A_53] : memref<3x128xi32, #tpu.memory_space<vmem>> -> memref<1x128xi32, #tpu.memory_space<vmem>>
    %dma_start3A_55 = tpu.memref_squeeze %dma_start3A_54 : memref<1x128xi32, #tpu.memory_space<vmem>> -> memref<128xi32, #tpu.memory_space<vmem>>
    %dma_start3A_56 = arith.constant 0 : i32
    %dma_start3A_57 = arith.constant 0 : i32
    %dma_start3A_58 = tpu.memref_slice %arg8[%dma_start3A_56, %dma_start3A_57] : memref<50000x128xf32, #tpu.memory_space<hbm>> -> memref<50000x128xf32, #tpu.memory_space<hbm>>
    tpu.enqueue_indirect_dma source(%dma_start3A_58 : memref<50000x128xf32, #tpu.memory_space<hbm>>) target(%arg22 : memref<128x128xf32, #tpu.memory_space<vmem>>) offsets(%dma_start3A_55 : memref<128xi32, #tpu.memory_space<vmem>>) semaphore(%arg29 : memref<!tpu.dma_semaphore, #tpu.memory_space<semaphore_mem>>)
    %dma_start3A_59 = arith.constant 1 : i32
    %dma_start3A_60 = arith.constant 0 : i32
    %dma_start3A_61 = tpu.memref_slice %arg12[%dma_start3A_59, %dma_start3A_60] : memref<3x128xi32, #tpu.memory_space<vmem>> -> memref<1x128xi32, #tpu.memory_space<vmem>>
    %dma_start3A_62 = tpu.memref_squeeze %dma_start3A_61 : memref<1x128xi32, #tpu.memory_space<vmem>> -> memref<128xi32, #tpu.memory_space<vmem>>
    %dma_start3A_63 = arith.constant 0 : i32
    %dma_start3A_64 = arith.constant 0 : i32
    %dma_start3A_65 = tpu.memref_slice %arg9[%dma_start3A_63, %dma_start3A_64] : memref<50000x128xf32, #tpu.memory_space<hbm>> -> memref<50000x128xf32, #tpu.memory_space<hbm>>
    tpu.enqueue_indirect_dma source(%dma_start3A_65 : memref<50000x128xf32, #tpu.memory_space<hbm>>) target(%arg23 : memref<128x128xf32, #tpu.memory_space<vmem>>) offsets(%dma_start3A_62 : memref<128xi32, #tpu.memory_space<vmem>>) semaphore(%arg30 : memref<!tpu.dma_semaphore, #tpu.memory_space<semaphore_mem>>)
    %dma_start3A_66 = arith.constant 2 : i32
    %dma_start3A_67 = arith.constant 0 : i32
    %dma_start3A_68 = tpu.memref_slice %arg12[%dma_start3A_66, %dma_start3A_67] : memref<3x128xi32, #tpu.memory_space<vmem>> -> memref<1x128xi32, #tpu.memory_space<vmem>>
    %dma_start3A_69 = tpu.memref_squeeze %dma_start3A_68 : memref<1x128xi32, #tpu.memory_space<vmem>> -> memref<128xi32, #tpu.memory_space<vmem>>
    %dma_start3A_70 = arith.constant 0 : i32
    %dma_start3A_71 = arith.constant 0 : i32
    %dma_start3A_72 = tpu.memref_slice %arg10[%dma_start3A_70, %dma_start3A_71] : memref<50000x128xf32, #tpu.memory_space<hbm>> -> memref<50000x128xf32, #tpu.memory_space<hbm>>
    tpu.enqueue_indirect_dma source(%dma_start3A_72 : memref<50000x128xf32, #tpu.memory_space<hbm>>) target(%arg24 : memref<128x128xf32, #tpu.memory_space<vmem>>) offsets(%dma_start3A_69 : memref<128xi32, #tpu.memory_space<vmem>>) semaphore(%arg31 : memref<!tpu.dma_semaphore, #tpu.memory_space<semaphore_mem>>)
    %scan3A = arith.constant 0 : i32
    %scan3A_73 = arith.constant 0 : i32
    %scan3A_74 = arith.constant 0 : i32
    %scan3A_75 = arith.constant 8 : i32
    %scan3A_76 = arith.addi %scan3A_74, %scan3A_75 : i32
    %scan3A_77 = arith.constant 1 : i32
    %scan3A_78:2 = scf.for %scan3A_219 = %scan3A_74 to %scan3A_76 step %scan3A_77 iter_args(%scan3A_220 = %scan3A, %scan3A_221 = %scan3A_73) -> (i32, i32)  : i32 {
      %broadcast_in_dim3A = vector.broadcast %scan3A_221 : i32 to vector<16xi32>
      %add3A_222 = arith.addi %broadcast_in_dim3A, %iota3A : vector<16xi32>
      %get3A = arith.index_cast %scan3A_221 : i32 to index
      %get3A_223 = tpu.vector_load %arg13[%get3A] {strides = array<i32>} : memref<128xi32, #tpu.memory_space<vmem>>, vector<16xi32>,
      %get3A_224 = arith.index_cast %scan3A_221 : i32 to index
      %get3A_225 = tpu.vector_load %arg14[%get3A_224] {strides = array<i32>} : memref<128xi32, #tpu.memory_space<vmem>>, vector<16xi32>,
      %get3A_226 = arith.index_cast %scan3A_221 : i32 to index
      %get3A_227 = tpu.vector_load %arg15[%get3A_226] {strides = array<i32>} : memref<128xi32, #tpu.memory_space<vmem>>, vector<16xi32>,
      %broadcast_in_dim3A_228 = arith.constant 0.000000e+00 : f32
      %broadcast_in_dim3A_229 = vector.broadcast %broadcast_in_dim3A_228 : f32 to vector<16xf32>
      %broadcast_in_dim3A_230 = arith.constant 0.000000e+00 : f32
      %broadcast_in_dim3A_231 = vector.broadcast %broadcast_in_dim3A_230 : f32 to vector<16xf32>
      %scan3A_232 = arith.constant 0 : i32
      %scan3A_233 = arith.constant 32 : i32
      %scan3A_234 = arith.addi %scan3A_232, %scan3A_233 : i32
      %scan3A_235 = arith.constant 8 : i32
      %scan3A_236:5 = scf.for %scan3A_244 = %scan3A_232 to %scan3A_234 step %scan3A_235 iter_args(%scan3A_245 = %broadcast_in_dim3A_229, %scan3A_246 = %broadcast_in_dim3A_231, %scan3A_247 = %get3A_223, %scan3A_248 = %get3A_225, %scan3A_249 = %get3A_227) -> (vector<16xf32>, vector<16xf32>, vector<16xi32>, vector<16xi32>, vector<16xi32>)  : i32 {
        %gather3A = tpu.vector_load_idx %arg19[%add3A_222, %scan3A_247] : memref<128x128xf32, #tpu.memory_space<vmem>>[vector<16xi32>, vector<16xi32>], vector<16xf32>,
        %gather3A_250 = tpu.vector_load_idx %arg20[%add3A_222, %scan3A_248] : memref<128x128xf32, #tpu.memory_space<vmem>>[vector<16xi32>, vector<16xi32>], vector<16xf32>,
        %gather3A_251 = tpu.vector_load_idx %arg21[%add3A_222, %scan3A_249] : memref<128x128xf32, #tpu.memory_space<vmem>>[vector<16xi32>, vector<16xi32>], vector<16xf32>,
        %add3A_252 = arith.constant 32 : i32
        %add3A_253 = vector.broadcast %add3A_252 : i32 to vector<16xi32>
        %add3A_254 = arith.addi %scan3A_247, %add3A_253 : vector<16xi32>
        %gather3A_255 = tpu.vector_load_idx %arg19[%add3A_222, %add3A_254] : memref<128x128xf32, #tpu.memory_space<vmem>>[vector<16xi32>, vector<16xi32>], vector<16xf32>,
        %add3A_256 = arith.constant 32 : i32
        %add3A_257 = vector.broadcast %add3A_256 : i32 to vector<16xi32>
        %add3A_258 = arith.addi %scan3A_248, %add3A_257 : vector<16xi32>
        %gather3A_259 = tpu.vector_load_idx %arg20[%add3A_222, %add3A_258] : memref<128x128xf32, #tpu.memory_space<vmem>>[vector<16xi32>, vector<16xi32>], vector<16xf32>,
        %add3A_260 = arith.constant 32 : i32
        %add3A_261 = vector.broadcast %add3A_260 : i32 to vector<16xi32>
        %add3A_262 = arith.addi %scan3A_249, %add3A_261 : vector<16xi32>
        %gather3A_263 = tpu.vector_load_idx %arg21[%add3A_222, %add3A_262] : memref<128x128xf32, #tpu.memory_space<vmem>>[vector<16xi32>, vector<16xi32>], vector<16xf32>,
        %mul3A_264 = arith.mulf %gather3A, %gather3A_250 : vector<16xf32>
        %mul3A_265 = arith.mulf %mul3A_264, %gather3A_251 : vector<16xf32>
        %add3A_266 = arith.addf %scan3A_245, %mul3A_265 : vector<16xf32>
        %mul3A_267 = arith.mulf %gather3A_255, %gather3A_259 : vector<16xf32>
        %mul3A_268 = arith.mulf %mul3A_267, %gather3A_263 : vector<16xf32>
        %add3A_269 = arith.addf %scan3A_246, %mul3A_268 : vector<16xf32>
        %add3A_270 = arith.constant 1 : i32
        %add3A_271 = vector.broadcast %add3A_270 : i32 to vector<16xi32>
        %add3A_272 = arith.addi %scan3A_247, %add3A_271 : vector<16xi32>
        %add3A_273 = arith.constant 1 : i32
        %add3A_274 = vector.broadcast %add3A_273 : i32 to vector<16xi32>
        %add3A_275 = arith.addi %scan3A_248, %add3A_274 : vector<16xi32>
        %add3A_276 = arith.constant 1 : i32
        %add3A_277 = vector.broadcast %add3A_276 : i32 to vector<16xi32>
        %add3A_278 = arith.addi %scan3A_249, %add3A_277 : vector<16xi32>
        %scan3A_279 = arith.constant 1 : i32
        %scan3A_280 = arith.addi %scan3A_244, %scan3A_279 : i32
        %gather3A_281 = tpu.vector_load_idx %arg19[%add3A_222, %add3A_272] : memref<128x128xf32, #tpu.memory_space<vmem>>[vector<16xi32>, vector<16xi32>], vector<16xf32>,
        %gather3A_282 = tpu.vector_load_idx %arg20[%add3A_222, %add3A_275] : memref<128x128xf32, #tpu.memory_space<vmem>>[vector<16xi32>, vector<16xi32>], vector<16xf32>,
        %gather3A_283 = tpu.vector_load_idx %arg21[%add3A_222, %add3A_278] : memref<128x128xf32, #tpu.memory_space<vmem>>[vector<16xi32>, vector<16xi32>], vector<16xf32>,
        %add3A_284 = arith.constant 32 : i32
        %add3A_285 = vector.broadcast %add3A_284 : i32 to vector<16xi32>
        %add3A_286 = arith.addi %add3A_272, %add3A_285 : vector<16xi32>
        %gather3A_287 = tpu.vector_load_idx %arg19[%add3A_222, %add3A_286] : memref<128x128xf32, #tpu.memory_space<vmem>>[vector<16xi32>, vector<16xi32>], vector<16xf32>,
        %add3A_288 = arith.constant 32 : i32
        %add3A_289 = vector.broadcast %add3A_288 : i32 to vector<16xi32>
        %add3A_290 = arith.addi %add3A_275, %add3A_289 : vector<16xi32>
        %gather3A_291 = tpu.vector_load_idx %arg20[%add3A_222, %add3A_290] : memref<128x128xf32, #tpu.memory_space<vmem>>[vector<16xi32>, vector<16xi32>], vector<16xf32>,
        %add3A_292 = arith.constant 32 : i32
        %add3A_293 = vector.broadcast %add3A_292 : i32 to vector<16xi32>
        %add3A_294 = arith.addi %add3A_278, %add3A_293 : vector<16xi32>
        %gather3A_295 = tpu.vector_load_idx %arg21[%add3A_222, %add3A_294] : memref<128x128xf32, #tpu.memory_space<vmem>>[vector<16xi32>, vector<16xi32>], vector<16xf32>,
        %mul3A_296 = arith.mulf %gather3A_281, %gather3A_282 : vector<16xf32>
        %mul3A_297 = arith.mulf %mul3A_296, %gather3A_283 : vector<16xf32>
        %add3A_298 = arith.addf %add3A_266, %mul3A_297 : vector<16xf32>
        %mul3A_299 = arith.mulf %gather3A_287, %gather3A_291 : vector<16xf32>
        %mul3A_300 = arith.mulf %mul3A_299, %gather3A_295 : vector<16xf32>
        %add3A_301 = arith.addf %add3A_269, %mul3A_300 : vector<16xf32>
        %add3A_302 = arith.constant 1 : i32
        %add3A_303 = vector.broadcast %add3A_302 : i32 to vector<16xi32>
        %add3A_304 = arith.addi %add3A_272, %add3A_303 : vector<16xi32>
        %add3A_305 = arith.constant 1 : i32
        %add3A_306 = vector.broadcast %add3A_305 : i32 to vector<16xi32>
        %add3A_307 = arith.addi %add3A_275, %add3A_306 : vector<16xi32>
        %add3A_308 = arith.constant 1 : i32
        %add3A_309 = vector.broadcast %add3A_308 : i32 to vector<16xi32>
        %add3A_310 = arith.addi %add3A_278, %add3A_309 : vector<16xi32>
        %scan3A_311 = arith.constant 2 : i32
        %scan3A_312 = arith.addi %scan3A_244, %scan3A_311 : i32
        %gather3A_313 = tpu.vector_load_idx %arg19[%add3A_222, %add3A_304] : memref<128x128xf32, #tpu.memory_space<vmem>>[vector<16xi32>, vector<16xi32>], vector<16xf32>,
        %gather3A_314 = tpu.vector_load_idx %arg20[%add3A_222, %add3A_307] : memref<128x128xf32, #tpu.memory_space<vmem>>[vector<16xi32>, vector<16xi32>], vector<16xf32>,
        %gather3A_315 = tpu.vector_load_idx %arg21[%add3A_222, %add3A_310] : memref<128x128xf32, #tpu.memory_space<vmem>>[vector<16xi32>, vector<16xi32>], vector<16xf32>,
        %add3A_316 = arith.constant 32 : i32
        %add3A_317 = vector.broadcast %add3A_316 : i32 to vector<16xi32>
        %add3A_318 = arith.addi %add3A_304, %add3A_317 : vector<16xi32>
        %gather3A_319 = tpu.vector_load_idx %arg19[%add3A_222, %add3A_318] : memref<128x128xf32, #tpu.memory_space<vmem>>[vector<16xi32>, vector<16xi32>], vector<16xf32>,
        %add3A_320 = arith.constant 32 : i32
        %add3A_321 = vector.broadcast %add3A_320 : i32 to vector<16xi32>
        %add3A_322 = arith.addi %add3A_307, %add3A_321 : vector<16xi32>
        %gather3A_323 = tpu.vector_load_idx %arg20[%add3A_222, %add3A_322] : memref<128x128xf32, #tpu.memory_space<vmem>>[vector<16xi32>, vector<16xi32>], vector<16xf32>,
        %add3A_324 = arith.constant 32 : i32
        %add3A_325 = vector.broadcast %add3A_324 : i32 to vector<16xi32>
        %add3A_326 = arith.addi %add3A_310, %add3A_325 : vector<16xi32>
        %gather3A_327 = tpu.vector_load_idx %arg21[%add3A_222, %add3A_326] : memref<128x128xf32, #tpu.memory_space<vmem>>[vector<16xi32>, vector<16xi32>], vector<16xf32>,
        %mul3A_328 = arith.mulf %gather3A_313, %gather3A_314 : vector<16xf32>
        %mul3A_329 = arith.mulf %mul3A_328, %gather3A_315 : vector<16xf32>
        %add3A_330 = arith.addf %add3A_298, %mul3A_329 : vector<16xf32>
        %mul3A_331 = arith.mulf %gather3A_319, %gather3A_323 : vector<16xf32>
        %mul3A_332 = arith.mulf %mul3A_331, %gather3A_327 : vector<16xf32>
        %add3A_333 = arith.addf %add3A_301, %mul3A_332 : vector<16xf32>
        %add3A_334 = arith.constant 1 : i32
        %add3A_335 = vector.broadcast %add3A_334 : i32 to vector<16xi32>
        %add3A_336 = arith.addi %add3A_304, %add3A_335 : vector<16xi32>
        %add3A_337 = arith.constant 1 : i32
        %add3A_338 = vector.broadcast %add3A_337 : i32 to vector<16xi32>
        %add3A_339 = arith.addi %add3A_307, %add3A_338 : vector<16xi32>
        %add3A_340 = arith.constant 1 : i32
        %add3A_341 = vector.broadcast %add3A_340 : i32 to vector<16xi32>
        %add3A_342 = arith.addi %add3A_310, %add3A_341 : vector<16xi32>
        %scan3A_343 = arith.constant 3 : i32
        %scan3A_344 = arith.addi %scan3A_244, %scan3A_343 : i32
        %gather3A_345 = tpu.vector_load_idx %arg19[%add3A_222, %add3A_336] : memref<128x128xf32, #tpu.memory_space<vmem>>[vector<16xi32>, vector<16xi32>], vector<16xf32>,
        %gather3A_346 = tpu.vector_load_idx %arg20[%add3A_222, %add3A_339] : memref<128x128xf32, #tpu.memory_space<vmem>>[vector<16xi32>, vector<16xi32>], vector<16xf32>,
        %gather3A_347 = tpu.vector_load_idx %arg21[%add3A_222, %add3A_342] : memref<128x128xf32, #tpu.memory_space<vmem>>[vector<16xi32>, vector<16xi32>], vector<16xf32>,
        %add3A_348 = arith.constant 32 : i32
        %add3A_349 = vector.broadcast %add3A_348 : i32 to vector<16xi32>
        %add3A_350 = arith.addi %add3A_336, %add3A_349 : vector<16xi32>
        %gather3A_351 = tpu.vector_load_idx %arg19[%add3A_222, %add3A_350] : memref<128x128xf32, #tpu.memory_space<vmem>>[vector<16xi32>, vector<16xi32>], vector<16xf32>,
        %add3A_352 = arith.constant 32 : i32
        %add3A_353 = vector.broadcast %add3A_352 : i32 to vector<16xi32>
        %add3A_354 = arith.addi %add3A_339, %add3A_353 : vector<16xi32>
        %gather3A_355 = tpu.vector_load_idx %arg20[%add3A_222, %add3A_354] : memref<128x128xf32, #tpu.memory_space<vmem>>[vector<16xi32>, vector<16xi32>], vector<16xf32>,
        %add3A_356 = arith.constant 32 : i32
        %add3A_357 = vector.broadcast %add3A_356 : i32 to vector<16xi32>
        %add3A_358 = arith.addi %add3A_342, %add3A_357 : vector<16xi32>
        %gather3A_359 = tpu.vector_load_idx %arg21[%add3A_222, %add3A_358] : memref<128x128xf32, #tpu.memory_space<vmem>>[vector<16xi32>, vector<16xi32>], vector<16xf32>,
        %mul3A_360 = arith.mulf %gather3A_345, %gather3A_346 : vector<16xf32>
        %mul3A_361 = arith.mulf %mul3A_360, %gather3A_347 : vector<16xf32>
        %add3A_362 = arith.addf %add3A_330, %mul3A_361 : vector<16xf32>
        %mul3A_363 = arith.mulf %gather3A_351, %gather3A_355 : vector<16xf32>
        %mul3A_364 = arith.mulf %mul3A_363, %gather3A_359 : vector<16xf32>
        %add3A_365 = arith.addf %add3A_333, %mul3A_364 : vector<16xf32>
        %add3A_366 = arith.constant 1 : i32
        %add3A_367 = vector.broadcast %add3A_366 : i32 to vector<16xi32>
        %add3A_368 = arith.addi %add3A_336, %add3A_367 : vector<16xi32>
        %add3A_369 = arith.constant 1 : i32
        %add3A_370 = vector.broadcast %add3A_369 : i32 to vector<16xi32>
        %add3A_371 = arith.addi %add3A_339, %add3A_370 : vector<16xi32>
        %add3A_372 = arith.constant 1 : i32
        %add3A_373 = vector.broadcast %add3A_372 : i32 to vector<16xi32>
        %add3A_374 = arith.addi %add3A_342, %add3A_373 : vector<16xi32>
        %scan3A_375 = arith.constant 4 : i32
        %scan3A_376 = arith.addi %scan3A_244, %scan3A_375 : i32
        %gather3A_377 = tpu.vector_load_idx %arg19[%add3A_222, %add3A_368] : memref<128x128xf32, #tpu.memory_space<vmem>>[vector<16xi32>, vector<16xi32>], vector<16xf32>,
        %gather3A_378 = tpu.vector_load_idx %arg20[%add3A_222, %add3A_371] : memref<128x128xf32, #tpu.memory_space<vmem>>[vector<16xi32>, vector<16xi32>], vector<16xf32>,
        %gather3A_379 = tpu.vector_load_idx %arg21[%add3A_222, %add3A_374] : memref<128x128xf32, #tpu.memory_space<vmem>>[vector<16xi32>, vector<16xi32>], vector<16xf32>,
        %add3A_380 = arith.constant 32 : i32
        %add3A_381 = vector.broadcast %add3A_380 : i32 to vector<16xi32>
        %add3A_382 = arith.addi %add3A_368, %add3A_381 : vector<16xi32>
        %gather3A_383 = tpu.vector_load_idx %arg19[%add3A_222, %add3A_382] : memref<128x128xf32, #tpu.memory_space<vmem>>[vector<16xi32>, vector<16xi32>], vector<16xf32>,
        %add3A_384 = arith.constant 32 : i32
        %add3A_385 = vector.broadcast %add3A_384 : i32 to vector<16xi32>
        %add3A_386 = arith.addi %add3A_371, %add3A_385 : vector<16xi32>
        %gather3A_387 = tpu.vector_load_idx %arg20[%add3A_222, %add3A_386] : memref<128x128xf32, #tpu.memory_space<vmem>>[vector<16xi32>, vector<16xi32>], vector<16xf32>,
        %add3A_388 = arith.constant 32 : i32
        %add3A_389 = vector.broadcast %add3A_388 : i32 to vector<16xi32>
        %add3A_390 = arith.addi %add3A_374, %add3A_389 : vector<16xi32>
        %gather3A_391 = tpu.vector_load_idx %arg21[%add3A_222, %add3A_390] : memref<128x128xf32, #tpu.memory_space<vmem>>[vector<16xi32>, vector<16xi32>], vector<16xf32>,
        %mul3A_392 = arith.mulf %gather3A_377, %gather3A_378 : vector<16xf32>
        %mul3A_393 = arith.mulf %mul3A_392, %gather3A_379 : vector<16xf32>
        %add3A_394 = arith.addf %add3A_362, %mul3A_393 : vector<16xf32>
        %mul3A_395 = arith.mulf %gather3A_383, %gather3A_387 : vector<16xf32>
        %mul3A_396 = arith.mulf %mul3A_395, %gather3A_391 : vector<16xf32>
        %add3A_397 = arith.addf %add3A_365, %mul3A_396 : vector<16xf32>
        %add3A_398 = arith.constant 1 : i32
        %add3A_399 = vector.broadcast %add3A_398 : i32 to vector<16xi32>
        %add3A_400 = arith.addi %add3A_368, %add3A_399 : vector<16xi32>
        %add3A_401 = arith.constant 1 : i32
        %add3A_402 = vector.broadcast %add3A_401 : i32 to vector<16xi32>
        %add3A_403 = arith.addi %add3A_371, %add3A_402 : vector<16xi32>
        %add3A_404 = arith.constant 1 : i32
        %add3A_405 = vector.broadcast %add3A_404 : i32 to vector<16xi32>
        %add3A_406 = arith.addi %add3A_374, %add3A_405 : vector<16xi32>
        %scan3A_407 = arith.constant 5 : i32
        %scan3A_408 = arith.addi %scan3A_244, %scan3A_407 : i32
        %gather3A_409 = tpu.vector_load_idx %arg19[%add3A_222, %add3A_400] : memref<128x128xf32, #tpu.memory_space<vmem>>[vector<16xi32>, vector<16xi32>], vector<16xf32>,
        %gather3A_410 = tpu.vector_load_idx %arg20[%add3A_222, %add3A_403] : memref<128x128xf32, #tpu.memory_space<vmem>>[vector<16xi32>, vector<16xi32>], vector<16xf32>,
        %gather3A_411 = tpu.vector_load_idx %arg21[%add3A_222, %add3A_406] : memref<128x128xf32, #tpu.memory_space<vmem>>[vector<16xi32>, vector<16xi32>], vector<16xf32>,
        %add3A_412 = arith.constant 32 : i32
        %add3A_413 = vector.broadcast %add3A_412 : i32 to vector<16xi32>
        %add3A_414 = arith.addi %add3A_400, %add3A_413 : vector<16xi32>
        %gather3A_415 = tpu.vector_load_idx %arg19[%add3A_222, %add3A_414] : memref<128x128xf32, #tpu.memory_space<vmem>>[vector<16xi32>, vector<16xi32>], vector<16xf32>,
        %add3A_416 = arith.constant 32 : i32
        %add3A_417 = vector.broadcast %add3A_416 : i32 to vector<16xi32>
        %add3A_418 = arith.addi %add3A_403, %add3A_417 : vector<16xi32>
        %gather3A_419 = tpu.vector_load_idx %arg20[%add3A_222, %add3A_418] : memref<128x128xf32, #tpu.memory_space<vmem>>[vector<16xi32>, vector<16xi32>], vector<16xf32>,
        %add3A_420 = arith.constant 32 : i32
        %add3A_421 = vector.broadcast %add3A_420 : i32 to vector<16xi32>
        %add3A_422 = arith.addi %add3A_406, %add3A_421 : vector<16xi32>
        %gather3A_423 = tpu.vector_load_idx %arg21[%add3A_222, %add3A_422] : memref<128x128xf32, #tpu.memory_space<vmem>>[vector<16xi32>, vector<16xi32>], vector<16xf32>,
        %mul3A_424 = arith.mulf %gather3A_409, %gather3A_410 : vector<16xf32>
        %mul3A_425 = arith.mulf %mul3A_424, %gather3A_411 : vector<16xf32>
        %add3A_426 = arith.addf %add3A_394, %mul3A_425 : vector<16xf32>
        %mul3A_427 = arith.mulf %gather3A_415, %gather3A_419 : vector<16xf32>
        %mul3A_428 = arith.mulf %mul3A_427, %gather3A_423 : vector<16xf32>
        %add3A_429 = arith.addf %add3A_397, %mul3A_428 : vector<16xf32>
        %add3A_430 = arith.constant 1 : i32
        %add3A_431 = vector.broadcast %add3A_430 : i32 to vector<16xi32>
        %add3A_432 = arith.addi %add3A_400, %add3A_431 : vector<16xi32>
        %add3A_433 = arith.constant 1 : i32
        %add3A_434 = vector.broadcast %add3A_433 : i32 to vector<16xi32>
        %add3A_435 = arith.addi %add3A_403, %add3A_434 : vector<16xi32>
        %add3A_436 = arith.constant 1 : i32
        %add3A_437 = vector.broadcast %add3A_436 : i32 to vector<16xi32>
        %add3A_438 = arith.addi %add3A_406, %add3A_437 : vector<16xi32>
        %scan3A_439 = arith.constant 6 : i32
        %scan3A_440 = arith.addi %scan3A_244, %scan3A_439 : i32
        %gather3A_441 = tpu.vector_load_idx %arg19[%add3A_222, %add3A_432] : memref<128x128xf32, #tpu.memory_space<vmem>>[vector<16xi32>, vector<16xi32>], vector<16xf32>,
        %gather3A_442 = tpu.vector_load_idx %arg20[%add3A_222, %add3A_435] : memref<128x128xf32, #tpu.memory_space<vmem>>[vector<16xi32>, vector<16xi32>], vector<16xf32>,
        %gather3A_443 = tpu.vector_load_idx %arg21[%add3A_222, %add3A_438] : memref<128x128xf32, #tpu.memory_space<vmem>>[vector<16xi32>, vector<16xi32>], vector<16xf32>,
        %add3A_444 = arith.constant 32 : i32
        %add3A_445 = vector.broadcast %add3A_444 : i32 to vector<16xi32>
        %add3A_446 = arith.addi %add3A_432, %add3A_445 : vector<16xi32>
        %gather3A_447 = tpu.vector_load_idx %arg19[%add3A_222, %add3A_446] : memref<128x128xf32, #tpu.memory_space<vmem>>[vector<16xi32>, vector<16xi32>], vector<16xf32>,
        %add3A_448 = arith.constant 32 : i32
        %add3A_449 = vector.broadcast %add3A_448 : i32 to vector<16xi32>
        %add3A_450 = arith.addi %add3A_435, %add3A_449 : vector<16xi32>
        %gather3A_451 = tpu.vector_load_idx %arg20[%add3A_222, %add3A_450] : memref<128x128xf32, #tpu.memory_space<vmem>>[vector<16xi32>, vector<16xi32>], vector<16xf32>,
        %add3A_452 = arith.constant 32 : i32
        %add3A_453 = vector.broadcast %add3A_452 : i32 to vector<16xi32>
        %add3A_454 = arith.addi %add3A_438, %add3A_453 : vector<16xi32>
        %gather3A_455 = tpu.vector_load_idx %arg21[%add3A_222, %add3A_454] : memref<128x128xf32, #tpu.memory_space<vmem>>[vector<16xi32>, vector<16xi32>], vector<16xf32>,
        %mul3A_456 = arith.mulf %gather3A_441, %gather3A_442 : vector<16xf32>
        %mul3A_457 = arith.mulf %mul3A_456, %gather3A_443 : vector<16xf32>
        %add3A_458 = arith.addf %add3A_426, %mul3A_457 : vector<16xf32>
        %mul3A_459 = arith.mulf %gather3A_447, %gather3A_451 : vector<16xf32>
        %mul3A_460 = arith.mulf %mul3A_459, %gather3A_455 : vector<16xf32>
        %add3A_461 = arith.addf %add3A_429, %mul3A_460 : vector<16xf32>
        %add3A_462 = arith.constant 1 : i32
        %add3A_463 = vector.broadcast %add3A_462 : i32 to vector<16xi32>
        %add3A_464 = arith.addi %add3A_432, %add3A_463 : vector<16xi32>
        %add3A_465 = arith.constant 1 : i32
        %add3A_466 = vector.broadcast %add3A_465 : i32 to vector<16xi32>
        %add3A_467 = arith.addi %add3A_435, %add3A_466 : vector<16xi32>
        %add3A_468 = arith.constant 1 : i32
        %add3A_469 = vector.broadcast %add3A_468 : i32 to vector<16xi32>
        %add3A_470 = arith.addi %add3A_438, %add3A_469 : vector<16xi32>
        %scan3A_471 = arith.constant 7 : i32
        %scan3A_472 = arith.addi %scan3A_244, %scan3A_471 : i32
        %gather3A_473 = tpu.vector_load_idx %arg19[%add3A_222, %add3A_464] : memref<128x128xf32, #tpu.memory_space<vmem>>[vector<16xi32>, vector<16xi32>], vector<16xf32>,
        %gather3A_474 = tpu.vector_load_idx %arg20[%add3A_222, %add3A_467] : memref<128x128xf32, #tpu.memory_space<vmem>>[vector<16xi32>, vector<16xi32>], vector<16xf32>,
        %gather3A_475 = tpu.vector_load_idx %arg21[%add3A_222, %add3A_470] : memref<128x128xf32, #tpu.memory_space<vmem>>[vector<16xi32>, vector<16xi32>], vector<16xf32>,
        %add3A_476 = arith.constant 32 : i32
        %add3A_477 = vector.broadcast %add3A_476 : i32 to vector<16xi32>
        %add3A_478 = arith.addi %add3A_464, %add3A_477 : vector<16xi32>
        %gather3A_479 = tpu.vector_load_idx %arg19[%add3A_222, %add3A_478] : memref<128x128xf32, #tpu.memory_space<vmem>>[vector<16xi32>, vector<16xi32>], vector<16xf32>,
        %add3A_480 = arith.constant 32 : i32
        %add3A_481 = vector.broadcast %add3A_480 : i32 to vector<16xi32>
        %add3A_482 = arith.addi %add3A_467, %add3A_481 : vector<16xi32>
        %gather3A_483 = tpu.vector_load_idx %arg20[%add3A_222, %add3A_482] : memref<128x128xf32, #tpu.memory_space<vmem>>[vector<16xi32>, vector<16xi32>], vector<16xf32>,
        %add3A_484 = arith.constant 32 : i32
        %add3A_485 = vector.broadcast %add3A_484 : i32 to vector<16xi32>
        %add3A_486 = arith.addi %add3A_470, %add3A_485 : vector<16xi32>
        %gather3A_487 = tpu.vector_load_idx %arg21[%add3A_222, %add3A_486] : memref<128x128xf32, #tpu.memory_space<vmem>>[vector<16xi32>, vector<16xi32>], vector<16xf32>,
        %mul3A_488 = arith.mulf %gather3A_473, %gather3A_474 : vector<16xf32>
        %mul3A_489 = arith.mulf %mul3A_488, %gather3A_475 : vector<16xf32>
        %add3A_490 = arith.addf %add3A_458, %mul3A_489 : vector<16xf32>
        %mul3A_491 = arith.mulf %gather3A_479, %gather3A_483 : vector<16xf32>
        %mul3A_492 = arith.mulf %mul3A_491, %gather3A_487 : vector<16xf32>
        %add3A_493 = arith.addf %add3A_461, %mul3A_492 : vector<16xf32>
        %add3A_494 = arith.constant 1 : i32
        %add3A_495 = vector.broadcast %add3A_494 : i32 to vector<16xi32>
        %add3A_496 = arith.addi %add3A_464, %add3A_495 : vector<16xi32>
        %add3A_497 = arith.constant 1 : i32
        %add3A_498 = vector.broadcast %add3A_497 : i32 to vector<16xi32>
        %add3A_499 = arith.addi %add3A_467, %add3A_498 : vector<16xi32>
        %add3A_500 = arith.constant 1 : i32
        %add3A_501 = vector.broadcast %add3A_500 : i32 to vector<16xi32>
        %add3A_502 = arith.addi %add3A_470, %add3A_501 : vector<16xi32>
        scf.yield %add3A_490, %add3A_493, %add3A_496, %add3A_499, %add3A_502 : vector<16xf32>, vector<16xf32>, vector<16xi32>, vector<16xi32>, vector<16xi32>
      }
      %scan3A_237 = arith.constant 32 : i32
      %add3A_238 = arith.addf %scan3A_236#0, %scan3A_236#1 : vector<16xf32>
      %swap3A = arith.index_cast %scan3A_220 : i32 to index
      %swap3A_239 = tpu.vector_load %arg25[%swap3A] {strides = array<i32>} : memref<512xf32, #tpu.memory_space<vmem>>, vector<16xf32>,
      tpu.vector_store %arg25[%swap3A], %add3A_238 {strides = array<i32>} : memref<512xf32, #tpu.memory_space<vmem>>, vector<16xf32>,
      %add3A_240 = arith.constant 16 : i32
      %add3A_241 = arith.addi %scan3A_220, %add3A_240 : i32
      %add3A_242 = arith.constant 16 : i32
      %add3A_243 = arith.addi %scan3A_221, %add3A_242 : i32
      scf.yield %add3A_241, %add3A_243 : i32, i32
    }
    %scan3A_79 = arith.constant 8 : i32
    %dma_wait3A_80 = arith.constant 0 : i32
    %dma_wait3A_81 = arith.constant 0 : i32
    %dma_wait3A_82 = tpu.memref_slice %arg12[%dma_wait3A_80, %dma_wait3A_81] : memref<3x128xi32, #tpu.memory_space<vmem>> -> memref<1x128xi32, #tpu.memory_space<vmem>>
    %dma_wait3A_83 = tpu.memref_squeeze %dma_wait3A_82 : memref<1x128xi32, #tpu.memory_space<vmem>> -> memref<128xi32, #tpu.memory_space<vmem>>
    %dma_wait3A_84 = arith.constant 0 : i32
    %dma_wait3A_85 = arith.constant 0 : i32
    %dma_wait3A_86 = tpu.memref_slice %arg8[%dma_wait3A_84, %dma_wait3A_85] : memref<50000x128xf32, #tpu.memory_space<hbm>> -> memref<50000x128xf32, #tpu.memory_space<hbm>>
    tpu.wait_indirect_dma semaphore(%arg29 : memref<!tpu.dma_semaphore, #tpu.memory_space<semaphore_mem>>) src(%dma_wait3A_86 : memref<50000x128xf32, #tpu.memory_space<hbm>>) dst(%arg22 : memref<128x128xf32, #tpu.memory_space<vmem>>)
    %dma_wait3A_87 = arith.constant 1 : i32
    %dma_wait3A_88 = arith.constant 0 : i32
    %dma_wait3A_89 = tpu.memref_slice %arg12[%dma_wait3A_87, %dma_wait3A_88] : memref<3x128xi32, #tpu.memory_space<vmem>> -> memref<1x128xi32, #tpu.memory_space<vmem>>
    %dma_wait3A_90 = tpu.memref_squeeze %dma_wait3A_89 : memref<1x128xi32, #tpu.memory_space<vmem>> -> memref<128xi32, #tpu.memory_space<vmem>>
    %dma_wait3A_91 = arith.constant 0 : i32
    %dma_wait3A_92 = arith.constant 0 : i32
    %dma_wait3A_93 = tpu.memref_slice %arg9[%dma_wait3A_91, %dma_wait3A_92] : memref<50000x128xf32, #tpu.memory_space<hbm>> -> memref<50000x128xf32, #tpu.memory_space<hbm>>
    tpu.wait_indirect_dma semaphore(%arg30 : memref<!tpu.dma_semaphore, #tpu.memory_space<semaphore_mem>>) src(%dma_wait3A_93 : memref<50000x128xf32, #tpu.memory_space<hbm>>) dst(%arg23 : memref<128x128xf32, #tpu.memory_space<vmem>>)
    %dma_wait3A_94 = arith.constant 2 : i32
    %dma_wait3A_95 = arith.constant 0 : i32
    %dma_wait3A_96 = tpu.memref_slice %arg12[%dma_wait3A_94, %dma_wait3A_95] : memref<3x128xi32, #tpu.memory_space<vmem>> -> memref<1x128xi32, #tpu.memory_space<vmem>>
    %dma_wait3A_97 = tpu.memref_squeeze %dma_wait3A_96 : memref<1x128xi32, #tpu.memory_space<vmem>> -> memref<128xi32, #tpu.memory_space<vmem>>
    %dma_wait3A_98 = arith.constant 0 : i32
    %dma_wait3A_99 = arith.constant 0 : i32
    %dma_wait3A_100 = tpu.memref_slice %arg10[%dma_wait3A_98, %dma_wait3A_99] : memref<50000x128xf32, #tpu.memory_space<hbm>> -> memref<50000x128xf32, #tpu.memory_space<hbm>>
    tpu.wait_indirect_dma semaphore(%arg31 : memref<!tpu.dma_semaphore, #tpu.memory_space<semaphore_mem>>) src(%dma_wait3A_100 : memref<50000x128xf32, #tpu.memory_space<hbm>>) dst(%arg24 : memref<128x128xf32, #tpu.memory_space<vmem>>)
    %add3A_101 = arith.constant 256 : i32
    %add3A_102 = arith.addi %mul3A_2, %add3A_101 : i32
    %run_scoped3A_103 = arith.constant 0 : i32
    "tpu.region"() ({
      %run_scoped3A_219 = tpu.sem_alloc : memref<!tpu.dma_semaphore, #tpu.memory_space<semaphore_mem>>
      %dma_start3A_220 = arith.constant 0 : i32
      %dma_start3A_221 = tpu.memref_slice %arg12[%run_scoped3A_103, %dma_start3A_220] : memref<3x128xi32, #tpu.memory_space<vmem>> -> memref<1x128xi32, #tpu.memory_space<vmem>>
      %dma_start3A_222 = tpu.memref_squeeze %dma_start3A_221 : memref<1x128xi32, #tpu.memory_space<vmem>> -> memref<128xi32, #tpu.memory_space<vmem>>
      %dma_start3A_223 = tpu.memref_slice %arg2[%add3A_102] : memref<16384xi32, #tpu.memory_space<hbm>> -> memref<128xi32, #tpu.memory_space<hbm>>
      %dma_start3A_224 = arith.constant 0 : i32
      %dma_start3A_225 = tpu.memref_slice %arg12[%run_scoped3A_103, %dma_start3A_224] : memref<3x128xi32, #tpu.memory_space<vmem>> -> memref<1x128xi32, #tpu.memory_space<vmem>>
      %dma_start3A_226 = tpu.memref_squeeze %dma_start3A_225 : memref<1x128xi32, #tpu.memory_space<vmem>> -> memref<128xi32, #tpu.memory_space<vmem>>
      %dma_start3A_227 = tpu.memref_slice %arg2[%add3A_102] : memref<16384xi32, #tpu.memory_space<hbm>> -> memref<128xi32, #tpu.memory_space<hbm>>
      tpu.enqueue_dma source(%dma_start3A_227 : memref<128xi32, #tpu.memory_space<hbm>>) target(%dma_start3A_226 : memref<128xi32, #tpu.memory_space<vmem>>) target_semaphore(%run_scoped3A_219 : memref<!tpu.dma_semaphore, #tpu.memory_space<semaphore_mem>>)
      %dma_wait3A_228 = arith.constant 0 : i32
      %dma_wait3A_229 = tpu.memref_slice %arg12[%run_scoped3A_103, %dma_wait3A_228] : memref<3x128xi32, #tpu.memory_space<vmem>> -> memref<1x128xi32, #tpu.memory_space<vmem>>
      %dma_wait3A_230 = tpu.memref_squeeze %dma_wait3A_229 : memref<1x128xi32, #tpu.memory_space<vmem>> -> memref<128xi32, #tpu.memory_space<vmem>>
      %dma_wait3A_231 = tpu.memref_slice %arg2[%add3A_102] : memref<16384xi32, #tpu.memory_space<hbm>> -> memref<128xi32, #tpu.memory_space<hbm>>
      %dma_wait3A_232 = arith.constant 0 : i32
      %dma_wait3A_233 = tpu.memref_slice %arg12[%run_scoped3A_103, %dma_wait3A_232] : memref<3x128xi32, #tpu.memory_space<vmem>> -> memref<1x128xi32, #tpu.memory_space<vmem>>
      %dma_wait3A_234 = tpu.memref_squeeze %dma_wait3A_233 : memref<1x128xi32, #tpu.memory_space<vmem>> -> memref<128xi32, #tpu.memory_space<vmem>>
      %dma_wait3A_235 = tpu.memref_slice %arg2[%add3A_102] : memref<16384xi32, #tpu.memory_space<hbm>> -> memref<128xi32, #tpu.memory_space<hbm>>
      tpu.wait_dma2 semaphore(%run_scoped3A_219 : memref<!tpu.dma_semaphore, #tpu.memory_space<semaphore_mem>>) src(%dma_wait3A_235 : memref<128xi32, #tpu.memory_space<hbm>>) dst(%dma_wait3A_234 : memref<128xi32, #tpu.memory_space<vmem>>)
      tpu.yield
    }) : () -> ()
    %run_scoped3A_104 = arith.constant 1 : i32
    "tpu.region"() ({
      %run_scoped3A_219 = tpu.sem_alloc : memref<!tpu.dma_semaphore, #tpu.memory_space<semaphore_mem>>
      %dma_start3A_220 = arith.constant 0 : i32
      %dma_start3A_221 = tpu.memref_slice %arg12[%run_scoped3A_104, %dma_start3A_220] : memref<3x128xi32, #tpu.memory_space<vmem>> -> memref<1x128xi32, #tpu.memory_space<vmem>>
      %dma_start3A_222 = tpu.memref_squeeze %dma_start3A_221 : memref<1x128xi32, #tpu.memory_space<vmem>> -> memref<128xi32, #tpu.memory_space<vmem>>
      %dma_start3A_223 = tpu.memref_slice %arg3[%add3A_102] : memref<16384xi32, #tpu.memory_space<hbm>> -> memref<128xi32, #tpu.memory_space<hbm>>
      %dma_start3A_224 = arith.constant 0 : i32
      %dma_start3A_225 = tpu.memref_slice %arg12[%run_scoped3A_104, %dma_start3A_224] : memref<3x128xi32, #tpu.memory_space<vmem>> -> memref<1x128xi32, #tpu.memory_space<vmem>>
      %dma_start3A_226 = tpu.memref_squeeze %dma_start3A_225 : memref<1x128xi32, #tpu.memory_space<vmem>> -> memref<128xi32, #tpu.memory_space<vmem>>
      %dma_start3A_227 = tpu.memref_slice %arg3[%add3A_102] : memref<16384xi32, #tpu.memory_space<hbm>> -> memref<128xi32, #tpu.memory_space<hbm>>
      tpu.enqueue_dma source(%dma_start3A_227 : memref<128xi32, #tpu.memory_space<hbm>>) target(%dma_start3A_226 : memref<128xi32, #tpu.memory_space<vmem>>) target_semaphore(%run_scoped3A_219 : memref<!tpu.dma_semaphore, #tpu.memory_space<semaphore_mem>>)
      %dma_wait3A_228 = arith.constant 0 : i32
      %dma_wait3A_229 = tpu.memref_slice %arg12[%run_scoped3A_104, %dma_wait3A_228] : memref<3x128xi32, #tpu.memory_space<vmem>> -> memref<1x128xi32, #tpu.memory_space<vmem>>
      %dma_wait3A_230 = tpu.memref_squeeze %dma_wait3A_229 : memref<1x128xi32, #tpu.memory_space<vmem>> -> memref<128xi32, #tpu.memory_space<vmem>>
      %dma_wait3A_231 = tpu.memref_slice %arg3[%add3A_102] : memref<16384xi32, #tpu.memory_space<hbm>> -> memref<128xi32, #tpu.memory_space<hbm>>
      %dma_wait3A_232 = arith.constant 0 : i32
      %dma_wait3A_233 = tpu.memref_slice %arg12[%run_scoped3A_104, %dma_wait3A_232] : memref<3x128xi32, #tpu.memory_space<vmem>> -> memref<1x128xi32, #tpu.memory_space<vmem>>
      %dma_wait3A_234 = tpu.memref_squeeze %dma_wait3A_233 : memref<1x128xi32, #tpu.memory_space<vmem>> -> memref<128xi32, #tpu.memory_space<vmem>>
      %dma_wait3A_235 = tpu.memref_slice %arg3[%add3A_102] : memref<16384xi32, #tpu.memory_space<hbm>> -> memref<128xi32, #tpu.memory_space<hbm>>
      tpu.wait_dma2 semaphore(%run_scoped3A_219 : memref<!tpu.dma_semaphore, #tpu.memory_space<semaphore_mem>>) src(%dma_wait3A_235 : memref<128xi32, #tpu.memory_space<hbm>>) dst(%dma_wait3A_234 : memref<128xi32, #tpu.memory_space<vmem>>)
      tpu.yield
    }) : () -> ()
    %run_scoped3A_105 = arith.constant 2 : i32
    "tpu.region"() ({
      %run_scoped3A_219 = tpu.sem_alloc : memref<!tpu.dma_semaphore, #tpu.memory_space<semaphore_mem>>
      %dma_start3A_220 = arith.constant 0 : i32
      %dma_start3A_221 = tpu.memref_slice %arg12[%run_scoped3A_105, %dma_start3A_220] : memref<3x128xi32, #tpu.memory_space<vmem>> -> memref<1x128xi32, #tpu.memory_space<vmem>>
      %dma_start3A_222 = tpu.memref_squeeze %dma_start3A_221 : memref<1x128xi32, #tpu.memory_space<vmem>> -> memref<128xi32, #tpu.memory_space<vmem>>
      %dma_start3A_223 = tpu.memref_slice %arg4[%add3A_102] : memref<16384xi32, #tpu.memory_space<hbm>> -> memref<128xi32, #tpu.memory_space<hbm>>
      %dma_start3A_224 = arith.constant 0 : i32
      %dma_start3A_225 = tpu.memref_slice %arg12[%run_scoped3A_105, %dma_start3A_224] : memref<3x128xi32, #tpu.memory_space<vmem>> -> memref<1x128xi32, #tpu.memory_space<vmem>>
      %dma_start3A_226 = tpu.memref_squeeze %dma_start3A_225 : memref<1x128xi32, #tpu.memory_space<vmem>> -> memref<128xi32, #tpu.memory_space<vmem>>
      %dma_start3A_227 = tpu.memref_slice %arg4[%add3A_102] : memref<16384xi32, #tpu.memory_space<hbm>> -> memref<128xi32, #tpu.memory_space<hbm>>
      tpu.enqueue_dma source(%dma_start3A_227 : memref<128xi32, #tpu.memory_space<hbm>>) target(%dma_start3A_226 : memref<128xi32, #tpu.memory_space<vmem>>) target_semaphore(%run_scoped3A_219 : memref<!tpu.dma_semaphore, #tpu.memory_space<semaphore_mem>>)
      %dma_wait3A_228 = arith.constant 0 : i32
      %dma_wait3A_229 = tpu.memref_slice %arg12[%run_scoped3A_105, %dma_wait3A_228] : memref<3x128xi32, #tpu.memory_space<vmem>> -> memref<1x128xi32, #tpu.memory_space<vmem>>
      %dma_wait3A_230 = tpu.memref_squeeze %dma_wait3A_229 : memref<1x128xi32, #tpu.memory_space<vmem>> -> memref<128xi32, #tpu.memory_space<vmem>>
      %dma_wait3A_231 = tpu.memref_slice %arg4[%add3A_102] : memref<16384xi32, #tpu.memory_space<hbm>> -> memref<128xi32, #tpu.memory_space<hbm>>
      %dma_wait3A_232 = arith.constant 0 : i32
      %dma_wait3A_233 = tpu.memref_slice %arg12[%run_scoped3A_105, %dma_wait3A_232] : memref<3x128xi32, #tpu.memory_space<vmem>> -> memref<1x128xi32, #tpu.memory_space<vmem>>
      %dma_wait3A_234 = tpu.memref_squeeze %dma_wait3A_233 : memref<1x128xi32, #tpu.memory_space<vmem>> -> memref<128xi32, #tpu.memory_space<vmem>>
      %dma_wait3A_235 = tpu.memref_slice %arg4[%add3A_102] : memref<16384xi32, #tpu.memory_space<hbm>> -> memref<128xi32, #tpu.memory_space<hbm>>
      tpu.wait_dma2 semaphore(%run_scoped3A_219 : memref<!tpu.dma_semaphore, #tpu.memory_space<semaphore_mem>>) src(%dma_wait3A_235 : memref<128xi32, #tpu.memory_space<hbm>>) dst(%dma_wait3A_234 : memref<128xi32, #tpu.memory_space<vmem>>)
      tpu.yield
    }) : () -> ()
    "tpu.region"() ({
      %run_scoped3A_219 = tpu.sem_alloc : memref<!tpu.dma_semaphore, #tpu.memory_space<semaphore_mem>>
      %dma_start3A_220 = tpu.memref_slice %arg5[%add3A_102] : memref<16384xi32, #tpu.memory_space<hbm>> -> memref<128xi32, #tpu.memory_space<hbm>>
      %dma_start3A_221 = tpu.memref_slice %arg5[%add3A_102] : memref<16384xi32, #tpu.memory_space<hbm>> -> memref<128xi32, #tpu.memory_space<hbm>>
      tpu.enqueue_dma source(%dma_start3A_221 : memref<128xi32, #tpu.memory_space<hbm>>) target(%arg13 : memref<128xi32, #tpu.memory_space<vmem>>) target_semaphore(%run_scoped3A_219 : memref<!tpu.dma_semaphore, #tpu.memory_space<semaphore_mem>>)
      %dma_wait3A_222 = tpu.memref_slice %arg5[%add3A_102] : memref<16384xi32, #tpu.memory_space<hbm>> -> memref<128xi32, #tpu.memory_space<hbm>>
      %dma_wait3A_223 = tpu.memref_slice %arg5[%add3A_102] : memref<16384xi32, #tpu.memory_space<hbm>> -> memref<128xi32, #tpu.memory_space<hbm>>
      tpu.wait_dma2 semaphore(%run_scoped3A_219 : memref<!tpu.dma_semaphore, #tpu.memory_space<semaphore_mem>>) src(%dma_wait3A_223 : memref<128xi32, #tpu.memory_space<hbm>>) dst(%arg13 : memref<128xi32, #tpu.memory_space<vmem>>)
      tpu.yield
    }) : () -> ()
    "tpu.region"() ({
      %run_scoped3A_219 = tpu.sem_alloc : memref<!tpu.dma_semaphore, #tpu.memory_space<semaphore_mem>>
      %dma_start3A_220 = tpu.memref_slice %arg6[%add3A_102] : memref<16384xi32, #tpu.memory_space<hbm>> -> memref<128xi32, #tpu.memory_space<hbm>>
      %dma_start3A_221 = tpu.memref_slice %arg6[%add3A_102] : memref<16384xi32, #tpu.memory_space<hbm>> -> memref<128xi32, #tpu.memory_space<hbm>>
      tpu.enqueue_dma source(%dma_start3A_221 : memref<128xi32, #tpu.memory_space<hbm>>) target(%arg14 : memref<128xi32, #tpu.memory_space<vmem>>) target_semaphore(%run_scoped3A_219 : memref<!tpu.dma_semaphore, #tpu.memory_space<semaphore_mem>>)
      %dma_wait3A_222 = tpu.memref_slice %arg6[%add3A_102] : memref<16384xi32, #tpu.memory_space<hbm>> -> memref<128xi32, #tpu.memory_space<hbm>>
      %dma_wait3A_223 = tpu.memref_slice %arg6[%add3A_102] : memref<16384xi32, #tpu.memory_space<hbm>> -> memref<128xi32, #tpu.memory_space<hbm>>
      tpu.wait_dma2 semaphore(%run_scoped3A_219 : memref<!tpu.dma_semaphore, #tpu.memory_space<semaphore_mem>>) src(%dma_wait3A_223 : memref<128xi32, #tpu.memory_space<hbm>>) dst(%arg14 : memref<128xi32, #tpu.memory_space<vmem>>)
      tpu.yield
    }) : () -> ()
    "tpu.region"() ({
      %run_scoped3A_219 = tpu.sem_alloc : memref<!tpu.dma_semaphore, #tpu.memory_space<semaphore_mem>>
      %dma_start3A_220 = tpu.memref_slice %arg7[%add3A_102] : memref<16384xi32, #tpu.memory_space<hbm>> -> memref<128xi32, #tpu.memory_space<hbm>>
      %dma_start3A_221 = tpu.memref_slice %arg7[%add3A_102] : memref<16384xi32, #tpu.memory_space<hbm>> -> memref<128xi32, #tpu.memory_space<hbm>>
      tpu.enqueue_dma source(%dma_start3A_221 : memref<128xi32, #tpu.memory_space<hbm>>) target(%arg15 : memref<128xi32, #tpu.memory_space<vmem>>) target_semaphore(%run_scoped3A_219 : memref<!tpu.dma_semaphore, #tpu.memory_space<semaphore_mem>>)
      %dma_wait3A_222 = tpu.memref_slice %arg7[%add3A_102] : memref<16384xi32, #tpu.memory_space<hbm>> -> memref<128xi32, #tpu.memory_space<hbm>>
      %dma_wait3A_223 = tpu.memref_slice %arg7[%add3A_102] : memref<16384xi32, #tpu.memory_space<hbm>> -> memref<128xi32, #tpu.memory_space<hbm>>
      tpu.wait_dma2 semaphore(%run_scoped3A_219 : memref<!tpu.dma_semaphore, #tpu.memory_space<semaphore_mem>>) src(%dma_wait3A_223 : memref<128xi32, #tpu.memory_space<hbm>>) dst(%arg15 : memref<128xi32, #tpu.memory_space<vmem>>)
      tpu.yield
    }) : () -> ()
    %dma_start3A_106 = arith.constant 0 : i32
    %dma_start3A_107 = arith.constant 0 : i32
    %dma_start3A_108 = tpu.memref_slice %arg12[%dma_start3A_106, %dma_start3A_107] : memref<3x128xi32, #tpu.memory_space<vmem>> -> memref<1x128xi32, #tpu.memory_space<vmem>>
    %dma_start3A_109 = tpu.memref_squeeze %dma_start3A_108 : memref<1x128xi32, #tpu.memory_space<vmem>> -> memref<128xi32, #tpu.memory_space<vmem>>
    %dma_start3A_110 = arith.constant 0 : i32
    %dma_start3A_111 = arith.constant 0 : i32
    %dma_start3A_112 = tpu.memref_slice %arg8[%dma_start3A_110, %dma_start3A_111] : memref<50000x128xf32, #tpu.memory_space<hbm>> -> memref<50000x128xf32, #tpu.memory_space<hbm>>
    tpu.enqueue_indirect_dma source(%dma_start3A_112 : memref<50000x128xf32, #tpu.memory_space<hbm>>) target(%arg19 : memref<128x128xf32, #tpu.memory_space<vmem>>) offsets(%dma_start3A_109 : memref<128xi32, #tpu.memory_space<vmem>>) semaphore(%arg26 : memref<!tpu.dma_semaphore, #tpu.memory_space<semaphore_mem>>)
    %dma_start3A_113 = arith.constant 1 : i32
    %dma_start3A_114 = arith.constant 0 : i32
    %dma_start3A_115 = tpu.memref_slice %arg12[%dma_start3A_113, %dma_start3A_114] : memref<3x128xi32, #tpu.memory_space<vmem>> -> memref<1x128xi32, #tpu.memory_space<vmem>>
    %dma_start3A_116 = tpu.memref_squeeze %dma_start3A_115 : memref<1x128xi32, #tpu.memory_space<vmem>> -> memref<128xi32, #tpu.memory_space<vmem>>
    %dma_start3A_117 = arith.constant 0 : i32
    %dma_start3A_118 = arith.constant 0 : i32
    %dma_start3A_119 = tpu.memref_slice %arg9[%dma_start3A_117, %dma_start3A_118] : memref<50000x128xf32, #tpu.memory_space<hbm>> -> memref<50000x128xf32, #tpu.memory_space<hbm>>
    tpu.enqueue_indirect_dma source(%dma_start3A_119 : memref<50000x128xf32, #tpu.memory_space<hbm>>) target(%arg20 : memref<128x128xf32, #tpu.memory_space<vmem>>) offsets(%dma_start3A_116 : memref<128xi32, #tpu.memory_space<vmem>>) semaphore(%arg27 : memref<!tpu.dma_semaphore, #tpu.memory_space<semaphore_mem>>)
    %dma_start3A_120 = arith.constant 2 : i32
    %dma_start3A_121 = arith.constant 0 : i32
    %dma_start3A_122 = tpu.memref_slice %arg12[%dma_start3A_120, %dma_start3A_121] : memref<3x128xi32, #tpu.memory_space<vmem>> -> memref<1x128xi32, #tpu.memory_space<vmem>>
    %dma_start3A_123 = tpu.memref_squeeze %dma_start3A_122 : memref<1x128xi32, #tpu.memory_space<vmem>> -> memref<128xi32, #tpu.memory_space<vmem>>
    %dma_start3A_124 = arith.constant 0 : i32
    %dma_start3A_125 = arith.constant 0 : i32
    %dma_start3A_126 = tpu.memref_slice %arg10[%dma_start3A_124, %dma_start3A_125] : memref<50000x128xf32, #tpu.memory_space<hbm>> -> memref<50000x128xf32, #tpu.memory_space<hbm>>
    tpu.enqueue_indirect_dma source(%dma_start3A_126 : memref<50000x128xf32, #tpu.memory_space<hbm>>) target(%arg21 : memref<128x128xf32, #tpu.memory_space<vmem>>) offsets(%dma_start3A_123 : memref<128xi32, #tpu.memory_space<vmem>>) semaphore(%arg28 : memref<!tpu.dma_semaphore, #tpu.memory_space<semaphore_mem>>)
    %scan3A_127 = arith.constant 128 : i32
    %scan3A_128 = arith.constant 0 : i32
    %scan3A_129 = arith.constant 0 : i32
    %scan3A_130 = arith.constant 8 : i32
    %scan3A_131 = arith.addi %scan3A_129, %scan3A_130 : i32
    %scan3A_132 = arith.constant 1 : i32
    %scan3A_133:2 = scf.for %scan3A_219 = %scan3A_129 to %scan3A_131 step %scan3A_132 iter_args(%scan3A_220 = %scan3A_127, %scan3A_221 = %scan3A_128) -> (i32, i32)  : i32 {
      %broadcast_in_dim3A = vector.broadcast %scan3A_221 : i32 to vector<16xi32>
      %add3A_222 = arith.addi %broadcast_in_dim3A, %iota3A : vector<16xi32>
      %get3A = arith.index_cast %scan3A_221 : i32 to index
      %get3A_223 = tpu.vector_load %arg16[%get3A] {strides = array<i32>} : memref<128xi32, #tpu.memory_space<vmem>>, vector<16xi32>,
      %get3A_224 = arith.index_cast %scan3A_221 : i32 to index
      %get3A_225 = tpu.vector_load %arg17[%get3A_224] {strides = array<i32>} : memref<128xi32, #tpu.memory_space<vmem>>, vector<16xi32>,
      %get3A_226 = arith.index_cast %scan3A_221 : i32 to index
      %get3A_227 = tpu.vector_load %arg18[%get3A_226] {strides = array<i32>} : memref<128xi32, #tpu.memory_space<vmem>>, vector<16xi32>,
      %broadcast_in_dim3A_228 = arith.constant 0.000000e+00 : f32
      %broadcast_in_dim3A_229 = vector.broadcast %broadcast_in_dim3A_228 : f32 to vector<16xf32>
      %broadcast_in_dim3A_230 = arith.constant 0.000000e+00 : f32
      %broadcast_in_dim3A_231 = vector.broadcast %broadcast_in_dim3A_230 : f32 to vector<16xf32>
      %scan3A_232 = arith.constant 0 : i32
      %scan3A_233 = arith.constant 32 : i32
      %scan3A_234 = arith.addi %scan3A_232, %scan3A_233 : i32
      %scan3A_235 = arith.constant 8 : i32
      %scan3A_236:5 = scf.for %scan3A_244 = %scan3A_232 to %scan3A_234 step %scan3A_235 iter_args(%scan3A_245 = %broadcast_in_dim3A_229, %scan3A_246 = %broadcast_in_dim3A_231, %scan3A_247 = %get3A_223, %scan3A_248 = %get3A_225, %scan3A_249 = %get3A_227) -> (vector<16xf32>, vector<16xf32>, vector<16xi32>, vector<16xi32>, vector<16xi32>)  : i32 {
        %gather3A = tpu.vector_load_idx %arg22[%add3A_222, %scan3A_247] : memref<128x128xf32, #tpu.memory_space<vmem>>[vector<16xi32>, vector<16xi32>], vector<16xf32>,
        %gather3A_250 = tpu.vector_load_idx %arg23[%add3A_222, %scan3A_248] : memref<128x128xf32, #tpu.memory_space<vmem>>[vector<16xi32>, vector<16xi32>], vector<16xf32>,
        %gather3A_251 = tpu.vector_load_idx %arg24[%add3A_222, %scan3A_249] : memref<128x128xf32, #tpu.memory_space<vmem>>[vector<16xi32>, vector<16xi32>], vector<16xf32>,
        %add3A_252 = arith.constant 32 : i32
        %add3A_253 = vector.broadcast %add3A_252 : i32 to vector<16xi32>
        %add3A_254 = arith.addi %scan3A_247, %add3A_253 : vector<16xi32>
        %gather3A_255 = tpu.vector_load_idx %arg22[%add3A_222, %add3A_254] : memref<128x128xf32, #tpu.memory_space<vmem>>[vector<16xi32>, vector<16xi32>], vector<16xf32>,
        %add3A_256 = arith.constant 32 : i32
        %add3A_257 = vector.broadcast %add3A_256 : i32 to vector<16xi32>
        %add3A_258 = arith.addi %scan3A_248, %add3A_257 : vector<16xi32>
        %gather3A_259 = tpu.vector_load_idx %arg23[%add3A_222, %add3A_258] : memref<128x128xf32, #tpu.memory_space<vmem>>[vector<16xi32>, vector<16xi32>], vector<16xf32>,
        %add3A_260 = arith.constant 32 : i32
        %add3A_261 = vector.broadcast %add3A_260 : i32 to vector<16xi32>
        %add3A_262 = arith.addi %scan3A_249, %add3A_261 : vector<16xi32>
        %gather3A_263 = tpu.vector_load_idx %arg24[%add3A_222, %add3A_262] : memref<128x128xf32, #tpu.memory_space<vmem>>[vector<16xi32>, vector<16xi32>], vector<16xf32>,
        %mul3A_264 = arith.mulf %gather3A, %gather3A_250 : vector<16xf32>
        %mul3A_265 = arith.mulf %mul3A_264, %gather3A_251 : vector<16xf32>
        %add3A_266 = arith.addf %scan3A_245, %mul3A_265 : vector<16xf32>
        %mul3A_267 = arith.mulf %gather3A_255, %gather3A_259 : vector<16xf32>
        %mul3A_268 = arith.mulf %mul3A_267, %gather3A_263 : vector<16xf32>
        %add3A_269 = arith.addf %scan3A_246, %mul3A_268 : vector<16xf32>
        %add3A_270 = arith.constant 1 : i32
        %add3A_271 = vector.broadcast %add3A_270 : i32 to vector<16xi32>
        %add3A_272 = arith.addi %scan3A_247, %add3A_271 : vector<16xi32>
        %add3A_273 = arith.constant 1 : i32
        %add3A_274 = vector.broadcast %add3A_273 : i32 to vector<16xi32>
        %add3A_275 = arith.addi %scan3A_248, %add3A_274 : vector<16xi32>
        %add3A_276 = arith.constant 1 : i32
        %add3A_277 = vector.broadcast %add3A_276 : i32 to vector<16xi32>
        %add3A_278 = arith.addi %scan3A_249, %add3A_277 : vector<16xi32>
        %scan3A_279 = arith.constant 1 : i32
        %scan3A_280 = arith.addi %scan3A_244, %scan3A_279 : i32
        %gather3A_281 = tpu.vector_load_idx %arg22[%add3A_222, %add3A_272] : memref<128x128xf32, #tpu.memory_space<vmem>>[vector<16xi32>, vector<16xi32>], vector<16xf32>,
        %gather3A_282 = tpu.vector_load_idx %arg23[%add3A_222, %add3A_275] : memref<128x128xf32, #tpu.memory_space<vmem>>[vector<16xi32>, vector<16xi32>], vector<16xf32>,
        %gather3A_283 = tpu.vector_load_idx %arg24[%add3A_222, %add3A_278] : memref<128x128xf32, #tpu.memory_space<vmem>>[vector<16xi32>, vector<16xi32>], vector<16xf32>,
        %add3A_284 = arith.constant 32 : i32
        %add3A_285 = vector.broadcast %add3A_284 : i32 to vector<16xi32>
        %add3A_286 = arith.addi %add3A_272, %add3A_285 : vector<16xi32>
        %gather3A_287 = tpu.vector_load_idx %arg22[%add3A_222, %add3A_286] : memref<128x128xf32, #tpu.memory_space<vmem>>[vector<16xi32>, vector<16xi32>], vector<16xf32>,
        %add3A_288 = arith.constant 32 : i32
        %add3A_289 = vector.broadcast %add3A_288 : i32 to vector<16xi32>
        %add3A_290 = arith.addi %add3A_275, %add3A_289 : vector<16xi32>
        %gather3A_291 = tpu.vector_load_idx %arg23[%add3A_222, %add3A_290] : memref<128x128xf32, #tpu.memory_space<vmem>>[vector<16xi32>, vector<16xi32>], vector<16xf32>,
        %add3A_292 = arith.constant 32 : i32
        %add3A_293 = vector.broadcast %add3A_292 : i32 to vector<16xi32>
        %add3A_294 = arith.addi %add3A_278, %add3A_293 : vector<16xi32>
        %gather3A_295 = tpu.vector_load_idx %arg24[%add3A_222, %add3A_294] : memref<128x128xf32, #tpu.memory_space<vmem>>[vector<16xi32>, vector<16xi32>], vector<16xf32>,
        %mul3A_296 = arith.mulf %gather3A_281, %gather3A_282 : vector<16xf32>
        %mul3A_297 = arith.mulf %mul3A_296, %gather3A_283 : vector<16xf32>
        %add3A_298 = arith.addf %add3A_266, %mul3A_297 : vector<16xf32>
        %mul3A_299 = arith.mulf %gather3A_287, %gather3A_291 : vector<16xf32>
        %mul3A_300 = arith.mulf %mul3A_299, %gather3A_295 : vector<16xf32>
        %add3A_301 = arith.addf %add3A_269, %mul3A_300 : vector<16xf32>
        %add3A_302 = arith.constant 1 : i32
        %add3A_303 = vector.broadcast %add3A_302 : i32 to vector<16xi32>
        %add3A_304 = arith.addi %add3A_272, %add3A_303 : vector<16xi32>
        %add3A_305 = arith.constant 1 : i32
        %add3A_306 = vector.broadcast %add3A_305 : i32 to vector<16xi32>
        %add3A_307 = arith.addi %add3A_275, %add3A_306 : vector<16xi32>
        %add3A_308 = arith.constant 1 : i32
        %add3A_309 = vector.broadcast %add3A_308 : i32 to vector<16xi32>
        %add3A_310 = arith.addi %add3A_278, %add3A_309 : vector<16xi32>
        %scan3A_311 = arith.constant 2 : i32
        %scan3A_312 = arith.addi %scan3A_244, %scan3A_311 : i32
        %gather3A_313 = tpu.vector_load_idx %arg22[%add3A_222, %add3A_304] : memref<128x128xf32, #tpu.memory_space<vmem>>[vector<16xi32>, vector<16xi32>], vector<16xf32>,
        %gather3A_314 = tpu.vector_load_idx %arg23[%add3A_222, %add3A_307] : memref<128x128xf32, #tpu.memory_space<vmem>>[vector<16xi32>, vector<16xi32>], vector<16xf32>,
        %gather3A_315 = tpu.vector_load_idx %arg24[%add3A_222, %add3A_310] : memref<128x128xf32, #tpu.memory_space<vmem>>[vector<16xi32>, vector<16xi32>], vector<16xf32>,
        %add3A_316 = arith.constant 32 : i32
        %add3A_317 = vector.broadcast %add3A_316 : i32 to vector<16xi32>
        %add3A_318 = arith.addi %add3A_304, %add3A_317 : vector<16xi32>
        %gather3A_319 = tpu.vector_load_idx %arg22[%add3A_222, %add3A_318] : memref<128x128xf32, #tpu.memory_space<vmem>>[vector<16xi32>, vector<16xi32>], vector<16xf32>,
        %add3A_320 = arith.constant 32 : i32
        %add3A_321 = vector.broadcast %add3A_320 : i32 to vector<16xi32>
        %add3A_322 = arith.addi %add3A_307, %add3A_321 : vector<16xi32>
        %gather3A_323 = tpu.vector_load_idx %arg23[%add3A_222, %add3A_322] : memref<128x128xf32, #tpu.memory_space<vmem>>[vector<16xi32>, vector<16xi32>], vector<16xf32>,
        %add3A_324 = arith.constant 32 : i32
        %add3A_325 = vector.broadcast %add3A_324 : i32 to vector<16xi32>
        %add3A_326 = arith.addi %add3A_310, %add3A_325 : vector<16xi32>
        %gather3A_327 = tpu.vector_load_idx %arg24[%add3A_222, %add3A_326] : memref<128x128xf32, #tpu.memory_space<vmem>>[vector<16xi32>, vector<16xi32>], vector<16xf32>,
        %mul3A_328 = arith.mulf %gather3A_313, %gather3A_314 : vector<16xf32>
        %mul3A_329 = arith.mulf %mul3A_328, %gather3A_315 : vector<16xf32>
        %add3A_330 = arith.addf %add3A_298, %mul3A_329 : vector<16xf32>
        %mul3A_331 = arith.mulf %gather3A_319, %gather3A_323 : vector<16xf32>
        %mul3A_332 = arith.mulf %mul3A_331, %gather3A_327 : vector<16xf32>
        %add3A_333 = arith.addf %add3A_301, %mul3A_332 : vector<16xf32>
        %add3A_334 = arith.constant 1 : i32
        %add3A_335 = vector.broadcast %add3A_334 : i32 to vector<16xi32>
        %add3A_336 = arith.addi %add3A_304, %add3A_335 : vector<16xi32>
        %add3A_337 = arith.constant 1 : i32
        %add3A_338 = vector.broadcast %add3A_337 : i32 to vector<16xi32>
        %add3A_339 = arith.addi %add3A_307, %add3A_338 : vector<16xi32>
        %add3A_340 = arith.constant 1 : i32
        %add3A_341 = vector.broadcast %add3A_340 : i32 to vector<16xi32>
        %add3A_342 = arith.addi %add3A_310, %add3A_341 : vector<16xi32>
        %scan3A_343 = arith.constant 3 : i32
        %scan3A_344 = arith.addi %scan3A_244, %scan3A_343 : i32
        %gather3A_345 = tpu.vector_load_idx %arg22[%add3A_222, %add3A_336] : memref<128x128xf32, #tpu.memory_space<vmem>>[vector<16xi32>, vector<16xi32>], vector<16xf32>,
        %gather3A_346 = tpu.vector_load_idx %arg23[%add3A_222, %add3A_339] : memref<128x128xf32, #tpu.memory_space<vmem>>[vector<16xi32>, vector<16xi32>], vector<16xf32>,
        %gather3A_347 = tpu.vector_load_idx %arg24[%add3A_222, %add3A_342] : memref<128x128xf32, #tpu.memory_space<vmem>>[vector<16xi32>, vector<16xi32>], vector<16xf32>,
        %add3A_348 = arith.constant 32 : i32
        %add3A_349 = vector.broadcast %add3A_348 : i32 to vector<16xi32>
        %add3A_350 = arith.addi %add3A_336, %add3A_349 : vector<16xi32>
        %gather3A_351 = tpu.vector_load_idx %arg22[%add3A_222, %add3A_350] : memref<128x128xf32, #tpu.memory_space<vmem>>[vector<16xi32>, vector<16xi32>], vector<16xf32>,
        %add3A_352 = arith.constant 32 : i32
        %add3A_353 = vector.broadcast %add3A_352 : i32 to vector<16xi32>
        %add3A_354 = arith.addi %add3A_339, %add3A_353 : vector<16xi32>
        %gather3A_355 = tpu.vector_load_idx %arg23[%add3A_222, %add3A_354] : memref<128x128xf32, #tpu.memory_space<vmem>>[vector<16xi32>, vector<16xi32>], vector<16xf32>,
        %add3A_356 = arith.constant 32 : i32
        %add3A_357 = vector.broadcast %add3A_356 : i32 to vector<16xi32>
        %add3A_358 = arith.addi %add3A_342, %add3A_357 : vector<16xi32>
        %gather3A_359 = tpu.vector_load_idx %arg24[%add3A_222, %add3A_358] : memref<128x128xf32, #tpu.memory_space<vmem>>[vector<16xi32>, vector<16xi32>], vector<16xf32>,
        %mul3A_360 = arith.mulf %gather3A_345, %gather3A_346 : vector<16xf32>
        %mul3A_361 = arith.mulf %mul3A_360, %gather3A_347 : vector<16xf32>
        %add3A_362 = arith.addf %add3A_330, %mul3A_361 : vector<16xf32>
        %mul3A_363 = arith.mulf %gather3A_351, %gather3A_355 : vector<16xf32>
        %mul3A_364 = arith.mulf %mul3A_363, %gather3A_359 : vector<16xf32>
        %add3A_365 = arith.addf %add3A_333, %mul3A_364 : vector<16xf32>
        %add3A_366 = arith.constant 1 : i32
        %add3A_367 = vector.broadcast %add3A_366 : i32 to vector<16xi32>
        %add3A_368 = arith.addi %add3A_336, %add3A_367 : vector<16xi32>
        %add3A_369 = arith.constant 1 : i32
        %add3A_370 = vector.broadcast %add3A_369 : i32 to vector<16xi32>
        %add3A_371 = arith.addi %add3A_339, %add3A_370 : vector<16xi32>
        %add3A_372 = arith.constant 1 : i32
        %add3A_373 = vector.broadcast %add3A_372 : i32 to vector<16xi32>
        %add3A_374 = arith.addi %add3A_342, %add3A_373 : vector<16xi32>
        %scan3A_375 = arith.constant 4 : i32
        %scan3A_376 = arith.addi %scan3A_244, %scan3A_375 : i32
        %gather3A_377 = tpu.vector_load_idx %arg22[%add3A_222, %add3A_368] : memref<128x128xf32, #tpu.memory_space<vmem>>[vector<16xi32>, vector<16xi32>], vector<16xf32>,
        %gather3A_378 = tpu.vector_load_idx %arg23[%add3A_222, %add3A_371] : memref<128x128xf32, #tpu.memory_space<vmem>>[vector<16xi32>, vector<16xi32>], vector<16xf32>,
        %gather3A_379 = tpu.vector_load_idx %arg24[%add3A_222, %add3A_374] : memref<128x128xf32, #tpu.memory_space<vmem>>[vector<16xi32>, vector<16xi32>], vector<16xf32>,
        %add3A_380 = arith.constant 32 : i32
        %add3A_381 = vector.broadcast %add3A_380 : i32 to vector<16xi32>
        %add3A_382 = arith.addi %add3A_368, %add3A_381 : vector<16xi32>
        %gather3A_383 = tpu.vector_load_idx %arg22[%add3A_222, %add3A_382] : memref<128x128xf32, #tpu.memory_space<vmem>>[vector<16xi32>, vector<16xi32>], vector<16xf32>,
        %add3A_384 = arith.constant 32 : i32
        %add3A_385 = vector.broadcast %add3A_384 : i32 to vector<16xi32>
        %add3A_386 = arith.addi %add3A_371, %add3A_385 : vector<16xi32>
        %gather3A_387 = tpu.vector_load_idx %arg23[%add3A_222, %add3A_386] : memref<128x128xf32, #tpu.memory_space<vmem>>[vector<16xi32>, vector<16xi32>], vector<16xf32>,
        %add3A_388 = arith.constant 32 : i32
        %add3A_389 = vector.broadcast %add3A_388 : i32 to vector<16xi32>
        %add3A_390 = arith.addi %add3A_374, %add3A_389 : vector<16xi32>
        %gather3A_391 = tpu.vector_load_idx %arg24[%add3A_222, %add3A_390] : memref<128x128xf32, #tpu.memory_space<vmem>>[vector<16xi32>, vector<16xi32>], vector<16xf32>,
        %mul3A_392 = arith.mulf %gather3A_377, %gather3A_378 : vector<16xf32>
        %mul3A_393 = arith.mulf %mul3A_392, %gather3A_379 : vector<16xf32>
        %add3A_394 = arith.addf %add3A_362, %mul3A_393 : vector<16xf32>
        %mul3A_395 = arith.mulf %gather3A_383, %gather3A_387 : vector<16xf32>
        %mul3A_396 = arith.mulf %mul3A_395, %gather3A_391 : vector<16xf32>
        %add3A_397 = arith.addf %add3A_365, %mul3A_396 : vector<16xf32>
        %add3A_398 = arith.constant 1 : i32
        %add3A_399 = vector.broadcast %add3A_398 : i32 to vector<16xi32>
        %add3A_400 = arith.addi %add3A_368, %add3A_399 : vector<16xi32>
        %add3A_401 = arith.constant 1 : i32
        %add3A_402 = vector.broadcast %add3A_401 : i32 to vector<16xi32>
        %add3A_403 = arith.addi %add3A_371, %add3A_402 : vector<16xi32>
        %add3A_404 = arith.constant 1 : i32
        %add3A_405 = vector.broadcast %add3A_404 : i32 to vector<16xi32>
        %add3A_406 = arith.addi %add3A_374, %add3A_405 : vector<16xi32>
        %scan3A_407 = arith.constant 5 : i32
        %scan3A_408 = arith.addi %scan3A_244, %scan3A_407 : i32
        %gather3A_409 = tpu.vector_load_idx %arg22[%add3A_222, %add3A_400] : memref<128x128xf32, #tpu.memory_space<vmem>>[vector<16xi32>, vector<16xi32>], vector<16xf32>,
        %gather3A_410 = tpu.vector_load_idx %arg23[%add3A_222, %add3A_403] : memref<128x128xf32, #tpu.memory_space<vmem>>[vector<16xi32>, vector<16xi32>], vector<16xf32>,
        %gather3A_411 = tpu.vector_load_idx %arg24[%add3A_222, %add3A_406] : memref<128x128xf32, #tpu.memory_space<vmem>>[vector<16xi32>, vector<16xi32>], vector<16xf32>,
        %add3A_412 = arith.constant 32 : i32
        %add3A_413 = vector.broadcast %add3A_412 : i32 to vector<16xi32>
        %add3A_414 = arith.addi %add3A_400, %add3A_413 : vector<16xi32>
        %gather3A_415 = tpu.vector_load_idx %arg22[%add3A_222, %add3A_414] : memref<128x128xf32, #tpu.memory_space<vmem>>[vector<16xi32>, vector<16xi32>], vector<16xf32>,
        %add3A_416 = arith.constant 32 : i32
        %add3A_417 = vector.broadcast %add3A_416 : i32 to vector<16xi32>
        %add3A_418 = arith.addi %add3A_403, %add3A_417 : vector<16xi32>
        %gather3A_419 = tpu.vector_load_idx %arg23[%add3A_222, %add3A_418] : memref<128x128xf32, #tpu.memory_space<vmem>>[vector<16xi32>, vector<16xi32>], vector<16xf32>,
        %add3A_420 = arith.constant 32 : i32
        %add3A_421 = vector.broadcast %add3A_420 : i32 to vector<16xi32>
        %add3A_422 = arith.addi %add3A_406, %add3A_421 : vector<16xi32>
        %gather3A_423 = tpu.vector_load_idx %arg24[%add3A_222, %add3A_422] : memref<128x128xf32, #tpu.memory_space<vmem>>[vector<16xi32>, vector<16xi32>], vector<16xf32>,
        %mul3A_424 = arith.mulf %gather3A_409, %gather3A_410 : vector<16xf32>
        %mul3A_425 = arith.mulf %mul3A_424, %gather3A_411 : vector<16xf32>
        %add3A_426 = arith.addf %add3A_394, %mul3A_425 : vector<16xf32>
        %mul3A_427 = arith.mulf %gather3A_415, %gather3A_419 : vector<16xf32>
        %mul3A_428 = arith.mulf %mul3A_427, %gather3A_423 : vector<16xf32>
        %add3A_429 = arith.addf %add3A_397, %mul3A_428 : vector<16xf32>
        %add3A_430 = arith.constant 1 : i32
        %add3A_431 = vector.broadcast %add3A_430 : i32 to vector<16xi32>
        %add3A_432 = arith.addi %add3A_400, %add3A_431 : vector<16xi32>
        %add3A_433 = arith.constant 1 : i32
        %add3A_434 = vector.broadcast %add3A_433 : i32 to vector<16xi32>
        %add3A_435 = arith.addi %add3A_403, %add3A_434 : vector<16xi32>
        %add3A_436 = arith.constant 1 : i32
        %add3A_437 = vector.broadcast %add3A_436 : i32 to vector<16xi32>
        %add3A_438 = arith.addi %add3A_406, %add3A_437 : vector<16xi32>
        %scan3A_439 = arith.constant 6 : i32
        %scan3A_440 = arith.addi %scan3A_244, %scan3A_439 : i32
        %gather3A_441 = tpu.vector_load_idx %arg22[%add3A_222, %add3A_432] : memref<128x128xf32, #tpu.memory_space<vmem>>[vector<16xi32>, vector<16xi32>], vector<16xf32>,
        %gather3A_442 = tpu.vector_load_idx %arg23[%add3A_222, %add3A_435] : memref<128x128xf32, #tpu.memory_space<vmem>>[vector<16xi32>, vector<16xi32>], vector<16xf32>,
        %gather3A_443 = tpu.vector_load_idx %arg24[%add3A_222, %add3A_438] : memref<128x128xf32, #tpu.memory_space<vmem>>[vector<16xi32>, vector<16xi32>], vector<16xf32>,
        %add3A_444 = arith.constant 32 : i32
        %add3A_445 = vector.broadcast %add3A_444 : i32 to vector<16xi32>
        %add3A_446 = arith.addi %add3A_432, %add3A_445 : vector<16xi32>
        %gather3A_447 = tpu.vector_load_idx %arg22[%add3A_222, %add3A_446] : memref<128x128xf32, #tpu.memory_space<vmem>>[vector<16xi32>, vector<16xi32>], vector<16xf32>,
        %add3A_448 = arith.constant 32 : i32
        %add3A_449 = vector.broadcast %add3A_448 : i32 to vector<16xi32>
        %add3A_450 = arith.addi %add3A_435, %add3A_449 : vector<16xi32>
        %gather3A_451 = tpu.vector_load_idx %arg23[%add3A_222, %add3A_450] : memref<128x128xf32, #tpu.memory_space<vmem>>[vector<16xi32>, vector<16xi32>], vector<16xf32>,
        %add3A_452 = arith.constant 32 : i32
        %add3A_453 = vector.broadcast %add3A_452 : i32 to vector<16xi32>
        %add3A_454 = arith.addi %add3A_438, %add3A_453 : vector<16xi32>
        %gather3A_455 = tpu.vector_load_idx %arg24[%add3A_222, %add3A_454] : memref<128x128xf32, #tpu.memory_space<vmem>>[vector<16xi32>, vector<16xi32>], vector<16xf32>,
        %mul3A_456 = arith.mulf %gather3A_441, %gather3A_442 : vector<16xf32>
        %mul3A_457 = arith.mulf %mul3A_456, %gather3A_443 : vector<16xf32>
        %add3A_458 = arith.addf %add3A_426, %mul3A_457 : vector<16xf32>
        %mul3A_459 = arith.mulf %gather3A_447, %gather3A_451 : vector<16xf32>
        %mul3A_460 = arith.mulf %mul3A_459, %gather3A_455 : vector<16xf32>
        %add3A_461 = arith.addf %add3A_429, %mul3A_460 : vector<16xf32>
        %add3A_462 = arith.constant 1 : i32
        %add3A_463 = vector.broadcast %add3A_462 : i32 to vector<16xi32>
        %add3A_464 = arith.addi %add3A_432, %add3A_463 : vector<16xi32>
        %add3A_465 = arith.constant 1 : i32
        %add3A_466 = vector.broadcast %add3A_465 : i32 to vector<16xi32>
        %add3A_467 = arith.addi %add3A_435, %add3A_466 : vector<16xi32>
        %add3A_468 = arith.constant 1 : i32
        %add3A_469 = vector.broadcast %add3A_468 : i32 to vector<16xi32>
        %add3A_470 = arith.addi %add3A_438, %add3A_469 : vector<16xi32>
        %scan3A_471 = arith.constant 7 : i32
        %scan3A_472 = arith.addi %scan3A_244, %scan3A_471 : i32
        %gather3A_473 = tpu.vector_load_idx %arg22[%add3A_222, %add3A_464] : memref<128x128xf32, #tpu.memory_space<vmem>>[vector<16xi32>, vector<16xi32>], vector<16xf32>,
        %gather3A_474 = tpu.vector_load_idx %arg23[%add3A_222, %add3A_467] : memref<128x128xf32, #tpu.memory_space<vmem>>[vector<16xi32>, vector<16xi32>], vector<16xf32>,
        %gather3A_475 = tpu.vector_load_idx %arg24[%add3A_222, %add3A_470] : memref<128x128xf32, #tpu.memory_space<vmem>>[vector<16xi32>, vector<16xi32>], vector<16xf32>,
        %add3A_476 = arith.constant 32 : i32
        %add3A_477 = vector.broadcast %add3A_476 : i32 to vector<16xi32>
        %add3A_478 = arith.addi %add3A_464, %add3A_477 : vector<16xi32>
        %gather3A_479 = tpu.vector_load_idx %arg22[%add3A_222, %add3A_478] : memref<128x128xf32, #tpu.memory_space<vmem>>[vector<16xi32>, vector<16xi32>], vector<16xf32>,
        %add3A_480 = arith.constant 32 : i32
        %add3A_481 = vector.broadcast %add3A_480 : i32 to vector<16xi32>
        %add3A_482 = arith.addi %add3A_467, %add3A_481 : vector<16xi32>
        %gather3A_483 = tpu.vector_load_idx %arg23[%add3A_222, %add3A_482] : memref<128x128xf32, #tpu.memory_space<vmem>>[vector<16xi32>, vector<16xi32>], vector<16xf32>,
        %add3A_484 = arith.constant 32 : i32
        %add3A_485 = vector.broadcast %add3A_484 : i32 to vector<16xi32>
        %add3A_486 = arith.addi %add3A_470, %add3A_485 : vector<16xi32>
        %gather3A_487 = tpu.vector_load_idx %arg24[%add3A_222, %add3A_486] : memref<128x128xf32, #tpu.memory_space<vmem>>[vector<16xi32>, vector<16xi32>], vector<16xf32>,
        %mul3A_488 = arith.mulf %gather3A_473, %gather3A_474 : vector<16xf32>
        %mul3A_489 = arith.mulf %mul3A_488, %gather3A_475 : vector<16xf32>
        %add3A_490 = arith.addf %add3A_458, %mul3A_489 : vector<16xf32>
        %mul3A_491 = arith.mulf %gather3A_479, %gather3A_483 : vector<16xf32>
        %mul3A_492 = arith.mulf %mul3A_491, %gather3A_487 : vector<16xf32>
        %add3A_493 = arith.addf %add3A_461, %mul3A_492 : vector<16xf32>
        %add3A_494 = arith.constant 1 : i32
        %add3A_495 = vector.broadcast %add3A_494 : i32 to vector<16xi32>
        %add3A_496 = arith.addi %add3A_464, %add3A_495 : vector<16xi32>
        %add3A_497 = arith.constant 1 : i32
        %add3A_498 = vector.broadcast %add3A_497 : i32 to vector<16xi32>
        %add3A_499 = arith.addi %add3A_467, %add3A_498 : vector<16xi32>
        %add3A_500 = arith.constant 1 : i32
        %add3A_501 = vector.broadcast %add3A_500 : i32 to vector<16xi32>
        %add3A_502 = arith.addi %add3A_470, %add3A_501 : vector<16xi32>
        scf.yield %add3A_490, %add3A_493, %add3A_496, %add3A_499, %add3A_502 : vector<16xf32>, vector<16xf32>, vector<16xi32>, vector<16xi32>, vector<16xi32>
      }
      %scan3A_237 = arith.constant 32 : i32
      %add3A_238 = arith.addf %scan3A_236#0, %scan3A_236#1 : vector<16xf32>
      %swap3A = arith.index_cast %scan3A_220 : i32 to index
      %swap3A_239 = tpu.vector_load %arg25[%swap3A] {strides = array<i32>} : memref<512xf32, #tpu.memory_space<vmem>>, vector<16xf32>,
      tpu.vector_store %arg25[%swap3A], %add3A_238 {strides = array<i32>} : memref<512xf32, #tpu.memory_space<vmem>>, vector<16xf32>,
      %add3A_240 = arith.constant 16 : i32
      %add3A_241 = arith.addi %scan3A_220, %add3A_240 : i32
      %add3A_242 = arith.constant 16 : i32
      %add3A_243 = arith.addi %scan3A_221, %add3A_242 : i32
      scf.yield %add3A_241, %add3A_243 : i32, i32
    }
    %scan3A_134 = arith.constant 8 : i32
    %dma_wait3A_135 = arith.constant 0 : i32
    %dma_wait3A_136 = arith.constant 0 : i32
    %dma_wait3A_137 = tpu.memref_slice %arg12[%dma_wait3A_135, %dma_wait3A_136] : memref<3x128xi32, #tpu.memory_space<vmem>> -> memref<1x128xi32, #tpu.memory_space<vmem>>
    %dma_wait3A_138 = tpu.memref_squeeze %dma_wait3A_137 : memref<1x128xi32, #tpu.memory_space<vmem>> -> memref<128xi32, #tpu.memory_space<vmem>>
    %dma_wait3A_139 = arith.constant 0 : i32
    %dma_wait3A_140 = arith.constant 0 : i32
    %dma_wait3A_141 = tpu.memref_slice %arg8[%dma_wait3A_139, %dma_wait3A_140] : memref<50000x128xf32, #tpu.memory_space<hbm>> -> memref<50000x128xf32, #tpu.memory_space<hbm>>
    tpu.wait_indirect_dma semaphore(%arg26 : memref<!tpu.dma_semaphore, #tpu.memory_space<semaphore_mem>>) src(%dma_wait3A_141 : memref<50000x128xf32, #tpu.memory_space<hbm>>) dst(%arg19 : memref<128x128xf32, #tpu.memory_space<vmem>>)
    %dma_wait3A_142 = arith.constant 1 : i32
    %dma_wait3A_143 = arith.constant 0 : i32
    %dma_wait3A_144 = tpu.memref_slice %arg12[%dma_wait3A_142, %dma_wait3A_143] : memref<3x128xi32, #tpu.memory_space<vmem>> -> memref<1x128xi32, #tpu.memory_space<vmem>>
    %dma_wait3A_145 = tpu.memref_squeeze %dma_wait3A_144 : memref<1x128xi32, #tpu.memory_space<vmem>> -> memref<128xi32, #tpu.memory_space<vmem>>
    %dma_wait3A_146 = arith.constant 0 : i32
    %dma_wait3A_147 = arith.constant 0 : i32
    %dma_wait3A_148 = tpu.memref_slice %arg9[%dma_wait3A_146, %dma_wait3A_147] : memref<50000x128xf32, #tpu.memory_space<hbm>> -> memref<50000x128xf32, #tpu.memory_space<hbm>>
    tpu.wait_indirect_dma semaphore(%arg27 : memref<!tpu.dma_semaphore, #tpu.memory_space<semaphore_mem>>) src(%dma_wait3A_148 : memref<50000x128xf32, #tpu.memory_space<hbm>>) dst(%arg20 : memref<128x128xf32, #tpu.memory_space<vmem>>)
    %dma_wait3A_149 = arith.constant 2 : i32
    %dma_wait3A_150 = arith.constant 0 : i32
    %dma_wait3A_151 = tpu.memref_slice %arg12[%dma_wait3A_149, %dma_wait3A_150] : memref<3x128xi32, #tpu.memory_space<vmem>> -> memref<1x128xi32, #tpu.memory_space<vmem>>
    %dma_wait3A_152 = tpu.memref_squeeze %dma_wait3A_151 : memref<1x128xi32, #tpu.memory_space<vmem>> -> memref<128xi32, #tpu.memory_space<vmem>>
    %dma_wait3A_153 = arith.constant 0 : i32
    %dma_wait3A_154 = arith.constant 0 : i32
    %dma_wait3A_155 = tpu.memref_slice %arg10[%dma_wait3A_153, %dma_wait3A_154] : memref<50000x128xf32, #tpu.memory_space<hbm>> -> memref<50000x128xf32, #tpu.memory_space<hbm>>
    tpu.wait_indirect_dma semaphore(%arg28 : memref<!tpu.dma_semaphore, #tpu.memory_space<semaphore_mem>>) src(%dma_wait3A_155 : memref<50000x128xf32, #tpu.memory_space<hbm>>) dst(%arg21 : memref<128x128xf32, #tpu.memory_space<vmem>>)
    %add3A_156 = arith.constant 384 : i32
    %add3A_157 = arith.addi %mul3A_2, %add3A_156 : i32
    %run_scoped3A_158 = arith.constant 0 : i32
    "tpu.region"() ({
      %run_scoped3A_219 = tpu.sem_alloc : memref<!tpu.dma_semaphore, #tpu.memory_space<semaphore_mem>>
      %dma_start3A_220 = arith.constant 0 : i32
      %dma_start3A_221 = tpu.memref_slice %arg12[%run_scoped3A_158, %dma_start3A_220] : memref<3x128xi32, #tpu.memory_space<vmem>> -> memref<1x128xi32, #tpu.memory_space<vmem>>
      %dma_start3A_222 = tpu.memref_squeeze %dma_start3A_221 : memref<1x128xi32, #tpu.memory_space<vmem>> -> memref<128xi32, #tpu.memory_space<vmem>>
      %dma_start3A_223 = tpu.memref_slice %arg2[%add3A_157] : memref<16384xi32, #tpu.memory_space<hbm>> -> memref<128xi32, #tpu.memory_space<hbm>>
      %dma_start3A_224 = arith.constant 0 : i32
      %dma_start3A_225 = tpu.memref_slice %arg12[%run_scoped3A_158, %dma_start3A_224] : memref<3x128xi32, #tpu.memory_space<vmem>> -> memref<1x128xi32, #tpu.memory_space<vmem>>
      %dma_start3A_226 = tpu.memref_squeeze %dma_start3A_225 : memref<1x128xi32, #tpu.memory_space<vmem>> -> memref<128xi32, #tpu.memory_space<vmem>>
      %dma_start3A_227 = tpu.memref_slice %arg2[%add3A_157] : memref<16384xi32, #tpu.memory_space<hbm>> -> memref<128xi32, #tpu.memory_space<hbm>>
      tpu.enqueue_dma source(%dma_start3A_227 : memref<128xi32, #tpu.memory_space<hbm>>) target(%dma_start3A_226 : memref<128xi32, #tpu.memory_space<vmem>>) target_semaphore(%run_scoped3A_219 : memref<!tpu.dma_semaphore, #tpu.memory_space<semaphore_mem>>)
      %dma_wait3A_228 = arith.constant 0 : i32
      %dma_wait3A_229 = tpu.memref_slice %arg12[%run_scoped3A_158, %dma_wait3A_228] : memref<3x128xi32, #tpu.memory_space<vmem>> -> memref<1x128xi32, #tpu.memory_space<vmem>>
      %dma_wait3A_230 = tpu.memref_squeeze %dma_wait3A_229 : memref<1x128xi32, #tpu.memory_space<vmem>> -> memref<128xi32, #tpu.memory_space<vmem>>
      %dma_wait3A_231 = tpu.memref_slice %arg2[%add3A_157] : memref<16384xi32, #tpu.memory_space<hbm>> -> memref<128xi32, #tpu.memory_space<hbm>>
      %dma_wait3A_232 = arith.constant 0 : i32
      %dma_wait3A_233 = tpu.memref_slice %arg12[%run_scoped3A_158, %dma_wait3A_232] : memref<3x128xi32, #tpu.memory_space<vmem>> -> memref<1x128xi32, #tpu.memory_space<vmem>>
      %dma_wait3A_234 = tpu.memref_squeeze %dma_wait3A_233 : memref<1x128xi32, #tpu.memory_space<vmem>> -> memref<128xi32, #tpu.memory_space<vmem>>
      %dma_wait3A_235 = tpu.memref_slice %arg2[%add3A_157] : memref<16384xi32, #tpu.memory_space<hbm>> -> memref<128xi32, #tpu.memory_space<hbm>>
      tpu.wait_dma2 semaphore(%run_scoped3A_219 : memref<!tpu.dma_semaphore, #tpu.memory_space<semaphore_mem>>) src(%dma_wait3A_235 : memref<128xi32, #tpu.memory_space<hbm>>) dst(%dma_wait3A_234 : memref<128xi32, #tpu.memory_space<vmem>>)
      tpu.yield
    }) : () -> ()
    %run_scoped3A_159 = arith.constant 1 : i32
    "tpu.region"() ({
      %run_scoped3A_219 = tpu.sem_alloc : memref<!tpu.dma_semaphore, #tpu.memory_space<semaphore_mem>>
      %dma_start3A_220 = arith.constant 0 : i32
      %dma_start3A_221 = tpu.memref_slice %arg12[%run_scoped3A_159, %dma_start3A_220] : memref<3x128xi32, #tpu.memory_space<vmem>> -> memref<1x128xi32, #tpu.memory_space<vmem>>
      %dma_start3A_222 = tpu.memref_squeeze %dma_start3A_221 : memref<1x128xi32, #tpu.memory_space<vmem>> -> memref<128xi32, #tpu.memory_space<vmem>>
      %dma_start3A_223 = tpu.memref_slice %arg3[%add3A_157] : memref<16384xi32, #tpu.memory_space<hbm>> -> memref<128xi32, #tpu.memory_space<hbm>>
      %dma_start3A_224 = arith.constant 0 : i32
      %dma_start3A_225 = tpu.memref_slice %arg12[%run_scoped3A_159, %dma_start3A_224] : memref<3x128xi32, #tpu.memory_space<vmem>> -> memref<1x128xi32, #tpu.memory_space<vmem>>
      %dma_start3A_226 = tpu.memref_squeeze %dma_start3A_225 : memref<1x128xi32, #tpu.memory_space<vmem>> -> memref<128xi32, #tpu.memory_space<vmem>>
      %dma_start3A_227 = tpu.memref_slice %arg3[%add3A_157] : memref<16384xi32, #tpu.memory_space<hbm>> -> memref<128xi32, #tpu.memory_space<hbm>>
      tpu.enqueue_dma source(%dma_start3A_227 : memref<128xi32, #tpu.memory_space<hbm>>) target(%dma_start3A_226 : memref<128xi32, #tpu.memory_space<vmem>>) target_semaphore(%run_scoped3A_219 : memref<!tpu.dma_semaphore, #tpu.memory_space<semaphore_mem>>)
      %dma_wait3A_228 = arith.constant 0 : i32
      %dma_wait3A_229 = tpu.memref_slice %arg12[%run_scoped3A_159, %dma_wait3A_228] : memref<3x128xi32, #tpu.memory_space<vmem>> -> memref<1x128xi32, #tpu.memory_space<vmem>>
      %dma_wait3A_230 = tpu.memref_squeeze %dma_wait3A_229 : memref<1x128xi32, #tpu.memory_space<vmem>> -> memref<128xi32, #tpu.memory_space<vmem>>
      %dma_wait3A_231 = tpu.memref_slice %arg3[%add3A_157] : memref<16384xi32, #tpu.memory_space<hbm>> -> memref<128xi32, #tpu.memory_space<hbm>>
      %dma_wait3A_232 = arith.constant 0 : i32
      %dma_wait3A_233 = tpu.memref_slice %arg12[%run_scoped3A_159, %dma_wait3A_232] : memref<3x128xi32, #tpu.memory_space<vmem>> -> memref<1x128xi32, #tpu.memory_space<vmem>>
      %dma_wait3A_234 = tpu.memref_squeeze %dma_wait3A_233 : memref<1x128xi32, #tpu.memory_space<vmem>> -> memref<128xi32, #tpu.memory_space<vmem>>
      %dma_wait3A_235 = tpu.memref_slice %arg3[%add3A_157] : memref<16384xi32, #tpu.memory_space<hbm>> -> memref<128xi32, #tpu.memory_space<hbm>>
      tpu.wait_dma2 semaphore(%run_scoped3A_219 : memref<!tpu.dma_semaphore, #tpu.memory_space<semaphore_mem>>) src(%dma_wait3A_235 : memref<128xi32, #tpu.memory_space<hbm>>) dst(%dma_wait3A_234 : memref<128xi32, #tpu.memory_space<vmem>>)
      tpu.yield
    }) : () -> ()
    %run_scoped3A_160 = arith.constant 2 : i32
    "tpu.region"() ({
      %run_scoped3A_219 = tpu.sem_alloc : memref<!tpu.dma_semaphore, #tpu.memory_space<semaphore_mem>>
      %dma_start3A_220 = arith.constant 0 : i32
      %dma_start3A_221 = tpu.memref_slice %arg12[%run_scoped3A_160, %dma_start3A_220] : memref<3x128xi32, #tpu.memory_space<vmem>> -> memref<1x128xi32, #tpu.memory_space<vmem>>
      %dma_start3A_222 = tpu.memref_squeeze %dma_start3A_221 : memref<1x128xi32, #tpu.memory_space<vmem>> -> memref<128xi32, #tpu.memory_space<vmem>>
      %dma_start3A_223 = tpu.memref_slice %arg4[%add3A_157] : memref<16384xi32, #tpu.memory_space<hbm>> -> memref<128xi32, #tpu.memory_space<hbm>>
      %dma_start3A_224 = arith.constant 0 : i32
      %dma_start3A_225 = tpu.memref_slice %arg12[%run_scoped3A_160, %dma_start3A_224] : memref<3x128xi32, #tpu.memory_space<vmem>> -> memref<1x128xi32, #tpu.memory_space<vmem>>
      %dma_start3A_226 = tpu.memref_squeeze %dma_start3A_225 : memref<1x128xi32, #tpu.memory_space<vmem>> -> memref<128xi32, #tpu.memory_space<vmem>>
      %dma_start3A_227 = tpu.memref_slice %arg4[%add3A_157] : memref<16384xi32, #tpu.memory_space<hbm>> -> memref<128xi32, #tpu.memory_space<hbm>>
      tpu.enqueue_dma source(%dma_start3A_227 : memref<128xi32, #tpu.memory_space<hbm>>) target(%dma_start3A_226 : memref<128xi32, #tpu.memory_space<vmem>>) target_semaphore(%run_scoped3A_219 : memref<!tpu.dma_semaphore, #tpu.memory_space<semaphore_mem>>)
      %dma_wait3A_228 = arith.constant 0 : i32
      %dma_wait3A_229 = tpu.memref_slice %arg12[%run_scoped3A_160, %dma_wait3A_228] : memref<3x128xi32, #tpu.memory_space<vmem>> -> memref<1x128xi32, #tpu.memory_space<vmem>>
      %dma_wait3A_230 = tpu.memref_squeeze %dma_wait3A_229 : memref<1x128xi32, #tpu.memory_space<vmem>> -> memref<128xi32, #tpu.memory_space<vmem>>
      %dma_wait3A_231 = tpu.memref_slice %arg4[%add3A_157] : memref<16384xi32, #tpu.memory_space<hbm>> -> memref<128xi32, #tpu.memory_space<hbm>>
      %dma_wait3A_232 = arith.constant 0 : i32
      %dma_wait3A_233 = tpu.memref_slice %arg12[%run_scoped3A_160, %dma_wait3A_232] : memref<3x128xi32, #tpu.memory_space<vmem>> -> memref<1x128xi32, #tpu.memory_space<vmem>>
      %dma_wait3A_234 = tpu.memref_squeeze %dma_wait3A_233 : memref<1x128xi32, #tpu.memory_space<vmem>> -> memref<128xi32, #tpu.memory_space<vmem>>
      %dma_wait3A_235 = tpu.memref_slice %arg4[%add3A_157] : memref<16384xi32, #tpu.memory_space<hbm>> -> memref<128xi32, #tpu.memory_space<hbm>>
      tpu.wait_dma2 semaphore(%run_scoped3A_219 : memref<!tpu.dma_semaphore, #tpu.memory_space<semaphore_mem>>) src(%dma_wait3A_235 : memref<128xi32, #tpu.memory_space<hbm>>) dst(%dma_wait3A_234 : memref<128xi32, #tpu.memory_space<vmem>>)
      tpu.yield
    }) : () -> ()
    "tpu.region"() ({
      %run_scoped3A_219 = tpu.sem_alloc : memref<!tpu.dma_semaphore, #tpu.memory_space<semaphore_mem>>
      %dma_start3A_220 = tpu.memref_slice %arg5[%add3A_157] : memref<16384xi32, #tpu.memory_space<hbm>> -> memref<128xi32, #tpu.memory_space<hbm>>
      %dma_start3A_221 = tpu.memref_slice %arg5[%add3A_157] : memref<16384xi32, #tpu.memory_space<hbm>> -> memref<128xi32, #tpu.memory_space<hbm>>
      tpu.enqueue_dma source(%dma_start3A_221 : memref<128xi32, #tpu.memory_space<hbm>>) target(%arg16 : memref<128xi32, #tpu.memory_space<vmem>>) target_semaphore(%run_scoped3A_219 : memref<!tpu.dma_semaphore, #tpu.memory_space<semaphore_mem>>)
      %dma_wait3A_222 = tpu.memref_slice %arg5[%add3A_157] : memref<16384xi32, #tpu.memory_space<hbm>> -> memref<128xi32, #tpu.memory_space<hbm>>
      %dma_wait3A_223 = tpu.memref_slice %arg5[%add3A_157] : memref<16384xi32, #tpu.memory_space<hbm>> -> memref<128xi32, #tpu.memory_space<hbm>>
      tpu.wait_dma2 semaphore(%run_scoped3A_219 : memref<!tpu.dma_semaphore, #tpu.memory_space<semaphore_mem>>) src(%dma_wait3A_223 : memref<128xi32, #tpu.memory_space<hbm>>) dst(%arg16 : memref<128xi32, #tpu.memory_space<vmem>>)
      tpu.yield
    }) : () -> ()
    "tpu.region"() ({
      %run_scoped3A_219 = tpu.sem_alloc : memref<!tpu.dma_semaphore, #tpu.memory_space<semaphore_mem>>
      %dma_start3A_220 = tpu.memref_slice %arg6[%add3A_157] : memref<16384xi32, #tpu.memory_space<hbm>> -> memref<128xi32, #tpu.memory_space<hbm>>
      %dma_start3A_221 = tpu.memref_slice %arg6[%add3A_157] : memref<16384xi32, #tpu.memory_space<hbm>> -> memref<128xi32, #tpu.memory_space<hbm>>
      tpu.enqueue_dma source(%dma_start3A_221 : memref<128xi32, #tpu.memory_space<hbm>>) target(%arg17 : memref<128xi32, #tpu.memory_space<vmem>>) target_semaphore(%run_scoped3A_219 : memref<!tpu.dma_semaphore, #tpu.memory_space<semaphore_mem>>)
      %dma_wait3A_222 = tpu.memref_slice %arg6[%add3A_157] : memref<16384xi32, #tpu.memory_space<hbm>> -> memref<128xi32, #tpu.memory_space<hbm>>
      %dma_wait3A_223 = tpu.memref_slice %arg6[%add3A_157] : memref<16384xi32, #tpu.memory_space<hbm>> -> memref<128xi32, #tpu.memory_space<hbm>>
      tpu.wait_dma2 semaphore(%run_scoped3A_219 : memref<!tpu.dma_semaphore, #tpu.memory_space<semaphore_mem>>) src(%dma_wait3A_223 : memref<128xi32, #tpu.memory_space<hbm>>) dst(%arg17 : memref<128xi32, #tpu.memory_space<vmem>>)
      tpu.yield
    }) : () -> ()
    "tpu.region"() ({
      %run_scoped3A_219 = tpu.sem_alloc : memref<!tpu.dma_semaphore, #tpu.memory_space<semaphore_mem>>
      %dma_start3A_220 = tpu.memref_slice %arg7[%add3A_157] : memref<16384xi32, #tpu.memory_space<hbm>> -> memref<128xi32, #tpu.memory_space<hbm>>
      %dma_start3A_221 = tpu.memref_slice %arg7[%add3A_157] : memref<16384xi32, #tpu.memory_space<hbm>> -> memref<128xi32, #tpu.memory_space<hbm>>
      tpu.enqueue_dma source(%dma_start3A_221 : memref<128xi32, #tpu.memory_space<hbm>>) target(%arg18 : memref<128xi32, #tpu.memory_space<vmem>>) target_semaphore(%run_scoped3A_219 : memref<!tpu.dma_semaphore, #tpu.memory_space<semaphore_mem>>)
      %dma_wait3A_222 = tpu.memref_slice %arg7[%add3A_157] : memref<16384xi32, #tpu.memory_space<hbm>> -> memref<128xi32, #tpu.memory_space<hbm>>
      %dma_wait3A_223 = tpu.memref_slice %arg7[%add3A_157] : memref<16384xi32, #tpu.memory_space<hbm>> -> memref<128xi32, #tpu.memory_space<hbm>>
      tpu.wait_dma2 semaphore(%run_scoped3A_219 : memref<!tpu.dma_semaphore, #tpu.memory_space<semaphore_mem>>) src(%dma_wait3A_223 : memref<128xi32, #tpu.memory_space<hbm>>) dst(%arg18 : memref<128xi32, #tpu.memory_space<vmem>>)
      tpu.yield
    }) : () -> ()
    %dma_start3A_161 = arith.constant 0 : i32
    %dma_start3A_162 = arith.constant 0 : i32
    %dma_start3A_163 = tpu.memref_slice %arg12[%dma_start3A_161, %dma_start3A_162] : memref<3x128xi32, #tpu.memory_space<vmem>> -> memref<1x128xi32, #tpu.memory_space<vmem>>
    %dma_start3A_164 = tpu.memref_squeeze %dma_start3A_163 : memref<1x128xi32, #tpu.memory_space<vmem>> -> memref<128xi32, #tpu.memory_space<vmem>>
    %dma_start3A_165 = arith.constant 0 : i32
    %dma_start3A_166 = arith.constant 0 : i32
    %dma_start3A_167 = tpu.memref_slice %arg8[%dma_start3A_165, %dma_start3A_166] : memref<50000x128xf32, #tpu.memory_space<hbm>> -> memref<50000x128xf32, #tpu.memory_space<hbm>>
    tpu.enqueue_indirect_dma source(%dma_start3A_167 : memref<50000x128xf32, #tpu.memory_space<hbm>>) target(%arg22 : memref<128x128xf32, #tpu.memory_space<vmem>>) offsets(%dma_start3A_164 : memref<128xi32, #tpu.memory_space<vmem>>) semaphore(%arg29 : memref<!tpu.dma_semaphore, #tpu.memory_space<semaphore_mem>>)
    %dma_start3A_168 = arith.constant 1 : i32
    %dma_start3A_169 = arith.constant 0 : i32
    %dma_start3A_170 = tpu.memref_slice %arg12[%dma_start3A_168, %dma_start3A_169] : memref<3x128xi32, #tpu.memory_space<vmem>> -> memref<1x128xi32, #tpu.memory_space<vmem>>
    %dma_start3A_171 = tpu.memref_squeeze %dma_start3A_170 : memref<1x128xi32, #tpu.memory_space<vmem>> -> memref<128xi32, #tpu.memory_space<vmem>>
    %dma_start3A_172 = arith.constant 0 : i32
    %dma_start3A_173 = arith.constant 0 : i32
    %dma_start3A_174 = tpu.memref_slice %arg9[%dma_start3A_172, %dma_start3A_173] : memref<50000x128xf32, #tpu.memory_space<hbm>> -> memref<50000x128xf32, #tpu.memory_space<hbm>>
    tpu.enqueue_indirect_dma source(%dma_start3A_174 : memref<50000x128xf32, #tpu.memory_space<hbm>>) target(%arg23 : memref<128x128xf32, #tpu.memory_space<vmem>>) offsets(%dma_start3A_171 : memref<128xi32, #tpu.memory_space<vmem>>) semaphore(%arg30 : memref<!tpu.dma_semaphore, #tpu.memory_space<semaphore_mem>>)
    %dma_start3A_175 = arith.constant 2 : i32
    %dma_start3A_176 = arith.constant 0 : i32
    %dma_start3A_177 = tpu.memref_slice %arg12[%dma_start3A_175, %dma_start3A_176] : memref<3x128xi32, #tpu.memory_space<vmem>> -> memref<1x128xi32, #tpu.memory_space<vmem>>
    %dma_start3A_178 = tpu.memref_squeeze %dma_start3A_177 : memref<1x128xi32, #tpu.memory_space<vmem>> -> memref<128xi32, #tpu.memory_space<vmem>>
    %dma_start3A_179 = arith.constant 0 : i32
    %dma_start3A_180 = arith.constant 0 : i32
    %dma_start3A_181 = tpu.memref_slice %arg10[%dma_start3A_179, %dma_start3A_180] : memref<50000x128xf32, #tpu.memory_space<hbm>> -> memref<50000x128xf32, #tpu.memory_space<hbm>>
    tpu.enqueue_indirect_dma source(%dma_start3A_181 : memref<50000x128xf32, #tpu.memory_space<hbm>>) target(%arg24 : memref<128x128xf32, #tpu.memory_space<vmem>>) offsets(%dma_start3A_178 : memref<128xi32, #tpu.memory_space<vmem>>) semaphore(%arg31 : memref<!tpu.dma_semaphore, #tpu.memory_space<semaphore_mem>>)
    %scan3A_182 = arith.constant 256 : i32
    %scan3A_183 = arith.constant 0 : i32
    %scan3A_184 = arith.constant 0 : i32
    %scan3A_185 = arith.constant 8 : i32
    %scan3A_186 = arith.addi %scan3A_184, %scan3A_185 : i32
    %scan3A_187 = arith.constant 1 : i32
    %scan3A_188:2 = scf.for %scan3A_219 = %scan3A_184 to %scan3A_186 step %scan3A_187 iter_args(%scan3A_220 = %scan3A_182, %scan3A_221 = %scan3A_183) -> (i32, i32)  : i32 {
      %broadcast_in_dim3A = vector.broadcast %scan3A_221 : i32 to vector<16xi32>
      %add3A_222 = arith.addi %broadcast_in_dim3A, %iota3A : vector<16xi32>
      %get3A = arith.index_cast %scan3A_221 : i32 to index
      %get3A_223 = tpu.vector_load %arg13[%get3A] {strides = array<i32>} : memref<128xi32, #tpu.memory_space<vmem>>, vector<16xi32>,
      %get3A_224 = arith.index_cast %scan3A_221 : i32 to index
      %get3A_225 = tpu.vector_load %arg14[%get3A_224] {strides = array<i32>} : memref<128xi32, #tpu.memory_space<vmem>>, vector<16xi32>,
      %get3A_226 = arith.index_cast %scan3A_221 : i32 to index
      %get3A_227 = tpu.vector_load %arg15[%get3A_226] {strides = array<i32>} : memref<128xi32, #tpu.memory_space<vmem>>, vector<16xi32>,
      %broadcast_in_dim3A_228 = arith.constant 0.000000e+00 : f32
      %broadcast_in_dim3A_229 = vector.broadcast %broadcast_in_dim3A_228 : f32 to vector<16xf32>
      %broadcast_in_dim3A_230 = arith.constant 0.000000e+00 : f32
      %broadcast_in_dim3A_231 = vector.broadcast %broadcast_in_dim3A_230 : f32 to vector<16xf32>
      %scan3A_232 = arith.constant 0 : i32
      %scan3A_233 = arith.constant 32 : i32
      %scan3A_234 = arith.addi %scan3A_232, %scan3A_233 : i32
      %scan3A_235 = arith.constant 8 : i32
      %scan3A_236:5 = scf.for %scan3A_244 = %scan3A_232 to %scan3A_234 step %scan3A_235 iter_args(%scan3A_245 = %broadcast_in_dim3A_229, %scan3A_246 = %broadcast_in_dim3A_231, %scan3A_247 = %get3A_223, %scan3A_248 = %get3A_225, %scan3A_249 = %get3A_227) -> (vector<16xf32>, vector<16xf32>, vector<16xi32>, vector<16xi32>, vector<16xi32>)  : i32 {
        %gather3A = tpu.vector_load_idx %arg19[%add3A_222, %scan3A_247] : memref<128x128xf32, #tpu.memory_space<vmem>>[vector<16xi32>, vector<16xi32>], vector<16xf32>,
        %gather3A_250 = tpu.vector_load_idx %arg20[%add3A_222, %scan3A_248] : memref<128x128xf32, #tpu.memory_space<vmem>>[vector<16xi32>, vector<16xi32>], vector<16xf32>,
        %gather3A_251 = tpu.vector_load_idx %arg21[%add3A_222, %scan3A_249] : memref<128x128xf32, #tpu.memory_space<vmem>>[vector<16xi32>, vector<16xi32>], vector<16xf32>,
        %add3A_252 = arith.constant 32 : i32
        %add3A_253 = vector.broadcast %add3A_252 : i32 to vector<16xi32>
        %add3A_254 = arith.addi %scan3A_247, %add3A_253 : vector<16xi32>
        %gather3A_255 = tpu.vector_load_idx %arg19[%add3A_222, %add3A_254] : memref<128x128xf32, #tpu.memory_space<vmem>>[vector<16xi32>, vector<16xi32>], vector<16xf32>,
        %add3A_256 = arith.constant 32 : i32
        %add3A_257 = vector.broadcast %add3A_256 : i32 to vector<16xi32>
        %add3A_258 = arith.addi %scan3A_248, %add3A_257 : vector<16xi32>
        %gather3A_259 = tpu.vector_load_idx %arg20[%add3A_222, %add3A_258] : memref<128x128xf32, #tpu.memory_space<vmem>>[vector<16xi32>, vector<16xi32>], vector<16xf32>,
        %add3A_260 = arith.constant 32 : i32
        %add3A_261 = vector.broadcast %add3A_260 : i32 to vector<16xi32>
        %add3A_262 = arith.addi %scan3A_249, %add3A_261 : vector<16xi32>
        %gather3A_263 = tpu.vector_load_idx %arg21[%add3A_222, %add3A_262] : memref<128x128xf32, #tpu.memory_space<vmem>>[vector<16xi32>, vector<16xi32>], vector<16xf32>,
        %mul3A_264 = arith.mulf %gather3A, %gather3A_250 : vector<16xf32>
        %mul3A_265 = arith.mulf %mul3A_264, %gather3A_251 : vector<16xf32>
        %add3A_266 = arith.addf %scan3A_245, %mul3A_265 : vector<16xf32>
        %mul3A_267 = arith.mulf %gather3A_255, %gather3A_259 : vector<16xf32>
        %mul3A_268 = arith.mulf %mul3A_267, %gather3A_263 : vector<16xf32>
        %add3A_269 = arith.addf %scan3A_246, %mul3A_268 : vector<16xf32>
        %add3A_270 = arith.constant 1 : i32
        %add3A_271 = vector.broadcast %add3A_270 : i32 to vector<16xi32>
        %add3A_272 = arith.addi %scan3A_247, %add3A_271 : vector<16xi32>
        %add3A_273 = arith.constant 1 : i32
        %add3A_274 = vector.broadcast %add3A_273 : i32 to vector<16xi32>
        %add3A_275 = arith.addi %scan3A_248, %add3A_274 : vector<16xi32>
        %add3A_276 = arith.constant 1 : i32
        %add3A_277 = vector.broadcast %add3A_276 : i32 to vector<16xi32>
        %add3A_278 = arith.addi %scan3A_249, %add3A_277 : vector<16xi32>
        %scan3A_279 = arith.constant 1 : i32
        %scan3A_280 = arith.addi %scan3A_244, %scan3A_279 : i32
        %gather3A_281 = tpu.vector_load_idx %arg19[%add3A_222, %add3A_272] : memref<128x128xf32, #tpu.memory_space<vmem>>[vector<16xi32>, vector<16xi32>], vector<16xf32>,
        %gather3A_282 = tpu.vector_load_idx %arg20[%add3A_222, %add3A_275] : memref<128x128xf32, #tpu.memory_space<vmem>>[vector<16xi32>, vector<16xi32>], vector<16xf32>,
        %gather3A_283 = tpu.vector_load_idx %arg21[%add3A_222, %add3A_278] : memref<128x128xf32, #tpu.memory_space<vmem>>[vector<16xi32>, vector<16xi32>], vector<16xf32>,
        %add3A_284 = arith.constant 32 : i32
        %add3A_285 = vector.broadcast %add3A_284 : i32 to vector<16xi32>
        %add3A_286 = arith.addi %add3A_272, %add3A_285 : vector<16xi32>
        %gather3A_287 = tpu.vector_load_idx %arg19[%add3A_222, %add3A_286] : memref<128x128xf32, #tpu.memory_space<vmem>>[vector<16xi32>, vector<16xi32>], vector<16xf32>,
        %add3A_288 = arith.constant 32 : i32
        %add3A_289 = vector.broadcast %add3A_288 : i32 to vector<16xi32>
        %add3A_290 = arith.addi %add3A_275, %add3A_289 : vector<16xi32>
        %gather3A_291 = tpu.vector_load_idx %arg20[%add3A_222, %add3A_290] : memref<128x128xf32, #tpu.memory_space<vmem>>[vector<16xi32>, vector<16xi32>], vector<16xf32>,
        %add3A_292 = arith.constant 32 : i32
        %add3A_293 = vector.broadcast %add3A_292 : i32 to vector<16xi32>
        %add3A_294 = arith.addi %add3A_278, %add3A_293 : vector<16xi32>
        %gather3A_295 = tpu.vector_load_idx %arg21[%add3A_222, %add3A_294] : memref<128x128xf32, #tpu.memory_space<vmem>>[vector<16xi32>, vector<16xi32>], vector<16xf32>,
        %mul3A_296 = arith.mulf %gather3A_281, %gather3A_282 : vector<16xf32>
        %mul3A_297 = arith.mulf %mul3A_296, %gather3A_283 : vector<16xf32>
        %add3A_298 = arith.addf %add3A_266, %mul3A_297 : vector<16xf32>
        %mul3A_299 = arith.mulf %gather3A_287, %gather3A_291 : vector<16xf32>
        %mul3A_300 = arith.mulf %mul3A_299, %gather3A_295 : vector<16xf32>
        %add3A_301 = arith.addf %add3A_269, %mul3A_300 : vector<16xf32>
        %add3A_302 = arith.constant 1 : i32
        %add3A_303 = vector.broadcast %add3A_302 : i32 to vector<16xi32>
        %add3A_304 = arith.addi %add3A_272, %add3A_303 : vector<16xi32>
        %add3A_305 = arith.constant 1 : i32
        %add3A_306 = vector.broadcast %add3A_305 : i32 to vector<16xi32>
        %add3A_307 = arith.addi %add3A_275, %add3A_306 : vector<16xi32>
        %add3A_308 = arith.constant 1 : i32
        %add3A_309 = vector.broadcast %add3A_308 : i32 to vector<16xi32>
        %add3A_310 = arith.addi %add3A_278, %add3A_309 : vector<16xi32>
        %scan3A_311 = arith.constant 2 : i32
        %scan3A_312 = arith.addi %scan3A_244, %scan3A_311 : i32
        %gather3A_313 = tpu.vector_load_idx %arg19[%add3A_222, %add3A_304] : memref<128x128xf32, #tpu.memory_space<vmem>>[vector<16xi32>, vector<16xi32>], vector<16xf32>,
        %gather3A_314 = tpu.vector_load_idx %arg20[%add3A_222, %add3A_307] : memref<128x128xf32, #tpu.memory_space<vmem>>[vector<16xi32>, vector<16xi32>], vector<16xf32>,
        %gather3A_315 = tpu.vector_load_idx %arg21[%add3A_222, %add3A_310] : memref<128x128xf32, #tpu.memory_space<vmem>>[vector<16xi32>, vector<16xi32>], vector<16xf32>,
        %add3A_316 = arith.constant 32 : i32
        %add3A_317 = vector.broadcast %add3A_316 : i32 to vector<16xi32>
        %add3A_318 = arith.addi %add3A_304, %add3A_317 : vector<16xi32>
        %gather3A_319 = tpu.vector_load_idx %arg19[%add3A_222, %add3A_318] : memref<128x128xf32, #tpu.memory_space<vmem>>[vector<16xi32>, vector<16xi32>], vector<16xf32>,
        %add3A_320 = arith.constant 32 : i32
        %add3A_321 = vector.broadcast %add3A_320 : i32 to vector<16xi32>
        %add3A_322 = arith.addi %add3A_307, %add3A_321 : vector<16xi32>
        %gather3A_323 = tpu.vector_load_idx %arg20[%add3A_222, %add3A_322] : memref<128x128xf32, #tpu.memory_space<vmem>>[vector<16xi32>, vector<16xi32>], vector<16xf32>,
        %add3A_324 = arith.constant 32 : i32
        %add3A_325 = vector.broadcast %add3A_324 : i32 to vector<16xi32>
        %add3A_326 = arith.addi %add3A_310, %add3A_325 : vector<16xi32>
        %gather3A_327 = tpu.vector_load_idx %arg21[%add3A_222, %add3A_326] : memref<128x128xf32, #tpu.memory_space<vmem>>[vector<16xi32>, vector<16xi32>], vector<16xf32>,
        %mul3A_328 = arith.mulf %gather3A_313, %gather3A_314 : vector<16xf32>
        %mul3A_329 = arith.mulf %mul3A_328, %gather3A_315 : vector<16xf32>
        %add3A_330 = arith.addf %add3A_298, %mul3A_329 : vector<16xf32>
        %mul3A_331 = arith.mulf %gather3A_319, %gather3A_323 : vector<16xf32>
        %mul3A_332 = arith.mulf %mul3A_331, %gather3A_327 : vector<16xf32>
        %add3A_333 = arith.addf %add3A_301, %mul3A_332 : vector<16xf32>
        %add3A_334 = arith.constant 1 : i32
        %add3A_335 = vector.broadcast %add3A_334 : i32 to vector<16xi32>
        %add3A_336 = arith.addi %add3A_304, %add3A_335 : vector<16xi32>
        %add3A_337 = arith.constant 1 : i32
        %add3A_338 = vector.broadcast %add3A_337 : i32 to vector<16xi32>
        %add3A_339 = arith.addi %add3A_307, %add3A_338 : vector<16xi32>
        %add3A_340 = arith.constant 1 : i32
        %add3A_341 = vector.broadcast %add3A_340 : i32 to vector<16xi32>
        %add3A_342 = arith.addi %add3A_310, %add3A_341 : vector<16xi32>
        %scan3A_343 = arith.constant 3 : i32
        %scan3A_344 = arith.addi %scan3A_244, %scan3A_343 : i32
        %gather3A_345 = tpu.vector_load_idx %arg19[%add3A_222, %add3A_336] : memref<128x128xf32, #tpu.memory_space<vmem>>[vector<16xi32>, vector<16xi32>], vector<16xf32>,
        %gather3A_346 = tpu.vector_load_idx %arg20[%add3A_222, %add3A_339] : memref<128x128xf32, #tpu.memory_space<vmem>>[vector<16xi32>, vector<16xi32>], vector<16xf32>,
        %gather3A_347 = tpu.vector_load_idx %arg21[%add3A_222, %add3A_342] : memref<128x128xf32, #tpu.memory_space<vmem>>[vector<16xi32>, vector<16xi32>], vector<16xf32>,
        %add3A_348 = arith.constant 32 : i32
        %add3A_349 = vector.broadcast %add3A_348 : i32 to vector<16xi32>
        %add3A_350 = arith.addi %add3A_336, %add3A_349 : vector<16xi32>
        %gather3A_351 = tpu.vector_load_idx %arg19[%add3A_222, %add3A_350] : memref<128x128xf32, #tpu.memory_space<vmem>>[vector<16xi32>, vector<16xi32>], vector<16xf32>,
        %add3A_352 = arith.constant 32 : i32
        %add3A_353 = vector.broadcast %add3A_352 : i32 to vector<16xi32>
        %add3A_354 = arith.addi %add3A_339, %add3A_353 : vector<16xi32>
        %gather3A_355 = tpu.vector_load_idx %arg20[%add3A_222, %add3A_354] : memref<128x128xf32, #tpu.memory_space<vmem>>[vector<16xi32>, vector<16xi32>], vector<16xf32>,
        %add3A_356 = arith.constant 32 : i32
        %add3A_357 = vector.broadcast %add3A_356 : i32 to vector<16xi32>
        %add3A_358 = arith.addi %add3A_342, %add3A_357 : vector<16xi32>
        %gather3A_359 = tpu.vector_load_idx %arg21[%add3A_222, %add3A_358] : memref<128x128xf32, #tpu.memory_space<vmem>>[vector<16xi32>, vector<16xi32>], vector<16xf32>,
        %mul3A_360 = arith.mulf %gather3A_345, %gather3A_346 : vector<16xf32>
        %mul3A_361 = arith.mulf %mul3A_360, %gather3A_347 : vector<16xf32>
        %add3A_362 = arith.addf %add3A_330, %mul3A_361 : vector<16xf32>
        %mul3A_363 = arith.mulf %gather3A_351, %gather3A_355 : vector<16xf32>
        %mul3A_364 = arith.mulf %mul3A_363, %gather3A_359 : vector<16xf32>
        %add3A_365 = arith.addf %add3A_333, %mul3A_364 : vector<16xf32>
        %add3A_366 = arith.constant 1 : i32
        %add3A_367 = vector.broadcast %add3A_366 : i32 to vector<16xi32>
        %add3A_368 = arith.addi %add3A_336, %add3A_367 : vector<16xi32>
        %add3A_369 = arith.constant 1 : i32
        %add3A_370 = vector.broadcast %add3A_369 : i32 to vector<16xi32>
        %add3A_371 = arith.addi %add3A_339, %add3A_370 : vector<16xi32>
        %add3A_372 = arith.constant 1 : i32
        %add3A_373 = vector.broadcast %add3A_372 : i32 to vector<16xi32>
        %add3A_374 = arith.addi %add3A_342, %add3A_373 : vector<16xi32>
        %scan3A_375 = arith.constant 4 : i32
        %scan3A_376 = arith.addi %scan3A_244, %scan3A_375 : i32
        %gather3A_377 = tpu.vector_load_idx %arg19[%add3A_222, %add3A_368] : memref<128x128xf32, #tpu.memory_space<vmem>>[vector<16xi32>, vector<16xi32>], vector<16xf32>,
        %gather3A_378 = tpu.vector_load_idx %arg20[%add3A_222, %add3A_371] : memref<128x128xf32, #tpu.memory_space<vmem>>[vector<16xi32>, vector<16xi32>], vector<16xf32>,
        %gather3A_379 = tpu.vector_load_idx %arg21[%add3A_222, %add3A_374] : memref<128x128xf32, #tpu.memory_space<vmem>>[vector<16xi32>, vector<16xi32>], vector<16xf32>,
        %add3A_380 = arith.constant 32 : i32
        %add3A_381 = vector.broadcast %add3A_380 : i32 to vector<16xi32>
        %add3A_382 = arith.addi %add3A_368, %add3A_381 : vector<16xi32>
        %gather3A_383 = tpu.vector_load_idx %arg19[%add3A_222, %add3A_382] : memref<128x128xf32, #tpu.memory_space<vmem>>[vector<16xi32>, vector<16xi32>], vector<16xf32>,
        %add3A_384 = arith.constant 32 : i32
        %add3A_385 = vector.broadcast %add3A_384 : i32 to vector<16xi32>
        %add3A_386 = arith.addi %add3A_371, %add3A_385 : vector<16xi32>
        %gather3A_387 = tpu.vector_load_idx %arg20[%add3A_222, %add3A_386] : memref<128x128xf32, #tpu.memory_space<vmem>>[vector<16xi32>, vector<16xi32>], vector<16xf32>,
        %add3A_388 = arith.constant 32 : i32
        %add3A_389 = vector.broadcast %add3A_388 : i32 to vector<16xi32>
        %add3A_390 = arith.addi %add3A_374, %add3A_389 : vector<16xi32>
        %gather3A_391 = tpu.vector_load_idx %arg21[%add3A_222, %add3A_390] : memref<128x128xf32, #tpu.memory_space<vmem>>[vector<16xi32>, vector<16xi32>], vector<16xf32>,
        %mul3A_392 = arith.mulf %gather3A_377, %gather3A_378 : vector<16xf32>
        %mul3A_393 = arith.mulf %mul3A_392, %gather3A_379 : vector<16xf32>
        %add3A_394 = arith.addf %add3A_362, %mul3A_393 : vector<16xf32>
        %mul3A_395 = arith.mulf %gather3A_383, %gather3A_387 : vector<16xf32>
        %mul3A_396 = arith.mulf %mul3A_395, %gather3A_391 : vector<16xf32>
        %add3A_397 = arith.addf %add3A_365, %mul3A_396 : vector<16xf32>
        %add3A_398 = arith.constant 1 : i32
        %add3A_399 = vector.broadcast %add3A_398 : i32 to vector<16xi32>
        %add3A_400 = arith.addi %add3A_368, %add3A_399 : vector<16xi32>
        %add3A_401 = arith.constant 1 : i32
        %add3A_402 = vector.broadcast %add3A_401 : i32 to vector<16xi32>
        %add3A_403 = arith.addi %add3A_371, %add3A_402 : vector<16xi32>
        %add3A_404 = arith.constant 1 : i32
        %add3A_405 = vector.broadcast %add3A_404 : i32 to vector<16xi32>
        %add3A_406 = arith.addi %add3A_374, %add3A_405 : vector<16xi32>
        %scan3A_407 = arith.constant 5 : i32
        %scan3A_408 = arith.addi %scan3A_244, %scan3A_407 : i32
        %gather3A_409 = tpu.vector_load_idx %arg19[%add3A_222, %add3A_400] : memref<128x128xf32, #tpu.memory_space<vmem>>[vector<16xi32>, vector<16xi32>], vector<16xf32>,
        %gather3A_410 = tpu.vector_load_idx %arg20[%add3A_222, %add3A_403] : memref<128x128xf32, #tpu.memory_space<vmem>>[vector<16xi32>, vector<16xi32>], vector<16xf32>,
        %gather3A_411 = tpu.vector_load_idx %arg21[%add3A_222, %add3A_406] : memref<128x128xf32, #tpu.memory_space<vmem>>[vector<16xi32>, vector<16xi32>], vector<16xf32>,
        %add3A_412 = arith.constant 32 : i32
        %add3A_413 = vector.broadcast %add3A_412 : i32 to vector<16xi32>
        %add3A_414 = arith.addi %add3A_400, %add3A_413 : vector<16xi32>
        %gather3A_415 = tpu.vector_load_idx %arg19[%add3A_222, %add3A_414] : memref<128x128xf32, #tpu.memory_space<vmem>>[vector<16xi32>, vector<16xi32>], vector<16xf32>,
        %add3A_416 = arith.constant 32 : i32
        %add3A_417 = vector.broadcast %add3A_416 : i32 to vector<16xi32>
        %add3A_418 = arith.addi %add3A_403, %add3A_417 : vector<16xi32>
        %gather3A_419 = tpu.vector_load_idx %arg20[%add3A_222, %add3A_418] : memref<128x128xf32, #tpu.memory_space<vmem>>[vector<16xi32>, vector<16xi32>], vector<16xf32>,
        %add3A_420 = arith.constant 32 : i32
        %add3A_421 = vector.broadcast %add3A_420 : i32 to vector<16xi32>
        %add3A_422 = arith.addi %add3A_406, %add3A_421 : vector<16xi32>
        %gather3A_423 = tpu.vector_load_idx %arg21[%add3A_222, %add3A_422] : memref<128x128xf32, #tpu.memory_space<vmem>>[vector<16xi32>, vector<16xi32>], vector<16xf32>,
        %mul3A_424 = arith.mulf %gather3A_409, %gather3A_410 : vector<16xf32>
        %mul3A_425 = arith.mulf %mul3A_424, %gather3A_411 : vector<16xf32>
        %add3A_426 = arith.addf %add3A_394, %mul3A_425 : vector<16xf32>
        %mul3A_427 = arith.mulf %gather3A_415, %gather3A_419 : vector<16xf32>
        %mul3A_428 = arith.mulf %mul3A_427, %gather3A_423 : vector<16xf32>
        %add3A_429 = arith.addf %add3A_397, %mul3A_428 : vector<16xf32>
        %add3A_430 = arith.constant 1 : i32
        %add3A_431 = vector.broadcast %add3A_430 : i32 to vector<16xi32>
        %add3A_432 = arith.addi %add3A_400, %add3A_431 : vector<16xi32>
        %add3A_433 = arith.constant 1 : i32
        %add3A_434 = vector.broadcast %add3A_433 : i32 to vector<16xi32>
        %add3A_435 = arith.addi %add3A_403, %add3A_434 : vector<16xi32>
        %add3A_436 = arith.constant 1 : i32
        %add3A_437 = vector.broadcast %add3A_436 : i32 to vector<16xi32>
        %add3A_438 = arith.addi %add3A_406, %add3A_437 : vector<16xi32>
        %scan3A_439 = arith.constant 6 : i32
        %scan3A_440 = arith.addi %scan3A_244, %scan3A_439 : i32
        %gather3A_441 = tpu.vector_load_idx %arg19[%add3A_222, %add3A_432] : memref<128x128xf32, #tpu.memory_space<vmem>>[vector<16xi32>, vector<16xi32>], vector<16xf32>,
        %gather3A_442 = tpu.vector_load_idx %arg20[%add3A_222, %add3A_435] : memref<128x128xf32, #tpu.memory_space<vmem>>[vector<16xi32>, vector<16xi32>], vector<16xf32>,
        %gather3A_443 = tpu.vector_load_idx %arg21[%add3A_222, %add3A_438] : memref<128x128xf32, #tpu.memory_space<vmem>>[vector<16xi32>, vector<16xi32>], vector<16xf32>,
        %add3A_444 = arith.constant 32 : i32
        %add3A_445 = vector.broadcast %add3A_444 : i32 to vector<16xi32>
        %add3A_446 = arith.addi %add3A_432, %add3A_445 : vector<16xi32>
        %gather3A_447 = tpu.vector_load_idx %arg19[%add3A_222, %add3A_446] : memref<128x128xf32, #tpu.memory_space<vmem>>[vector<16xi32>, vector<16xi32>], vector<16xf32>,
        %add3A_448 = arith.constant 32 : i32
        %add3A_449 = vector.broadcast %add3A_448 : i32 to vector<16xi32>
        %add3A_450 = arith.addi %add3A_435, %add3A_449 : vector<16xi32>
        %gather3A_451 = tpu.vector_load_idx %arg20[%add3A_222, %add3A_450] : memref<128x128xf32, #tpu.memory_space<vmem>>[vector<16xi32>, vector<16xi32>], vector<16xf32>,
        %add3A_452 = arith.constant 32 : i32
        %add3A_453 = vector.broadcast %add3A_452 : i32 to vector<16xi32>
        %add3A_454 = arith.addi %add3A_438, %add3A_453 : vector<16xi32>
        %gather3A_455 = tpu.vector_load_idx %arg21[%add3A_222, %add3A_454] : memref<128x128xf32, #tpu.memory_space<vmem>>[vector<16xi32>, vector<16xi32>], vector<16xf32>,
        %mul3A_456 = arith.mulf %gather3A_441, %gather3A_442 : vector<16xf32>
        %mul3A_457 = arith.mulf %mul3A_456, %gather3A_443 : vector<16xf32>
        %add3A_458 = arith.addf %add3A_426, %mul3A_457 : vector<16xf32>
        %mul3A_459 = arith.mulf %gather3A_447, %gather3A_451 : vector<16xf32>
        %mul3A_460 = arith.mulf %mul3A_459, %gather3A_455 : vector<16xf32>
        %add3A_461 = arith.addf %add3A_429, %mul3A_460 : vector<16xf32>
        %add3A_462 = arith.constant 1 : i32
        %add3A_463 = vector.broadcast %add3A_462 : i32 to vector<16xi32>
        %add3A_464 = arith.addi %add3A_432, %add3A_463 : vector<16xi32>
        %add3A_465 = arith.constant 1 : i32
        %add3A_466 = vector.broadcast %add3A_465 : i32 to vector<16xi32>
        %add3A_467 = arith.addi %add3A_435, %add3A_466 : vector<16xi32>
        %add3A_468 = arith.constant 1 : i32
        %add3A_469 = vector.broadcast %add3A_468 : i32 to vector<16xi32>
        %add3A_470 = arith.addi %add3A_438, %add3A_469 : vector<16xi32>
        %scan3A_471 = arith.constant 7 : i32
        %scan3A_472 = arith.addi %scan3A_244, %scan3A_471 : i32
        %gather3A_473 = tpu.vector_load_idx %arg19[%add3A_222, %add3A_464] : memref<128x128xf32, #tpu.memory_space<vmem>>[vector<16xi32>, vector<16xi32>], vector<16xf32>,
        %gather3A_474 = tpu.vector_load_idx %arg20[%add3A_222, %add3A_467] : memref<128x128xf32, #tpu.memory_space<vmem>>[vector<16xi32>, vector<16xi32>], vector<16xf32>,
        %gather3A_475 = tpu.vector_load_idx %arg21[%add3A_222, %add3A_470] : memref<128x128xf32, #tpu.memory_space<vmem>>[vector<16xi32>, vector<16xi32>], vector<16xf32>,
        %add3A_476 = arith.constant 32 : i32
        %add3A_477 = vector.broadcast %add3A_476 : i32 to vector<16xi32>
        %add3A_478 = arith.addi %add3A_464, %add3A_477 : vector<16xi32>
        %gather3A_479 = tpu.vector_load_idx %arg19[%add3A_222, %add3A_478] : memref<128x128xf32, #tpu.memory_space<vmem>>[vector<16xi32>, vector<16xi32>], vector<16xf32>,
        %add3A_480 = arith.constant 32 : i32
        %add3A_481 = vector.broadcast %add3A_480 : i32 to vector<16xi32>
        %add3A_482 = arith.addi %add3A_467, %add3A_481 : vector<16xi32>
        %gather3A_483 = tpu.vector_load_idx %arg20[%add3A_222, %add3A_482] : memref<128x128xf32, #tpu.memory_space<vmem>>[vector<16xi32>, vector<16xi32>], vector<16xf32>,
        %add3A_484 = arith.constant 32 : i32
        %add3A_485 = vector.broadcast %add3A_484 : i32 to vector<16xi32>
        %add3A_486 = arith.addi %add3A_470, %add3A_485 : vector<16xi32>
        %gather3A_487 = tpu.vector_load_idx %arg21[%add3A_222, %add3A_486] : memref<128x128xf32, #tpu.memory_space<vmem>>[vector<16xi32>, vector<16xi32>], vector<16xf32>,
        %mul3A_488 = arith.mulf %gather3A_473, %gather3A_474 : vector<16xf32>
        %mul3A_489 = arith.mulf %mul3A_488, %gather3A_475 : vector<16xf32>
        %add3A_490 = arith.addf %add3A_458, %mul3A_489 : vector<16xf32>
        %mul3A_491 = arith.mulf %gather3A_479, %gather3A_483 : vector<16xf32>
        %mul3A_492 = arith.mulf %mul3A_491, %gather3A_487 : vector<16xf32>
        %add3A_493 = arith.addf %add3A_461, %mul3A_492 : vector<16xf32>
        %add3A_494 = arith.constant 1 : i32
        %add3A_495 = vector.broadcast %add3A_494 : i32 to vector<16xi32>
        %add3A_496 = arith.addi %add3A_464, %add3A_495 : vector<16xi32>
        %add3A_497 = arith.constant 1 : i32
        %add3A_498 = vector.broadcast %add3A_497 : i32 to vector<16xi32>
        %add3A_499 = arith.addi %add3A_467, %add3A_498 : vector<16xi32>
        %add3A_500 = arith.constant 1 : i32
        %add3A_501 = vector.broadcast %add3A_500 : i32 to vector<16xi32>
        %add3A_502 = arith.addi %add3A_470, %add3A_501 : vector<16xi32>
        scf.yield %add3A_490, %add3A_493, %add3A_496, %add3A_499, %add3A_502 : vector<16xf32>, vector<16xf32>, vector<16xi32>, vector<16xi32>, vector<16xi32>
      }
      %scan3A_237 = arith.constant 32 : i32
      %add3A_238 = arith.addf %scan3A_236#0, %scan3A_236#1 : vector<16xf32>
      %swap3A = arith.index_cast %scan3A_220 : i32 to index
      %swap3A_239 = tpu.vector_load %arg25[%swap3A] {strides = array<i32>} : memref<512xf32, #tpu.memory_space<vmem>>, vector<16xf32>,
      tpu.vector_store %arg25[%swap3A], %add3A_238 {strides = array<i32>} : memref<512xf32, #tpu.memory_space<vmem>>, vector<16xf32>,
      %add3A_240 = arith.constant 16 : i32
      %add3A_241 = arith.addi %scan3A_220, %add3A_240 : i32
      %add3A_242 = arith.constant 16 : i32
      %add3A_243 = arith.addi %scan3A_221, %add3A_242 : i32
      scf.yield %add3A_241, %add3A_243 : i32, i32
    }
    %scan3A_189 = arith.constant 8 : i32
    %dma_wait3A_190 = arith.constant 0 : i32
    %dma_wait3A_191 = arith.constant 0 : i32
    %dma_wait3A_192 = tpu.memref_slice %arg12[%dma_wait3A_190, %dma_wait3A_191] : memref<3x128xi32, #tpu.memory_space<vmem>> -> memref<1x128xi32, #tpu.memory_space<vmem>>
    %dma_wait3A_193 = tpu.memref_squeeze %dma_wait3A_192 : memref<1x128xi32, #tpu.memory_space<vmem>> -> memref<128xi32, #tpu.memory_space<vmem>>
    %dma_wait3A_194 = arith.constant 0 : i32
    %dma_wait3A_195 = arith.constant 0 : i32
    %dma_wait3A_196 = tpu.memref_slice %arg8[%dma_wait3A_194, %dma_wait3A_195] : memref<50000x128xf32, #tpu.memory_space<hbm>> -> memref<50000x128xf32, #tpu.memory_space<hbm>>
    tpu.wait_indirect_dma semaphore(%arg29 : memref<!tpu.dma_semaphore, #tpu.memory_space<semaphore_mem>>) src(%dma_wait3A_196 : memref<50000x128xf32, #tpu.memory_space<hbm>>) dst(%arg22 : memref<128x128xf32, #tpu.memory_space<vmem>>)
    %dma_wait3A_197 = arith.constant 1 : i32
    %dma_wait3A_198 = arith.constant 0 : i32
    %dma_wait3A_199 = tpu.memref_slice %arg12[%dma_wait3A_197, %dma_wait3A_198] : memref<3x128xi32, #tpu.memory_space<vmem>> -> memref<1x128xi32, #tpu.memory_space<vmem>>
    %dma_wait3A_200 = tpu.memref_squeeze %dma_wait3A_199 : memref<1x128xi32, #tpu.memory_space<vmem>> -> memref<128xi32, #tpu.memory_space<vmem>>
    %dma_wait3A_201 = arith.constant 0 : i32
    %dma_wait3A_202 = arith.constant 0 : i32
    %dma_wait3A_203 = tpu.memref_slice %arg9[%dma_wait3A_201, %dma_wait3A_202] : memref<50000x128xf32, #tpu.memory_space<hbm>> -> memref<50000x128xf32, #tpu.memory_space<hbm>>
    tpu.wait_indirect_dma semaphore(%arg30 : memref<!tpu.dma_semaphore, #tpu.memory_space<semaphore_mem>>) src(%dma_wait3A_203 : memref<50000x128xf32, #tpu.memory_space<hbm>>) dst(%arg23 : memref<128x128xf32, #tpu.memory_space<vmem>>)
    %dma_wait3A_204 = arith.constant 2 : i32
    %dma_wait3A_205 = arith.constant 0 : i32
    %dma_wait3A_206 = tpu.memref_slice %arg12[%dma_wait3A_204, %dma_wait3A_205] : memref<3x128xi32, #tpu.memory_space<vmem>> -> memref<1x128xi32, #tpu.memory_space<vmem>>
    %dma_wait3A_207 = tpu.memref_squeeze %dma_wait3A_206 : memref<1x128xi32, #tpu.memory_space<vmem>> -> memref<128xi32, #tpu.memory_space<vmem>>
    %dma_wait3A_208 = arith.constant 0 : i32
    %dma_wait3A_209 = arith.constant 0 : i32
    %dma_wait3A_210 = tpu.memref_slice %arg10[%dma_wait3A_208, %dma_wait3A_209] : memref<50000x128xf32, #tpu.memory_space<hbm>> -> memref<50000x128xf32, #tpu.memory_space<hbm>>
    tpu.wait_indirect_dma semaphore(%arg31 : memref<!tpu.dma_semaphore, #tpu.memory_space<semaphore_mem>>) src(%dma_wait3A_210 : memref<50000x128xf32, #tpu.memory_space<hbm>>) dst(%arg24 : memref<128x128xf32, #tpu.memory_space<vmem>>)
    %scan3A_211 = arith.constant 384 : i32
    %scan3A_212 = arith.constant 0 : i32
    %scan3A_213 = arith.constant 0 : i32
    %scan3A_214 = arith.constant 8 : i32
    %scan3A_215 = arith.addi %scan3A_213, %scan3A_214 : i32
    %scan3A_216 = arith.constant 1 : i32
    %scan3A_217:2 = scf.for %scan3A_219 = %scan3A_213 to %scan3A_215 step %scan3A_216 iter_args(%scan3A_220 = %scan3A_211, %scan3A_221 = %scan3A_212) -> (i32, i32)  : i32 {
      %broadcast_in_dim3A = vector.broadcast %scan3A_221 : i32 to vector<16xi32>
      %add3A_222 = arith.addi %broadcast_in_dim3A, %iota3A : vector<16xi32>
      %get3A = arith.index_cast %scan3A_221 : i32 to index
      %get3A_223 = tpu.vector_load %arg16[%get3A] {strides = array<i32>} : memref<128xi32, #tpu.memory_space<vmem>>, vector<16xi32>,
      %get3A_224 = arith.index_cast %scan3A_221 : i32 to index
      %get3A_225 = tpu.vector_load %arg17[%get3A_224] {strides = array<i32>} : memref<128xi32, #tpu.memory_space<vmem>>, vector<16xi32>,
      %get3A_226 = arith.index_cast %scan3A_221 : i32 to index
      %get3A_227 = tpu.vector_load %arg18[%get3A_226] {strides = array<i32>} : memref<128xi32, #tpu.memory_space<vmem>>, vector<16xi32>,
      %broadcast_in_dim3A_228 = arith.constant 0.000000e+00 : f32
      %broadcast_in_dim3A_229 = vector.broadcast %broadcast_in_dim3A_228 : f32 to vector<16xf32>
      %broadcast_in_dim3A_230 = arith.constant 0.000000e+00 : f32
      %broadcast_in_dim3A_231 = vector.broadcast %broadcast_in_dim3A_230 : f32 to vector<16xf32>
      %scan3A_232 = arith.constant 0 : i32
      %scan3A_233 = arith.constant 32 : i32
      %scan3A_234 = arith.addi %scan3A_232, %scan3A_233 : i32
      %scan3A_235 = arith.constant 8 : i32
      %scan3A_236:5 = scf.for %scan3A_244 = %scan3A_232 to %scan3A_234 step %scan3A_235 iter_args(%scan3A_245 = %broadcast_in_dim3A_229, %scan3A_246 = %broadcast_in_dim3A_231, %scan3A_247 = %get3A_223, %scan3A_248 = %get3A_225, %scan3A_249 = %get3A_227) -> (vector<16xf32>, vector<16xf32>, vector<16xi32>, vector<16xi32>, vector<16xi32>)  : i32 {
        %gather3A = tpu.vector_load_idx %arg22[%add3A_222, %scan3A_247] : memref<128x128xf32, #tpu.memory_space<vmem>>[vector<16xi32>, vector<16xi32>], vector<16xf32>,
        %gather3A_250 = tpu.vector_load_idx %arg23[%add3A_222, %scan3A_248] : memref<128x128xf32, #tpu.memory_space<vmem>>[vector<16xi32>, vector<16xi32>], vector<16xf32>,
        %gather3A_251 = tpu.vector_load_idx %arg24[%add3A_222, %scan3A_249] : memref<128x128xf32, #tpu.memory_space<vmem>>[vector<16xi32>, vector<16xi32>], vector<16xf32>,
        %add3A_252 = arith.constant 32 : i32
        %add3A_253 = vector.broadcast %add3A_252 : i32 to vector<16xi32>
        %add3A_254 = arith.addi %scan3A_247, %add3A_253 : vector<16xi32>
        %gather3A_255 = tpu.vector_load_idx %arg22[%add3A_222, %add3A_254] : memref<128x128xf32, #tpu.memory_space<vmem>>[vector<16xi32>, vector<16xi32>], vector<16xf32>,
        %add3A_256 = arith.constant 32 : i32
        %add3A_257 = vector.broadcast %add3A_256 : i32 to vector<16xi32>
        %add3A_258 = arith.addi %scan3A_248, %add3A_257 : vector<16xi32>
        %gather3A_259 = tpu.vector_load_idx %arg23[%add3A_222, %add3A_258] : memref<128x128xf32, #tpu.memory_space<vmem>>[vector<16xi32>, vector<16xi32>], vector<16xf32>,
        %add3A_260 = arith.constant 32 : i32
        %add3A_261 = vector.broadcast %add3A_260 : i32 to vector<16xi32>
        %add3A_262 = arith.addi %scan3A_249, %add3A_261 : vector<16xi32>
        %gather3A_263 = tpu.vector_load_idx %arg24[%add3A_222, %add3A_262] : memref<128x128xf32, #tpu.memory_space<vmem>>[vector<16xi32>, vector<16xi32>], vector<16xf32>,
        %mul3A_264 = arith.mulf %gather3A, %gather3A_250 : vector<16xf32>
        %mul3A_265 = arith.mulf %mul3A_264, %gather3A_251 : vector<16xf32>
        %add3A_266 = arith.addf %scan3A_245, %mul3A_265 : vector<16xf32>
        %mul3A_267 = arith.mulf %gather3A_255, %gather3A_259 : vector<16xf32>
        %mul3A_268 = arith.mulf %mul3A_267, %gather3A_263 : vector<16xf32>
        %add3A_269 = arith.addf %scan3A_246, %mul3A_268 : vector<16xf32>
        %add3A_270 = arith.constant 1 : i32
        %add3A_271 = vector.broadcast %add3A_270 : i32 to vector<16xi32>
        %add3A_272 = arith.addi %scan3A_247, %add3A_271 : vector<16xi32>
        %add3A_273 = arith.constant 1 : i32
        %add3A_274 = vector.broadcast %add3A_273 : i32 to vector<16xi32>
        %add3A_275 = arith.addi %scan3A_248, %add3A_274 : vector<16xi32>
        %add3A_276 = arith.constant 1 : i32
        %add3A_277 = vector.broadcast %add3A_276 : i32 to vector<16xi32>
        %add3A_278 = arith.addi %scan3A_249, %add3A_277 : vector<16xi32>
        %scan3A_279 = arith.constant 1 : i32
        %scan3A_280 = arith.addi %scan3A_244, %scan3A_279 : i32
        %gather3A_281 = tpu.vector_load_idx %arg22[%add3A_222, %add3A_272] : memref<128x128xf32, #tpu.memory_space<vmem>>[vector<16xi32>, vector<16xi32>], vector<16xf32>,
        %gather3A_282 = tpu.vector_load_idx %arg23[%add3A_222, %add3A_275] : memref<128x128xf32, #tpu.memory_space<vmem>>[vector<16xi32>, vector<16xi32>], vector<16xf32>,
        %gather3A_283 = tpu.vector_load_idx %arg24[%add3A_222, %add3A_278] : memref<128x128xf32, #tpu.memory_space<vmem>>[vector<16xi32>, vector<16xi32>], vector<16xf32>,
        %add3A_284 = arith.constant 32 : i32
        %add3A_285 = vector.broadcast %add3A_284 : i32 to vector<16xi32>
        %add3A_286 = arith.addi %add3A_272, %add3A_285 : vector<16xi32>
        %gather3A_287 = tpu.vector_load_idx %arg22[%add3A_222, %add3A_286] : memref<128x128xf32, #tpu.memory_space<vmem>>[vector<16xi32>, vector<16xi32>], vector<16xf32>,
        %add3A_288 = arith.constant 32 : i32
        %add3A_289 = vector.broadcast %add3A_288 : i32 to vector<16xi32>
        %add3A_290 = arith.addi %add3A_275, %add3A_289 : vector<16xi32>
        %gather3A_291 = tpu.vector_load_idx %arg23[%add3A_222, %add3A_290] : memref<128x128xf32, #tpu.memory_space<vmem>>[vector<16xi32>, vector<16xi32>], vector<16xf32>,
        %add3A_292 = arith.constant 32 : i32
        %add3A_293 = vector.broadcast %add3A_292 : i32 to vector<16xi32>
        %add3A_294 = arith.addi %add3A_278, %add3A_293 : vector<16xi32>
        %gather3A_295 = tpu.vector_load_idx %arg24[%add3A_222, %add3A_294] : memref<128x128xf32, #tpu.memory_space<vmem>>[vector<16xi32>, vector<16xi32>], vector<16xf32>,
        %mul3A_296 = arith.mulf %gather3A_281, %gather3A_282 : vector<16xf32>
        %mul3A_297 = arith.mulf %mul3A_296, %gather3A_283 : vector<16xf32>
        %add3A_298 = arith.addf %add3A_266, %mul3A_297 : vector<16xf32>
        %mul3A_299 = arith.mulf %gather3A_287, %gather3A_291 : vector<16xf32>
        %mul3A_300 = arith.mulf %mul3A_299, %gather3A_295 : vector<16xf32>
        %add3A_301 = arith.addf %add3A_269, %mul3A_300 : vector<16xf32>
        %add3A_302 = arith.constant 1 : i32
        %add3A_303 = vector.broadcast %add3A_302 : i32 to vector<16xi32>
        %add3A_304 = arith.addi %add3A_272, %add3A_303 : vector<16xi32>
        %add3A_305 = arith.constant 1 : i32
        %add3A_306 = vector.broadcast %add3A_305 : i32 to vector<16xi32>
        %add3A_307 = arith.addi %add3A_275, %add3A_306 : vector<16xi32>
        %add3A_308 = arith.constant 1 : i32
        %add3A_309 = vector.broadcast %add3A_308 : i32 to vector<16xi32>
        %add3A_310 = arith.addi %add3A_278, %add3A_309 : vector<16xi32>
        %scan3A_311 = arith.constant 2 : i32
        %scan3A_312 = arith.addi %scan3A_244, %scan3A_311 : i32
        %gather3A_313 = tpu.vector_load_idx %arg22[%add3A_222, %add3A_304] : memref<128x128xf32, #tpu.memory_space<vmem>>[vector<16xi32>, vector<16xi32>], vector<16xf32>,
        %gather3A_314 = tpu.vector_load_idx %arg23[%add3A_222, %add3A_307] : memref<128x128xf32, #tpu.memory_space<vmem>>[vector<16xi32>, vector<16xi32>], vector<16xf32>,
        %gather3A_315 = tpu.vector_load_idx %arg24[%add3A_222, %add3A_310] : memref<128x128xf32, #tpu.memory_space<vmem>>[vector<16xi32>, vector<16xi32>], vector<16xf32>,
        %add3A_316 = arith.constant 32 : i32
        %add3A_317 = vector.broadcast %add3A_316 : i32 to vector<16xi32>
        %add3A_318 = arith.addi %add3A_304, %add3A_317 : vector<16xi32>
        %gather3A_319 = tpu.vector_load_idx %arg22[%add3A_222, %add3A_318] : memref<128x128xf32, #tpu.memory_space<vmem>>[vector<16xi32>, vector<16xi32>], vector<16xf32>,
        %add3A_320 = arith.constant 32 : i32
        %add3A_321 = vector.broadcast %add3A_320 : i32 to vector<16xi32>
        %add3A_322 = arith.addi %add3A_307, %add3A_321 : vector<16xi32>
        %gather3A_323 = tpu.vector_load_idx %arg23[%add3A_222, %add3A_322] : memref<128x128xf32, #tpu.memory_space<vmem>>[vector<16xi32>, vector<16xi32>], vector<16xf32>,
        %add3A_324 = arith.constant 32 : i32
        %add3A_325 = vector.broadcast %add3A_324 : i32 to vector<16xi32>
        %add3A_326 = arith.addi %add3A_310, %add3A_325 : vector<16xi32>
        %gather3A_327 = tpu.vector_load_idx %arg24[%add3A_222, %add3A_326] : memref<128x128xf32, #tpu.memory_space<vmem>>[vector<16xi32>, vector<16xi32>], vector<16xf32>,
        %mul3A_328 = arith.mulf %gather3A_313, %gather3A_314 : vector<16xf32>
        %mul3A_329 = arith.mulf %mul3A_328, %gather3A_315 : vector<16xf32>
        %add3A_330 = arith.addf %add3A_298, %mul3A_329 : vector<16xf32>
        %mul3A_331 = arith.mulf %gather3A_319, %gather3A_323 : vector<16xf32>
        %mul3A_332 = arith.mulf %mul3A_331, %gather3A_327 : vector<16xf32>
        %add3A_333 = arith.addf %add3A_301, %mul3A_332 : vector<16xf32>
        %add3A_334 = arith.constant 1 : i32
        %add3A_335 = vector.broadcast %add3A_334 : i32 to vector<16xi32>
        %add3A_336 = arith.addi %add3A_304, %add3A_335 : vector<16xi32>
        %add3A_337 = arith.constant 1 : i32
        %add3A_338 = vector.broadcast %add3A_337 : i32 to vector<16xi32>
        %add3A_339 = arith.addi %add3A_307, %add3A_338 : vector<16xi32>
        %add3A_340 = arith.constant 1 : i32
        %add3A_341 = vector.broadcast %add3A_340 : i32 to vector<16xi32>
        %add3A_342 = arith.addi %add3A_310, %add3A_341 : vector<16xi32>
        %scan3A_343 = arith.constant 3 : i32
        %scan3A_344 = arith.addi %scan3A_244, %scan3A_343 : i32
        %gather3A_345 = tpu.vector_load_idx %arg22[%add3A_222, %add3A_336] : memref<128x128xf32, #tpu.memory_space<vmem>>[vector<16xi32>, vector<16xi32>], vector<16xf32>,
        %gather3A_346 = tpu.vector_load_idx %arg23[%add3A_222, %add3A_339] : memref<128x128xf32, #tpu.memory_space<vmem>>[vector<16xi32>, vector<16xi32>], vector<16xf32>,
        %gather3A_347 = tpu.vector_load_idx %arg24[%add3A_222, %add3A_342] : memref<128x128xf32, #tpu.memory_space<vmem>>[vector<16xi32>, vector<16xi32>], vector<16xf32>,
        %add3A_348 = arith.constant 32 : i32
        %add3A_349 = vector.broadcast %add3A_348 : i32 to vector<16xi32>
        %add3A_350 = arith.addi %add3A_336, %add3A_349 : vector<16xi32>
        %gather3A_351 = tpu.vector_load_idx %arg22[%add3A_222, %add3A_350] : memref<128x128xf32, #tpu.memory_space<vmem>>[vector<16xi32>, vector<16xi32>], vector<16xf32>,
        %add3A_352 = arith.constant 32 : i32
        %add3A_353 = vector.broadcast %add3A_352 : i32 to vector<16xi32>
        %add3A_354 = arith.addi %add3A_339, %add3A_353 : vector<16xi32>
        %gather3A_355 = tpu.vector_load_idx %arg23[%add3A_222, %add3A_354] : memref<128x128xf32, #tpu.memory_space<vmem>>[vector<16xi32>, vector<16xi32>], vector<16xf32>,
        %add3A_356 = arith.constant 32 : i32
        %add3A_357 = vector.broadcast %add3A_356 : i32 to vector<16xi32>
        %add3A_358 = arith.addi %add3A_342, %add3A_357 : vector<16xi32>
        %gather3A_359 = tpu.vector_load_idx %arg24[%add3A_222, %add3A_358] : memref<128x128xf32, #tpu.memory_space<vmem>>[vector<16xi32>, vector<16xi32>], vector<16xf32>,
        %mul3A_360 = arith.mulf %gather3A_345, %gather3A_346 : vector<16xf32>
        %mul3A_361 = arith.mulf %mul3A_360, %gather3A_347 : vector<16xf32>
        %add3A_362 = arith.addf %add3A_330, %mul3A_361 : vector<16xf32>
        %mul3A_363 = arith.mulf %gather3A_351, %gather3A_355 : vector<16xf32>
        %mul3A_364 = arith.mulf %mul3A_363, %gather3A_359 : vector<16xf32>
        %add3A_365 = arith.addf %add3A_333, %mul3A_364 : vector<16xf32>
        %add3A_366 = arith.constant 1 : i32
        %add3A_367 = vector.broadcast %add3A_366 : i32 to vector<16xi32>
        %add3A_368 = arith.addi %add3A_336, %add3A_367 : vector<16xi32>
        %add3A_369 = arith.constant 1 : i32
        %add3A_370 = vector.broadcast %add3A_369 : i32 to vector<16xi32>
        %add3A_371 = arith.addi %add3A_339, %add3A_370 : vector<16xi32>
        %add3A_372 = arith.constant 1 : i32
        %add3A_373 = vector.broadcast %add3A_372 : i32 to vector<16xi32>
        %add3A_374 = arith.addi %add3A_342, %add3A_373 : vector<16xi32>
        %scan3A_375 = arith.constant 4 : i32
        %scan3A_376 = arith.addi %scan3A_244, %scan3A_375 : i32
        %gather3A_377 = tpu.vector_load_idx %arg22[%add3A_222, %add3A_368] : memref<128x128xf32, #tpu.memory_space<vmem>>[vector<16xi32>, vector<16xi32>], vector<16xf32>,
        %gather3A_378 = tpu.vector_load_idx %arg23[%add3A_222, %add3A_371] : memref<128x128xf32, #tpu.memory_space<vmem>>[vector<16xi32>, vector<16xi32>], vector<16xf32>,
        %gather3A_379 = tpu.vector_load_idx %arg24[%add3A_222, %add3A_374] : memref<128x128xf32, #tpu.memory_space<vmem>>[vector<16xi32>, vector<16xi32>], vector<16xf32>,
        %add3A_380 = arith.constant 32 : i32
        %add3A_381 = vector.broadcast %add3A_380 : i32 to vector<16xi32>
        %add3A_382 = arith.addi %add3A_368, %add3A_381 : vector<16xi32>
        %gather3A_383 = tpu.vector_load_idx %arg22[%add3A_222, %add3A_382] : memref<128x128xf32, #tpu.memory_space<vmem>>[vector<16xi32>, vector<16xi32>], vector<16xf32>,
        %add3A_384 = arith.constant 32 : i32
        %add3A_385 = vector.broadcast %add3A_384 : i32 to vector<16xi32>
        %add3A_386 = arith.addi %add3A_371, %add3A_385 : vector<16xi32>
        %gather3A_387 = tpu.vector_load_idx %arg23[%add3A_222, %add3A_386] : memref<128x128xf32, #tpu.memory_space<vmem>>[vector<16xi32>, vector<16xi32>], vector<16xf32>,
        %add3A_388 = arith.constant 32 : i32
        %add3A_389 = vector.broadcast %add3A_388 : i32 to vector<16xi32>
        %add3A_390 = arith.addi %add3A_374, %add3A_389 : vector<16xi32>
        %gather3A_391 = tpu.vector_load_idx %arg24[%add3A_222, %add3A_390] : memref<128x128xf32, #tpu.memory_space<vmem>>[vector<16xi32>, vector<16xi32>], vector<16xf32>,
        %mul3A_392 = arith.mulf %gather3A_377, %gather3A_378 : vector<16xf32>
        %mul3A_393 = arith.mulf %mul3A_392, %gather3A_379 : vector<16xf32>
        %add3A_394 = arith.addf %add3A_362, %mul3A_393 : vector<16xf32>
        %mul3A_395 = arith.mulf %gather3A_383, %gather3A_387 : vector<16xf32>
        %mul3A_396 = arith.mulf %mul3A_395, %gather3A_391 : vector<16xf32>
        %add3A_397 = arith.addf %add3A_365, %mul3A_396 : vector<16xf32>
        %add3A_398 = arith.constant 1 : i32
        %add3A_399 = vector.broadcast %add3A_398 : i32 to vector<16xi32>
        %add3A_400 = arith.addi %add3A_368, %add3A_399 : vector<16xi32>
        %add3A_401 = arith.constant 1 : i32
        %add3A_402 = vector.broadcast %add3A_401 : i32 to vector<16xi32>
        %add3A_403 = arith.addi %add3A_371, %add3A_402 : vector<16xi32>
        %add3A_404 = arith.constant 1 : i32
        %add3A_405 = vector.broadcast %add3A_404 : i32 to vector<16xi32>
        %add3A_406 = arith.addi %add3A_374, %add3A_405 : vector<16xi32>
        %scan3A_407 = arith.constant 5 : i32
        %scan3A_408 = arith.addi %scan3A_244, %scan3A_407 : i32
        %gather3A_409 = tpu.vector_load_idx %arg22[%add3A_222, %add3A_400] : memref<128x128xf32, #tpu.memory_space<vmem>>[vector<16xi32>, vector<16xi32>], vector<16xf32>,
        %gather3A_410 = tpu.vector_load_idx %arg23[%add3A_222, %add3A_403] : memref<128x128xf32, #tpu.memory_space<vmem>>[vector<16xi32>, vector<16xi32>], vector<16xf32>,
        %gather3A_411 = tpu.vector_load_idx %arg24[%add3A_222, %add3A_406] : memref<128x128xf32, #tpu.memory_space<vmem>>[vector<16xi32>, vector<16xi32>], vector<16xf32>,
        %add3A_412 = arith.constant 32 : i32
        %add3A_413 = vector.broadcast %add3A_412 : i32 to vector<16xi32>
        %add3A_414 = arith.addi %add3A_400, %add3A_413 : vector<16xi32>
        %gather3A_415 = tpu.vector_load_idx %arg22[%add3A_222, %add3A_414] : memref<128x128xf32, #tpu.memory_space<vmem>>[vector<16xi32>, vector<16xi32>], vector<16xf32>,
        %add3A_416 = arith.constant 32 : i32
        %add3A_417 = vector.broadcast %add3A_416 : i32 to vector<16xi32>
        %add3A_418 = arith.addi %add3A_403, %add3A_417 : vector<16xi32>
        %gather3A_419 = tpu.vector_load_idx %arg23[%add3A_222, %add3A_418] : memref<128x128xf32, #tpu.memory_space<vmem>>[vector<16xi32>, vector<16xi32>], vector<16xf32>,
        %add3A_420 = arith.constant 32 : i32
        %add3A_421 = vector.broadcast %add3A_420 : i32 to vector<16xi32>
        %add3A_422 = arith.addi %add3A_406, %add3A_421 : vector<16xi32>
        %gather3A_423 = tpu.vector_load_idx %arg24[%add3A_222, %add3A_422] : memref<128x128xf32, #tpu.memory_space<vmem>>[vector<16xi32>, vector<16xi32>], vector<16xf32>,
        %mul3A_424 = arith.mulf %gather3A_409, %gather3A_410 : vector<16xf32>
        %mul3A_425 = arith.mulf %mul3A_424, %gather3A_411 : vector<16xf32>
        %add3A_426 = arith.addf %add3A_394, %mul3A_425 : vector<16xf32>
        %mul3A_427 = arith.mulf %gather3A_415, %gather3A_419 : vector<16xf32>
        %mul3A_428 = arith.mulf %mul3A_427, %gather3A_423 : vector<16xf32>
        %add3A_429 = arith.addf %add3A_397, %mul3A_428 : vector<16xf32>
        %add3A_430 = arith.constant 1 : i32
        %add3A_431 = vector.broadcast %add3A_430 : i32 to vector<16xi32>
        %add3A_432 = arith.addi %add3A_400, %add3A_431 : vector<16xi32>
        %add3A_433 = arith.constant 1 : i32
        %add3A_434 = vector.broadcast %add3A_433 : i32 to vector<16xi32>
        %add3A_435 = arith.addi %add3A_403, %add3A_434 : vector<16xi32>
        %add3A_436 = arith.constant 1 : i32
        %add3A_437 = vector.broadcast %add3A_436 : i32 to vector<16xi32>
        %add3A_438 = arith.addi %add3A_406, %add3A_437 : vector<16xi32>
        %scan3A_439 = arith.constant 6 : i32
        %scan3A_440 = arith.addi %scan3A_244, %scan3A_439 : i32
        %gather3A_441 = tpu.vector_load_idx %arg22[%add3A_222, %add3A_432] : memref<128x128xf32, #tpu.memory_space<vmem>>[vector<16xi32>, vector<16xi32>], vector<16xf32>,
        %gather3A_442 = tpu.vector_load_idx %arg23[%add3A_222, %add3A_435] : memref<128x128xf32, #tpu.memory_space<vmem>>[vector<16xi32>, vector<16xi32>], vector<16xf32>,
        %gather3A_443 = tpu.vector_load_idx %arg24[%add3A_222, %add3A_438] : memref<128x128xf32, #tpu.memory_space<vmem>>[vector<16xi32>, vector<16xi32>], vector<16xf32>,
        %add3A_444 = arith.constant 32 : i32
        %add3A_445 = vector.broadcast %add3A_444 : i32 to vector<16xi32>
        %add3A_446 = arith.addi %add3A_432, %add3A_445 : vector<16xi32>
        %gather3A_447 = tpu.vector_load_idx %arg22[%add3A_222, %add3A_446] : memref<128x128xf32, #tpu.memory_space<vmem>>[vector<16xi32>, vector<16xi32>], vector<16xf32>,
        %add3A_448 = arith.constant 32 : i32
        %add3A_449 = vector.broadcast %add3A_448 : i32 to vector<16xi32>
        %add3A_450 = arith.addi %add3A_435, %add3A_449 : vector<16xi32>
        %gather3A_451 = tpu.vector_load_idx %arg23[%add3A_222, %add3A_450] : memref<128x128xf32, #tpu.memory_space<vmem>>[vector<16xi32>, vector<16xi32>], vector<16xf32>,
        %add3A_452 = arith.constant 32 : i32
        %add3A_453 = vector.broadcast %add3A_452 : i32 to vector<16xi32>
        %add3A_454 = arith.addi %add3A_438, %add3A_453 : vector<16xi32>
        %gather3A_455 = tpu.vector_load_idx %arg24[%add3A_222, %add3A_454] : memref<128x128xf32, #tpu.memory_space<vmem>>[vector<16xi32>, vector<16xi32>], vector<16xf32>,
        %mul3A_456 = arith.mulf %gather3A_441, %gather3A_442 : vector<16xf32>
        %mul3A_457 = arith.mulf %mul3A_456, %gather3A_443 : vector<16xf32>
        %add3A_458 = arith.addf %add3A_426, %mul3A_457 : vector<16xf32>
        %mul3A_459 = arith.mulf %gather3A_447, %gather3A_451 : vector<16xf32>
        %mul3A_460 = arith.mulf %mul3A_459, %gather3A_455 : vector<16xf32>
        %add3A_461 = arith.addf %add3A_429, %mul3A_460 : vector<16xf32>
        %add3A_462 = arith.constant 1 : i32
        %add3A_463 = vector.broadcast %add3A_462 : i32 to vector<16xi32>
        %add3A_464 = arith.addi %add3A_432, %add3A_463 : vector<16xi32>
        %add3A_465 = arith.constant 1 : i32
        %add3A_466 = vector.broadcast %add3A_465 : i32 to vector<16xi32>
        %add3A_467 = arith.addi %add3A_435, %add3A_466 : vector<16xi32>
        %add3A_468 = arith.constant 1 : i32
        %add3A_469 = vector.broadcast %add3A_468 : i32 to vector<16xi32>
        %add3A_470 = arith.addi %add3A_438, %add3A_469 : vector<16xi32>
        %scan3A_471 = arith.constant 7 : i32
        %scan3A_472 = arith.addi %scan3A_244, %scan3A_471 : i32
        %gather3A_473 = tpu.vector_load_idx %arg22[%add3A_222, %add3A_464] : memref<128x128xf32, #tpu.memory_space<vmem>>[vector<16xi32>, vector<16xi32>], vector<16xf32>,
        %gather3A_474 = tpu.vector_load_idx %arg23[%add3A_222, %add3A_467] : memref<128x128xf32, #tpu.memory_space<vmem>>[vector<16xi32>, vector<16xi32>], vector<16xf32>,
        %gather3A_475 = tpu.vector_load_idx %arg24[%add3A_222, %add3A_470] : memref<128x128xf32, #tpu.memory_space<vmem>>[vector<16xi32>, vector<16xi32>], vector<16xf32>,
        %add3A_476 = arith.constant 32 : i32
        %add3A_477 = vector.broadcast %add3A_476 : i32 to vector<16xi32>
        %add3A_478 = arith.addi %add3A_464, %add3A_477 : vector<16xi32>
        %gather3A_479 = tpu.vector_load_idx %arg22[%add3A_222, %add3A_478] : memref<128x128xf32, #tpu.memory_space<vmem>>[vector<16xi32>, vector<16xi32>], vector<16xf32>,
        %add3A_480 = arith.constant 32 : i32
        %add3A_481 = vector.broadcast %add3A_480 : i32 to vector<16xi32>
        %add3A_482 = arith.addi %add3A_467, %add3A_481 : vector<16xi32>
        %gather3A_483 = tpu.vector_load_idx %arg23[%add3A_222, %add3A_482] : memref<128x128xf32, #tpu.memory_space<vmem>>[vector<16xi32>, vector<16xi32>], vector<16xf32>,
        %add3A_484 = arith.constant 32 : i32
        %add3A_485 = vector.broadcast %add3A_484 : i32 to vector<16xi32>
        %add3A_486 = arith.addi %add3A_470, %add3A_485 : vector<16xi32>
        %gather3A_487 = tpu.vector_load_idx %arg24[%add3A_222, %add3A_486] : memref<128x128xf32, #tpu.memory_space<vmem>>[vector<16xi32>, vector<16xi32>], vector<16xf32>,
        %mul3A_488 = arith.mulf %gather3A_473, %gather3A_474 : vector<16xf32>
        %mul3A_489 = arith.mulf %mul3A_488, %gather3A_475 : vector<16xf32>
        %add3A_490 = arith.addf %add3A_458, %mul3A_489 : vector<16xf32>
        %mul3A_491 = arith.mulf %gather3A_479, %gather3A_483 : vector<16xf32>
        %mul3A_492 = arith.mulf %mul3A_491, %gather3A_487 : vector<16xf32>
        %add3A_493 = arith.addf %add3A_461, %mul3A_492 : vector<16xf32>
        %add3A_494 = arith.constant 1 : i32
        %add3A_495 = vector.broadcast %add3A_494 : i32 to vector<16xi32>
        %add3A_496 = arith.addi %add3A_464, %add3A_495 : vector<16xi32>
        %add3A_497 = arith.constant 1 : i32
        %add3A_498 = vector.broadcast %add3A_497 : i32 to vector<16xi32>
        %add3A_499 = arith.addi %add3A_467, %add3A_498 : vector<16xi32>
        %add3A_500 = arith.constant 1 : i32
        %add3A_501 = vector.broadcast %add3A_500 : i32 to vector<16xi32>
        %add3A_502 = arith.addi %add3A_470, %add3A_501 : vector<16xi32>
        scf.yield %add3A_490, %add3A_493, %add3A_496, %add3A_499, %add3A_502 : vector<16xf32>, vector<16xf32>, vector<16xi32>, vector<16xi32>, vector<16xi32>
      }
      %scan3A_237 = arith.constant 32 : i32
      %add3A_238 = arith.addf %scan3A_236#0, %scan3A_236#1 : vector<16xf32>
      %swap3A = arith.index_cast %scan3A_220 : i32 to index
      %swap3A_239 = tpu.vector_load %arg25[%swap3A] {strides = array<i32>} : memref<512xf32, #tpu.memory_space<vmem>>, vector<16xf32>,
      tpu.vector_store %arg25[%swap3A], %add3A_238 {strides = array<i32>} : memref<512xf32, #tpu.memory_space<vmem>>, vector<16xf32>,
      %add3A_240 = arith.constant 16 : i32
      %add3A_241 = arith.addi %scan3A_220, %add3A_240 : i32
      %add3A_242 = arith.constant 16 : i32
      %add3A_243 = arith.addi %scan3A_221, %add3A_242 : i32
      scf.yield %add3A_241, %add3A_243 : i32, i32
    }
    %scan3A_218 = arith.constant 8 : i32
    "tpu.region"() ({
      %run_scoped3A_219 = tpu.sem_alloc : memref<!tpu.dma_semaphore, #tpu.memory_space<semaphore_mem>>
      %dma_start3A_220 = tpu.memref_slice %arg11[%mul3A_2] : memref<16384xf32, #tpu.memory_space<hbm>> -> memref<512xf32, #tpu.memory_space<hbm>>
      %dma_start3A_221 = tpu.memref_slice %arg11[%mul3A_2] : memref<16384xf32, #tpu.memory_space<hbm>> -> memref<512xf32, #tpu.memory_space<hbm>>
      tpu.enqueue_dma source(%arg25 : memref<512xf32, #tpu.memory_space<vmem>>) target(%dma_start3A_221 : memref<512xf32, #tpu.memory_space<hbm>>) target_semaphore(%run_scoped3A_219 : memref<!tpu.dma_semaphore, #tpu.memory_space<semaphore_mem>>)
      %dma_wait3A_222 = tpu.memref_slice %arg11[%mul3A_2] : memref<16384xf32, #tpu.memory_space<hbm>> -> memref<512xf32, #tpu.memory_space<hbm>>
      %dma_wait3A_223 = tpu.memref_slice %arg11[%mul3A_2] : memref<16384xf32, #tpu.memory_space<hbm>> -> memref<512xf32, #tpu.memory_space<hbm>>
      tpu.wait_dma2 semaphore(%run_scoped3A_219 : memref<!tpu.dma_semaphore, #tpu.memory_space<semaphore_mem>>) src(%arg25 : memref<512xf32, #tpu.memory_space<vmem>>) dst(%dma_wait3A_223 : memref<512xf32, #tpu.memory_space<hbm>>)
      tpu.yield
    }) : () -> ()
    return
  }
}

</mosaic_0001>

<sc_bundles>
// kernel: kernel.3.cloned.1.call-start
scs
__scs_entry_jumppad:
0x0: {  	(pc) =	sbr.rel $0x88, $3  }
0x1: {  	(tag) =	ssettag $0x0;
	lr =	simm.s32 $0x1  }
0x2: {  	[smem:$0x3F9C] =	sst lr;
	_ =	strace $0xD0000000  }
0x3: {  	_ = 	snop  }
0x4: {  	_ = 	snop  }
0x5: {  	_ = 	snop  }
0x6: {  	_ = 	snop  }
0x7: {  	_ = 	snop  }
__scs_overlays_trampoline_lowered:
0x8: {  	[smem:$0x3FAB] =	sst s0  }
0x9: {  	[smem:$0x3FAC] =	sst s1  }
0xa: {  	[smem:$0x3FAD] =	sst s2  }
0xb: {  	[smem:$0x3FAE] =	sst s3  }
0xc: {  	[smem:$0x3FAF] =	sst s4  }
0xd: {  	[smem:$0x3FB0] =	sst s5  }
0xe: {  	[smem:$0x3FB1] =	sst s6  }
0xf: {  	[smem:$0x3FB2] =	sst s7  }
0x10: {  	[smem:$0x3FB3] =	sst s8  }
0x11: {  	[smem:$0x3FB4] =	sst s9;
	s0 =	simm.s32 @!p0 $0x0  }
0x12: {  	s1 =	sld [smem:$0x3F9A];
	s0 =	simm.s32 @p0 $0x1  }
0x13: {  	[smem:$0x3FB5] =	sst s0;
	s0 =	simm.s32 @!p1 $0x0  }
0x14: {  	s2 =	sld [smem:$0x3F99];
	s0 =	simm.s32 @p1 $0x1  }
0x15: {  	[smem:$0x3FB6] =	sst s0;
	s0 =	simm.s32 @!p2 $0x0  }
0x16: {  	s3 =	sld [smem:$0x3FDB];
	s0 =	simm.s32 @p2 $0x1  }
0x17: {  	s4 =	simm.s32 $0x1BF5;
	[smem:$0x3FB8] =	sst s0  }
0x18: {  	s0 =	sld [smem:$0x3F9B];
	_ =	swait.ge [sflag:s4], $0x0  }
0x19: {  	s7 =	sld [smem:$0x3F9C]  }
0x1a: {  	s8 =	sadd.s32 $0xFFFFE003, lr  }
0x1b: {  	s9 =	sadd.s32 $0xFFFFFEF7, lr;
	s5 =	simm.s32 $0xFFFFFFFF;
	p2 =	slt.u32 s8, $0xFFFFF086  }
0x1c: {  	p1 =	slt.u32 s9, $0xF7A;
	s5 =	simm.s32 @!p2 $0x0  }
0x1d: {  	s5 =	simm.s32 @p1 $0x1;
	p0 =	seq.s32 s7, s2  }
0x1e: {  	s7 =	smul.u32 @!p0 $0xF7A, s2;
	p2 =	seq.s32 @!p0 s5, $0x0  }
0x1f: {  	s9 =	smul.u32 $0xF7A, s1;
	s8 =	simm.s32 @!p0 $0x1BF5;
	p2 =	por !p2, p0  }
0x20: {  	[sflag:s8] =	ssyncset.s32 @!p0 $0xFFFFF086;
	s6 =	sadd.s32 @!p0 s3, s7;
	s7 =	simm.s32 @!p0 $0x108  }
0x21: {  	s3 =	sadd.s32 s3, s9;
	s6 =	sadd.s32 @!p0 $0x88, s6;
	s7 =	simm.s32 @p2 $0x1082  }
0x22: {  	[simem:s7], [sflag:s8] =	dma.local @!p0 [hbm:s6], $0xF7A  }
0x23: {  	s9 =	sor.u32 $0xD0000000, s2;
	s6 =	simm.s32 $0x108;
	_ =	swait.ge @!p0 [sflag:s8], $0x0  }
0x24: {  	s3 =	sadd.s32 $0x88, s3;
	s6 =	simm.s32 @!p1 $0x1082;
	[sflag:s4] =	ssyncset.s32 $0xFFFFF086  }
0x25: {  	[simem:s6], [sflag:s4] =	dma.local [hbm:s3], $0xF7A  }
0x26: {  	[smem:$0x3F9C] =	sst s1;
	(tag) =	ssettag s2;
	_ =	strace s9  }
0x27: {  	s1 =	sld [smem:$0x3FAC]  }
0x28: {  	s2 =	sld [smem:$0x3FAD]  }
0x29: {  	s4 =	sld [smem:$0x3FAF]  }
0x2a: {  	p0 =	seq.s32 s5, $0x0;
	s5 =	sld [smem:$0x3FB0]  }
0x2b: {  	s6 =	sld [smem:$0x3FB1]  }
0x2c: {  	s7 =	sld [smem:$0x3FB2]  }
0x2d: {  	s3 =	simm.s32 $0x108;
	s8 =	sld [smem:$0x3FB3]  }
0x2e: {  	s3 =	simm.s32 @!p0 $0x1082;
	s9 =	sld [smem:$0x3FB4]  }
0x2f: {  	lr =	sadd.s32 s0, s3;
	s0 =	sld [smem:$0x3FAB]  }
0x30: {  	s3 =	sld [smem:$0x3FAE]  }
0x31: {  	[smem:$0x3FB7] =	sst s10  }
0x32: {  	s10 =	sld [smem:$0x3FB5];
	_ =	sdelay $0x3  }
0x33: {  	p0 =	seq.s32 s10, $0x1;
	s10 =	sld [smem:$0x3FB7];
	_ =	sdelay $0x3  }
0x34: {  	[smem:$0x3FB7] =	sst s10  }
0x35: {  	s10 =	sld [smem:$0x3FB6];
	_ =	sdelay $0x3  }
0x36: {  	p1 =	seq.s32 s10, $0x1;
	s10 =	sld [smem:$0x3FB7];
	_ =	sdelay $0x3  }
0x37: {  	[smem:$0x3FB7] =	sst s10  }
0x38: {  	s10 =	sld [smem:$0x3FB8]  }
0x39: {  	_ = 	snop;
	(pc) =	sbr.ind lr, $3  }
0x3a: {  	_ = 	snop  }
0x3b: {  	_ = 	snop  }
0x3c: {  	p2 =	seq.s32 s10, $0x1;
	s10 =	sld [smem:$0x3FB7]  }
0x3d: {  	_ =	shalt  }
0x3e: {  	_ =	shalt  }
0x3f: {  	_ =	shalt  }
0x40: {  	_ =	shalt  }
0x41: {  	_ =	shalt  }
0x42: {  	_ =	shalt  }
0x43: {  	_ =	shalt  }
0x44: {  	_ =	shalt  }
0x45: {  	_ =	shalt  }
0x46: {  	_ =	shalt  }
0x47: {  	_ =	shalt  }
0x48: {  	_ =	shalt  }
0x49: {  	_ =	shalt  }
0x4a: {  	_ =	shalt  }
0x4b: {  	_ =	shalt  }
0x4c: {  	_ =	shalt  }
0x4d: {  	_ =	shalt  }
0x4e: {  	_ =	shalt  }
0x4f: {  	_ =	shalt  }
0x50: {  	_ =	shalt  }
0x51: {  	_ =	shalt  }
0x52: {  	_ =	shalt  }
0x53: {  	_ =	shalt  }
0x54: {  	_ =	shalt  }
0x55: {  	_ =	shalt  }
0x56: {  	_ =	shalt  }
0x57: {  	_ =	shalt  }
0x58: {  	_ =	shalt  }
0x59: {  	_ =	shalt  }
0x5a: {  	_ =	shalt  }
0x5b: {  	_ =	shalt  }
0x5c: {  	_ =	shalt  }
0x5d: {  	_ =	shalt  }
0x5e: {  	_ =	shalt  }
0x5f: {  	_ =	shalt  }
0x60: {  	_ =	shalt  }
0x61: {  	_ =	shalt  }
0x62: {  	_ =	shalt  }
0x63: {  	_ =	shalt  }
0x64: {  	_ =	shalt  }
0x65: {  	_ =	shalt  }
0x66: {  	_ =	shalt  }
0x67: {  	_ =	shalt  }
0x68: {  	_ =	shalt  }
0x69: {  	_ =	shalt  }
0x6a: {  	_ =	shalt  }
0x6b: {  	_ =	shalt  }
0x6c: {  	_ =	shalt  }
0x6d: {  	_ =	shalt  }
0x6e: {  	_ =	shalt  }
0x6f: {  	_ =	shalt  }
0x70: {  	_ =	shalt  }
0x71: {  	_ =	shalt  }
0x72: {  	_ =	shalt  }
0x73: {  	_ =	shalt  }
0x74: {  	_ =	shalt  }
0x75: {  	_ =	shalt  }
0x76: {  	_ =	shalt  }
0x77: {  	_ =	shalt  }
0x78: {  	_ =	shalt  }
0x79: {  	_ =	shalt  }
0x7a: {  	_ =	shalt  }
0x7b: {  	_ =	shalt  }
0x7c: {  	_ =	shalt  }
0x7d: {  	_ =	shalt  }
0x7e: {  	_ =	shalt  }
0x7f: {  	_ =	shalt  }
0x80: {  	_ =	shalt  }
0x81: {  	_ =	shalt  }
0x82: {  	_ =	shalt  }
0x83: {  	_ =	shalt  }
0x84: {  	_ =	shalt  }
0x85: {  	_ =	shalt  }
0x86: {  	_ =	shalt  }
0x87: {  	_ =	shalt  }
.Lfunc_end0:
.L_simem_size_0:
called_computation_lowered:
.L_overlay_start_0:
0x88: {  	s2 =	sld [smem:$0x3FD9]  }
0x89: {  	s3 =	sld [smem:$0x3FFE];
	_ =	sdelay $0x1  }
0x8a: {  	s1 =	srdreg.scid  }
0x8b: {  	s0 =	sand.u32 $0x1, s1  }
0x8c: {  	s14 =	sshll.u32 s0, $0xA;
	s2 =	sadd.s32 s3, s2  }
0x8d: {  	s2 =	sadd.s32 s2, s14  }
0x8e: {  	[smem:$0x3FC3] =	sst s2  }
0x8f: {  	_ = 	snop  }
0x90: {  	s2 =	sld [smem:$0x3FD0];
	_ =	sdelay $0x2  }
0x91: {  	s15 =	simm.s32 $0xA;
	s4 =	simm.s32 $0x10  }
0x92: {  	[smem:s4], [sflag:s15] =	dma.local [hbm:s2], $0x1  }
0x93: {  	_ =	swait.eq [sflag:s15], $0x1  }
0x94: {  	[sflag:s15] =	ssyncset.done $0x0  }
0x95: {  	[sflag:s15] =	ssyncadd.s32 $0xFFFFFFFF  }
0x96: {  	s16 =	sld [smem:$0x10];
	(tm) =	ssettm $0x1  }
0x97: {  	s17 =	sld [smem:$0x3FFB];
	_ =	sdelay $0x3  }
0x98: {  	_ =	strace s17  }
0x99: {  	s3 =	sld [smem:$0x3FFC];
	_ =	sdelay $0x3  }
0x9a: {  	_ =	strace s3  }
0x9b: {  	s3 =	sld [smem:$0x3FFD];
	_ =	sdelay $0x3  }
0x9c: {  	_ =	strace s3  }
0x9d: {  	_ =	strace $0x8FFFFFFF  }
0x9e: {  	s18 =	sld [smem:$0x3FDB];
	_ =	sdelay $0x1  }
0x9f: {  	s19 =	simm.s32 $_scs_section_size  }
0xa0: {  	s5 =	simm.s32 $_size__tile_overlayer_lowered;
	s6 =	simm.s32 $_tile_overlayer_lowered  }
0xa1: {  	s22 =	simm.s32 $0x1BFF;
	s21 =	sshll.u32 s6, $0x1;
	s3 =	sadd.s32 s19, s18  }
0xa2: {  	s7 =	simm.s32 $0x0;
	s20 =	sshll.u32 s5, $0x1;
	s5 =	sadd.s32 s21, s3  }
0xa3: {  	[timem:s7], [sflag:s22] =	dma.local [hbm:s5], s20  }
0xa4: {  	_ =	swait.ge [sflag:s22], s20  }
0xa5: {  	s4 =	ssub.s32 $0x0, s20;
	[sflag:s22] =	ssyncset.done $0x0  }
0xa6: {  	[sflag:s22] =	ssyncadd.s32 s4;
	_ =	sdelay $0x1  }
0xa7: {  	s23 =	simm.s32 $0x1B8B  }
0xa8: {  	_ =	swait.ge [sflag:s23], $0x1  }
0xa9: {  	[sflag:s23] =	ssyncset.done $0x0  }
0xaa: {  	s25 =	simm.s32 $0x1B8E;
	s24 =	sld [smem:$0x3FFE];
	[sflag:s23] =	ssyncadd.s32 $0xFFFFFFFF  }
0xab: {  	s26 =	simm.s32 $execute0_lowered;
	[smem:$0x3FD2] =	sst s25  }
0xac: {  	s5 =	sshll.u32 s26, $0x1;
	_ =	strace $0x80000046;
	[dreg:$0x1] =	wrdreg $0xFFFFFFFF  }
0xad: {  	s28 =	simm.s32 $_size_execute0_lowered;
	s3 =	sadd.s32 s3, s5;
	[dreg:$0x0] =	wrdreg $0x0  }
0xae: {  	s5 =	sshll.u32 s28, $0x1;
	[dreg:$0x2] =	wrdreg s3  }
0xaf: {  	[dreg:$0x3] =	wrdreg s5  }
0xb0: {  	[dreg:$0x4] =	wrdreg $0xC0  }
0xb1: {  	_ =	task [dreg:s7], $0x5FFFF  }
0xb2: {  	[dreg:$0x1] =	wrdreg $0xFFFFFFFF  }
0xb3: {  	[dreg:$0x0] =	wrdreg $0x60  }
0xb4: {  	[dreg:$0x2] =	wrdreg s24  }
0xb5: {  	[dreg:$0x3] =	wrdreg s16  }
0xb6: {  	[dreg:$0x4] =	wrdreg $0x9  }
0xb7: {  	_ =	task.clear_ibuf [dreg:s7], $0x5FFFF;
	_ =	strace $0x90000046  }
0xb8: {  	s29 =	simm.s32 $0x9;
	_ =	strace $0x80000048  }
0xb9: {  	_ =	swait.ge [sflag:s29], $0x1  }
0xba: {  	[sflag:s29] =	ssyncadd.s32 $0xFFFFFFFF  }
0xbb: {  	_ =	strace $0x90000048  }
0xbc: {  	_ =	sfence  }
0xbd: {  	s30 =	sld [smem:$0x0];
	_ =	sdelay $0x2  }
0xbe: {  	s31 =	sshll.u32 s1, $0xD;
	s1 =	sshrl.u32 s1, $0x2  }
0xbf: {  	s3 =	sand.u32 $0x4000, s31;
	s1 =	sadd.s32 s1, s30  }
0xc0: {  	s0 =	sor.u32 s3, s0;
	s1 =	sshll.u32 s1, $0x11  }
0xc1: {  	s0 =	sor.u32 s1, s0  }
0xc2: {  	s0 =	sadd.s32 $0x8F2B, s0  }
0xc3: {  	[sflag:s0] =	ssyncadd.remote.s32 $0x1  }
0xc4: {  	_ =	sfence.sel $0xFFFF  }
0xc5: {  	[dreg:$0x0] =	wrdreg $0xFFFFFFFF;
	(pc) =	sbr.abs _section_cstart, $3  }
0xc6: {  	[dreg:$0x1] =	wrdreg $0xFFFFFFFF  }
0xc7: {  	_ =	task.clear_ibuf [dreg:s7], $0x2FFFF;
	_ =	strace $0x9FFFFFFF  }
0xc8: {  	(tm) =	ssettm $0x7FFFFFFF  }
0xc9: {  	_ =	shalt  }
tec
execute0_lowered:
.L_overlay_start_1:
0x0: {  	(tag) =	ssettag $0x1  }
0x1: {  	s0 =	rddreg [dreg:$0x0];
	s6 =	srdreg.scid  }
0x2: {  	s2 =	rddreg [dreg:$0x1];
	s8 =	stileid.u32;
	s6 =	sand.u32 $0x1, s6  }
0x3: {  	s1 =	simm.s32 $0x0;
	s8 =	sshll.u32 s8, $0x7;
	s9 =	sshll.u32 s6, $0x6  }
0x4: {  	[smem:$0x7FF] =	sst s1;
	s3 =	sadd.s32 $0x1800, s0;
	s8 =	sor.u32 s9, s8  }
0x5: {  	s4 =	sadd.s32 $0x2000, s0;
	s5 =	sadd.s32 $0x2800, s0;
	s24 =	sadd.s32 s3, s8  }
0x6: {  	_ =	strace $0x80000047;
	s25 =	sadd.s32 s4, s8;
	[dreg:$0x3] =	wrdreg s24  }
0x7: {  	s7 =	sadd.s32 $0x1000, s0;
	s26 =	sadd.s32 s5, s8;
	[dreg:$0x4] =	wrdreg s25  }
0x8: {  	s10 =	sadd.s32 $0x800, s0;
	s12 =	sadd.s32 s7, s8;
	[dreg:$0x5] =	wrdreg s26  }
0x9: {  	s13 =	sadd.s32 s10, s8;
	[dreg:$0x6] =	wrdreg s12  }
0xa: {  	s14 =	sadd.s32 s2, s8;
	s15 =	sor.u32 $0x10, s8;
	[dreg:$0x7] =	wrdreg s13  }
0xb: {  	s28 =	sadd.s32 $0x24A800, s0;
	[dreg:$0x8] =	wrdreg s14;
	s12 =	sadd.s32 s3, s15  }
0xc: {  	s30 =	sadd.s32 $0x30DE00, s0;
	s16 =	sadd.s32 s4, s15;
	[dreg:$0x9] =	wrdreg s12  }
0xd: {  	s6 =	ssub.s32 $0x2, s6;
	s17 =	sadd.s32 s5, s15;
	[dreg:$0xa] =	wrdreg s16  }
0xe: {  	s23 =	sshrl.u32 s6, $0x1;
	s18 =	sadd.s32 s7, s15;
	[dreg:$0xb] =	wrdreg s17  }
0xf: {  	s11 =	sadd.s32 s8, s0;
	s19 =	sadd.s32 s10, s15;
	[dreg:$0xc] =	wrdreg s18  }
0x10: {  	s20 =	sor.u32 $0x20, s8;
	s9 =	sadd.s32 s2, s15;
	[dreg:$0xd] =	wrdreg s19  }
0x11: {  	s6 =	ssub.s32 s6, s23;
	s21 =	sadd.s32 s3, s20;
	[dreg:$0xe] =	wrdreg s9  }
0x12: {  	s8 =	sor.u32 $0x30, s8;
	s22 =	sadd.s32 s4, s20;
	[dreg:$0xf] =	wrdreg s21  }
0x13: {  	s23 =	sadd.s32 s5, s20;
	s24 =	sadd.s32 s7, s20;
	[dreg:$0x10] =	wrdreg s22  }
0x14: {  	s25 =	sadd.s32 s10, s20;
	s26 =	sadd.s32 s2, s20;
	[dreg:$0x11] =	wrdreg s23  }
0x15: {  	s3 =	sadd.s32 s3, s8;
	s29 =	sadd.s32 s2, s8;
	[dreg:$0x12] =	wrdreg s24  }
0x16: {  	s31 =	sadd.s32 $0x3000, s11;
	s2 =	simm.s32 $0x7;
	[dreg:$0x13] =	wrdreg s25  }
0x17: {  	s11 =	simm.s32 $0xC500;
	s13 =	simm.s32 $0x14500;
	[dreg:$0x14] =	wrdreg s26  }
0x18: {  	s14 =	simm.s32 $0x4;
	s15 =	simm.s32 $0x5;
	[dreg:$0x15] =	wrdreg s3  }
0x19: {  	s22 =	sadd.s32 s4, s8;
	s23 =	sadd.s32 s5, s8;
	s24 =	sadd.s32 s7, s8  }
0x1a: {  	s25 =	sadd.s32 s10, s8;
	s26 =	sadd.s32 $0x187200, s0;
	s0 =	smax.u32 s6, $0x1  }
0x1b: {  	v0 =	vlaneseq.u32;
	s3 =	simm.s32 $0x80;
	s4 =	simm.s32 $0x100;
	s21 =	simm.s32 $0x200  }
0x1c: {  	v0 =	vmul.u32 $0x80, v0;
	s5 =	simm.s32 $0x500;
	s6 =	simm.s32 $0x4500;
	s7 =	simm.s32 $0x8500  }
0x1d: {  	s8 =	simm.s32 $0x1;
	s9 =	simm.s32 $0x2;
	s10 =	simm.s32 $0x3  }
0x1e: {  	[tilespmem:$0x1FFF0] =	vst v0;
	s12 =	simm.s32 $0x10500;
	s16 =	simm.s32 $0x6;
	s17 =	simm.s32 $0x0  }
.LBB2_1:
0x1f: {  	s18 =	rddreg [dreg:$0x3]  }
0x20: {  	[tilespmem:s1], [sflag:$0x7] =	stream.linear.gather [hbm4b:s18+s1], $0x80, $0x38;
	[tilespmem:$0x18700] =	vst v63  }
0x21: {  	_ =	swait.ge [sflag:s2], $0x80  }
0x22: {  	[sflag:s2] =	ssyncset.done $0x0  }
0x23: {  	s19 =	rddreg [dreg:$0x4];
	[sflag:s2] =	ssyncadd.s32 $0xFFFFFF80  }
0x24: {  	[tilespmem:s3], [sflag:$0x7] =	stream.linear.gather [hbm4b:s19+s1], $0x80, $0x38;
	[tilespmem:$0x18700] =	vst v63  }
0x25: {  	_ =	swait.ge [sflag:s2], $0x80  }
0x26: {  	[sflag:s2] =	ssyncset.done $0x0  }
0x27: {  	s20 =	rddreg [dreg:$0x5];
	[sflag:s2] =	ssyncadd.s32 $0xFFFFFF80  }
0x28: {  	[tilespmem:s4], [sflag:$0x7] =	stream.linear.gather [hbm4b:s20+s1], $0x80, $0x38;
	[tilespmem:$0x18700] =	vst v63  }
0x29: {  	_ =	swait.ge [sflag:s2], $0x80  }
0x2a: {  	[sflag:s2] =	ssyncset.done $0x0  }
0x2b: {  	s19 =	rddreg [dreg:$0x6];
	[sflag:s2] =	ssyncadd.s32 $0xFFFFFF80  }
0x2c: {  	[tilespmem:s21], [sflag:$0x7] =	stream.linear.gather [hbm4b:s19+s1], $0x80, $0x38;
	[tilespmem:$0x18700] =	vst v63  }
0x2d: {  	_ =	swait.ge [sflag:s2], $0x80  }
0x2e: {  	[sflag:s2] =	ssyncset.done $0x0  }
0x2f: {  	s19 =	simm.s32 $0x280;
	s20 =	rddreg [dreg:$0x7];
	[sflag:s2] =	ssyncadd.s32 $0xFFFFFF80  }
0x30: {  	[tilespmem:s19], [sflag:$0x7] =	stream.linear.gather [hbm4b:s20+s1], $0x80, $0x38;
	[tilespmem:$0x18700] =	vst v63  }
0x31: {  	_ =	swait.ge [sflag:s2], $0x80  }
0x32: {  	[sflag:s2] =	ssyncset.done $0x0  }
0x33: {  	s20 =	simm.s32 $0x300;
	s19 =	rddreg [dreg:$0x8];
	[sflag:s2] =	ssyncadd.s32 $0xFFFFFF80  }
0x34: {  	[tilespmem:s20], [sflag:$0x7] =	stream.linear.gather [hbm4b:s19+s1], $0x80, $0x38;
	[tilespmem:$0x18700] =	vst v63  }
0x35: {  	_ =	swait.ge [sflag:s2], $0x80  }
0x36: {  	[sflag:s2] =	ssyncset.done $0x0  }
0x37: {  	[sflag:s2] =	ssyncadd.s32 $0xFFFFFF80  }
0x38: {  	[tilespmem:s5], [sflag:$0x1] =	stream.indirect.gather [hbm4b:s26+s3], $0x80, s1, s3, $0xb8;
	[tilespmem:$0x18700] =	vst v63  }
0x39: {  	_ = 	snop  }
0x3a: {  	[tilespmem:s6], [sflag:$0x2] =	stream.indirect.gather [hbm4b:s28+s3], $0x80, s3, s3, $0xb8;
	[tilespmem:$0x18700] =	vst v63  }
0x3b: {  	_ = 	snop  }
0x3c: {  	[tilespmem:s7], [sflag:$0x3] =	stream.indirect.gather [hbm4b:s30+s3], $0x80, s4, s3, $0xb8;
	[tilespmem:$0x18700] =	vst v63  }
0x3d: {  	_ =	swait.ge [sflag:s8], $0x4000  }
0x3e: {  	[sflag:s8] =	ssyncset.done $0x0  }
0x3f: {  	[sflag:s8] =	ssyncadd.s32 $0xFFFFC000  }
0x40: {  	_ =	swait.ge [sflag:s9], $0x4000  }
0x41: {  	[sflag:s9] =	ssyncset.done $0x0  }
0x42: {  	[sflag:s9] =	ssyncadd.s32 $0xFFFFC000  }
0x43: {  	_ =	swait.ge [sflag:s10], $0x4000  }
0x44: {  	[sflag:s10] =	ssyncset.done $0x0  }
0x45: {  	s20 =	rddreg [dreg:$0x9];
	[sflag:s10] =	ssyncadd.s32 $0xFFFFC000  }
0x46: {  	[tilespmem:s1], [sflag:$0x7] =	stream.linear.gather [hbm4b:s20+s1], $0x80, $0x38;
	[tilespmem:$0x18700] =	vst v63  }
0x47: {  	_ =	swait.ge [sflag:s2], $0x80  }
0x48: {  	[sflag:s2] =	ssyncset.done $0x0  }
0x49: {  	s19 =	rddreg [dreg:$0xa];
	[sflag:s2] =	ssyncadd.s32 $0xFFFFFF80  }
0x4a: {  	[tilespmem:s3], [sflag:$0x7] =	stream.linear.gather [hbm4b:s19+s1], $0x80, $0x38;
	[tilespmem:$0x18700] =	vst v63  }
0x4b: {  	_ =	swait.ge [sflag:s2], $0x80  }
0x4c: {  	[sflag:s2] =	ssyncset.done $0x0  }
0x4d: {  	s20 =	rddreg [dreg:$0xb];
	[sflag:s2] =	ssyncadd.s32 $0xFFFFFF80  }
0x4e: {  	[tilespmem:s4], [sflag:$0x7] =	stream.linear.gather [hbm4b:s20+s1], $0x80, $0x38;
	[tilespmem:$0x18700] =	vst v63  }
0x4f: {  	_ =	swait.ge [sflag:s2], $0x80  }
0x50: {  	[sflag:s2] =	ssyncset.done $0x0  }
0x51: {  	s20 =	simm.s32 $0x380;
	s19 =	rddreg [dreg:$0xc];
	[sflag:s2] =	ssyncadd.s32 $0xFFFFFF80  }
0x52: {  	[tilespmem:s20], [sflag:$0x7] =	stream.linear.gather [hbm4b:s19+s1], $0x80, $0x38;
	[tilespmem:$0x18700] =	vst v63  }
0x53: {  	_ =	swait.ge [sflag:s2], $0x80  }
0x54: {  	[sflag:s2] =	ssyncset.done $0x0  }
0x55: {  	s20 =	simm.s32 $0x400;
	s19 =	rddreg [dreg:$0xd];
	[sflag:s2] =	ssyncadd.s32 $0xFFFFFF80  }
0x56: {  	[tilespmem:s20], [sflag:$0x7] =	stream.linear.gather [hbm4b:s19+s1], $0x80, $0x38;
	[tilespmem:$0x18700] =	vst v63  }
0x57: {  	_ =	swait.ge [sflag:s2], $0x80  }
0x58: {  	[sflag:s2] =	ssyncset.done $0x0  }
0x59: {  	s20 =	simm.s32 $0x480;
	s19 =	rddreg [dreg:$0xe];
	[sflag:s2] =	ssyncadd.s32 $0xFFFFFF80  }
0x5a: {  	[tilespmem:s20], [sflag:$0x7] =	stream.linear.gather [hbm4b:s19+s1], $0x80, $0x38;
	[tilespmem:$0x18700] =	vst v63  }
0x5b: {  	_ =	swait.ge [sflag:s2], $0x80  }
0x5c: {  	[sflag:s2] =	ssyncset.done $0x0  }
0x5d: {  	[sflag:s2] =	ssyncadd.s32 $0xFFFFFF80  }
0x5e: {  	[tilespmem:s11], [sflag:$0x4] =	stream.indirect.gather [hbm4b:s26+s3], $0x80, s1, s3, $0xb8;
	[tilespmem:$0x18700] =	vst v63  }
0x5f: {  	_ = 	snop  }
0x60: {  	[tilespmem:s12], [sflag:$0x5] =	stream.indirect.gather [hbm4b:s28+s3], $0x80, s3, s3, $0xb8;
	[tilespmem:$0x18700] =	vst v63  }
0x61: {  	s18 =	simm.s32 $0x0;
	s19 =	simm.s32 $0x0  }
0x62: {  	[tilespmem:s13], [sflag:$0x6] =	stream.indirect.gather [hbm4b:s30+s3], $0x80, s4, s3, $0xb8;
	[tilespmem:$0x18700] =	vst v63  }
.LBB2_2:
0x63: {  	v2 =	vld [tilespmem:s18+$0x200]  }
0x64: {  	v4 =	vld [tilespmem:s18+$0x300]  }
0x65: {  	v0 =	vld [tilespmem:$0x1FFF0]  }
0x66: {  	v3 =	vld [tilespmem:s18+$0x280];
	_ =	sdelay $0x1  }
0x67: {  	v1 =	vmov s18  }
0x68: {  	v1 =	vshll.u32 v1, $0x7  }
0x69: {  	v1 =	vor.u32 v0, v1;
	v7 =	vadd.s32 $0x7, v4;
	v5 =	vadd.s32 $0x6, v4  }
0x6a: {  	v6 =	vadd.s32 $0x7, v2;
	v13 =	vadd.s32 $0x7, v3;
	v14 =	vadd.s32 $0x27, v2  }
0x6b: {  	v17 =	vadd.s32 $0x5, v4;
	v19 =	vadd.s32 $0x6, v2;
	v20 =	vadd.s32 $0x6, v3  }
0x6c: {  	v21 =	vadd.s32 $0x26, v2;
	v22 =	vadd.s32 $0x4, v4;
	v23 =	vadd.s32 $0x5, v2  }
0x6d: {  	v24 =	vadd.s32 $0x5, v3;
	v25 =	vadd.s32 $0x25, v2;
	v26 =	vadd.s32 $0x3, v4  }
0x6e: {  	v8 =	vadd.s32 $0x23, v4;
	v27 =	vadd.s32 $0x4, v2;
	v28 =	vadd.s32 $0x4, v3  }
0x6f: {  	v29 =	vadd.s32 $0x24, v2;
	v30 =	vadd.s32 $0x2, v4;
	v10 =	vadd.s32 $0x22, v4  }
0x70: {  	v9 =	vadd.s32 $0x24, v3;
	v31 =	vadd.s32 $0x3, v2;
	v32 =	vadd.s32 $0x3, v3  }
0x71: {  	v33 =	vadd.s32 $0x23, v2;
	v34 =	vand.u32 $0x7F, v4;
	v35 =	vadd.s32 $0x1, v4  }
0x72: {  	v12 =	vadd.s32 $0x23, v3;
	v11 =	vadd.s32 $0x21, v4;
	v36 =	vadd.s32 $0x2, v2  }
0x73: {  	v37 =	vadd.s32 $0x2, v3;
	v38 =	vand.u32 $0xFFFFFF80, v4;
	v39 =	vadd.s32 $0x22, v2  }
0x74: {  	v15 =	vadd.s32 $0x22, v3;
	v40 =	vand.u32 $0x7F, v2;
	v41 =	vand.u32 $0x7F, v3  }
0x75: {  	v16 =	vadd.s32 $0x20, v4;
	v42 =	vadd.s32 $0x1, v2;
	v43 =	vadd.s32 $0x1, v3  }
0x76: {  	v44 =	vadd.s32 $0x21, v2;
	v45 =	vand.u32 $0xFFFFFF80, v2;
	v46 =	vand.u32 $0xFFFFFF80, v3  }
0x77: {  	v18 =	vadd.s32 $0x21, v3;
	v47 =	vadd.s32 $0x20, v2;
	v2 =	vadd.s32 $0x8, v2  }
0x78: {  	v38 =	vadd.s32 v1, v38;
	v45 =	vadd.s32 v1, v45;
	v49 =	vadd.s32 v1, v46  }
0x79: {  	v50 =	vand.u32 $0x7F, v5;
	v5 =	vand.u32 $0xFFFFFF80, v5;
	v51 =	vand.u32 $0x7F, v6  }
0x7a: {  	v6 =	vand.u32 $0xFFFFFF80, v6;
	v52 =	vand.u32 $0xFFFFFF80, v13;
	v13 =	vand.u32 $0x7F, v13  }
0x7b: {  	v53 =	vand.u32 $0x7F, v14;
	v14 =	vand.u32 $0xFFFFFF80, v14;
	v55 =	vand.u32 $0x7F, v22  }
0x7c: {  	v56 =	vand.u32 $0xFFFFFF80, v23;
	v57 =	vand.u32 $0xFFFFFF80, v24;
	v59 =	vand.u32 $0x7F, v25  }
0x7d: {  	v60 =	vand.u32 $0xFFFFFF80, v26;
	v61 =	vand.u32 $0xFFFFFF80, v27;
	v63 =	vand.u32 $0x7F, v28  }
0x7e: {  	v34 =	vor.u32 v34, v38;
	v38 =	vadd.s32 $0x20, v3;
	v40 =	vor.u32 v40, v45  }
0x7f: {  	v41 =	vor.u32 v41, v49;
	v5 =	vadd.s32 v1, v5;
	v6 =	vadd.s32 v1, v6  }
0x80: {  	v58 =	vadd.s32 v1, v57;
	v62 =	vadd.s32 v1, v61;
	v49 =	vand.u32 $0xFFFFFF80, v29  }
0x81: {  	v57 =	vand.u32 $0x7F, v35;
	v61 =	vand.u32 $0x7F, v42;
	v42 =	vand.u32 $0xFFFFFF80, v42  }
0x82: {  	v5 =	vor.u32 v50, v5;
	v45 =	vor.u32 v51, v6;
	v6 =	vadd.s32 v1, v52  }
0x83: {  	v50 =	vand.u32 $0x7F, v30;
	v30 =	vand.u32 $0xFFFFFF80, v30;
	v52 =	vand.u32 $0x7F, v31  }
0x84: {  	v42 =	vadd.s32 v1, v42;
	v48 =	vor.u32 v13, v6;
	v13 =	vand.u32 $0x7F, v17  }
0x85: {  	v17 =	vand.u32 $0xFFFFFF80, v17;
	v6 =	vadd.s32 v1, v14;
	v14 =	vand.u32 $0xFFFFFF80, v19  }
0x86: {  	v19 =	vand.u32 $0x7F, v19;
	v51 =	vadd.s32 v1, v30;
	v17 =	vadd.s32 v1, v17  }
0x87: {  	v6 =	vor.u32 v53, v6;
	v53 =	vand.u32 $0x7F, v32;
	v17 =	vor.u32 v13, v17  }
0x88: {  	v13 =	vadd.s32 v1, v14;
	v14 =	vand.u32 $0x7F, v20;
	v20 =	vand.u32 $0xFFFFFF80, v20  }
0x89: {  	v19 =	vor.u32 v19, v13;
	v13 =	vand.u32 $0x7F, v21;
	v20 =	vadd.s32 v1, v20  }
0x8a: {  	v21 =	vand.u32 $0xFFFFFF80, v21;
	v46 =	vor.u32 v14, v20;
	v14 =	vand.u32 $0xFFFFFF80, v22  }
0x8b: {  	v54 =	vadd.s32 v1, v21;
	v20 =	vadd.s32 v1, v56;
	v56 =	vand.u32 $0xFFFFFF80, v35  }
0x8c: {  	v14 =	vadd.s32 v1, v14;
	v22 =	vor.u32 v13, v54;
	v13 =	vand.u32 $0x7F, v23  }
0x8d: {  	v54 =	vand.u32 $0xFFFFFF80, v32;
	v21 =	vor.u32 v55, v14;
	v14 =	vand.u32 $0x7F, v24  }
0x8e: {  	v24 =	vor.u32 v13, v20;
	v13 =	vand.u32 $0xFFFFFF80, v25;
	v20 =	vadd.s32 v1, v60  }
0x8f: {  	v55 =	vand.u32 $0xFFFFFF80, v33;
	v60 =	vand.u32 $0xFFFFFF80, v37;
	v25 =	vor.u32 v14, v58  }
0x90: {  	v13 =	vadd.s32 v1, v13;
	v14 =	vand.u32 $0x7F, v26;
	v32 =	vadd.s32 v1, v55  }
0x91: {  	v58 =	vand.u32 $0xFFFFFF80, v36;
	v55 =	vand.u32 $0xFFFFFF80, v38;
	v23 =	vor.u32 v59, v13  }
0x92: {  	v13 =	vand.u32 $0x7F, v27;
	v27 =	vor.u32 v14, v20;
	v14 =	vand.u32 $0xFFFFFF80, v28  }
0x93: {  	v20 =	vadd.s32 v1, v56;
	v59 =	vand.u32 $0x7F, v37;
	v35 =	vadd.s32 v1, v58;
	v37 =	vld.idx.msk [tilespmem:v40+s5+$0x0], $0xffff  }
0x94: {  	v40 =	vld.idx.msk [tilespmem:v41+s6+$0x0], $0xffff;
	v41 =	vor.u32 v61, v42;
	v56 =	vand.u32 $0x7F, v16;
	v58 =	vadd.s32 v1, v55  }
0x95: {  	v16 =	vand.u32 $0xFFFFFF80, v16;
	v28 =	vor.u32 v13, v62;
	v13 =	vadd.s32 v1, v14  }
0x96: {  	v14 =	vand.u32 $0x7F, v29;
	v29 =	vor.u32 v50, v51;
	v62 =	vand.u32 $0x7F, v43  }
0x97: {  	v43 =	vand.u32 $0xFFFFFF80, v43;
	v16 =	vadd.s32 v1, v16;
	v50 =	vadd.s32 $0x25, v4  }
0x98: {  	v46 =	vld.idx.msk [tilespmem:v46+s6+$0x0], $0xffff;
	v26 =	vor.u32 v63, v13;
	v13 =	vadd.s32 v1, v49;
	v63 =	vand.u32 $0x7F, v44  }
0x99: {  	v61 =	vor.u32 v56, v16;
	v13 =	vor.u32 v14, v13;
	v14 =	vand.u32 $0xFFFFFF80, v31;
	v24 =	vld.idx.msk [tilespmem:v24+s5+$0x0], $0xffff  }
0x9a: {  	v16 =	vand.u32 $0x7F, v12;
	v12 =	vand.u32 $0xFFFFFF80, v12;
	v14 =	vadd.s32 v1, v14;
	v25 =	vld.idx.msk [tilespmem:v25+s6+$0x0], $0xffff  }
0x9b: {  	v30 =	vor.u32 v52, v14;
	v14 =	vand.u32 $0x7F, v33;
	v33 =	vor.u32 v57, v20;
	v20 =	vld.idx.msk [tilespmem:v34+s7+$0x0], $0xffff  }
0x9c: {  	v56 =	vadd.s32 $0x26, v4;
	v31 =	vadd.s32 v1, v54;
	v12 =	vadd.s32 v1, v12;
	v23 =	vld.idx.msk [tilespmem:v23+s5+$0x0], $0xffff  }
0x9d: {  	v12 =	vor.u32 v16, v12;
	v16 =	vand.u32 $0x7F, v7;
	v7 =	vand.u32 $0xFFFFFF80, v7;
	v27 =	vld.idx.msk [tilespmem:v27+s7+$0x0], $0xffff  }
0x9e: {  	v31 =	vor.u32 v53, v31;
	v57 =	vand.u32 $0x7F, v38;
	v7 =	vadd.s32 v1, v7;
	v41 =	vld.idx.msk [tilespmem:v41+s5+$0x0], $0xffff  }
0x9f: {  	v37 =	vmul.f32 v40, v37;
	v32 =	vor.u32 v14, v32;
	v14 =	vand.u32 $0x7F, v36;
	v28 =	vld.idx.msk [tilespmem:v28+s5+$0x0], $0xffff  }
0xa0: {  	v36 =	vadd.s32 v1, v60;
	v60 =	vand.u32 $0xFFFFFF80, v15;
	v15 =	vand.u32 $0x7F, v15;
	v29 =	vld.idx.msk [tilespmem:v29+s7+$0x0], $0xffff  }
0xa1: {  	v7 =	vor.u32 v16, v7;
	v16 =	vadd.s32 $0x25, v3;
	v34 =	vor.u32 v59, v36;
	v36 =	vld.idx.msk [tilespmem:v45+s5+$0x0], $0xffff  }
0xa2: {  	v35 =	vor.u32 v14, v35;
	v14 =	vand.u32 $0xFFFFFF80, v39;
	v39 =	vand.u32 $0x7F, v39;
	v45 =	vld.idx.msk [tilespmem:v48+s6+$0x0], $0xffff  }
0xa3: {  	v59 =	vand.u32 $0xFFFFFF80, v18;
	v18 =	vand.u32 $0x7F, v18;
	v26 =	vld.idx.msk [tilespmem:v26+s6+$0x0], $0xffff;
	v48 =	vadd.s32 $0x26, v3  }
0xa4: {  	v51 =	vld.idx.msk [tilespmem:v61+s7+$0x0], $0xffff;
	v14 =	vadd.s32 v1, v14;
	v38 =	vadd.s32 v1, v59;
	v49 =	vand.u32 $0xFFFFFF80, v48  }
0xa5: {  	v59 =	vadd.s32 $0x27, v4;
	v39 =	vor.u32 v39, v14;
	v14 =	vld.idx.msk [tilespmem:v17+s7+$0x0], $0xffff;
	v17 =	vadd.s32 v1, v43  }
0xa6: {  	v43 =	vld.idx.msk [tilespmem:v19+s5+$0x0], $0xffff;
	v19 =	vand.u32 $0xFFFFFF80, v44;
	v18 =	vor.u32 v18, v38;
	v38 =	vadd.s32 v1, v60  }
0xa7: {  	v13 =	vld.idx.msk [tilespmem:v13+s5+$0x0], $0xffff;
	v24 =	vmul.f32 v25, v24;
	v61 =	vand.u32 $0xFFFFFF80, v59;
	v52 =	vor.u32 v62, v17  }
0xa8: {  	v31 =	vld.idx.msk [tilespmem:v31+s6+$0x0], $0xffff;
	v17 =	vand.u32 $0xFFFFFF80, v47;
	v47 =	vand.u32 $0x7F, v47;
	v19 =	vadd.s32 v1, v19  }
0xa9: {  	v12 =	vld.idx.msk [tilespmem:v12+s6+$0x0], $0xffff;
	v15 =	vor.u32 v15, v38;
	v62 =	vand.u32 $0xFFFFFF80, v11;
	v11 =	vand.u32 $0x7F, v11  }
0xaa: {  	v30 =	vld.idx.msk [tilespmem:v30+s5+$0x0], $0xffff;
	v20 =	vmul.f32 v20, v37;
	v37 =	vand.u32 $0x7F, v56;
	v53 =	vadd.s32 v1, v17  }
0xab: {  	v54 =	vor.u32 v63, v19;
	v19 =	vld.idx.msk [tilespmem:v21+s7+$0x0], $0xffff;
	v21 =	vor.u32 v57, v58;
	v38 =	vadd.s32 v1, v62  }
0xac: {  	v17 =	vld.idx.msk [tilespmem:v22+s5+$0x0], $0xffff;
	v63 =	vand.u32 $0xFFFFFF80, v16;
	v16 =	vand.u32 $0x7F, v16;
	v57 =	vand.u32 $0xFFFFFF80, v56  }
0xad: {  	v32 =	vld.idx.msk [tilespmem:v32+s5+$0x0], $0xffff;
	v58 =	vimm.f32 $0.0e+00;
	v47 =	vor.u32 v47, v53;
	v38 =	vor.u32 v11, v38  }
0xae: {  	v11 =	vand.u32 $0xFFFFFF80, v10;
	v10 =	vand.u32 $0x7F, v10;
	v35 =	vld.idx.msk [tilespmem:v35+s5+$0x0], $0xffff;
	v40 =	vadd.s32 v1, v63  }
0xaf: {  	v34 =	vld.idx.msk [tilespmem:v34+s6+$0x0], $0xffff;
	v26 =	vmul.f32 v26, v28;
	v28 =	vadd.s32 v1, v49;
	v11 =	vadd.s32 v1, v11  }
0xb0: {  	v53 =	vand.u32 $0xFFFFFF80, v50;
	v10 =	vor.u32 v10, v11;
	v11 =	vand.u32 $0xFFFFFF80, v9;
	v39 =	vld.idx.msk [tilespmem:v39+s5+$0x0], $0xffff  }
0xb1: {  	v20 =	vadd.f32 v20, v58;
	v9 =	vand.u32 $0x7F, v9;
	v11 =	vadd.s32 v1, v11;
	v44 =	vld.idx.msk [tilespmem:v52+s6+$0x0], $0xffff  }
0xb2: {  	v30 =	vmul.f32 v31, v30;
	v31 =	vand.u32 $0x7F, v48;
	v9 =	vor.u32 v9, v11;
	v21 =	vld.idx.msk [tilespmem:v21+s6+$0x0], $0xffff  }
0xb3: {  	v11 =	vand.u32 $0xFFFFFF80, v8;
	v8 =	vand.u32 $0x7F, v8;
	v22 =	vld.idx.msk [tilespmem:v54+s5+$0x0], $0xffff;
	v28 =	vor.u32 v31, v28  }
0xb4: {  	v54 =	vadd.s32 $0x27, v3;
	v31 =	vand.u32 $0x7F, v50;
	v12 =	vmul.f32 v12, v32;
	v47 =	vld.idx.msk [tilespmem:v47+s5+$0x0], $0xffff  }
0xb5: {  	v15 =	vld.idx.msk [tilespmem:v15+s6+$0x0], $0xffff;
	v11 =	vadd.s32 v1, v11;
	v34 =	vmul.f32 v34, v35;
	v55 =	vand.u32 $0xFFFFFF80, v54  }
0xb6: {  	v18 =	vld.idx.msk [tilespmem:v18+s6+$0x0], $0xffff;
	v8 =	vor.u32 v8, v11;
	v11 =	vmul.f32 v45, v36;
	v45 =	vadd.s32 $0x24, v4  }
0xb7: {  	v33 =	vld.idx.msk [tilespmem:v33+s7+$0x0], $0xffff;
	v36 =	vor.u32 v16, v40;
	v16 =	vmul.f32 v46, v43;
	v46 =	vand.u32 $0xFFFFFF80, v45  }
0xb8: {  	v38 =	vld.idx.msk [tilespmem:v38+s7+$0x0], $0xffff;
	v35 =	vadd.s32 v1, v57;
	v25 =	vand.u32 $0x7F, v45;
	v40 =	vadd.s32 v1, v46  }
0xb9: {  	v35 =	vor.u32 v37, v35;
	v10 =	vld.idx.msk [tilespmem:v10+s7+$0x0], $0xffff;
	v25 =	vor.u32 v25, v40;
	v21 =	vmul.f32 v21, v47  }
0xba: {  	v7 =	vld.idx.msk [tilespmem:v7+s7+$0x0], $0xffff;
	v52 =	vmul.f32 v44, v41;
	v41 =	vadd.s32 v1, v53;
	v15 =	vmul.f32 v15, v39  }
0xbb: {  	v18 =	vmul.f32 v18, v22;
	v31 =	vor.u32 v31, v41;
	v9 =	vld.idx.msk [tilespmem:v9+s6+$0x0], $0xffff;
	v21 =	vmul.f32 v51, v21  }
0xbc: {  	v22 =	vand.u32 $0x7F, v54;
	v41 =	vadd.s32 v1, v55;
	v33 =	vmul.f32 v33, v52;
	v8 =	vld.idx.msk [tilespmem:v8+s7+$0x0], $0xffff  }
0xbd: {  	v22 =	vor.u32 v22, v41;
	v18 =	vmul.f32 v38, v18;
	v60 =	vld.idx.msk [tilespmem:v36+s6+$0x0], $0xffff;
	v21 =	vadd.f32 v21, v58  }
0xbe: {  	v29 =	vmul.f32 v29, v34;
	v20 =	vadd.f32 v33, v20;
	v10 =	vmul.f32 v10, v15;
	v25 =	vld.idx.msk [tilespmem:v25+s7+$0x0], $0xffff  }
0xbf: {  	v28 =	vld.idx.msk [tilespmem:v28+s6+$0x0], $0xffff;
	v15 =	vand.u32 $0x7F, v59;
	v18 =	vadd.f32 v18, v21;
	v21 =	vadd.s32 v1, v61  }
0xc0: {  	v27 =	vmul.f32 v27, v30;
	v62 =	vld.idx.msk [tilespmem:v31+s7+$0x0], $0xffff;
	v20 =	vadd.f32 v29, v20;
	v21 =	vor.u32 v15, v21  }
0xc1: {  	v9 =	vmul.f32 v9, v13;
	v13 =	vld.idx.msk [tilespmem:v5+s7+$0x0], $0xffff;
	v8 =	vmul.f32 v8, v12;
	v10 =	vadd.f32 v10, v18  }
0xc2: {  	v3 =	vadd.s32 $0x8, v3;
	v5 =	vld.idx.msk [tilespmem:v22+s6+$0x0], $0xffff;
	v12 =	vmul.f32 v19, v26;
	v19 =	vadd.f32 v27, v20  }
0xc3: {  	v15 =	vld.idx.msk [tilespmem:v6+s5+$0x0], $0xffff;
	v18 =	vmul.f32 v60, v23;
	v63 =	vmul.f32 v25, v9;
	v8 =	vadd.f32 v8, v10  }
0xc4: {  	v4 =	vadd.s32 $0x8, v4;
	v6 =	vld.idx.msk [tilespmem:v35+s7+$0x0], $0xffff;
	v12 =	vadd.f32 v12, v19;
	v9 =	vmul.f32 v28, v17  }
0xc5: {  	s20 =	simm.s32 $0x0;
	v10 =	vmul.f32 v14, v24;
	v17 =	vmul.f32 v62, v18;
	v14 =	vadd.f32 v63, v8;
	v8 =	vld.idx.msk [tilespmem:v21+s7+$0x0], $0xffff  }
.LBB2_3:
0xc6: {  	v18 =	vadd.s32 $0x7, v4;
	v13 =	vmul.f32 v13, v16  }
0xc7: {  	v16 =	vadd.s32 $0x7, v3;
	v20 =	vadd.s32 $0x27, v2;
	v22 =	vadd.s32 $0x5, v4  }
0xc8: {  	v23 =	vadd.s32 $0x25, v4;
	v24 =	vadd.s32 $0x6, v2;
	v26 =	vadd.s32 $0x6, v3  }
0xc9: {  	v27 =	vadd.s32 $0x26, v2;
	v28 =	vadd.s32 $0x4, v4;
	v29 =	vadd.s32 $0x24, v4  }
0xca: {  	v34 =	vadd.s32 $0x26, v3;
	v35 =	vadd.s32 $0x5, v2;
	v38 =	vadd.s32 $0x5, v3  }
0xcb: {  	v40 =	vadd.s32 $0x25, v2;
	v41 =	vadd.s32 $0x3, v4;
	v43 =	vadd.s32 $0x23, v4  }
0xcc: {  	v44 =	vadd.s32 $0x25, v3;
	v46 =	vadd.s32 $0x4, v2;
	v48 =	vadd.s32 $0x4, v3  }
0xcd: {  	v49 =	vadd.s32 $0x24, v2;
	v51 =	vadd.s32 $0x22, v4;
	v52 =	vadd.s32 $0x24, v3  }
0xce: {  	v53 =	vadd.s32 $0x3, v2;
	v54 =	vadd.s32 $0x3, v3;
	v56 =	vand.u32 $0x7F, v4  }
0xcf: {  	v57 =	vadd.s32 $0x23, v3;
	v58 =	vand.u32 $0xFFFFFF80, v4;
	v10 =	vadd.f32 v10, v12  }
0xd0: {  	v59 =	vand.u32 $0x7F, v2;
	v12 =	vadd.f32 v17, v14;
	v6 =	vmul.f32 v6, v9  }
0xd1: {  	v10 =	vadd.f32 v13, v10;
	v5 =	vmul.f32 v5, v15;
	v7 =	vmul.f32 v7, v11  }
0xd2: {  	v60 =	vand.u32 $0x7F, v3;
	v61 =	vand.u32 $0xFFFFFF80, v2;
	v62 =	vand.u32 $0xFFFFFF80, v3  }
0xd3: {  	v6 =	vadd.f32 v6, v12;
	v8 =	vmul.f32 v8, v5;
	v0 =	vadd.f32 v7, v10  }
0xd4: {  	v14 =	vadd.s32 $0x6, v4;
	v19 =	vand.u32 $0x7F, v16;
	v30 =	vand.u32 $0x7F, v20  }
0xd5: {  	v25 =	vand.u32 $0x7F, v26;
	v31 =	vand.u32 $0x7F, v27;
	[tilespmem:$0x1FFC0] =	vst v0;
	v0 =	vadd.f32 v8, v6  }
0xd6: {  	v17 =	vand.u32 $0xFFFFFF80, v40;
	v61 =	vadd.s32 v1, v61;
	v62 =	vadd.s32 v1, v62  }
0xd7: {  	v9 =	vadd.s32 $0x27, v4;
	v63 =	vand.u32 $0x7F, v14;
	[tilespmem:$0x1FFD0] =	vst v0;
	v0 =	vadd.s32 $0x1, v3  }
0xd8: {  	v13 =	vadd.s32 $0x7, v2;
	v12 =	vadd.s32 $0x26, v4;
	[tilespmem:$0x1FE50] =	vst v0;
	v0 =	vadd.s32 $0x21, v2  }
0xd9: {  	v15 =	vand.u32 $0x7F, v13;
	v13 =	vand.u32 $0xFFFFFF80, v13;
	[tilespmem:$0x1FE60] =	vst v0;
	v0 =	vadd.s32 $0x21, v3  }
0xda: {  	v11 =	vand.u32 $0xFFFFFF80, v20;
	v20 =	vand.u32 $0x7F, v28;
	[tilespmem:$0x1FE70] =	vst v0;
	v0 =	vadd.s32 $0x20, v2  }
0xdb: {  	v10 =	vadd.s32 $0x27, v3;
	v5 =	vand.u32 $0xFFFFFF80, v14;
	[tilespmem:$0x1FE80] =	vst v0;
	v0 =	vadd.s32 $0x20, v3  }
0xdc: {  	v14 =	vand.u32 $0xFFFFFF80, v27;
	v27 =	vand.u32 $0x7F, v40;
	[tilespmem:$0x1FE90] =	vst v0;
	v0 =	vand.u32 $0x7F, v18  }
0xdd: {  	v7 =	vand.u32 $0xFFFFFF80, v28;
	v28 =	vand.u32 $0x7F, v54;
	[tilespmem:$0x1FF40] =	vst v0;
	v0 =	vand.u32 $0xFFFFFF80, v18  }
0xde: {  	v40 =	vand.u32 $0x7F, v57;
	v5 =	vadd.s32 v1, v5;
	[tilespmem:$0x1FEA0] =	vst v0;
	v0 =	vand.u32 $0xFFFFFF80, v9  }
0xdf: {  	v14 =	vadd.s32 v1, v14;
	v7 =	vadd.s32 v1, v7;
	[tilespmem:$0x1FEB0] =	vst v0;
	v0 =	vand.u32 $0x7F, v9  }
0xe0: {  	v8 =	vand.u32 $0xFFFFFF80, v16;
	v16 =	vand.u32 $0x7F, v22;
	[tilespmem:$0x1FFE0] =	vst v0;
	v0 =	vand.u32 $0x7F, v12  }
0xe1: {  	v6 =	vand.u32 $0xFFFFFF80, v22;
	v22 =	vand.u32 $0x7F, v35;
	[tilespmem:$0x1FFB0] =	vst v0;
	v0 =	vand.u32 $0x7F, v10  }
0xe2: {  	v35 =	vand.u32 $0xFFFFFF80, v35;
	v14 =	vor.u32 v31, v14;
	[tilespmem:$0x1FFA0] =	vst v0;
	v0 =	vand.u32 $0xFFFFFF80, v12  }
0xe3: {  	v20 =	vor.u32 v20, v7;
	v6 =	vadd.s32 v1, v6;
	[tilespmem:$0x1FEC0] =	vst v0;
	v0 =	vand.u32 $0xFFFFFF80, v10  }
0xe4: {  	v7 =	vadd.s32 v1, v35;
	v6 =	vor.u32 v16, v6;
	[tilespmem:$0x1FED0] =	vst v0;
	v0 =	vand.u32 $0x7F, v23  }
0xe5: {  	v22 =	vor.u32 v22, v7;
	v18 =	vand.u32 $0x7F, v24;
	[tilespmem:$0x1FF90] =	vst v0;
	v0 =	vand.u32 $0x7F, v34  }
0xe6: {  	v9 =	vand.u32 $0xFFFFFF80, v24;
	v24 =	vand.u32 $0x7F, v46;
	[tilespmem:$0x1FF80] =	vst v0;
	v0 =	vand.u32 $0xFFFFFF80, v23  }
0xe7: {  	v12 =	vand.u32 $0xFFFFFF80, v38;
	v10 =	vand.u32 $0xFFFFFF80, v26;
	[tilespmem:$0x1FEE0] =	vst v0;
	v0 =	vand.u32 $0xFFFFFF80, v34  }
0xe8: {  	v26 =	vand.u32 $0x7F, v48;
	v7 =	vadd.s32 v1, v12;
	[tilespmem:$0x1FEF0] =	vst v0;
	v0 =	vand.u32 $0x7F, v29  }
0xe9: {  	v23 =	vand.u32 $0x7F, v38;
	v38 =	vand.u32 $0x7F, v51;
	[tilespmem:$0x1FF70] =	vst v0;
	v0 =	vand.u32 $0x7F, v44  }
0xea: {  	v12 =	vor.u32 v23, v7;
	v7 =	vadd.s32 v1, v17;
	[tilespmem:$0x1FF60] =	vst v0;
	v0 =	vand.u32 $0xFFFFFF80, v29  }
0xeb: {  	v34 =	vand.u32 $0xFFFFFF80, v52;
	v35 =	vor.u32 v27, v7;
	[tilespmem:$0x1FF00] =	vst v0;
	v0 =	vand.u32 $0xFFFFFF80, v44  }
0xec: {  	v44 =	vand.u32 $0x7F, v41;
	v41 =	vand.u32 $0xFFFFFF80, v41;
	[tilespmem:$0x1FF10] =	vst v0;
	v0 =	vand.u32 $0x7F, v43  }
0xed: {  	v29 =	vand.u32 $0x7F, v49;
	v17 =	vadd.s32 v1, v41;
	[tilespmem:$0x1FF50] =	vst v0;
	v0 =	vand.u32 $0x7F, v52  }
0xee: {  	v52 =	vand.u32 $0x7F, v53;
	v17 =	vor.u32 v44, v17;
	[tilespmem:$0x1FF30] =	vst v0;
	v0 =	vand.u32 $0xFFFFFF80, v43  }
0xef: {  	v43 =	vand.u32 $0xFFFFFF80, v46;
	v46 =	vand.u32 $0xFFFFFF80, v48;
	v48 =	vand.u32 $0xFFFFFF80, v49  }
0xf0: {  	[tilespmem:$0x1FF20] =	vst v0;
	v0 =	vadd.s32 v1, v58;
	v58 =	vand.u32 $0xFFFFFF80, v51;
	v51 =	vor.u32 v59, v61  }
0xf1: {  	v59 =	vand.u32 $0xFFFFFF80, v54;
	v54 =	vand.u32 $0xFFFFFF80, v57;
	v57 =	vor.u32 v63, v5  }
0xf2: {  	v44 =	vld [tilespmem:$0x1FE50];
	v5 =	vadd.s32 v1, v13;
	v46 =	vadd.s32 v1, v46;
	v48 =	vadd.s32 v1, v48  }
0xf3: {  	v0 =	vor.u32 v56, v0;
	v56 =	vand.u32 $0xFFFFFF80, v53;
	v15 =	vor.u32 v15, v5  }
0xf4: {  	v22 =	vld.idx.msk [tilespmem:v22+s5+$0x0], $0xffff;
	v5 =	vadd.s32 v1, v8;
	v8 =	vadd.s32 v1, v9;
	v59 =	vadd.s32 v1, v59  }
0xf5: {  	v12 =	vld.idx.msk [tilespmem:v12+s6+$0x0], $0xffff;
	v16 =	vor.u32 v18, v8;
	v8 =	vadd.s32 v1, v10;
	v56 =	vadd.s32 v1, v56  }
0xf6: {  	v10 =	vor.u32 v25, v8;
	v25 =	vor.u32 v26, v46;
	v31 =	vor.u32 v52, v56;
	v52 =	vld [tilespmem:$0x1FE80]  }
0xf7: {  	v27 =	vand.u32 $0x7F, v44;
	v26 =	vor.u32 v29, v48;
	v48 =	vand.u32 $0xFFFFFF80, v44;
	v44 =	vld [tilespmem:$0x1FEA0]  }
0xf8: {  	v53 =	vor.u32 v60, v62;
	v28 =	vor.u32 v28, v59;
	v59 =	vadd.s32 v1, v48;
	v48 =	vld [tilespmem:$0x1FEB0]  }
0xf9: {  	v19 =	vor.u32 v19, v5;
	v5 =	vadd.s32 v1, v11;
	v11 =	vld.idx.msk [tilespmem:v51+s5+$0x0], $0xffff  }
0xfa: {  	v13 =	vld.idx.msk [tilespmem:v57+s7+$0x0], $0xffff  }
0xfb: {  	v57 =	vld [tilespmem:$0x1FE70]  }
0xfc: {  	v55 =	vadd.s32 $0x23, v2;
	v0 =	vld.idx.msk [tilespmem:v0+s7+$0x0], $0xffff  }
0xfd: {  	v47 =	vadd.s32 $0x1, v4;
	v21 =	vadd.s32 $0x21, v4;
	v30 =	vor.u32 v30, v5;
	v5 =	vld.idx.msk [tilespmem:v53+s6+$0x0], $0xffff  }
0xfe: {  	v32 =	vadd.s32 $0x2, v2;
	v33 =	vand.u32 $0x7F, v55;
	v61 =	vand.u32 $0x7F, v47;
	v8 =	vld.idx.msk [tilespmem:v15+s5+$0x0], $0xffff  }
0xff: {  	v60 =	vand.u32 $0xFFFFFF80, v55;
	v55 =	vand.u32 $0x7F, v21;
	v18 =	vand.u32 $0xFFFFFF80, v47;
	v47 =	vld.idx.msk [tilespmem:v19+s6+$0x0], $0xffff  }
0x100: {  	v62 =	vand.u32 $0x7F, v32;
	v19 =	vand.u32 $0xFFFFFF80, v21;
	v21 =	vand.u32 $0xFFFFFF80, v32;
	v32 =	vld.idx.msk [tilespmem:v6+s7+$0x0], $0xffff  }
0x101: {  	v42 =	vadd.s32 $0x22, v2;
	v51 =	vld.idx.msk [tilespmem:v16+s5+$0x0], $0xffff  }
0x102: {  	v45 =	vadd.s32 $0x2, v3;
	v9 =	vand.u32 $0x7F, v42;
	v16 =	vand.u32 $0xFFFFFF80, v42;
	v42 =	vld.idx.msk [tilespmem:v20+s7+$0x0], $0xffff  }
0x103: {  	v63 =	vand.u32 $0x7F, v45;
	v6 =	vand.u32 $0xFFFFFF80, v45;
	v45 =	vadd.s32 v1, v43;
	v43 =	vld [tilespmem:$0x1FE60]  }
0x104: {  	v28 =	vld.idx.msk [tilespmem:v28+s6+$0x0], $0xffff  }
0x105: {  	v50 =	vadd.s32 $0x2, v4;
	v15 =	vld.idx.msk [tilespmem:v30+s5+$0x0], $0xffff  }
0x106: {  	v39 =	vadd.s32 $0x22, v3;
	v49 =	vand.u32 $0x7F, v50;
	v7 =	vld.idx.msk [tilespmem:v10+s6+$0x0], $0xffff  }
0x107: {  	v50 =	vand.u32 $0xFFFFFF80, v50;
	v53 =	vand.u32 $0x7F, v39;
	v10 =	vand.u32 $0xFFFFFF80, v39;
	v39 =	vld.idx.msk [tilespmem:v14+s5+$0x0], $0xffff  }
0x108: {  	v50 =	vadd.s32 v1, v50;
	v24 =	vor.u32 v24, v45;
	v45 =	vld.idx.msk [tilespmem:v35+s5+$0x0], $0xffff  }
0x109: {  	v18 =	vadd.s32 v1, v18;
	v30 =	vor.u32 v49, v50;
	v50 =	vld.idx.msk [tilespmem:v17+s7+$0x0], $0xffff  }
0x10a: {  	v46 =	vadd.s32 v1, v60;
	v18 =	vor.u32 v61, v18;
	v25 =	vld.idx.msk [tilespmem:v25+s6+$0x0], $0xffff  }
0x10b: {  	v37 =	vadd.s32 $0x20, v4;
	v35 =	vor.u32 v33, v46;
	v33 =	vld.idx.msk [tilespmem:v26+s5+$0x0], $0xffff  }
0x10c: {  	v27 =	vor.u32 v27, v59;
	v14 =	vand.u32 $0x7F, v37;
	v31 =	vld.idx.msk [tilespmem:v31+s5+$0x0], $0xffff  }
0x10d: {  	v17 =	vand.u32 $0xFFFFFF80, v37;
	v56 =	vand.u32 $0x7F, v52;
	v60 =	vand.u32 $0xFFFFFF80, v52;
	v52 =	vld [tilespmem:$0x1FED0]  }
0x10e: {  	v21 =	vadd.s32 v1, v21;
	v23 =	vand.u32 $0x7F, v57;
	v41 =	vand.u32 $0xFFFFFF80, v57;
	v57 =	vld [tilespmem:$0x1FE90]  }
0x10f: {  	v6 =	vadd.s32 v1, v6;
	v16 =	vadd.s32 v1, v16;
	v21 =	vor.u32 v62, v21;
	v18 =	vld.idx.msk [tilespmem:v18+s7+$0x0], $0xffff  }
0x110: {  	v6 =	vor.u32 v63, v6;
	v61 =	vadd.s32 v1, v60;
	v17 =	vadd.s32 v1, v17;
	v60 =	vld [tilespmem:$0x1FF00]  }
0x111: {  	v10 =	vadd.s32 v1, v10;
	v63 =	vor.u32 v56, v61;
	v14 =	vor.u32 v14, v17;
	v17 =	vld.idx.msk [tilespmem:v27+s6+$0x0], $0xffff  }
0x112: {  	v9 =	vor.u32 v9, v16;
	v10 =	vor.u32 v53, v10;
	v53 =	vld [tilespmem:$0x1FEE0];
	v56 =	vadd.s32 v1, v54  }
0x113: {  	v61 =	vld [tilespmem:$0x1FF10];
	v5 =	vmul.f32 v5, v11;
	v29 =	vand.u32 $0x7F, v43;
	v62 =	vand.u32 $0xFFFFFF80, v57  }
0x114: {  	v11 =	vld [tilespmem:$0x1FF50];
	v49 =	vand.u32 $0xFFFFFF80, v43;
	v16 =	vand.u32 $0x7F, v57;
	v43 =	vadd.s32 v1, v62  }
0x115: {  	v40 =	vor.u32 v40, v56;
	v56 =	vld [tilespmem:$0x1FF80];
	v26 =	vadd.s32 v1, v49;
	v16 =	vor.u32 v16, v43  }
0x116: {  	v26 =	vor.u32 v29, v26;
	v29 =	vld.idx.msk [tilespmem:v63+s5+$0x0], $0xffff  }
0x117: {  	v63 =	vld [tilespmem:$0x1FF30]  }
0x118: {  	v24 =	vld.idx.msk [tilespmem:v24+s5+$0x0], $0xffff  }
0x119: {  	v30 =	vld.idx.msk [tilespmem:v30+s7+$0x0], $0xffff  }
0x11a: {  	v36 =	vadd.s32 $0x1, v2;
	v59 =	vld.idx.msk [tilespmem:v16+s6+$0x0], $0xffff;
	v16 =	vadd.s32 v1, v58  }
0x11b: {  	v20 =	vand.u32 $0x7F, v36;
	v35 =	vld.idx.msk [tilespmem:v35+s5+$0x0], $0xffff;
	v38 =	vor.u32 v38, v16;
	v16 =	vadd.s32 v1, v34  }
0x11c: {  	v36 =	vand.u32 $0xFFFFFF80, v36;
	v27 =	vadd.s32 v1, v52;
	v52 =	vor.u32 v63, v16;
	v16 =	vld [tilespmem:$0x1FF40]  }
0x11d: {  	v36 =	vadd.s32 v1, v36;
	v49 =	vld [tilespmem:$0x1FEC0]  }
0x11e: {  	v20 =	vor.u32 v20, v36;
	v21 =	vld.idx.msk [tilespmem:v21+s5+$0x0], $0xffff  }
0x11f: {  	v6 =	vld.idx.msk [tilespmem:v6+s6+$0x0], $0xffff  }
0x120: {  	v37 =	vadd.s32 v1, v44;
	v19 =	vadd.s32 v1, v19;
	v62 =	vld [tilespmem:$0x1FF20]  }
0x121: {  	v19 =	vor.u32 v55, v19;
	v37 =	vor.u32 v16, v37;
	v16 =	vld [tilespmem:$0x1FF60]  }
0x122: {  	v9 =	vld.idx.msk [tilespmem:v9+s5+$0x0], $0xffff  }
0x123: {  	v46 =	vadd.s32 v1, v41;
	v20 =	vld.idx.msk [tilespmem:v20+s5+$0x0], $0xffff  }
0x124: {  	v23 =	vor.u32 v23, v46;
	v44 =	vadd.s32 v1, v60;
	v60 =	vld [tilespmem:$0x1FFA0]  }
0x125: {  	v10 =	vld.idx.msk [tilespmem:v10+s6+$0x0], $0xffff;
	v36 =	vadd.s32 v1, v49;
	v49 =	vadd.s32 v1, v62;
	v34 =	vadd.s32 v1, v61  }
0x126: {  	v49 =	vor.u32 v11, v49;
	v11 =	vmul.f32 v47, v8;
	v8 =	vld.idx.msk [tilespmem:v19+s7+$0x0], $0xffff;
	v19 =	vor.u32 v16, v34  }
0x127: {  	v57 =	vld [tilespmem:$0x1FEF0]  }
0x128: {  	v14 =	vld.idx.msk [tilespmem:v14+s7+$0x0], $0xffff  }
0x129: {  	v23 =	vld.idx.msk [tilespmem:v23+s6+$0x0], $0xffff  }
0x12a: {  	v43 =	vadd.s32 v1, v53;
	v53 =	vld [tilespmem:$0x1FF70]  }
0x12b: {  	v9 =	vmul.f32 v10, v9;
	v10 =	vld.idx.msk [tilespmem:v19+s6+$0x0], $0xffff  }
0x12c: {  	v19 =	vld [tilespmem:$0x1FFC0]  }
0x12d: {  	v26 =	vld.idx.msk [tilespmem:v26+s5+$0x0], $0xffff;
	v17 =	vmul.f32 v17, v20  }
0x12e: {  	v54 =	vmul.f32 v59, v29;
	v59 =	vld [tilespmem:$0x1FF90]  }
0x12f: {  	v0 =	vmul.f32 v0, v5;
	v17 =	vmul.f32 v18, v17;
	v18 =	vld [tilespmem:$0x1FFB0]  }
0x130: {  	v62 =	vld [tilespmem:$0x1FFE0]  }
0x131: {  	v4 =	vadd.s32 $0x8, v4;
	v0 =	vadd.f32 v0, v19;
	v19 =	vld [tilespmem:$0x1FFD0]  }
0x132: {  	v55 =	vld.idx.msk [tilespmem:v38+s7+$0x0], $0xffff;
	v16 =	vmul.f32 v7, v51;
	v51 =	vmul.f32 v28, v31;
	v28 =	vor.u32 v53, v44  }
0x133: {  	v46 =	vadd.s32 v1, v57;
	v57 =	vmul.f32 v23, v26;
	v26 =	vor.u32 v59, v43;
	v7 =	vld.idx.msk [tilespmem:v40+s6+$0x0], $0xffff  }
0x134: {  	v6 =	vmul.f32 v6, v21;
	v21 =	vor.u32 v56, v46;
	v58 =	vld.idx.msk [tilespmem:v52+s6+$0x0], $0xffff;
	v5 =	vmul.f32 v14, v54  }
0x135: {  	v12 =	vmul.f32 v12, v22;
	v41 =	vadd.s32 v1, v48;
	v24 =	vmul.f32 v25, v24;
	v14 =	vld.idx.msk [tilespmem:v49+s7+$0x0], $0xffff  }
0x136: {  	v18 =	vor.u32 v18, v36;
	v8 =	vmul.f32 v8, v57;
	v5 =	vadd.f32 v5, v19  }
0x137: {  	v25 =	vor.u32 v60, v27;
	v6 =	vmul.f32 v30, v6;
	v0 =	vadd.f32 v17, v0;
	v19 =	vld.idx.msk [tilespmem:v28+s7+$0x0], $0xffff  }
0x138: {  	s20 =	sadd.s32 $0x8, s20;
	v9 =	vmul.f32 v55, v9;
	v7 =	vmul.f32 v7, v35;
	v17 =	vld.idx.msk [tilespmem:v26+s7+$0x0], $0xffff;
	v8 =	vadd.f32 v8, v5  }
0x139: {  	p0 =	slt.u32 s20, $0x18;
	v61 =	vld.idx.msk [tilespmem:v21+s6+$0x0], $0xffff;
	v21 =	vor.u32 v62, v41;
	v22 =	vmul.f32 v50, v51;
	v0 =	vadd.f32 v6, v0  }
.Ltmp0:
0x13a: {  	v23 =	vmul.f32 v58, v33;
	v8 =	vadd.f32 v9, v8;
	v9 =	vmul.f32 v14, v7;
	(pc) =	sbr.rel @p0 .LBB2_3-.Ltmp0, $4  }
0x13b: {  	v2 =	vadd.s32 $0x8, v2;
	v6 =	vld.idx.msk [tilespmem:v18+s7+$0x0], $0xffff;
	v18 =	vmul.f32 v10, v45;
	v0 =	vadd.f32 v22, v0  }
0x13c: {  	v5 =	vld.idx.msk [tilespmem:v25+s6+$0x0], $0xffff;
	v14 =	vmul.f32 v42, v24;
	v19 =	vmul.f32 v19, v23;
	v63 =	vadd.f32 v9, v8  }
0x13d: {  	v3 =	vadd.s32 $0x8, v3;
	v10 =	vmul.f32 v32, v12;
	v17 =	vmul.f32 v17, v18;
	v7 =	vld.idx.msk [tilespmem:v37+s7+$0x0], $0xffff  }
0x13e: {  	v8 =	vld.idx.msk [tilespmem:v21+s7+$0x0], $0xffff;
	v9 =	vmul.f32 v61, v39;
	v12 =	vadd.f32 v14, v0;
	v14 =	vadd.f32 v19, v63  }
0x13f: {  	_ = 	snop  }
0x140: {  	v0 =	vmul.f32 v13, v16;
	v2 =	vadd.f32 v10, v12  }
0x141: {  	v3 =	vadd.f32 v17, v14;
	v4 =	vmul.f32 v6, v9;
	v1 =	vmul.f32 v5, v15  }
0x142: {  	v62 =	vmul.f32 v7, v11  }
0x143: {  	s19 =	sadd.s32 $0x1, s19;
	v0 =	vadd.f32 v0, v2;
	v63 =	vadd.f32 v4, v3;
	v1 =	vmul.f32 v8, v1  }
0x144: {  	p0 =	sne.s32 s19, $0x8  }
.Ltmp1:
0x145: {  	v0 =	vadd.f32 v62, v0;
	v1 =	vadd.f32 v1, v63;
	(pc) =	sbr.rel @p0 .LBB2_2-.Ltmp1, $3  }
0x146: {  	_ = 	snop  }
0x147: {  	v0 =	vadd.f32 v1, v0;
	_ =	sdelay $0x1  }
0x148: {  	[tilespmem:s18+$0x18500] =	vst v0;
	s18 =	sadd.s32 $0x10, s18  }
0x149: {  	_ =	swait.ge [sflag:s14], $0x4000  }
0x14a: {  	[sflag:s14] =	ssyncset.done $0x0  }
0x14b: {  	[sflag:s14] =	ssyncadd.s32 $0xFFFFC000  }
0x14c: {  	_ =	swait.ge [sflag:s15], $0x4000  }
0x14d: {  	[sflag:s15] =	ssyncset.done $0x0  }
0x14e: {  	[sflag:s15] =	ssyncadd.s32 $0xFFFFC000  }
0x14f: {  	_ =	swait.ge [sflag:s16], $0x4000  }
0x150: {  	[sflag:s16] =	ssyncset.done $0x0  }
0x151: {  	s18 =	simm.s32 $0x0;
	s19 =	rddreg [dreg:$0xf];
	[sflag:s16] =	ssyncadd.s32 $0xFFFFC000  }
0x152: {  	[tilespmem:s18], [sflag:$0x7] =	stream.linear.gather [hbm4b:s19+s18], $0x80, $0x38;
	[tilespmem:$0x18700] =	vst v63  }
0x153: {  	_ =	swait.ge [sflag:s2], $0x80  }
0x154: {  	[sflag:s2] =	ssyncset.done $0x0  }
0x155: {  	s19 =	simm.s32 $0x80;
	s20 =	rddreg [dreg:$0x10];
	[sflag:s2] =	ssyncadd.s32 $0xFFFFFF80  }
0x156: {  	[tilespmem:s19], [sflag:$0x7] =	stream.linear.gather [hbm4b:s20+s18], $0x80, $0x38;
	[tilespmem:$0x18700] =	vst v63  }
0x157: {  	_ =	swait.ge [sflag:s2], $0x80  }
0x158: {  	[sflag:s2] =	ssyncset.done $0x0  }
0x159: {  	s20 =	rddreg [dreg:$0x11];
	[sflag:s2] =	ssyncadd.s32 $0xFFFFFF80  }
0x15a: {  	[tilespmem:s4], [sflag:$0x7] =	stream.linear.gather [hbm4b:s20+s18], $0x80, $0x38;
	[tilespmem:$0x18700] =	vst v63  }
0x15b: {  	_ =	swait.ge [sflag:s2], $0x80  }
0x15c: {  	[sflag:s2] =	ssyncset.done $0x0  }
0x15d: {  	s20 =	rddreg [dreg:$0x12];
	[sflag:s2] =	ssyncadd.s32 $0xFFFFFF80  }
0x15e: {  	[tilespmem:s21], [sflag:$0x7] =	stream.linear.gather [hbm4b:s20+s18], $0x80, $0x38;
	[tilespmem:$0x18700] =	vst v63  }
0x15f: {  	_ =	swait.ge [sflag:s2], $0x80  }
0x160: {  	[sflag:s2] =	ssyncset.done $0x0  }
0x161: {  	s21 =	simm.s32 $0x280;
	s20 =	rddreg [dreg:$0x13];
	[sflag:s2] =	ssyncadd.s32 $0xFFFFFF80  }
0x162: {  	[tilespmem:s21], [sflag:$0x7] =	stream.linear.gather [hbm4b:s20+s18], $0x80, $0x38;
	[tilespmem:$0x18700] =	vst v63  }
0x163: {  	_ =	swait.ge [sflag:s2], $0x80  }
0x164: {  	[sflag:s2] =	ssyncset.done $0x0  }
0x165: {  	s21 =	simm.s32 $0x300;
	s20 =	rddreg [dreg:$0x14];
	[sflag:s2] =	ssyncadd.s32 $0xFFFFFF80  }
0x166: {  	[tilespmem:s21], [sflag:$0x7] =	stream.linear.gather [hbm4b:s20+s18], $0x80, $0x38;
	[tilespmem:$0x18700] =	vst v63  }
0x167: {  	_ =	swait.ge [sflag:s2], $0x80  }
0x168: {  	[sflag:s2] =	ssyncset.done $0x0  }
0x169: {  	[sflag:s2] =	ssyncadd.s32 $0xFFFFFF80  }
0x16a: {  	[tilespmem:s5], [sflag:$0x1] =	stream.indirect.gather [hbm4b:s26+s19], $0x80, s18, s19, $0xb8;
	[tilespmem:$0x18700] =	vst v63  }
0x16b: {  	_ = 	snop  }
0x16c: {  	[tilespmem:s6], [sflag:$0x2] =	stream.indirect.gather [hbm4b:s28+s19], $0x80, s19, s19, $0xb8;
	[tilespmem:$0x18700] =	vst v63  }
0x16d: {  	s20 =	simm.s32 $0x0  }
0x16e: {  	[tilespmem:s7], [sflag:$0x3] =	stream.indirect.gather [hbm4b:s30+s19], $0x80, s4, s19, $0xb8;
	[tilespmem:$0x18700] =	vst v63  }
.LBB2_6:
0x16f: {  	v2 =	vld [tilespmem:s18+$0x380]  }
0x170: {  	v4 =	vld [tilespmem:s18+$0x480]  }
0x171: {  	v1 =	vld [tilespmem:$0x1FFF0]  }
0x172: {  	v3 =	vld [tilespmem:s18+$0x400];
	_ =	sdelay $0x1  }
0x173: {  	v0 =	vmov s18  }
0x174: {  	v0 =	vshll.u32 v0, $0x7  }
0x175: {  	v1 =	vor.u32 v1, v0;
	v7 =	vadd.s32 $0x7, v4;
	v0 =	vadd.s32 $0x6, v4  }
0x176: {  	v5 =	vadd.s32 $0x7, v2;
	v6 =	vadd.s32 $0x7, v3;
	v13 =	vadd.s32 $0x27, v2  }
0x177: {  	v14 =	vadd.s32 $0x5, v4;
	v17 =	vadd.s32 $0x6, v2;
	v19 =	vadd.s32 $0x6, v3  }
0x178: {  	v20 =	vadd.s32 $0x26, v2;
	v21 =	vadd.s32 $0x4, v4;
	v22 =	vadd.s32 $0x5, v2  }
0x179: {  	v23 =	vadd.s32 $0x5, v3;
	v24 =	vadd.s32 $0x25, v2;
	v25 =	vadd.s32 $0x3, v4  }
0x17a: {  	v8 =	vadd.s32 $0x23, v4;
	v26 =	vadd.s32 $0x4, v2;
	v27 =	vadd.s32 $0x4, v3  }
0x17b: {  	v28 =	vadd.s32 $0x24, v2;
	v29 =	vadd.s32 $0x2, v4;
	v10 =	vadd.s32 $0x22, v4  }
0x17c: {  	v9 =	vadd.s32 $0x24, v3;
	v30 =	vadd.s32 $0x3, v2;
	v31 =	vadd.s32 $0x3, v3  }
0x17d: {  	v32 =	vadd.s32 $0x23, v2;
	v33 =	vand.u32 $0x7F, v4;
	v34 =	vadd.s32 $0x1, v4  }
0x17e: {  	v12 =	vadd.s32 $0x23, v3;
	v11 =	vadd.s32 $0x21, v4;
	v35 =	vadd.s32 $0x2, v2  }
0x17f: {  	v36 =	vadd.s32 $0x2, v3;
	v37 =	vand.u32 $0xFFFFFF80, v4;
	v38 =	vadd.s32 $0x22, v2  }
0x180: {  	v15 =	vadd.s32 $0x22, v3;
	v39 =	vand.u32 $0x7F, v2;
	v40 =	vand.u32 $0x7F, v3  }
0x181: {  	v16 =	vadd.s32 $0x20, v4;
	v41 =	vadd.s32 $0x1, v2;
	v42 =	vadd.s32 $0x1, v3  }
0x182: {  	v43 =	vadd.s32 $0x21, v2;
	v44 =	vand.u32 $0xFFFFFF80, v2;
	v45 =	vand.u32 $0xFFFFFF80, v3  }
0x183: {  	v18 =	vadd.s32 $0x21, v3;
	v46 =	vadd.s32 $0x20, v2;
	v2 =	vadd.s32 $0x8, v2  }
0x184: {  	v37 =	vadd.s32 v1, v37;
	v44 =	vadd.s32 v1, v44;
	v60 =	vadd.s32 v1, v45  }
0x185: {  	v61 =	vand.u32 $0x7F, v0;
	v0 =	vand.u32 $0xFFFFFF80, v0;
	v62 =	vand.u32 $0x7F, v5  }
0x186: {  	v47 =	vand.u32 $0xFFFFFF80, v5;
	v48 =	vand.u32 $0x7F, v13;
	v13 =	vand.u32 $0xFFFFFF80, v13  }
0x187: {  	v49 =	vand.u32 $0x7F, v14;
	v14 =	vand.u32 $0xFFFFFF80, v14;
	v50 =	vand.u32 $0x7F, v19  }
0x188: {  	v19 =	vand.u32 $0xFFFFFF80, v19;
	v51 =	vand.u32 $0xFFFFFF80, v21;
	v21 =	vand.u32 $0x7F, v21  }
0x189: {  	v52 =	vand.u32 $0xFFFFFF80, v22;
	v53 =	vand.u32 $0x7F, v23;
	v23 =	vand.u32 $0xFFFFFF80, v23  }
0x18a: {  	v55 =	vand.u32 $0x7F, v24;
	v56 =	vand.u32 $0x7F, v25;
	v57 =	vand.u32 $0xFFFFFF80, v25  }
0x18b: {  	v58 =	vand.u32 $0xFFFFFF80, v26;
	v59 =	vand.u32 $0xFFFFFF80, v27;
	v33 =	vor.u32 v33, v37  }
0x18c: {  	v37 =	vadd.s32 $0x20, v3;
	v39 =	vor.u32 v39, v44;
	v40 =	vor.u32 v40, v60  }
0x18d: {  	v0 =	vadd.s32 v1, v0;
	v63 =	vadd.s32 v1, v47;
	v14 =	vadd.s32 v1, v14  }
0x18e: {  	v19 =	vadd.s32 v1, v19;
	v45 =	vadd.s32 v1, v51;
	v54 =	vadd.s32 v1, v23  }
0x18f: {  	v25 =	vadd.s32 v1, v58;
	v60 =	vand.u32 $0x7F, v27;
	v51 =	vand.u32 $0x7F, v31  }
0x190: {  	v58 =	vand.u32 $0x7F, v36;
	v5 =	vor.u32 v61, v0;
	v0 =	vand.u32 $0xFFFFFF80, v6  }
0x191: {  	v6 =	vand.u32 $0x7F, v6;
	v44 =	vor.u32 v62, v63;
	v14 =	vor.u32 v49, v14  }
0x192: {  	v19 =	vor.u32 v50, v19;
	v21 =	vor.u32 v21, v45;
	v61 =	vand.u32 $0x7F, v28  }
0x193: {  	v62 =	vand.u32 $0xFFFFFF80, v28;
	v63 =	vand.u32 $0x7F, v29;
	v29 =	vand.u32 $0xFFFFFF80, v29  }
0x194: {  	v50 =	vand.u32 $0x7F, v30;
	v0 =	vadd.s32 v1, v0;
	v49 =	vadd.s32 v1, v29  }
0x195: {  	v0 =	vor.u32 v6, v0;
	v6 =	vadd.s32 v1, v13;
	v13 =	vand.u32 $0xFFFFFF80, v17  }
0x196: {  	v17 =	vand.u32 $0x7F, v17;
	v27 =	vor.u32 v63, v49;
	v63 =	vand.u32 $0x7F, v42  }
0x197: {  	v42 =	vand.u32 $0xFFFFFF80, v42;
	v6 =	vor.u32 v48, v6;
	v13 =	vadd.s32 v1, v13  }
0x198: {  	v17 =	vor.u32 v17, v13;
	v13 =	vand.u32 $0x7F, v20;
	v20 =	vand.u32 $0xFFFFFF80, v20  }
0x199: {  	v48 =	vand.u32 $0xFFFFFF80, v30;
	v42 =	vadd.s32 v1, v42;
	v20 =	vadd.s32 v1, v20  }
0x19a: {  	v47 =	vor.u32 v13, v20;
	v13 =	vand.u32 $0x7F, v22;
	v20 =	vadd.s32 v1, v52  }
0x19b: {  	v22 =	vor.u32 v53, v54;
	v52 =	vand.u32 $0xFFFFFF80, v31;
	v53 =	vand.u32 $0x7F, v32  }
0x19c: {  	v54 =	vand.u32 $0xFFFFFF80, v32;
	v45 =	vor.u32 v13, v20;
	v13 =	vand.u32 $0xFFFFFF80, v24  }
0x19d: {  	v24 =	vadd.s32 v1, v57;
	v20 =	vadd.s32 v1, v48;
	v30 =	vadd.s32 v1, v52  }
0x19e: {  	v31 =	vadd.s32 v1, v54;
	v57 =	vand.u32 $0x7F, v35;
	v35 =	vand.u32 $0xFFFFFF80, v35  }
0x19f: {  	v48 =	vand.u32 $0x7F, v43;
	v54 =	vand.u32 $0x7F, v16;
	v16 =	vand.u32 $0xFFFFFF80, v16  }
0x1a0: {  	v13 =	vadd.s32 v1, v13;
	v24 =	vor.u32 v56, v24;
	v29 =	vor.u32 v50, v20  }
0x1a1: {  	v28 =	vor.u32 v51, v30;
	v56 =	vand.u32 $0x7F, v34;
	v31 =	vor.u32 v53, v31  }
0x1a2: {  	v35 =	vadd.s32 v1, v35;
	v50 =	vand.u32 $0xFFFFFF80, v46;
	v51 =	vld.idx.msk [tilespmem:v19+s12+$0x0], $0xffff;
	v19 =	vand.u32 $0x7F, v46  }
0x1a3: {  	v14 =	vld.idx.msk [tilespmem:v14+s13+$0x0], $0xffff;
	v53 =	vand.u32 $0xFFFFFF80, v37;
	v16 =	vadd.s32 v1, v16;
	v23 =	vor.u32 v55, v13  }
0x1a4: {  	v0 =	vld.idx.msk [tilespmem:v0+s12+$0x0], $0xffff;
	v13 =	vand.u32 $0x7F, v26;
	v55 =	vand.u32 $0xFFFFFF80, v34;
	v34 =	vor.u32 v57, v35  }
0x1a5: {  	v49 =	vld.idx.msk [tilespmem:v17+s11+$0x0], $0xffff;
	v17 =	vand.u32 $0xFFFFFF80, v43;
	v57 =	vand.u32 $0xFFFFFF80, v18;
	v18 =	vand.u32 $0x7F, v18  }
0x1a6: {  	v27 =	vld.idx.msk [tilespmem:v27+s13+$0x0], $0xffff;
	v25 =	vor.u32 v13, v25;
	v13 =	vadd.s32 v1, v59;
	v30 =	vadd.s32 v1, v55  }
0x1a7: {  	v20 =	vld.idx.msk [tilespmem:v33+s13+$0x0], $0xffff;
	v59 =	vand.u32 $0xFFFFFF80, v36;
	v52 =	vadd.s32 v1, v17;
	v55 =	vand.u32 $0x7F, v37  }
0x1a8: {  	v35 =	vld.idx.msk [tilespmem:v44+s11+$0x0], $0xffff;
	v37 =	vadd.s32 v1, v57;
	v26 =	vor.u32 v60, v13;
	v13 =	vadd.s32 v1, v62  }
0x1a9: {  	v36 =	vld.idx.msk [tilespmem:v39+s11+$0x0], $0xffff;
	v30 =	vor.u32 v56, v30;
	v60 =	vand.u32 $0xFFFFFF80, v38;
	v33 =	vadd.s32 v1, v59  }
0x1aa: {  	v39 =	vld.idx.msk [tilespmem:v40+s12+$0x0], $0xffff;
	v38 =	vand.u32 $0x7F, v38;
	v62 =	vand.u32 $0x7F, v41;
	v41 =	vand.u32 $0xFFFFFF80, v41  }
0x1ab: {  	v17 =	vld.idx.msk [tilespmem:v47+s11+$0x0], $0xffff;
	v56 =	vadd.s32 v1, v53;
	v18 =	vor.u32 v18, v37;
	v59 =	vor.u32 v54, v16  }
0x1ac: {  	v22 =	vld.idx.msk [tilespmem:v22+s12+$0x0], $0xffff;
	v16 =	vand.u32 $0x7F, v12;
	v12 =	vand.u32 $0xFFFFFF80, v12;
	v47 =	vadd.s32 $0x26, v3  }
0x1ad: {  	v54 =	vadd.s32 $0x26, v4;
	v13 =	vor.u32 v61, v13;
	v32 =	vor.u32 v58, v33;
	v45 =	vld.idx.msk [tilespmem:v45+s11+$0x0], $0xffff  }
0x1ae: {  	v61 =	vadd.s32 v1, v60;
	v41 =	vadd.s32 v1, v41;
	v58 =	vand.u32 $0xFFFFFF80, v15;
	v24 =	vld.idx.msk [tilespmem:v24+s13+$0x0], $0xffff  }
0x1af: {  	v15 =	vand.u32 $0x7F, v15;
	v60 =	vand.u32 $0xFFFFFF80, v11;
	v11 =	vand.u32 $0x7F, v11;
	v29 =	vld.idx.msk [tilespmem:v29+s11+$0x0], $0xffff  }
0x1b0: {  	v12 =	vadd.s32 v1, v12;
	v33 =	vor.u32 v38, v61;
	v40 =	vor.u32 v62, v41;
	v28 =	vld.idx.msk [tilespmem:v28+s12+$0x0], $0xffff  }
0x1b1: {  	v38 =	vor.u32 v63, v42;
	v42 =	vadd.s32 v1, v50;
	v41 =	vor.u32 v48, v52;
	v31 =	vld.idx.msk [tilespmem:v31+s11+$0x0], $0xffff  }
0x1b2: {  	v37 =	vadd.s32 v1, v58;
	v12 =	vor.u32 v16, v12;
	v42 =	vor.u32 v19, v42;
	v19 =	vld.idx.msk [tilespmem:v21+s13+$0x0], $0xffff  }
0x1b3: {  	v16 =	vand.u32 $0x7F, v7;
	v7 =	vand.u32 $0xFFFFFF80, v7;
	v62 =	vadd.s32 $0x24, v4;
	v23 =	vld.idx.msk [tilespmem:v23+s11+$0x0], $0xffff  }
0x1b4: {  	v48 =	vand.u32 $0xFFFFFF80, v47;
	v52 =	vadd.s32 $0x27, v3;
	v21 =	vor.u32 v55, v56;
	v34 =	vld.idx.msk [tilespmem:v34+s11+$0x0], $0xffff  }
0x1b5: {  	v15 =	vor.u32 v15, v37;
	v37 =	vadd.s32 v1, v60;
	v7 =	vadd.s32 v1, v7;
	v25 =	vld.idx.msk [tilespmem:v25+s11+$0x0], $0xffff  }
0x1b6: {  	v53 =	vand.u32 $0xFFFFFF80, v52;
	v56 =	vand.u32 $0xFFFFFF80, v54;
	v60 =	vadd.s32 $0x27, v4;
	v26 =	vld.idx.msk [tilespmem:v26+s12+$0x0], $0xffff  }
0x1b7: {  	v37 =	vor.u32 v11, v37;
	v11 =	vand.u32 $0xFFFFFF80, v10;
	v10 =	vand.u32 $0x7F, v10;
	v18 =	vld.idx.msk [tilespmem:v18+s12+$0x0], $0xffff  }
0x1b8: {  	v7 =	vor.u32 v16, v7;
	v16 =	vadd.s32 $0x25, v3;
	v36 =	vmul.f32 v39, v36;
	v30 =	vld.idx.msk [tilespmem:v30+s13+$0x0], $0xffff  }
0x1b9: {  	v39 =	vand.u32 $0x7F, v52;
	v57 =	vadd.s32 v1, v56;
	v11 =	vadd.s32 v1, v11;
	v50 =	vld.idx.msk [tilespmem:v59+s13+$0x0], $0xffff  }
0x1ba: {  	v61 =	vand.u32 $0xFFFFFF80, v16;
	v59 =	vimm.f32 $0.0e+00;
	v10 =	vor.u32 v10, v11;
	v32 =	vld.idx.msk [tilespmem:v32+s12+$0x0], $0xffff  }
0x1bb: {  	v11 =	vand.u32 $0xFFFFFF80, v9;
	v9 =	vand.u32 $0x7F, v9;
	v22 =	vmul.f32 v22, v45;
	v40 =	vld.idx.msk [tilespmem:v40+s11+$0x0], $0xffff  }
0x1bc: {  	v45 =	vand.u32 $0xFFFFFF80, v62;
	v20 =	vmul.f32 v20, v36;
	v36 =	vand.u32 $0x7F, v54;
	v38 =	vld.idx.msk [tilespmem:v38+s12+$0x0], $0xffff  }
0x1bd: {  	v11 =	vadd.s32 v1, v11;
	v63 =	vld.idx.msk [tilespmem:v41+s11+$0x0], $0xffff;
	v28 =	vmul.f32 v28, v29;
	v41 =	vadd.s32 v1, v45  }
0x1be: {  	v29 =	vand.u32 $0x7F, v47;
	v33 =	vld.idx.msk [tilespmem:v33+s11+$0x0], $0xffff;
	v9 =	vor.u32 v9, v11;
	v11 =	vand.u32 $0xFFFFFF80, v8  }
0x1bf: {  	v58 =	vor.u32 v36, v57;
	v8 =	vand.u32 $0x7F, v8;
	v42 =	vld.idx.msk [tilespmem:v42+s11+$0x0], $0xffff;
	v11 =	vadd.s32 v1, v11  }
0x1c0: {  	v21 =	vld.idx.msk [tilespmem:v21+s12+$0x0], $0xffff;
	v20 =	vadd.f32 v20, v59;
	v8 =	vor.u32 v8, v11;
	v11 =	vmul.f32 v0, v35  }
0x1c1: {  	v12 =	vld.idx.msk [tilespmem:v12+s12+$0x0], $0xffff;
	v0 =	vand.u32 $0x7F, v16;
	v16 =	vadd.s32 v1, v61;
	v35 =	vand.u32 $0x7F, v62  }
0x1c2: {  	v15 =	vld.idx.msk [tilespmem:v15+s12+$0x0], $0xffff;
	v25 =	vmul.f32 v26, v25;
	v26 =	vadd.s32 v1, v48;
	v0 =	vor.u32 v0, v16  }
0x1c3: {  	v13 =	vld.idx.msk [tilespmem:v13+s11+$0x0], $0xffff;
	v16 =	vmul.f32 v51, v49;
	v35 =	vor.u32 v35, v41;
	v32 =	vmul.f32 v32, v34  }
0x1c4: {  	v37 =	vld.idx.msk [tilespmem:v37+s13+$0x0], $0xffff;
	v26 =	vor.u32 v29, v26;
	v49 =	vadd.s32 $0x25, v4;
	v38 =	vmul.f32 v38, v40  }
0x1c5: {  	v10 =	vld.idx.msk [tilespmem:v10+s13+$0x0], $0xffff;
	v51 =	vand.u32 $0xFFFFFF80, v49;
	v18 =	vmul.f32 v18, v63;
	v21 =	vmul.f32 v21, v42  }
0x1c6: {  	v7 =	vld.idx.msk [tilespmem:v7+s13+$0x0], $0xffff;
	v29 =	vand.u32 $0x7F, v49;
	v12 =	vmul.f32 v12, v31;
	v40 =	vadd.s32 v1, v51  }
0x1c7: {  	v15 =	vmul.f32 v15, v33;
	v9 =	vld.idx.msk [tilespmem:v9+s12+$0x0], $0xffff;
	v29 =	vor.u32 v29, v40;
	v21 =	vmul.f32 v50, v21  }
0x1c8: {  	v61 =	vand.u32 $0xFFFFFF80, v60;
	v27 =	vmul.f32 v27, v32;
	v30 =	vmul.f32 v30, v38;
	v8 =	vld.idx.msk [tilespmem:v8+s13+$0x0], $0xffff  }
0x1c9: {  	v40 =	vadd.s32 v1, v53;
	v18 =	vmul.f32 v37, v18;
	v0 =	vld.idx.msk [tilespmem:v0+s12+$0x0], $0xffff;
	v21 =	vadd.f32 v21, v59  }
0x1ca: {  	v55 =	vor.u32 v39, v40;
	v20 =	vadd.f32 v30, v20;
	v62 =	vld.idx.msk [tilespmem:v35+s13+$0x0], $0xffff;
	v10 =	vmul.f32 v10, v15  }
0x1cb: {  	v15 =	vand.u32 $0x7F, v60;
	v26 =	vld.idx.msk [tilespmem:v26+s12+$0x0], $0xffff;
	v18 =	vadd.f32 v18, v21;
	v21 =	vadd.s32 v1, v61  }
0x1cc: {  	v24 =	vmul.f32 v24, v28;
	v9 =	vmul.f32 v9, v13;
	v63 =	vld.idx.msk [tilespmem:v29+s13+$0x0], $0xffff;
	v21 =	vor.u32 v15, v21  }
0x1cd: {  	v20 =	vadd.f32 v27, v20;
	v13 =	vld.idx.msk [tilespmem:v5+s13+$0x0], $0xffff;
	v8 =	vmul.f32 v8, v12;
	v10 =	vadd.f32 v10, v18  }
0x1ce: {  	v3 =	vadd.s32 $0x8, v3;
	v12 =	vmul.f32 v19, v25;
	v15 =	vld.idx.msk [tilespmem:v6+s11+$0x0], $0xffff;
	v0 =	vmul.f32 v0, v23  }
0x1cf: {  	v5 =	vld.idx.msk [tilespmem:v55+s12+$0x0], $0xffff;
	v18 =	vadd.f32 v24, v20;
	v19 =	vmul.f32 v62, v9;
	v8 =	vadd.f32 v8, v10  }
0x1d0: {  	v4 =	vadd.s32 $0x8, v4;
	v6 =	vld.idx.msk [tilespmem:v58+s13+$0x0], $0xffff;
	v9 =	vmul.f32 v26, v17;
	v10 =	vmul.f32 v14, v22  }
0x1d1: {  	s21 =	simm.s32 $0x0;
	v12 =	vadd.f32 v12, v18;
	v17 =	vmul.f32 v63, v0;
	v14 =	vadd.f32 v19, v8;
	v8 =	vld.idx.msk [tilespmem:v21+s13+$0x0], $0xffff  }
.LBB2_7:
0x1d2: {  	v0 =	vadd.s32 $0x7, v4  }
0x1d3: {  	v13 =	vmul.f32 v13, v16;
	v16 =	vadd.s32 $0x7, v3;
	v20 =	vadd.s32 $0x27, v2  }
0x1d4: {  	v22 =	vadd.s32 $0x5, v4;
	v23 =	vadd.s32 $0x25, v4;
	v24 =	vadd.s32 $0x6, v2  }
0x1d5: {  	v26 =	vadd.s32 $0x6, v3;
	v27 =	vadd.s32 $0x26, v2;
	v28 =	vadd.s32 $0x4, v4  }
0x1d6: {  	v29 =	vadd.s32 $0x24, v4;
	v34 =	vadd.s32 $0x26, v3;
	v35 =	vadd.s32 $0x5, v2  }
0x1d7: {  	v38 =	vadd.s32 $0x5, v3;
	v40 =	vadd.s32 $0x25, v2;
	v41 =	vadd.s32 $0x3, v4  }
0x1d8: {  	v43 =	vadd.s32 $0x23, v4;
	v44 =	vadd.s32 $0x25, v3;
	v46 =	vadd.s32 $0x4, v2  }
0x1d9: {  	v48 =	vadd.s32 $0x4, v3;
	v49 =	vadd.s32 $0x24, v2;
	v50 =	vadd.s32 $0x2, v4  }
0x1da: {  	v51 =	vadd.s32 $0x22, v4;
	v52 =	vadd.s32 $0x24, v3;
	v53 =	vadd.s32 $0x3, v2  }
0x1db: {  	v54 =	vadd.s32 $0x3, v3;
	v56 =	vand.u32 $0x7F, v4;
	v47 =	vadd.s32 $0x1, v4  }
0x1dc: {  	v57 =	vadd.s32 $0x23, v3;
	v58 =	vand.u32 $0xFFFFFF80, v4;
	v59 =	vand.u32 $0x7F, v2  }
0x1dd: {  	v60 =	vand.u32 $0x7F, v3;
	v61 =	vand.u32 $0xFFFFFF80, v2;
	v10 =	vadd.f32 v10, v12  }
0x1de: {  	v62 =	vand.u32 $0xFFFFFF80, v3;
	v12 =	vadd.f32 v17, v14;
	v6 =	vmul.f32 v6, v9  }
0x1df: {  	v10 =	vadd.f32 v13, v10;
	v5 =	vmul.f32 v5, v15;
	v7 =	vmul.f32 v7, v11  }
0x1e0: {  	v14 =	vadd.s32 $0x6, v4;
	v19 =	vand.u32 $0x7F, v16;
	v30 =	vand.u32 $0x7F, v20  }
0x1e1: {  	v6 =	vadd.f32 v6, v12;
	v8 =	vmul.f32 v8, v5;
	v5 =	vadd.f32 v7, v10  }
0x1e2: {  	v18 =	vand.u32 $0x7F, v24;
	v25 =	vand.u32 $0x7F, v26;
	v31 =	vand.u32 $0x7F, v27  }
0x1e3: {  	v17 =	vand.u32 $0xFFFFFF80, v40;
	v61 =	vadd.s32 v1, v61;
	[tilespmem:$0x1FE20] =	vst v5;
	v5 =	vadd.f32 v8, v6  }
0x1e4: {  	v62 =	vadd.s32 v1, v62;
	v9 =	vadd.s32 $0x27, v4;
	v13 =	vadd.s32 $0x7, v2  }
0x1e5: {  	v12 =	vadd.s32 $0x26, v4;
	v15 =	vand.u32 $0x7F, v14;
	[tilespmem:$0x1FE30] =	vst v5;
	v5 =	vadd.s32 $0x1, v3  }
0x1e6: {  	v63 =	vand.u32 $0x7F, v13;
	v13 =	vand.u32 $0xFFFFFF80, v13;
	[tilespmem:$0x1FCB0] =	vst v5;
	v5 =	vadd.s32 $0x21, v2  }
0x1e7: {  	v11 =	vand.u32 $0xFFFFFF80, v20;
	v20 =	vand.u32 $0x7F, v28;
	[tilespmem:$0x1FCC0] =	vst v5;
	v5 =	vadd.s32 $0x21, v3  }
0x1e8: {  	v10 =	vadd.s32 $0x27, v3;
	v7 =	vand.u32 $0xFFFFFF80, v28;
	[tilespmem:$0x1FCD0] =	vst v5;
	v5 =	vadd.s32 $0x20, v2  }
0x1e9: {  	v28 =	vand.u32 $0x7F, v54;
	v7 =	vadd.s32 v1, v7;
	[tilespmem:$0x1FCE0] =	vst v5;
	v5 =	vadd.s32 $0x20, v3  }
0x1ea: {  	v8 =	vand.u32 $0xFFFFFF80, v16;
	v16 =	vand.u32 $0x7F, v22;
	[tilespmem:$0x1FCF0] =	vst v5;
	v5 =	vand.u32 $0x7F, v0  }
0x1eb: {  	v6 =	vand.u32 $0xFFFFFF80, v22;
	v22 =	vand.u32 $0x7F, v35;
	v0 =	vand.u32 $0xFFFFFF80, v0;
	[tilespmem:$0x1FDA0] =	vst v5  }
0x1ec: {  	v35 =	vand.u32 $0xFFFFFF80, v35;
	v20 =	vor.u32 v20, v7;
	[tilespmem:$0x1FD00] =	vst v0;
	v0 =	vand.u32 $0xFFFFFF80, v9  }
0x1ed: {  	v6 =	vadd.s32 v1, v6;
	v7 =	vadd.s32 v1, v35;
	[tilespmem:$0x1FD10] =	vst v0;
	v0 =	vand.u32 $0x7F, v9  }
0x1ee: {  	v6 =	vor.u32 v16, v6;
	v22 =	vor.u32 v22, v7;
	[tilespmem:$0x1FE40] =	vst v0;
	v0 =	vand.u32 $0x7F, v12  }
0x1ef: {  	v5 =	vand.u32 $0xFFFFFF80, v14;
	v14 =	vand.u32 $0xFFFFFF80, v27;
	[tilespmem:$0x1FE10] =	vst v0;
	v0 =	vand.u32 $0x7F, v10  }
0x1f0: {  	v27 =	vand.u32 $0x7F, v40;
	v40 =	vand.u32 $0x7F, v57;
	[tilespmem:$0x1FE00] =	vst v0;
	v0 =	vand.u32 $0xFFFFFF80, v12  }
0x1f1: {  	v9 =	vand.u32 $0xFFFFFF80, v24;
	v24 =	vand.u32 $0x7F, v46;
	[tilespmem:$0x1FD20] =	vst v0;
	v0 =	vand.u32 $0xFFFFFF80, v10  }
0x1f2: {  	v5 =	vadd.s32 v1, v5;
	v14 =	vadd.s32 v1, v14;
	[tilespmem:$0x1FD30] =	vst v0;
	v0 =	vand.u32 $0x7F, v23  }
0x1f3: {  	v15 =	vor.u32 v15, v5;
	v5 =	vadd.s32 v1, v13;
	[tilespmem:$0x1FDF0] =	vst v0;
	v0 =	vand.u32 $0x7F, v34  }
0x1f4: {  	v14 =	vor.u32 v31, v14;
	v12 =	vand.u32 $0xFFFFFF80, v38;
	[tilespmem:$0x1FDE0] =	vst v0;
	v0 =	vand.u32 $0xFFFFFF80, v23  }
0x1f5: {  	v10 =	vand.u32 $0xFFFFFF80, v26;
	v26 =	vand.u32 $0x7F, v48;
	[tilespmem:$0x1FD40] =	vst v0;
	v0 =	vand.u32 $0xFFFFFF80, v34  }
0x1f6: {  	v7 =	vadd.s32 v1, v12;
	v23 =	vand.u32 $0x7F, v38;
	[tilespmem:$0x1FD50] =	vst v0;
	v0 =	vand.u32 $0x7F, v29  }
0x1f7: {  	v38 =	vand.u32 $0x7F, v51;
	v34 =	vand.u32 $0xFFFFFF80, v52;
	[tilespmem:$0x1FDD0] =	vst v0;
	v0 =	vand.u32 $0x7F, v44  }
0x1f8: {  	v12 =	vor.u32 v23, v7;
	v7 =	vadd.s32 v1, v17;
	[tilespmem:$0x1FDC0] =	vst v0;
	v0 =	vand.u32 $0xFFFFFF80, v29  }
0x1f9: {  	[tilespmem:$0x1FD60] =	vst v0;
	v0 =	vand.u32 $0xFFFFFF80, v44;
	v44 =	vand.u32 $0x7F, v41;
	v41 =	vand.u32 $0xFFFFFF80, v41  }
0x1fa: {  	v29 =	vand.u32 $0x7F, v49;
	[tilespmem:$0x1FD70] =	vst v0;
	v0 =	vand.u32 $0x7F, v43;
	v17 =	vadd.s32 v1, v41  }
0x1fb: {  	[tilespmem:$0x1FDB0] =	vst v0;
	v0 =	vand.u32 $0x7F, v52;
	v52 =	vand.u32 $0x7F, v53;
	v17 =	vor.u32 v44, v17  }
0x1fc: {  	[tilespmem:$0x1FD90] =	vst v0;
	v0 =	vand.u32 $0xFFFFFF80, v43;
	v43 =	vand.u32 $0xFFFFFF80, v46;
	v46 =	vand.u32 $0xFFFFFF80, v48  }
0x1fd: {  	v22 =	vld.idx.msk [tilespmem:v22+s11+$0x0], $0xffff;
	v48 =	vand.u32 $0xFFFFFF80, v49;
	v49 =	vand.u32 $0x7F, v50;
	v50 =	vand.u32 $0xFFFFFF80, v50  }
0x1fe: {  	v13 =	vld.idx.msk [tilespmem:v15+s13+$0x0], $0xffff;
	[tilespmem:$0x1FD80] =	vst v0;
	v0 =	vadd.s32 v1, v58;
	v58 =	vand.u32 $0xFFFFFF80, v51;
	v51 =	vor.u32 v59, v61  }
0x1ff: {  	v12 =	vld.idx.msk [tilespmem:v12+s12+$0x0], $0xffff;
	v59 =	vand.u32 $0xFFFFFF80, v54;
	v54 =	vand.u32 $0xFFFFFF80, v57;
	v61 =	vor.u32 v63, v5  }
0x200: {  	v44 =	vld [tilespmem:$0x1FCB0];
	v5 =	vadd.s32 v1, v8;
	v8 =	vadd.s32 v1, v9;
	v31 =	vadd.s32 v1, v43  }
0x201: {  	v41 =	vadd.s32 v1, v48;
	v43 =	vld [tilespmem:$0x1FCC0];
	v0 =	vor.u32 v56, v0;
	v56 =	vand.u32 $0xFFFFFF80, v53  }
0x202: {  	v48 =	vadd.s32 v1, v50;
	v16 =	vor.u32 v18, v8;
	v50 =	vadd.s32 v1, v56;
	v56 =	vld [tilespmem:$0x1FCD0]  }
0x203: {  	v18 =	vand.u32 $0xFFFFFF80, v47;
	v24 =	vor.u32 v24, v31;
	v31 =	vor.u32 v52, v50;
	v50 =	vld.idx.msk [tilespmem:v17+s13+$0x0], $0xffff  }
0x204: {  	v57 =	vand.u32 $0x7F, v47;
	v53 =	vor.u32 v60, v62;
	v18 =	vadd.s32 v1, v18;
	v52 =	vld [tilespmem:$0x1FCE0]  }
0x205: {  	v19 =	vor.u32 v19, v5;
	v18 =	vor.u32 v57, v18;
	v57 =	vld [tilespmem:$0x1FCF0]  }
0x206: {  	v5 =	vadd.s32 v1, v11;
	v8 =	vadd.s32 v1, v10;
	v11 =	vld.idx.msk [tilespmem:v51+s11+$0x0], $0xffff  }
0x207: {  	v10 =	vor.u32 v25, v8;
	v8 =	vld.idx.msk [tilespmem:v61+s11+$0x0], $0xffff  }
0x208: {  	v55 =	vadd.s32 $0x23, v2;
	v0 =	vld.idx.msk [tilespmem:v0+s13+$0x0], $0xffff  }
0x209: {  	v21 =	vadd.s32 $0x21, v4;
	v32 =	vadd.s32 $0x2, v2;
	v30 =	vor.u32 v30, v5;
	v5 =	vld.idx.msk [tilespmem:v53+s12+$0x0], $0xffff  }
0x20a: {  	v33 =	vand.u32 $0x7F, v55;
	v60 =	vand.u32 $0xFFFFFF80, v55;
	v55 =	vand.u32 $0x7F, v21;
	v47 =	vld.idx.msk [tilespmem:v19+s12+$0x0], $0xffff  }
0x20b: {  	v62 =	vand.u32 $0x7F, v32;
	v19 =	vand.u32 $0xFFFFFF80, v21;
	v21 =	vand.u32 $0xFFFFFF80, v32;
	v32 =	vld.idx.msk [tilespmem:v6+s13+$0x0], $0xffff  }
0x20c: {  	v42 =	vadd.s32 $0x22, v2;
	v35 =	vadd.s32 v1, v46;
	v51 =	vld.idx.msk [tilespmem:v16+s11+$0x0], $0xffff  }
0x20d: {  	v9 =	vand.u32 $0x7F, v42;
	v25 =	vor.u32 v26, v35;
	v16 =	vand.u32 $0xFFFFFF80, v42;
	v42 =	vld.idx.msk [tilespmem:v20+s13+$0x0], $0xffff  }
0x20e: {  	v26 =	vor.u32 v29, v41;
	v24 =	vld.idx.msk [tilespmem:v24+s11+$0x0], $0xffff  }
0x20f: {  	v15 =	vld.idx.msk [tilespmem:v30+s11+$0x0], $0xffff  }
0x210: {  	v39 =	vadd.s32 $0x22, v3;
	v46 =	vadd.s32 v1, v60;
	v61 =	vor.u32 v27, v7;
	v7 =	vld.idx.msk [tilespmem:v10+s12+$0x0], $0xffff  }
0x211: {  	v35 =	vor.u32 v33, v46;
	v53 =	vand.u32 $0x7F, v39;
	v10 =	vand.u32 $0xFFFFFF80, v39;
	v39 =	vld.idx.msk [tilespmem:v14+s11+$0x0], $0xffff  }
0x212: {  	v25 =	vld.idx.msk [tilespmem:v25+s12+$0x0], $0xffff  }
0x213: {  	v45 =	vadd.s32 $0x2, v3;
	v33 =	vld.idx.msk [tilespmem:v26+s11+$0x0], $0xffff  }
0x214: {  	v27 =	vand.u32 $0x7F, v44;
	v30 =	vor.u32 v49, v48;
	v48 =	vand.u32 $0xFFFFFF80, v44;
	v44 =	vld [tilespmem:$0x1FD00]  }
0x215: {  	v63 =	vand.u32 $0x7F, v45;
	v6 =	vand.u32 $0xFFFFFF80, v45;
	v23 =	vand.u32 $0x7F, v56;
	v31 =	vld.idx.msk [tilespmem:v31+s11+$0x0], $0xffff  }
0x216: {  	v21 =	vadd.s32 v1, v21;
	v49 =	vand.u32 $0xFFFFFF80, v43;
	v6 =	vadd.s32 v1, v6;
	v35 =	vld.idx.msk [tilespmem:v35+s11+$0x0], $0xffff  }
0x217: {  	v41 =	vand.u32 $0xFFFFFF80, v56;
	v16 =	vadd.s32 v1, v16;
	v21 =	vor.u32 v62, v21;
	v18 =	vld.idx.msk [tilespmem:v18+s13+$0x0], $0xffff  }
0x218: {  	v6 =	vor.u32 v63, v6;
	v56 =	vand.u32 $0x7F, v52;
	v26 =	vadd.s32 v1, v49;
	v49 =	vld [tilespmem:$0x1FD20]  }
0x219: {  	v9 =	vor.u32 v9, v16;
	v60 =	vand.u32 $0xFFFFFF80, v52;
	v45 =	vld.idx.msk [tilespmem:v61+s11+$0x0], $0xffff;
	v61 =	vadd.s32 v1, v59  }
0x21a: {  	v16 =	vand.u32 $0x7F, v57;
	v52 =	vld [tilespmem:$0x1FD30];
	v28 =	vor.u32 v28, v61;
	v61 =	vadd.s32 v1, v60  }
0x21b: {  	v62 =	vand.u32 $0xFFFFFF80, v57;
	v10 =	vadd.s32 v1, v10;
	v57 =	vld [tilespmem:$0x1FD50];
	v63 =	vor.u32 v56, v61  }
0x21c: {  	v10 =	vor.u32 v53, v10;
	v53 =	vld [tilespmem:$0x1FD40]  }
0x21d: {  	v29 =	vand.u32 $0x7F, v43;
	v43 =	vadd.s32 v1, v62;
	v62 =	vld [tilespmem:$0x1FD80]  }
0x21e: {  	v59 =	vadd.s32 v1, v48;
	v48 =	vld [tilespmem:$0x1FD10]  }
0x21f: {  	v16 =	vor.u32 v16, v43;
	v60 =	vld [tilespmem:$0x1FD60]  }
0x220: {  	v26 =	vor.u32 v29, v26;
	v27 =	vor.u32 v27, v59;
	v29 =	vld.idx.msk [tilespmem:v63+s11+$0x0], $0xffff  }
0x221: {  	v37 =	vadd.s32 $0x20, v4;
	v63 =	vld [tilespmem:$0x1FD90]  }
0x222: {  	v36 =	vadd.s32 $0x1, v2;
	v17 =	vand.u32 $0xFFFFFF80, v37;
	v5 =	vmul.f32 v5, v11;
	v11 =	vld [tilespmem:$0x1FDB0]  }
0x223: {  	v17 =	vadd.s32 v1, v17;
	v20 =	vand.u32 $0x7F, v36;
	v30 =	vld.idx.msk [tilespmem:v30+s13+$0x0], $0xffff  }
0x224: {  	v36 =	vand.u32 $0xFFFFFF80, v36;
	v14 =	vand.u32 $0x7F, v37;
	v59 =	vld.idx.msk [tilespmem:v16+s12+$0x0], $0xffff;
	v16 =	vadd.s32 v1, v58  }
0x225: {  	v14 =	vor.u32 v14, v17;
	v17 =	vld.idx.msk [tilespmem:v27+s12+$0x0], $0xffff;
	v38 =	vor.u32 v38, v16;
	v16 =	vadd.s32 v1, v34  }
0x226: {  	v36 =	vadd.s32 v1, v36;
	v27 =	vadd.s32 v1, v52;
	v52 =	vor.u32 v63, v16;
	v16 =	vld [tilespmem:$0x1FDA0]  }
0x227: {  	v20 =	vor.u32 v20, v36;
	v61 =	vld [tilespmem:$0x1FD70]  }
0x228: {  	v21 =	vld.idx.msk [tilespmem:v21+s11+$0x0], $0xffff  }
0x229: {  	v6 =	vld.idx.msk [tilespmem:v6+s12+$0x0], $0xffff  }
0x22a: {  	v19 =	vadd.s32 v1, v19;
	v37 =	vadd.s32 v1, v44;
	v9 =	vld.idx.msk [tilespmem:v9+s11+$0x0], $0xffff  }
0x22b: {  	v19 =	vor.u32 v55, v19;
	v37 =	vor.u32 v16, v37;
	v16 =	vld [tilespmem:$0x1FDC0]  }
0x22c: {  	v46 =	vadd.s32 v1, v41;
	v20 =	vld.idx.msk [tilespmem:v20+s11+$0x0], $0xffff  }
0x22d: {  	v23 =	vor.u32 v23, v46;
	v56 =	vadd.s32 v1, v54;
	v14 =	vld.idx.msk [tilespmem:v14+s13+$0x0], $0xffff  }
0x22e: {  	v40 =	vor.u32 v40, v56;
	v56 =	vld [tilespmem:$0x1FDE0]  }
0x22f: {  	v36 =	vadd.s32 v1, v49;
	v49 =	vadd.s32 v1, v62;
	v10 =	vld.idx.msk [tilespmem:v10+s12+$0x0], $0xffff;
	v34 =	vadd.s32 v1, v61  }
0x230: {  	v49 =	vor.u32 v11, v49;
	v11 =	vmul.f32 v47, v8;
	v8 =	vld.idx.msk [tilespmem:v19+s13+$0x0], $0xffff;
	v19 =	vor.u32 v16, v34  }
0x231: {  	v26 =	vld.idx.msk [tilespmem:v26+s11+$0x0], $0xffff  }
0x232: {  	v23 =	vld.idx.msk [tilespmem:v23+s12+$0x0], $0xffff  }
0x233: {  	v43 =	vadd.s32 v1, v53;
	v53 =	vld [tilespmem:$0x1FDD0]  }
0x234: {  	v62 =	vld [tilespmem:$0x1FE40]  }
0x235: {  	v9 =	vmul.f32 v10, v9;
	v10 =	vld.idx.msk [tilespmem:v19+s12+$0x0], $0xffff  }
0x236: {  	v19 =	vld [tilespmem:$0x1FE20]  }
0x237: {  	v28 =	vld.idx.msk [tilespmem:v28+s12+$0x0], $0xffff  }
0x238: {  	v17 =	vmul.f32 v17, v20;
	v54 =	vmul.f32 v59, v29;
	v59 =	vld [tilespmem:$0x1FDF0]  }
0x239: {  	v0 =	vmul.f32 v0, v5;
	v44 =	vadd.s32 v1, v60;
	v60 =	vld [tilespmem:$0x1FE00]  }
0x23a: {  	v17 =	vmul.f32 v18, v17;
	v18 =	vld [tilespmem:$0x1FE10]  }
0x23b: {  	v4 =	vadd.s32 $0x8, v4;
	v0 =	vadd.f32 v0, v19;
	v19 =	vld [tilespmem:$0x1FE30]  }
0x23c: {  	v55 =	vld.idx.msk [tilespmem:v38+s13+$0x0], $0xffff;
	v16 =	vmul.f32 v7, v51;
	v51 =	vmul.f32 v28, v31;
	v28 =	vor.u32 v53, v44  }
0x23d: {  	v46 =	vadd.s32 v1, v57;
	v57 =	vmul.f32 v23, v26;
	v26 =	vor.u32 v59, v43;
	v7 =	vld.idx.msk [tilespmem:v40+s12+$0x0], $0xffff  }
0x23e: {  	v6 =	vmul.f32 v6, v21;
	v21 =	vor.u32 v56, v46;
	v5 =	vmul.f32 v14, v54;
	v14 =	vld.idx.msk [tilespmem:v49+s13+$0x0], $0xffff  }
0x23f: {  	v12 =	vmul.f32 v12, v22;
	v24 =	vmul.f32 v25, v24;
	v41 =	vadd.s32 v1, v48;
	v58 =	vld.idx.msk [tilespmem:v52+s12+$0x0], $0xffff  }
0x240: {  	v8 =	vmul.f32 v8, v57;
	v18 =	vor.u32 v18, v36;
	v5 =	vadd.f32 v5, v19  }
0x241: {  	v6 =	vmul.f32 v30, v6;
	v25 =	vor.u32 v60, v27;
	v0 =	vadd.f32 v17, v0;
	v19 =	vld.idx.msk [tilespmem:v28+s13+$0x0], $0xffff  }
0x242: {  	s21 =	sadd.s32 $0x8, s21;
	v9 =	vmul.f32 v55, v9;
	v7 =	vmul.f32 v7, v35;
	v17 =	vld.idx.msk [tilespmem:v26+s13+$0x0], $0xffff;
	v8 =	vadd.f32 v8, v5  }
0x243: {  	p0 =	slt.u32 s21, $0x18;
	v61 =	vld.idx.msk [tilespmem:v21+s12+$0x0], $0xffff;
	v21 =	vor.u32 v62, v41;
	v22 =	vmul.f32 v50, v51;
	v0 =	vadd.f32 v6, v0  }
.Ltmp2:
0x244: {  	v23 =	vmul.f32 v58, v33;
	v8 =	vadd.f32 v9, v8;
	v9 =	vmul.f32 v14, v7;
	(pc) =	sbr.rel @p0 .LBB2_7-.Ltmp2, $4  }
0x245: {  	v2 =	vadd.s32 $0x8, v2;
	v6 =	vld.idx.msk [tilespmem:v18+s13+$0x0], $0xffff;
	v18 =	vmul.f32 v10, v45;
	v0 =	vadd.f32 v22, v0  }
0x246: {  	v5 =	vld.idx.msk [tilespmem:v25+s12+$0x0], $0xffff;
	v14 =	vmul.f32 v42, v24;
	v19 =	vmul.f32 v19, v23;
	v63 =	vadd.f32 v9, v8  }
0x247: {  	v3 =	vadd.s32 $0x8, v3;
	v10 =	vmul.f32 v32, v12;
	v17 =	vmul.f32 v17, v18;
	v7 =	vld.idx.msk [tilespmem:v37+s13+$0x0], $0xffff  }
0x248: {  	v8 =	vld.idx.msk [tilespmem:v21+s13+$0x0], $0xffff;
	v9 =	vmul.f32 v61, v39;
	v12 =	vadd.f32 v14, v0;
	v14 =	vadd.f32 v19, v63  }
0x249: {  	_ = 	snop  }
0x24a: {  	v0 =	vmul.f32 v13, v16;
	v2 =	vadd.f32 v10, v12  }
0x24b: {  	v3 =	vadd.f32 v17, v14;
	v4 =	vmul.f32 v6, v9;
	v1 =	vmul.f32 v5, v15  }
0x24c: {  	v62 =	vmul.f32 v7, v11  }
0x24d: {  	s20 =	sadd.s32 $0x1, s20;
	v0 =	vadd.f32 v0, v2;
	v63 =	vadd.f32 v4, v3;
	v1 =	vmul.f32 v8, v1  }
0x24e: {  	p0 =	sne.s32 s20, $0x8  }
.Ltmp3:
0x24f: {  	v0 =	vadd.f32 v62, v0;
	v1 =	vadd.f32 v1, v63;
	(pc) =	sbr.rel @p0 .LBB2_6-.Ltmp3, $3  }
0x250: {  	_ = 	snop  }
0x251: {  	v0 =	vadd.f32 v1, v0;
	_ =	sdelay $0x1  }
0x252: {  	s18 =	sadd.s32 $0x10, s18;
	[tilespmem:s19+$0x18500] =	vst v0;
	s19 =	sadd.s32 $0x10, s19  }
0x253: {  	_ =	swait.ge [sflag:s8], $0x4000  }
0x254: {  	[sflag:s8] =	ssyncset.done $0x0  }
0x255: {  	[sflag:s8] =	ssyncadd.s32 $0xFFFFC000  }
0x256: {  	_ =	swait.ge [sflag:s9], $0x4000  }
0x257: {  	[sflag:s9] =	ssyncset.done $0x0  }
0x258: {  	[sflag:s9] =	ssyncadd.s32 $0xFFFFC000  }
0x259: {  	_ =	swait.ge [sflag:s10], $0x4000  }
0x25a: {  	[sflag:s10] =	ssyncset.done $0x0  }
0x25b: {  	s18 =	simm.s32 $0x0;
	s19 =	rddreg [dreg:$0x15];
	[sflag:s10] =	ssyncadd.s32 $0xFFFFC000  }
0x25c: {  	[tilespmem:s18], [sflag:$0x7] =	stream.linear.gather [hbm4b:s19+s18], $0x80, $0x38;
	[tilespmem:$0x18700] =	vst v63  }
0x25d: {  	_ =	swait.ge [sflag:s2], $0x80  }
0x25e: {  	[sflag:s2] =	ssyncset.done $0x0  }
0x25f: {  	[sflag:s2] =	ssyncadd.s32 $0xFFFFFF80  }
0x260: {  	[tilespmem:s3], [sflag:$0x7] =	stream.linear.gather [hbm4b:s22+s18], $0x80, $0x38;
	[tilespmem:$0x18700] =	vst v63  }
0x261: {  	_ =	swait.ge [sflag:s2], $0x80  }
0x262: {  	[sflag:s2] =	ssyncset.done $0x0  }
0x263: {  	s19 =	simm.s32 $0x100;
	[sflag:s2] =	ssyncadd.s32 $0xFFFFFF80  }
0x264: {  	[tilespmem:s19], [sflag:$0x7] =	stream.linear.gather [hbm4b:s23+s18], $0x80, $0x38;
	[tilespmem:$0x18700] =	vst v63  }
0x265: {  	_ =	swait.ge [sflag:s2], $0x80  }
0x266: {  	[sflag:s2] =	ssyncset.done $0x0  }
0x267: {  	s20 =	simm.s32 $0x380;
	[sflag:s2] =	ssyncadd.s32 $0xFFFFFF80  }
0x268: {  	[tilespmem:s20], [sflag:$0x7] =	stream.linear.gather [hbm4b:s24+s18], $0x80, $0x38;
	[tilespmem:$0x18700] =	vst v63  }
0x269: {  	_ =	swait.ge [sflag:s2], $0x80  }
0x26a: {  	[sflag:s2] =	ssyncset.done $0x0  }
0x26b: {  	s21 =	simm.s32 $0x400;
	[sflag:s2] =	ssyncadd.s32 $0xFFFFFF80  }
0x26c: {  	[tilespmem:s21], [sflag:$0x7] =	stream.linear.gather [hbm4b:s25+s18], $0x80, $0x38;
	[tilespmem:$0x18700] =	vst v63  }
0x26d: {  	_ =	swait.ge [sflag:s2], $0x80  }
0x26e: {  	[sflag:s2] =	ssyncset.done $0x0  }
0x26f: {  	s21 =	simm.s32 $0x480;
	[sflag:s2] =	ssyncadd.s32 $0xFFFFFF80  }
0x270: {  	[tilespmem:s21], [sflag:$0x7] =	stream.linear.gather [hbm4b:s29+s18], $0x80, $0x38;
	[tilespmem:$0x18700] =	vst v63  }
0x271: {  	_ =	swait.ge [sflag:s2], $0x80  }
0x272: {  	[sflag:s2] =	ssyncset.done $0x0  }
0x273: {  	[sflag:s2] =	ssyncadd.s32 $0xFFFFFF80  }
0x274: {  	[tilespmem:s11], [sflag:$0x4] =	stream.indirect.gather [hbm4b:s26+s3], $0x80, s18, s3, $0xb8;
	[tilespmem:$0x18700] =	vst v63  }
0x275: {  	_ = 	snop  }
0x276: {  	[tilespmem:s12], [sflag:$0x5] =	stream.indirect.gather [hbm4b:s28+s3], $0x80, s3, s3, $0xb8;
	[tilespmem:$0x18700] =	vst v63  }
0x277: {  	s20 =	simm.s32 $0x0  }
0x278: {  	[tilespmem:s13], [sflag:$0x6] =	stream.indirect.gather [hbm4b:s30+s3], $0x80, s19, s3, $0xb8;
	[tilespmem:$0x18700] =	vst v63  }
.LBB2_10:
0x279: {  	v2 =	vld [tilespmem:s18+$0x200]  }
0x27a: {  	v4 =	vld [tilespmem:s18+$0x300]  }
0x27b: {  	v1 =	vld [tilespmem:$0x1FFF0]  }
0x27c: {  	v3 =	vld [tilespmem:s18+$0x280];
	_ =	sdelay $0x1  }
0x27d: {  	v0 =	vmov s18  }
0x27e: {  	v0 =	vshll.u32 v0, $0x7  }
0x27f: {  	v1 =	vor.u32 v1, v0;
	v7 =	vadd.s32 $0x7, v4;
	v0 =	vadd.s32 $0x6, v4  }
0x280: {  	v5 =	vadd.s32 $0x7, v2;
	v6 =	vadd.s32 $0x7, v3;
	v13 =	vadd.s32 $0x27, v2  }
0x281: {  	v14 =	vadd.s32 $0x5, v4;
	v17 =	vadd.s32 $0x6, v2;
	v19 =	vadd.s32 $0x6, v3  }
0x282: {  	v20 =	vadd.s32 $0x26, v2;
	v21 =	vadd.s32 $0x4, v4;
	v22 =	vadd.s32 $0x5, v2  }
0x283: {  	v23 =	vadd.s32 $0x5, v3;
	v24 =	vadd.s32 $0x25, v2;
	v25 =	vadd.s32 $0x3, v4  }
0x284: {  	v8 =	vadd.s32 $0x23, v4;
	v26 =	vadd.s32 $0x4, v2;
	v27 =	vadd.s32 $0x4, v3  }
0x285: {  	v28 =	vadd.s32 $0x24, v2;
	v29 =	vadd.s32 $0x2, v4;
	v10 =	vadd.s32 $0x22, v4  }
0x286: {  	v9 =	vadd.s32 $0x24, v3;
	v30 =	vadd.s32 $0x3, v2;
	v31 =	vadd.s32 $0x3, v3  }
0x287: {  	v32 =	vadd.s32 $0x23, v2;
	v33 =	vand.u32 $0x7F, v4;
	v34 =	vadd.s32 $0x1, v4  }
0x288: {  	v12 =	vadd.s32 $0x23, v3;
	v11 =	vadd.s32 $0x21, v4;
	v35 =	vadd.s32 $0x2, v2  }
0x289: {  	v36 =	vadd.s32 $0x2, v3;
	v37 =	vand.u32 $0xFFFFFF80, v4;
	v38 =	vadd.s32 $0x22, v2  }
0x28a: {  	v15 =	vadd.s32 $0x22, v3;
	v39 =	vand.u32 $0x7F, v2;
	v40 =	vand.u32 $0x7F, v3  }
0x28b: {  	v16 =	vadd.s32 $0x20, v4;
	v41 =	vadd.s32 $0x1, v2;
	v42 =	vadd.s32 $0x1, v3  }
0x28c: {  	v43 =	vadd.s32 $0x21, v2;
	v44 =	vand.u32 $0xFFFFFF80, v2;
	v45 =	vand.u32 $0xFFFFFF80, v3  }
0x28d: {  	v18 =	vadd.s32 $0x21, v3;
	v46 =	vadd.s32 $0x20, v2;
	v2 =	vadd.s32 $0x8, v2  }
0x28e: {  	v37 =	vadd.s32 v1, v37;
	v44 =	vadd.s32 v1, v44;
	v60 =	vadd.s32 v1, v45  }
0x28f: {  	v61 =	vand.u32 $0x7F, v0;
	v0 =	vand.u32 $0xFFFFFF80, v0;
	v62 =	vand.u32 $0x7F, v5  }
0x290: {  	v47 =	vand.u32 $0xFFFFFF80, v5;
	v48 =	vand.u32 $0x7F, v13;
	v13 =	vand.u32 $0xFFFFFF80, v13  }
0x291: {  	v49 =	vand.u32 $0x7F, v14;
	v14 =	vand.u32 $0xFFFFFF80, v14;
	v50 =	vand.u32 $0x7F, v19  }
0x292: {  	v19 =	vand.u32 $0xFFFFFF80, v19;
	v51 =	vand.u32 $0xFFFFFF80, v21;
	v21 =	vand.u32 $0x7F, v21  }
0x293: {  	v52 =	vand.u32 $0xFFFFFF80, v22;
	v53 =	vand.u32 $0x7F, v23;
	v23 =	vand.u32 $0xFFFFFF80, v23  }
0x294: {  	v55 =	vand.u32 $0x7F, v24;
	v56 =	vand.u32 $0x7F, v25;
	v57 =	vand.u32 $0xFFFFFF80, v25  }
0x295: {  	v58 =	vand.u32 $0xFFFFFF80, v26;
	v59 =	vand.u32 $0xFFFFFF80, v27;
	v33 =	vor.u32 v33, v37  }
0x296: {  	v37 =	vadd.s32 $0x20, v3;
	v39 =	vor.u32 v39, v44;
	v40 =	vor.u32 v40, v60  }
0x297: {  	v0 =	vadd.s32 v1, v0;
	v63 =	vadd.s32 v1, v47;
	v14 =	vadd.s32 v1, v14  }
0x298: {  	v19 =	vadd.s32 v1, v19;
	v45 =	vadd.s32 v1, v51;
	v54 =	vadd.s32 v1, v23  }
0x299: {  	v25 =	vadd.s32 v1, v58;
	v60 =	vand.u32 $0x7F, v27;
	v51 =	vand.u32 $0x7F, v31  }
0x29a: {  	v58 =	vand.u32 $0x7F, v36;
	v5 =	vor.u32 v61, v0;
	v0 =	vand.u32 $0xFFFFFF80, v6  }
0x29b: {  	v6 =	vand.u32 $0x7F, v6;
	v44 =	vor.u32 v62, v63;
	v14 =	vor.u32 v49, v14  }
0x29c: {  	v19 =	vor.u32 v50, v19;
	v21 =	vor.u32 v21, v45;
	v61 =	vand.u32 $0x7F, v28  }
0x29d: {  	v62 =	vand.u32 $0xFFFFFF80, v28;
	v63 =	vand.u32 $0x7F, v29;
	v29 =	vand.u32 $0xFFFFFF80, v29  }
0x29e: {  	v50 =	vand.u32 $0x7F, v30;
	v0 =	vadd.s32 v1, v0;
	v49 =	vadd.s32 v1, v29  }
0x29f: {  	v0 =	vor.u32 v6, v0;
	v6 =	vadd.s32 v1, v13;
	v13 =	vand.u32 $0xFFFFFF80, v17  }
0x2a0: {  	v17 =	vand.u32 $0x7F, v17;
	v27 =	vor.u32 v63, v49;
	v63 =	vand.u32 $0x7F, v42  }
0x2a1: {  	v42 =	vand.u32 $0xFFFFFF80, v42;
	v6 =	vor.u32 v48, v6;
	v13 =	vadd.s32 v1, v13  }
0x2a2: {  	v17 =	vor.u32 v17, v13;
	v13 =	vand.u32 $0x7F, v20;
	v20 =	vand.u32 $0xFFFFFF80, v20  }
0x2a3: {  	v48 =	vand.u32 $0xFFFFFF80, v30;
	v42 =	vadd.s32 v1, v42;
	v20 =	vadd.s32 v1, v20  }
0x2a4: {  	v47 =	vor.u32 v13, v20;
	v13 =	vand.u32 $0x7F, v22;
	v20 =	vadd.s32 v1, v52  }
0x2a5: {  	v22 =	vor.u32 v53, v54;
	v52 =	vand.u32 $0xFFFFFF80, v31;
	v53 =	vand.u32 $0x7F, v32  }
0x2a6: {  	v54 =	vand.u32 $0xFFFFFF80, v32;
	v45 =	vor.u32 v13, v20;
	v13 =	vand.u32 $0xFFFFFF80, v24  }
0x2a7: {  	v24 =	vadd.s32 v1, v57;
	v20 =	vadd.s32 v1, v48;
	v30 =	vadd.s32 v1, v52  }
0x2a8: {  	v31 =	vadd.s32 v1, v54;
	v57 =	vand.u32 $0x7F, v35;
	v35 =	vand.u32 $0xFFFFFF80, v35  }
0x2a9: {  	v48 =	vand.u32 $0x7F, v43;
	v54 =	vand.u32 $0x7F, v16;
	v16 =	vand.u32 $0xFFFFFF80, v16  }
0x2aa: {  	v13 =	vadd.s32 v1, v13;
	v24 =	vor.u32 v56, v24;
	v29 =	vor.u32 v50, v20  }
0x2ab: {  	v28 =	vor.u32 v51, v30;
	v56 =	vand.u32 $0x7F, v34;
	v31 =	vor.u32 v53, v31  }
0x2ac: {  	v35 =	vadd.s32 v1, v35;
	v50 =	vand.u32 $0xFFFFFF80, v46;
	v51 =	vld.idx.msk [tilespmem:v19+s6+$0x0], $0xffff;
	v19 =	vand.u32 $0x7F, v46  }
0x2ad: {  	v14 =	vld.idx.msk [tilespmem:v14+s7+$0x0], $0xffff;
	v53 =	vand.u32 $0xFFFFFF80, v37;
	v16 =	vadd.s32 v1, v16;
	v23 =	vor.u32 v55, v13  }
0x2ae: {  	v0 =	vld.idx.msk [tilespmem:v0+s6+$0x0], $0xffff;
	v13 =	vand.u32 $0x7F, v26;
	v55 =	vand.u32 $0xFFFFFF80, v34;
	v34 =	vor.u32 v57, v35  }
0x2af: {  	v49 =	vld.idx.msk [tilespmem:v17+s5+$0x0], $0xffff;
	v17 =	vand.u32 $0xFFFFFF80, v43;
	v57 =	vand.u32 $0xFFFFFF80, v18;
	v18 =	vand.u32 $0x7F, v18  }
0x2b0: {  	v27 =	vld.idx.msk [tilespmem:v27+s7+$0x0], $0xffff;
	v25 =	vor.u32 v13, v25;
	v13 =	vadd.s32 v1, v59;
	v30 =	vadd.s32 v1, v55  }
0x2b1: {  	v20 =	vld.idx.msk [tilespmem:v33+s7+$0x0], $0xffff;
	v59 =	vand.u32 $0xFFFFFF80, v36;
	v52 =	vadd.s32 v1, v17;
	v55 =	vand.u32 $0x7F, v37  }
0x2b2: {  	v35 =	vld.idx.msk [tilespmem:v44+s5+$0x0], $0xffff;
	v37 =	vadd.s32 v1, v57;
	v26 =	vor.u32 v60, v13;
	v13 =	vadd.s32 v1, v62  }
0x2b3: {  	v36 =	vld.idx.msk [tilespmem:v39+s5+$0x0], $0xffff;
	v30 =	vor.u32 v56, v30;
	v60 =	vand.u32 $0xFFFFFF80, v38;
	v33 =	vadd.s32 v1, v59  }
0x2b4: {  	v39 =	vld.idx.msk [tilespmem:v40+s6+$0x0], $0xffff;
	v38 =	vand.u32 $0x7F, v38;
	v62 =	vand.u32 $0x7F, v41;
	v41 =	vand.u32 $0xFFFFFF80, v41  }
0x2b5: {  	v17 =	vld.idx.msk [tilespmem:v47+s5+$0x0], $0xffff;
	v56 =	vadd.s32 v1, v53;
	v18 =	vor.u32 v18, v37;
	v59 =	vor.u32 v54, v16  }
0x2b6: {  	v22 =	vld.idx.msk [tilespmem:v22+s6+$0x0], $0xffff;
	v16 =	vand.u32 $0x7F, v12;
	v12 =	vand.u32 $0xFFFFFF80, v12;
	v47 =	vadd.s32 $0x26, v3  }
0x2b7: {  	v54 =	vadd.s32 $0x26, v4;
	v13 =	vor.u32 v61, v13;
	v32 =	vor.u32 v58, v33;
	v45 =	vld.idx.msk [tilespmem:v45+s5+$0x0], $0xffff  }
0x2b8: {  	v61 =	vadd.s32 v1, v60;
	v41 =	vadd.s32 v1, v41;
	v58 =	vand.u32 $0xFFFFFF80, v15;
	v24 =	vld.idx.msk [tilespmem:v24+s7+$0x0], $0xffff  }
0x2b9: {  	v15 =	vand.u32 $0x7F, v15;
	v60 =	vand.u32 $0xFFFFFF80, v11;
	v11 =	vand.u32 $0x7F, v11;
	v29 =	vld.idx.msk [tilespmem:v29+s5+$0x0], $0xffff  }
0x2ba: {  	v12 =	vadd.s32 v1, v12;
	v33 =	vor.u32 v38, v61;
	v40 =	vor.u32 v62, v41;
	v28 =	vld.idx.msk [tilespmem:v28+s6+$0x0], $0xffff  }
0x2bb: {  	v38 =	vor.u32 v63, v42;
	v42 =	vadd.s32 v1, v50;
	v41 =	vor.u32 v48, v52;
	v31 =	vld.idx.msk [tilespmem:v31+s5+$0x0], $0xffff  }
0x2bc: {  	v37 =	vadd.s32 v1, v58;
	v12 =	vor.u32 v16, v12;
	v42 =	vor.u32 v19, v42;
	v19 =	vld.idx.msk [tilespmem:v21+s7+$0x0], $0xffff  }
0x2bd: {  	v16 =	vand.u32 $0x7F, v7;
	v7 =	vand.u32 $0xFFFFFF80, v7;
	v62 =	vadd.s32 $0x24, v4;
	v23 =	vld.idx.msk [tilespmem:v23+s5+$0x0], $0xffff  }
0x2be: {  	v48 =	vand.u32 $0xFFFFFF80, v47;
	v52 =	vadd.s32 $0x27, v3;
	v21 =	vor.u32 v55, v56;
	v34 =	vld.idx.msk [tilespmem:v34+s5+$0x0], $0xffff  }
0x2bf: {  	v15 =	vor.u32 v15, v37;
	v37 =	vadd.s32 v1, v60;
	v7 =	vadd.s32 v1, v7;
	v25 =	vld.idx.msk [tilespmem:v25+s5+$0x0], $0xffff  }
0x2c0: {  	v53 =	vand.u32 $0xFFFFFF80, v52;
	v56 =	vand.u32 $0xFFFFFF80, v54;
	v60 =	vadd.s32 $0x27, v4;
	v26 =	vld.idx.msk [tilespmem:v26+s6+$0x0], $0xffff  }
0x2c1: {  	v37 =	vor.u32 v11, v37;
	v11 =	vand.u32 $0xFFFFFF80, v10;
	v10 =	vand.u32 $0x7F, v10;
	v18 =	vld.idx.msk [tilespmem:v18+s6+$0x0], $0xffff  }
0x2c2: {  	v7 =	vor.u32 v16, v7;
	v16 =	vadd.s32 $0x25, v3;
	v36 =	vmul.f32 v39, v36;
	v30 =	vld.idx.msk [tilespmem:v30+s7+$0x0], $0xffff  }
0x2c3: {  	v39 =	vand.u32 $0x7F, v52;
	v57 =	vadd.s32 v1, v56;
	v11 =	vadd.s32 v1, v11;
	v50 =	vld.idx.msk [tilespmem:v59+s7+$0x0], $0xffff  }
0x2c4: {  	v61 =	vand.u32 $0xFFFFFF80, v16;
	v59 =	vimm.f32 $0.0e+00;
	v10 =	vor.u32 v10, v11;
	v32 =	vld.idx.msk [tilespmem:v32+s6+$0x0], $0xffff  }
0x2c5: {  	v11 =	vand.u32 $0xFFFFFF80, v9;
	v9 =	vand.u32 $0x7F, v9;
	v22 =	vmul.f32 v22, v45;
	v40 =	vld.idx.msk [tilespmem:v40+s5+$0x0], $0xffff  }
0x2c6: {  	v45 =	vand.u32 $0xFFFFFF80, v62;
	v20 =	vmul.f32 v20, v36;
	v36 =	vand.u32 $0x7F, v54;
	v38 =	vld.idx.msk [tilespmem:v38+s6+$0x0], $0xffff  }
0x2c7: {  	v11 =	vadd.s32 v1, v11;
	v63 =	vld.idx.msk [tilespmem:v41+s5+$0x0], $0xffff;
	v28 =	vmul.f32 v28, v29;
	v41 =	vadd.s32 v1, v45  }
0x2c8: {  	v29 =	vand.u32 $0x7F, v47;
	v33 =	vld.idx.msk [tilespmem:v33+s5+$0x0], $0xffff;
	v9 =	vor.u32 v9, v11;
	v11 =	vand.u32 $0xFFFFFF80, v8  }
0x2c9: {  	v58 =	vor.u32 v36, v57;
	v8 =	vand.u32 $0x7F, v8;
	v42 =	vld.idx.msk [tilespmem:v42+s5+$0x0], $0xffff;
	v11 =	vadd.s32 v1, v11  }
0x2ca: {  	v21 =	vld.idx.msk [tilespmem:v21+s6+$0x0], $0xffff;
	v20 =	vadd.f32 v20, v59;
	v8 =	vor.u32 v8, v11;
	v11 =	vmul.f32 v0, v35  }
0x2cb: {  	v12 =	vld.idx.msk [tilespmem:v12+s6+$0x0], $0xffff;
	v0 =	vand.u32 $0x7F, v16;
	v16 =	vadd.s32 v1, v61;
	v35 =	vand.u32 $0x7F, v62  }
0x2cc: {  	v15 =	vld.idx.msk [tilespmem:v15+s6+$0x0], $0xffff;
	v25 =	vmul.f32 v26, v25;
	v26 =	vadd.s32 v1, v48;
	v0 =	vor.u32 v0, v16  }
0x2cd: {  	v13 =	vld.idx.msk [tilespmem:v13+s5+$0x0], $0xffff;
	v16 =	vmul.f32 v51, v49;
	v35 =	vor.u32 v35, v41;
	v32 =	vmul.f32 v32, v34  }
0x2ce: {  	v37 =	vld.idx.msk [tilespmem:v37+s7+$0x0], $0xffff;
	v26 =	vor.u32 v29, v26;
	v49 =	vadd.s32 $0x25, v4;
	v38 =	vmul.f32 v38, v40  }
0x2cf: {  	v10 =	vld.idx.msk [tilespmem:v10+s7+$0x0], $0xffff;
	v51 =	vand.u32 $0xFFFFFF80, v49;
	v18 =	vmul.f32 v18, v63;
	v21 =	vmul.f32 v21, v42  }
0x2d0: {  	v7 =	vld.idx.msk [tilespmem:v7+s7+$0x0], $0xffff;
	v29 =	vand.u32 $0x7F, v49;
	v12 =	vmul.f32 v12, v31;
	v40 =	vadd.s32 v1, v51  }
0x2d1: {  	v15 =	vmul.f32 v15, v33;
	v9 =	vld.idx.msk [tilespmem:v9+s6+$0x0], $0xffff;
	v29 =	vor.u32 v29, v40;
	v21 =	vmul.f32 v50, v21  }
0x2d2: {  	v61 =	vand.u32 $0xFFFFFF80, v60;
	v27 =	vmul.f32 v27, v32;
	v30 =	vmul.f32 v30, v38;
	v8 =	vld.idx.msk [tilespmem:v8+s7+$0x0], $0xffff  }
0x2d3: {  	v40 =	vadd.s32 v1, v53;
	v18 =	vmul.f32 v37, v18;
	v0 =	vld.idx.msk [tilespmem:v0+s6+$0x0], $0xffff;
	v21 =	vadd.f32 v21, v59  }
0x2d4: {  	v55 =	vor.u32 v39, v40;
	v20 =	vadd.f32 v30, v20;
	v62 =	vld.idx.msk [tilespmem:v35+s7+$0x0], $0xffff;
	v10 =	vmul.f32 v10, v15  }
0x2d5: {  	v15 =	vand.u32 $0x7F, v60;
	v26 =	vld.idx.msk [tilespmem:v26+s6+$0x0], $0xffff;
	v18 =	vadd.f32 v18, v21;
	v21 =	vadd.s32 v1, v61  }
0x2d6: {  	v24 =	vmul.f32 v24, v28;
	v9 =	vmul.f32 v9, v13;
	v63 =	vld.idx.msk [tilespmem:v29+s7+$0x0], $0xffff;
	v21 =	vor.u32 v15, v21  }
0x2d7: {  	v20 =	vadd.f32 v27, v20;
	v13 =	vld.idx.msk [tilespmem:v5+s7+$0x0], $0xffff;
	v8 =	vmul.f32 v8, v12;
	v10 =	vadd.f32 v10, v18  }
0x2d8: {  	v3 =	vadd.s32 $0x8, v3;
	v12 =	vmul.f32 v19, v25;
	v15 =	vld.idx.msk [tilespmem:v6+s5+$0x0], $0xffff;
	v0 =	vmul.f32 v0, v23  }
0x2d9: {  	v5 =	vld.idx.msk [tilespmem:v55+s6+$0x0], $0xffff;
	v18 =	vadd.f32 v24, v20;
	v19 =	vmul.f32 v62, v9;
	v8 =	vadd.f32 v8, v10  }
0x2da: {  	v4 =	vadd.s32 $0x8, v4;
	v6 =	vld.idx.msk [tilespmem:v58+s7+$0x0], $0xffff;
	v9 =	vmul.f32 v26, v17;
	v10 =	vmul.f32 v14, v22  }
0x2db: {  	s21 =	simm.s32 $0x0;
	v12 =	vadd.f32 v12, v18;
	v17 =	vmul.f32 v63, v0;
	v14 =	vadd.f32 v19, v8;
	v8 =	vld.idx.msk [tilespmem:v21+s7+$0x0], $0xffff  }
.LBB2_11:
0x2dc: {  	v0 =	vadd.s32 $0x7, v4  }
0x2dd: {  	v13 =	vmul.f32 v13, v16;
	v16 =	vadd.s32 $0x7, v3;
	v20 =	vadd.s32 $0x27, v2  }
0x2de: {  	v22 =	vadd.s32 $0x5, v4;
	v23 =	vadd.s32 $0x25, v4;
	v24 =	vadd.s32 $0x6, v2  }
0x2df: {  	v26 =	vadd.s32 $0x6, v3;
	v27 =	vadd.s32 $0x26, v2;
	v28 =	vadd.s32 $0x4, v4  }
0x2e0: {  	v29 =	vadd.s32 $0x24, v4;
	v34 =	vadd.s32 $0x26, v3;
	v35 =	vadd.s32 $0x5, v2  }
0x2e1: {  	v38 =	vadd.s32 $0x5, v3;
	v40 =	vadd.s32 $0x25, v2;
	v41 =	vadd.s32 $0x3, v4  }
0x2e2: {  	v43 =	vadd.s32 $0x23, v4;
	v44 =	vadd.s32 $0x25, v3;
	v46 =	vadd.s32 $0x4, v2  }
0x2e3: {  	v48 =	vadd.s32 $0x4, v3;
	v49 =	vadd.s32 $0x24, v2;
	v50 =	vadd.s32 $0x2, v4  }
0x2e4: {  	v51 =	vadd.s32 $0x22, v4;
	v52 =	vadd.s32 $0x24, v3;
	v53 =	vadd.s32 $0x3, v2  }
0x2e5: {  	v54 =	vadd.s32 $0x3, v3;
	v56 =	vand.u32 $0x7F, v4;
	v47 =	vadd.s32 $0x1, v4  }
0x2e6: {  	v57 =	vadd.s32 $0x23, v3;
	v58 =	vand.u32 $0xFFFFFF80, v4;
	v59 =	vand.u32 $0x7F, v2  }
0x2e7: {  	v60 =	vand.u32 $0x7F, v3;
	v61 =	vand.u32 $0xFFFFFF80, v2;
	v10 =	vadd.f32 v10, v12  }
0x2e8: {  	v62 =	vand.u32 $0xFFFFFF80, v3;
	v12 =	vadd.f32 v17, v14;
	v6 =	vmul.f32 v6, v9  }
0x2e9: {  	v10 =	vadd.f32 v13, v10;
	v5 =	vmul.f32 v5, v15;
	v7 =	vmul.f32 v7, v11  }
0x2ea: {  	v14 =	vadd.s32 $0x6, v4;
	v19 =	vand.u32 $0x7F, v16;
	v30 =	vand.u32 $0x7F, v20  }
0x2eb: {  	v6 =	vadd.f32 v6, v12;
	v8 =	vmul.f32 v8, v5;
	v5 =	vadd.f32 v7, v10  }
0x2ec: {  	v18 =	vand.u32 $0x7F, v24;
	v25 =	vand.u32 $0x7F, v26;
	v31 =	vand.u32 $0x7F, v27  }
0x2ed: {  	v17 =	vand.u32 $0xFFFFFF80, v40;
	v61 =	vadd.s32 v1, v61;
	[tilespmem:$0x1FC80] =	vst v5;
	v5 =	vadd.f32 v8, v6  }
0x2ee: {  	v62 =	vadd.s32 v1, v62;
	v9 =	vadd.s32 $0x27, v4;
	v13 =	vadd.s32 $0x7, v2  }
0x2ef: {  	v12 =	vadd.s32 $0x26, v4;
	v15 =	vand.u32 $0x7F, v14;
	[tilespmem:$0x1FC90] =	vst v5;
	v5 =	vadd.s32 $0x1, v3  }
0x2f0: {  	v63 =	vand.u32 $0x7F, v13;
	v13 =	vand.u32 $0xFFFFFF80, v13;
	[tilespmem:$0x1FB10] =	vst v5;
	v5 =	vadd.s32 $0x21, v2  }
0x2f1: {  	v11 =	vand.u32 $0xFFFFFF80, v20;
	v20 =	vand.u32 $0x7F, v28;
	[tilespmem:$0x1FB20] =	vst v5;
	v5 =	vadd.s32 $0x21, v3  }
0x2f2: {  	v10 =	vadd.s32 $0x27, v3;
	v7 =	vand.u32 $0xFFFFFF80, v28;
	[tilespmem:$0x1FB30] =	vst v5;
	v5 =	vadd.s32 $0x20, v2  }
0x2f3: {  	v28 =	vand.u32 $0x7F, v54;
	v7 =	vadd.s32 v1, v7;
	[tilespmem:$0x1FB40] =	vst v5;
	v5 =	vadd.s32 $0x20, v3  }
0x2f4: {  	v8 =	vand.u32 $0xFFFFFF80, v16;
	v16 =	vand.u32 $0x7F, v22;
	[tilespmem:$0x1FB50] =	vst v5;
	v5 =	vand.u32 $0x7F, v0  }
0x2f5: {  	v6 =	vand.u32 $0xFFFFFF80, v22;
	v22 =	vand.u32 $0x7F, v35;
	v0 =	vand.u32 $0xFFFFFF80, v0;
	[tilespmem:$0x1FC00] =	vst v5  }
0x2f6: {  	v35 =	vand.u32 $0xFFFFFF80, v35;
	v20 =	vor.u32 v20, v7;
	[tilespmem:$0x1FB60] =	vst v0;
	v0 =	vand.u32 $0xFFFFFF80, v9  }
0x2f7: {  	v6 =	vadd.s32 v1, v6;
	v7 =	vadd.s32 v1, v35;
	[tilespmem:$0x1FB70] =	vst v0;
	v0 =	vand.u32 $0x7F, v9  }
0x2f8: {  	v6 =	vor.u32 v16, v6;
	v22 =	vor.u32 v22, v7;
	[tilespmem:$0x1FCA0] =	vst v0;
	v0 =	vand.u32 $0x7F, v12  }
0x2f9: {  	v5 =	vand.u32 $0xFFFFFF80, v14;
	v14 =	vand.u32 $0xFFFFFF80, v27;
	[tilespmem:$0x1FC70] =	vst v0;
	v0 =	vand.u32 $0x7F, v10  }
0x2fa: {  	v27 =	vand.u32 $0x7F, v40;
	v40 =	vand.u32 $0x7F, v57;
	[tilespmem:$0x1FC60] =	vst v0;
	v0 =	vand.u32 $0xFFFFFF80, v12  }
0x2fb: {  	v9 =	vand.u32 $0xFFFFFF80, v24;
	v24 =	vand.u32 $0x7F, v46;
	[tilespmem:$0x1FB80] =	vst v0;
	v0 =	vand.u32 $0xFFFFFF80, v10  }
0x2fc: {  	v5 =	vadd.s32 v1, v5;
	v14 =	vadd.s32 v1, v14;
	[tilespmem:$0x1FB90] =	vst v0;
	v0 =	vand.u32 $0x7F, v23  }
0x2fd: {  	v15 =	vor.u32 v15, v5;
	v5 =	vadd.s32 v1, v13;
	[tilespmem:$0x1FC50] =	vst v0;
	v0 =	vand.u32 $0x7F, v34  }
0x2fe: {  	v14 =	vor.u32 v31, v14;
	v12 =	vand.u32 $0xFFFFFF80, v38;
	[tilespmem:$0x1FC40] =	vst v0;
	v0 =	vand.u32 $0xFFFFFF80, v23  }
0x2ff: {  	v10 =	vand.u32 $0xFFFFFF80, v26;
	v26 =	vand.u32 $0x7F, v48;
	[tilespmem:$0x1FBA0] =	vst v0;
	v0 =	vand.u32 $0xFFFFFF80, v34  }
0x300: {  	v7 =	vadd.s32 v1, v12;
	v23 =	vand.u32 $0x7F, v38;
	[tilespmem:$0x1FBB0] =	vst v0;
	v0 =	vand.u32 $0x7F, v29  }
0x301: {  	v38 =	vand.u32 $0x7F, v51;
	v34 =	vand.u32 $0xFFFFFF80, v52;
	[tilespmem:$0x1FC30] =	vst v0;
	v0 =	vand.u32 $0x7F, v44  }
0x302: {  	v12 =	vor.u32 v23, v7;
	v7 =	vadd.s32 v1, v17;
	[tilespmem:$0x1FC20] =	vst v0;
	v0 =	vand.u32 $0xFFFFFF80, v29  }
0x303: {  	[tilespmem:$0x1FBC0] =	vst v0;
	v0 =	vand.u32 $0xFFFFFF80, v44;
	v44 =	vand.u32 $0x7F, v41;
	v41 =	vand.u32 $0xFFFFFF80, v41  }
0x304: {  	v29 =	vand.u32 $0x7F, v49;
	[tilespmem:$0x1FBD0] =	vst v0;
	v0 =	vand.u32 $0x7F, v43;
	v17 =	vadd.s32 v1, v41  }
0x305: {  	[tilespmem:$0x1FC10] =	vst v0;
	v0 =	vand.u32 $0x7F, v52;
	v52 =	vand.u32 $0x7F, v53;
	v17 =	vor.u32 v44, v17  }
0x306: {  	[tilespmem:$0x1FBF0] =	vst v0;
	v0 =	vand.u32 $0xFFFFFF80, v43;
	v43 =	vand.u32 $0xFFFFFF80, v46;
	v46 =	vand.u32 $0xFFFFFF80, v48  }
0x307: {  	v22 =	vld.idx.msk [tilespmem:v22+s5+$0x0], $0xffff;
	v48 =	vand.u32 $0xFFFFFF80, v49;
	v49 =	vand.u32 $0x7F, v50;
	v50 =	vand.u32 $0xFFFFFF80, v50  }
0x308: {  	v13 =	vld.idx.msk [tilespmem:v15+s7+$0x0], $0xffff;
	[tilespmem:$0x1FBE0] =	vst v0;
	v0 =	vadd.s32 v1, v58;
	v58 =	vand.u32 $0xFFFFFF80, v51;
	v51 =	vor.u32 v59, v61  }
0x309: {  	v12 =	vld.idx.msk [tilespmem:v12+s6+$0x0], $0xffff;
	v59 =	vand.u32 $0xFFFFFF80, v54;
	v54 =	vand.u32 $0xFFFFFF80, v57;
	v61 =	vor.u32 v63, v5  }
0x30a: {  	v44 =	vld [tilespmem:$0x1FB10];
	v5 =	vadd.s32 v1, v8;
	v8 =	vadd.s32 v1, v9;
	v31 =	vadd.s32 v1, v43  }
0x30b: {  	v41 =	vadd.s32 v1, v48;
	v43 =	vld [tilespmem:$0x1FB20];
	v0 =	vor.u32 v56, v0;
	v56 =	vand.u32 $0xFFFFFF80, v53  }
0x30c: {  	v48 =	vadd.s32 v1, v50;
	v16 =	vor.u32 v18, v8;
	v50 =	vadd.s32 v1, v56;
	v56 =	vld [tilespmem:$0x1FB30]  }
0x30d: {  	v18 =	vand.u32 $0xFFFFFF80, v47;
	v24 =	vor.u32 v24, v31;
	v31 =	vor.u32 v52, v50;
	v50 =	vld.idx.msk [tilespmem:v17+s7+$0x0], $0xffff  }
0x30e: {  	v57 =	vand.u32 $0x7F, v47;
	v53 =	vor.u32 v60, v62;
	v18 =	vadd.s32 v1, v18;
	v52 =	vld [tilespmem:$0x1FB40]  }
0x30f: {  	v19 =	vor.u32 v19, v5;
	v18 =	vor.u32 v57, v18;
	v57 =	vld [tilespmem:$0x1FB50]  }
0x310: {  	v5 =	vadd.s32 v1, v11;
	v8 =	vadd.s32 v1, v10;
	v11 =	vld.idx.msk [tilespmem:v51+s5+$0x0], $0xffff  }
0x311: {  	v10 =	vor.u32 v25, v8;
	v8 =	vld.idx.msk [tilespmem:v61+s5+$0x0], $0xffff  }
0x312: {  	v55 =	vadd.s32 $0x23, v2;
	v0 =	vld.idx.msk [tilespmem:v0+s7+$0x0], $0xffff  }
0x313: {  	v21 =	vadd.s32 $0x21, v4;
	v32 =	vadd.s32 $0x2, v2;
	v30 =	vor.u32 v30, v5;
	v5 =	vld.idx.msk [tilespmem:v53+s6+$0x0], $0xffff  }
0x314: {  	v33 =	vand.u32 $0x7F, v55;
	v60 =	vand.u32 $0xFFFFFF80, v55;
	v55 =	vand.u32 $0x7F, v21;
	v47 =	vld.idx.msk [tilespmem:v19+s6+$0x0], $0xffff  }
0x315: {  	v62 =	vand.u32 $0x7F, v32;
	v19 =	vand.u32 $0xFFFFFF80, v21;
	v21 =	vand.u32 $0xFFFFFF80, v32;
	v32 =	vld.idx.msk [tilespmem:v6+s7+$0x0], $0xffff  }
0x316: {  	v42 =	vadd.s32 $0x22, v2;
	v35 =	vadd.s32 v1, v46;
	v51 =	vld.idx.msk [tilespmem:v16+s5+$0x0], $0xffff  }
0x317: {  	v9 =	vand.u32 $0x7F, v42;
	v25 =	vor.u32 v26, v35;
	v16 =	vand.u32 $0xFFFFFF80, v42;
	v42 =	vld.idx.msk [tilespmem:v20+s7+$0x0], $0xffff  }
0x318: {  	v26 =	vor.u32 v29, v41;
	v24 =	vld.idx.msk [tilespmem:v24+s5+$0x0], $0xffff  }
0x319: {  	v15 =	vld.idx.msk [tilespmem:v30+s5+$0x0], $0xffff  }
0x31a: {  	v39 =	vadd.s32 $0x22, v3;
	v46 =	vadd.s32 v1, v60;
	v61 =	vor.u32 v27, v7;
	v7 =	vld.idx.msk [tilespmem:v10+s6+$0x0], $0xffff  }
0x31b: {  	v35 =	vor.u32 v33, v46;
	v53 =	vand.u32 $0x7F, v39;
	v10 =	vand.u32 $0xFFFFFF80, v39;
	v39 =	vld.idx.msk [tilespmem:v14+s5+$0x0], $0xffff  }
0x31c: {  	v25 =	vld.idx.msk [tilespmem:v25+s6+$0x0], $0xffff  }
0x31d: {  	v45 =	vadd.s32 $0x2, v3;
	v33 =	vld.idx.msk [tilespmem:v26+s5+$0x0], $0xffff  }
0x31e: {  	v27 =	vand.u32 $0x7F, v44;
	v30 =	vor.u32 v49, v48;
	v48 =	vand.u32 $0xFFFFFF80, v44;
	v44 =	vld [tilespmem:$0x1FB60]  }
0x31f: {  	v63 =	vand.u32 $0x7F, v45;
	v6 =	vand.u32 $0xFFFFFF80, v45;
	v23 =	vand.u32 $0x7F, v56;
	v31 =	vld.idx.msk [tilespmem:v31+s5+$0x0], $0xffff  }
0x320: {  	v21 =	vadd.s32 v1, v21;
	v49 =	vand.u32 $0xFFFFFF80, v43;
	v6 =	vadd.s32 v1, v6;
	v35 =	vld.idx.msk [tilespmem:v35+s5+$0x0], $0xffff  }
0x321: {  	v41 =	vand.u32 $0xFFFFFF80, v56;
	v16 =	vadd.s32 v1, v16;
	v21 =	vor.u32 v62, v21;
	v18 =	vld.idx.msk [tilespmem:v18+s7+$0x0], $0xffff  }
0x322: {  	v6 =	vor.u32 v63, v6;
	v56 =	vand.u32 $0x7F, v52;
	v26 =	vadd.s32 v1, v49;
	v49 =	vld [tilespmem:$0x1FB80]  }
0x323: {  	v9 =	vor.u32 v9, v16;
	v60 =	vand.u32 $0xFFFFFF80, v52;
	v45 =	vld.idx.msk [tilespmem:v61+s5+$0x0], $0xffff;
	v61 =	vadd.s32 v1, v59  }
0x324: {  	v16 =	vand.u32 $0x7F, v57;
	v52 =	vld [tilespmem:$0x1FB90];
	v28 =	vor.u32 v28, v61;
	v61 =	vadd.s32 v1, v60  }
0x325: {  	v62 =	vand.u32 $0xFFFFFF80, v57;
	v10 =	vadd.s32 v1, v10;
	v57 =	vld [tilespmem:$0x1FBB0];
	v63 =	vor.u32 v56, v61  }
0x326: {  	v10 =	vor.u32 v53, v10;
	v53 =	vld [tilespmem:$0x1FBA0]  }
0x327: {  	v29 =	vand.u32 $0x7F, v43;
	v43 =	vadd.s32 v1, v62;
	v62 =	vld [tilespmem:$0x1FBE0]  }
0x328: {  	v59 =	vadd.s32 v1, v48;
	v48 =	vld [tilespmem:$0x1FB70]  }
0x329: {  	v16 =	vor.u32 v16, v43;
	v60 =	vld [tilespmem:$0x1FBC0]  }
0x32a: {  	v26 =	vor.u32 v29, v26;
	v27 =	vor.u32 v27, v59;
	v29 =	vld.idx.msk [tilespmem:v63+s5+$0x0], $0xffff  }
0x32b: {  	v37 =	vadd.s32 $0x20, v4;
	v63 =	vld [tilespmem:$0x1FBF0]  }
0x32c: {  	v36 =	vadd.s32 $0x1, v2;
	v17 =	vand.u32 $0xFFFFFF80, v37;
	v5 =	vmul.f32 v5, v11;
	v11 =	vld [tilespmem:$0x1FC10]  }
0x32d: {  	v17 =	vadd.s32 v1, v17;
	v20 =	vand.u32 $0x7F, v36;
	v30 =	vld.idx.msk [tilespmem:v30+s7+$0x0], $0xffff  }
0x32e: {  	v36 =	vand.u32 $0xFFFFFF80, v36;
	v14 =	vand.u32 $0x7F, v37;
	v59 =	vld.idx.msk [tilespmem:v16+s6+$0x0], $0xffff;
	v16 =	vadd.s32 v1, v58  }
0x32f: {  	v14 =	vor.u32 v14, v17;
	v17 =	vld.idx.msk [tilespmem:v27+s6+$0x0], $0xffff;
	v38 =	vor.u32 v38, v16;
	v16 =	vadd.s32 v1, v34  }
0x330: {  	v36 =	vadd.s32 v1, v36;
	v27 =	vadd.s32 v1, v52;
	v52 =	vor.u32 v63, v16;
	v16 =	vld [tilespmem:$0x1FC00]  }
0x331: {  	v20 =	vor.u32 v20, v36;
	v61 =	vld [tilespmem:$0x1FBD0]  }
0x332: {  	v21 =	vld.idx.msk [tilespmem:v21+s5+$0x0], $0xffff  }
0x333: {  	v6 =	vld.idx.msk [tilespmem:v6+s6+$0x0], $0xffff  }
0x334: {  	v19 =	vadd.s32 v1, v19;
	v37 =	vadd.s32 v1, v44;
	v9 =	vld.idx.msk [tilespmem:v9+s5+$0x0], $0xffff  }
0x335: {  	v19 =	vor.u32 v55, v19;
	v37 =	vor.u32 v16, v37;
	v16 =	vld [tilespmem:$0x1FC20]  }
0x336: {  	v46 =	vadd.s32 v1, v41;
	v20 =	vld.idx.msk [tilespmem:v20+s5+$0x0], $0xffff  }
0x337: {  	v23 =	vor.u32 v23, v46;
	v56 =	vadd.s32 v1, v54;
	v14 =	vld.idx.msk [tilespmem:v14+s7+$0x0], $0xffff  }
0x338: {  	v40 =	vor.u32 v40, v56;
	v56 =	vld [tilespmem:$0x1FC40]  }
0x339: {  	v36 =	vadd.s32 v1, v49;
	v49 =	vadd.s32 v1, v62;
	v10 =	vld.idx.msk [tilespmem:v10+s6+$0x0], $0xffff;
	v34 =	vadd.s32 v1, v61  }
0x33a: {  	v49 =	vor.u32 v11, v49;
	v11 =	vmul.f32 v47, v8;
	v8 =	vld.idx.msk [tilespmem:v19+s7+$0x0], $0xffff;
	v19 =	vor.u32 v16, v34  }
0x33b: {  	v26 =	vld.idx.msk [tilespmem:v26+s5+$0x0], $0xffff  }
0x33c: {  	v23 =	vld.idx.msk [tilespmem:v23+s6+$0x0], $0xffff  }
0x33d: {  	v43 =	vadd.s32 v1, v53;
	v53 =	vld [tilespmem:$0x1FC30]  }
0x33e: {  	v62 =	vld [tilespmem:$0x1FCA0]  }
0x33f: {  	v9 =	vmul.f32 v10, v9;
	v10 =	vld.idx.msk [tilespmem:v19+s6+$0x0], $0xffff  }
0x340: {  	v19 =	vld [tilespmem:$0x1FC80]  }
0x341: {  	v28 =	vld.idx.msk [tilespmem:v28+s6+$0x0], $0xffff  }
0x342: {  	v17 =	vmul.f32 v17, v20;
	v54 =	vmul.f32 v59, v29;
	v59 =	vld [tilespmem:$0x1FC50]  }
0x343: {  	v0 =	vmul.f32 v0, v5;
	v44 =	vadd.s32 v1, v60;
	v60 =	vld [tilespmem:$0x1FC60]  }
0x344: {  	v17 =	vmul.f32 v18, v17;
	v18 =	vld [tilespmem:$0x1FC70]  }
0x345: {  	v4 =	vadd.s32 $0x8, v4;
	v0 =	vadd.f32 v0, v19;
	v19 =	vld [tilespmem:$0x1FC90]  }
0x346: {  	v55 =	vld.idx.msk [tilespmem:v38+s7+$0x0], $0xffff;
	v16 =	vmul.f32 v7, v51;
	v51 =	vmul.f32 v28, v31;
	v28 =	vor.u32 v53, v44  }
0x347: {  	v46 =	vadd.s32 v1, v57;
	v57 =	vmul.f32 v23, v26;
	v26 =	vor.u32 v59, v43;
	v7 =	vld.idx.msk [tilespmem:v40+s6+$0x0], $0xffff  }
0x348: {  	v6 =	vmul.f32 v6, v21;
	v21 =	vor.u32 v56, v46;
	v5 =	vmul.f32 v14, v54;
	v14 =	vld.idx.msk [tilespmem:v49+s7+$0x0], $0xffff  }
0x349: {  	v12 =	vmul.f32 v12, v22;
	v24 =	vmul.f32 v25, v24;
	v41 =	vadd.s32 v1, v48;
	v58 =	vld.idx.msk [tilespmem:v52+s6+$0x0], $0xffff  }
0x34a: {  	v8 =	vmul.f32 v8, v57;
	v18 =	vor.u32 v18, v36;
	v5 =	vadd.f32 v5, v19  }
0x34b: {  	v6 =	vmul.f32 v30, v6;
	v25 =	vor.u32 v60, v27;
	v0 =	vadd.f32 v17, v0;
	v19 =	vld.idx.msk [tilespmem:v28+s7+$0x0], $0xffff  }
0x34c: {  	s21 =	sadd.s32 $0x8, s21;
	v9 =	vmul.f32 v55, v9;
	v7 =	vmul.f32 v7, v35;
	v17 =	vld.idx.msk [tilespmem:v26+s7+$0x0], $0xffff;
	v8 =	vadd.f32 v8, v5  }
0x34d: {  	p0 =	slt.u32 s21, $0x18;
	v61 =	vld.idx.msk [tilespmem:v21+s6+$0x0], $0xffff;
	v21 =	vor.u32 v62, v41;
	v22 =	vmul.f32 v50, v51;
	v0 =	vadd.f32 v6, v0  }
.Ltmp4:
0x34e: {  	v23 =	vmul.f32 v58, v33;
	v8 =	vadd.f32 v9, v8;
	v9 =	vmul.f32 v14, v7;
	(pc) =	sbr.rel @p0 .LBB2_11-.Ltmp4, $4  }
0x34f: {  	v2 =	vadd.s32 $0x8, v2;
	v6 =	vld.idx.msk [tilespmem:v18+s7+$0x0], $0xffff;
	v18 =	vmul.f32 v10, v45;
	v0 =	vadd.f32 v22, v0  }
0x350: {  	v5 =	vld.idx.msk [tilespmem:v25+s6+$0x0], $0xffff;
	v14 =	vmul.f32 v42, v24;
	v19 =	vmul.f32 v19, v23;
	v63 =	vadd.f32 v9, v8  }
0x351: {  	v3 =	vadd.s32 $0x8, v3;
	v10 =	vmul.f32 v32, v12;
	v17 =	vmul.f32 v17, v18;
	v7 =	vld.idx.msk [tilespmem:v37+s7+$0x0], $0xffff  }
0x352: {  	v8 =	vld.idx.msk [tilespmem:v21+s7+$0x0], $0xffff;
	v9 =	vmul.f32 v61, v39;
	v12 =	vadd.f32 v14, v0;
	v14 =	vadd.f32 v19, v63  }
0x353: {  	_ = 	snop  }
0x354: {  	v0 =	vmul.f32 v13, v16;
	v2 =	vadd.f32 v10, v12  }
0x355: {  	v3 =	vadd.f32 v17, v14;
	v4 =	vmul.f32 v6, v9;
	v1 =	vmul.f32 v5, v15  }
0x356: {  	v62 =	vmul.f32 v7, v11  }
0x357: {  	s20 =	sadd.s32 $0x1, s20;
	v0 =	vadd.f32 v0, v2;
	v63 =	vadd.f32 v4, v3;
	v1 =	vmul.f32 v8, v1  }
0x358: {  	p0 =	sne.s32 s20, $0x8  }
.Ltmp5:
0x359: {  	v0 =	vadd.f32 v62, v0;
	v1 =	vadd.f32 v1, v63;
	(pc) =	sbr.rel @p0 .LBB2_10-.Ltmp5, $3  }
0x35a: {  	_ = 	snop  }
0x35b: {  	v0 =	vadd.f32 v1, v0;
	_ =	sdelay $0x1  }
0x35c: {  	s18 =	sadd.s32 $0x10, s18;
	[tilespmem:s19+$0x18500] =	vst v0;
	s19 =	sadd.s32 $0x10, s19  }
0x35d: {  	_ =	swait.ge [sflag:s14], $0x4000  }
0x35e: {  	[sflag:s14] =	ssyncset.done $0x0  }
0x35f: {  	[sflag:s14] =	ssyncadd.s32 $0xFFFFC000  }
0x360: {  	_ =	swait.ge [sflag:s15], $0x4000  }
0x361: {  	[sflag:s15] =	ssyncset.done $0x0  }
0x362: {  	[sflag:s15] =	ssyncadd.s32 $0xFFFFC000  }
0x363: {  	_ =	swait.ge [sflag:s16], $0x4000  }
0x364: {  	s18 =	simm.s32 $0x180;
	[sflag:s16] =	ssyncset.done $0x0  }
0x365: {  	s19 =	simm.s32 $0x0;
	s20 =	simm.s32 $0x0;
	[sflag:s16] =	ssyncadd.s32 $0xFFFFC000  }
.LBB2_14:
0x366: {  	v2 =	vld [tilespmem:s19+$0x380]  }
0x367: {  	v4 =	vld [tilespmem:s19+$0x480]  }
0x368: {  	v1 =	vld [tilespmem:$0x1FFF0]  }
0x369: {  	v3 =	vld [tilespmem:s19+$0x400];
	_ =	sdelay $0x1  }
0x36a: {  	v0 =	vmov s19  }
0x36b: {  	v0 =	vshll.u32 v0, $0x7  }
0x36c: {  	v1 =	vor.u32 v1, v0;
	v7 =	vadd.s32 $0x7, v4;
	v0 =	vadd.s32 $0x6, v4  }
0x36d: {  	v5 =	vadd.s32 $0x7, v2;
	v6 =	vadd.s32 $0x7, v3;
	v13 =	vadd.s32 $0x27, v2  }
0x36e: {  	v14 =	vadd.s32 $0x5, v4;
	v17 =	vadd.s32 $0x6, v2;
	v19 =	vadd.s32 $0x6, v3  }
0x36f: {  	v20 =	vadd.s32 $0x26, v2;
	v21 =	vadd.s32 $0x4, v4;
	v22 =	vadd.s32 $0x5, v2  }
0x370: {  	v23 =	vadd.s32 $0x5, v3;
	v24 =	vadd.s32 $0x25, v2;
	v25 =	vadd.s32 $0x3, v4  }
0x371: {  	v8 =	vadd.s32 $0x23, v4;
	v26 =	vadd.s32 $0x4, v2;
	v27 =	vadd.s32 $0x4, v3  }
0x372: {  	v28 =	vadd.s32 $0x24, v2;
	v29 =	vadd.s32 $0x2, v4;
	v10 =	vadd.s32 $0x22, v4  }
0x373: {  	v9 =	vadd.s32 $0x24, v3;
	v30 =	vadd.s32 $0x3, v2;
	v31 =	vadd.s32 $0x3, v3  }
0x374: {  	v32 =	vadd.s32 $0x23, v2;
	v33 =	vand.u32 $0x7F, v4;
	v34 =	vadd.s32 $0x1, v4  }
0x375: {  	v12 =	vadd.s32 $0x23, v3;
	v11 =	vadd.s32 $0x21, v4;
	v35 =	vadd.s32 $0x2, v2  }
0x376: {  	v36 =	vadd.s32 $0x2, v3;
	v37 =	vand.u32 $0xFFFFFF80, v4;
	v38 =	vadd.s32 $0x22, v2  }
0x377: {  	v15 =	vadd.s32 $0x22, v3;
	v39 =	vand.u32 $0x7F, v2;
	v40 =	vand.u32 $0x7F, v3  }
0x378: {  	v16 =	vadd.s32 $0x20, v4;
	v41 =	vadd.s32 $0x1, v2;
	v42 =	vadd.s32 $0x1, v3  }
0x379: {  	v43 =	vadd.s32 $0x21, v2;
	v44 =	vand.u32 $0xFFFFFF80, v2;
	v45 =	vand.u32 $0xFFFFFF80, v3  }
0x37a: {  	v18 =	vadd.s32 $0x21, v3;
	v46 =	vadd.s32 $0x20, v2;
	v2 =	vadd.s32 $0x8, v2  }
0x37b: {  	v37 =	vadd.s32 v1, v37;
	v44 =	vadd.s32 v1, v44;
	v60 =	vadd.s32 v1, v45  }
0x37c: {  	v61 =	vand.u32 $0x7F, v0;
	v0 =	vand.u32 $0xFFFFFF80, v0;
	v62 =	vand.u32 $0x7F, v5  }
0x37d: {  	v47 =	vand.u32 $0xFFFFFF80, v5;
	v48 =	vand.u32 $0x7F, v13;
	v13 =	vand.u32 $0xFFFFFF80, v13  }
0x37e: {  	v49 =	vand.u32 $0x7F, v14;
	v14 =	vand.u32 $0xFFFFFF80, v14;
	v50 =	vand.u32 $0x7F, v19  }
0x37f: {  	v19 =	vand.u32 $0xFFFFFF80, v19;
	v51 =	vand.u32 $0xFFFFFF80, v21;
	v21 =	vand.u32 $0x7F, v21  }
0x380: {  	v52 =	vand.u32 $0xFFFFFF80, v22;
	v53 =	vand.u32 $0x7F, v23;
	v23 =	vand.u32 $0xFFFFFF80, v23  }
0x381: {  	v55 =	vand.u32 $0x7F, v24;
	v56 =	vand.u32 $0x7F, v25;
	v57 =	vand.u32 $0xFFFFFF80, v25  }
0x382: {  	v58 =	vand.u32 $0xFFFFFF80, v26;
	v59 =	vand.u32 $0xFFFFFF80, v27;
	v33 =	vor.u32 v33, v37  }
0x383: {  	v37 =	vadd.s32 $0x20, v3;
	v39 =	vor.u32 v39, v44;
	v40 =	vor.u32 v40, v60  }
0x384: {  	v0 =	vadd.s32 v1, v0;
	v63 =	vadd.s32 v1, v47;
	v14 =	vadd.s32 v1, v14  }
0x385: {  	v19 =	vadd.s32 v1, v19;
	v45 =	vadd.s32 v1, v51;
	v54 =	vadd.s32 v1, v23  }
0x386: {  	v25 =	vadd.s32 v1, v58;
	v60 =	vand.u32 $0x7F, v27;
	v51 =	vand.u32 $0x7F, v31  }
0x387: {  	v58 =	vand.u32 $0x7F, v36;
	v5 =	vor.u32 v61, v0;
	v0 =	vand.u32 $0xFFFFFF80, v6  }
0x388: {  	v6 =	vand.u32 $0x7F, v6;
	v44 =	vor.u32 v62, v63;
	v14 =	vor.u32 v49, v14  }
0x389: {  	v19 =	vor.u32 v50, v19;
	v21 =	vor.u32 v21, v45;
	v61 =	vand.u32 $0x7F, v28  }
0x38a: {  	v62 =	vand.u32 $0xFFFFFF80, v28;
	v63 =	vand.u32 $0x7F, v29;
	v29 =	vand.u32 $0xFFFFFF80, v29  }
0x38b: {  	v50 =	vand.u32 $0x7F, v30;
	v0 =	vadd.s32 v1, v0;
	v49 =	vadd.s32 v1, v29  }
0x38c: {  	v0 =	vor.u32 v6, v0;
	v6 =	vadd.s32 v1, v13;
	v13 =	vand.u32 $0xFFFFFF80, v17  }
0x38d: {  	v17 =	vand.u32 $0x7F, v17;
	v27 =	vor.u32 v63, v49;
	v63 =	vand.u32 $0x7F, v42  }
0x38e: {  	v42 =	vand.u32 $0xFFFFFF80, v42;
	v6 =	vor.u32 v48, v6;
	v13 =	vadd.s32 v1, v13  }
0x38f: {  	v17 =	vor.u32 v17, v13;
	v13 =	vand.u32 $0x7F, v20;
	v20 =	vand.u32 $0xFFFFFF80, v20  }
0x390: {  	v48 =	vand.u32 $0xFFFFFF80, v30;
	v42 =	vadd.s32 v1, v42;
	v20 =	vadd.s32 v1, v20  }
0x391: {  	v47 =	vor.u32 v13, v20;
	v13 =	vand.u32 $0x7F, v22;
	v20 =	vadd.s32 v1, v52  }
0x392: {  	v22 =	vor.u32 v53, v54;
	v52 =	vand.u32 $0xFFFFFF80, v31;
	v53 =	vand.u32 $0x7F, v32  }
0x393: {  	v54 =	vand.u32 $0xFFFFFF80, v32;
	v45 =	vor.u32 v13, v20;
	v13 =	vand.u32 $0xFFFFFF80, v24  }
0x394: {  	v24 =	vadd.s32 v1, v57;
	v20 =	vadd.s32 v1, v48;
	v30 =	vadd.s32 v1, v52  }
0x395: {  	v31 =	vadd.s32 v1, v54;
	v57 =	vand.u32 $0x7F, v35;
	v35 =	vand.u32 $0xFFFFFF80, v35  }
0x396: {  	v48 =	vand.u32 $0x7F, v43;
	v54 =	vand.u32 $0x7F, v16;
	v16 =	vand.u32 $0xFFFFFF80, v16  }
0x397: {  	v13 =	vadd.s32 v1, v13;
	v24 =	vor.u32 v56, v24;
	v29 =	vor.u32 v50, v20  }
0x398: {  	v28 =	vor.u32 v51, v30;
	v56 =	vand.u32 $0x7F, v34;
	v31 =	vor.u32 v53, v31  }
0x399: {  	v35 =	vadd.s32 v1, v35;
	v50 =	vand.u32 $0xFFFFFF80, v46;
	v51 =	vld.idx.msk [tilespmem:v19+s12+$0x0], $0xffff;
	v19 =	vand.u32 $0x7F, v46  }
0x39a: {  	v14 =	vld.idx.msk [tilespmem:v14+s13+$0x0], $0xffff;
	v53 =	vand.u32 $0xFFFFFF80, v37;
	v16 =	vadd.s32 v1, v16;
	v23 =	vor.u32 v55, v13  }
0x39b: {  	v0 =	vld.idx.msk [tilespmem:v0+s12+$0x0], $0xffff;
	v13 =	vand.u32 $0x7F, v26;
	v55 =	vand.u32 $0xFFFFFF80, v34;
	v34 =	vor.u32 v57, v35  }
0x39c: {  	v49 =	vld.idx.msk [tilespmem:v17+s11+$0x0], $0xffff;
	v17 =	vand.u32 $0xFFFFFF80, v43;
	v57 =	vand.u32 $0xFFFFFF80, v18;
	v18 =	vand.u32 $0x7F, v18  }
0x39d: {  	v27 =	vld.idx.msk [tilespmem:v27+s13+$0x0], $0xffff;
	v25 =	vor.u32 v13, v25;
	v13 =	vadd.s32 v1, v59;
	v30 =	vadd.s32 v1, v55  }
0x39e: {  	v20 =	vld.idx.msk [tilespmem:v33+s13+$0x0], $0xffff;
	v59 =	vand.u32 $0xFFFFFF80, v36;
	v52 =	vadd.s32 v1, v17;
	v55 =	vand.u32 $0x7F, v37  }
0x39f: {  	v35 =	vld.idx.msk [tilespmem:v44+s11+$0x0], $0xffff;
	v37 =	vadd.s32 v1, v57;
	v26 =	vor.u32 v60, v13;
	v13 =	vadd.s32 v1, v62  }
0x3a0: {  	v36 =	vld.idx.msk [tilespmem:v39+s11+$0x0], $0xffff;
	v30 =	vor.u32 v56, v30;
	v60 =	vand.u32 $0xFFFFFF80, v38;
	v33 =	vadd.s32 v1, v59  }
0x3a1: {  	v39 =	vld.idx.msk [tilespmem:v40+s12+$0x0], $0xffff;
	v38 =	vand.u32 $0x7F, v38;
	v62 =	vand.u32 $0x7F, v41;
	v41 =	vand.u32 $0xFFFFFF80, v41  }
0x3a2: {  	v17 =	vld.idx.msk [tilespmem:v47+s11+$0x0], $0xffff;
	v56 =	vadd.s32 v1, v53;
	v18 =	vor.u32 v18, v37;
	v59 =	vor.u32 v54, v16  }
0x3a3: {  	v22 =	vld.idx.msk [tilespmem:v22+s12+$0x0], $0xffff;
	v16 =	vand.u32 $0x7F, v12;
	v12 =	vand.u32 $0xFFFFFF80, v12;
	v47 =	vadd.s32 $0x26, v3  }
0x3a4: {  	v54 =	vadd.s32 $0x26, v4;
	v13 =	vor.u32 v61, v13;
	v32 =	vor.u32 v58, v33;
	v45 =	vld.idx.msk [tilespmem:v45+s11+$0x0], $0xffff  }
0x3a5: {  	v61 =	vadd.s32 v1, v60;
	v41 =	vadd.s32 v1, v41;
	v58 =	vand.u32 $0xFFFFFF80, v15;
	v24 =	vld.idx.msk [tilespmem:v24+s13+$0x0], $0xffff  }
0x3a6: {  	v15 =	vand.u32 $0x7F, v15;
	v60 =	vand.u32 $0xFFFFFF80, v11;
	v11 =	vand.u32 $0x7F, v11;
	v29 =	vld.idx.msk [tilespmem:v29+s11+$0x0], $0xffff  }
0x3a7: {  	v12 =	vadd.s32 v1, v12;
	v33 =	vor.u32 v38, v61;
	v40 =	vor.u32 v62, v41;
	v28 =	vld.idx.msk [tilespmem:v28+s12+$0x0], $0xffff  }
0x3a8: {  	v38 =	vor.u32 v63, v42;
	v42 =	vadd.s32 v1, v50;
	v41 =	vor.u32 v48, v52;
	v31 =	vld.idx.msk [tilespmem:v31+s11+$0x0], $0xffff  }
0x3a9: {  	v37 =	vadd.s32 v1, v58;
	v12 =	vor.u32 v16, v12;
	v42 =	vor.u32 v19, v42;
	v19 =	vld.idx.msk [tilespmem:v21+s13+$0x0], $0xffff  }
0x3aa: {  	v16 =	vand.u32 $0x7F, v7;
	v7 =	vand.u32 $0xFFFFFF80, v7;
	v62 =	vadd.s32 $0x24, v4;
	v23 =	vld.idx.msk [tilespmem:v23+s11+$0x0], $0xffff  }
0x3ab: {  	v48 =	vand.u32 $0xFFFFFF80, v47;
	v52 =	vadd.s32 $0x27, v3;
	v21 =	vor.u32 v55, v56;
	v34 =	vld.idx.msk [tilespmem:v34+s11+$0x0], $0xffff  }
0x3ac: {  	v15 =	vor.u32 v15, v37;
	v37 =	vadd.s32 v1, v60;
	v7 =	vadd.s32 v1, v7;
	v25 =	vld.idx.msk [tilespmem:v25+s11+$0x0], $0xffff  }
0x3ad: {  	v53 =	vand.u32 $0xFFFFFF80, v52;
	v56 =	vand.u32 $0xFFFFFF80, v54;
	v60 =	vadd.s32 $0x27, v4;
	v26 =	vld.idx.msk [tilespmem:v26+s12+$0x0], $0xffff  }
0x3ae: {  	v37 =	vor.u32 v11, v37;
	v11 =	vand.u32 $0xFFFFFF80, v10;
	v10 =	vand.u32 $0x7F, v10;
	v18 =	vld.idx.msk [tilespmem:v18+s12+$0x0], $0xffff  }
0x3af: {  	v7 =	vor.u32 v16, v7;
	v16 =	vadd.s32 $0x25, v3;
	v36 =	vmul.f32 v39, v36;
	v30 =	vld.idx.msk [tilespmem:v30+s13+$0x0], $0xffff  }
0x3b0: {  	v39 =	vand.u32 $0x7F, v52;
	v57 =	vadd.s32 v1, v56;
	v11 =	vadd.s32 v1, v11;
	v50 =	vld.idx.msk [tilespmem:v59+s13+$0x0], $0xffff  }
0x3b1: {  	v61 =	vand.u32 $0xFFFFFF80, v16;
	v59 =	vimm.f32 $0.0e+00;
	v10 =	vor.u32 v10, v11;
	v32 =	vld.idx.msk [tilespmem:v32+s12+$0x0], $0xffff  }
0x3b2: {  	v11 =	vand.u32 $0xFFFFFF80, v9;
	v9 =	vand.u32 $0x7F, v9;
	v22 =	vmul.f32 v22, v45;
	v40 =	vld.idx.msk [tilespmem:v40+s11+$0x0], $0xffff  }
0x3b3: {  	v45 =	vand.u32 $0xFFFFFF80, v62;
	v20 =	vmul.f32 v20, v36;
	v36 =	vand.u32 $0x7F, v54;
	v38 =	vld.idx.msk [tilespmem:v38+s12+$0x0], $0xffff  }
0x3b4: {  	v11 =	vadd.s32 v1, v11;
	v63 =	vld.idx.msk [tilespmem:v41+s11+$0x0], $0xffff;
	v28 =	vmul.f32 v28, v29;
	v41 =	vadd.s32 v1, v45  }
0x3b5: {  	v29 =	vand.u32 $0x7F, v47;
	v33 =	vld.idx.msk [tilespmem:v33+s11+$0x0], $0xffff;
	v9 =	vor.u32 v9, v11;
	v11 =	vand.u32 $0xFFFFFF80, v8  }
0x3b6: {  	v58 =	vor.u32 v36, v57;
	v8 =	vand.u32 $0x7F, v8;
	v42 =	vld.idx.msk [tilespmem:v42+s11+$0x0], $0xffff;
	v11 =	vadd.s32 v1, v11  }
0x3b7: {  	v21 =	vld.idx.msk [tilespmem:v21+s12+$0x0], $0xffff;
	v20 =	vadd.f32 v20, v59;
	v8 =	vor.u32 v8, v11;
	v11 =	vmul.f32 v0, v35  }
0x3b8: {  	v12 =	vld.idx.msk [tilespmem:v12+s12+$0x0], $0xffff;
	v0 =	vand.u32 $0x7F, v16;
	v16 =	vadd.s32 v1, v61;
	v35 =	vand.u32 $0x7F, v62  }
0x3b9: {  	v15 =	vld.idx.msk [tilespmem:v15+s12+$0x0], $0xffff;
	v25 =	vmul.f32 v26, v25;
	v26 =	vadd.s32 v1, v48;
	v0 =	vor.u32 v0, v16  }
0x3ba: {  	v13 =	vld.idx.msk [tilespmem:v13+s11+$0x0], $0xffff;
	v16 =	vmul.f32 v51, v49;
	v35 =	vor.u32 v35, v41;
	v32 =	vmul.f32 v32, v34  }
0x3bb: {  	v37 =	vld.idx.msk [tilespmem:v37+s13+$0x0], $0xffff;
	v26 =	vor.u32 v29, v26;
	v49 =	vadd.s32 $0x25, v4;
	v38 =	vmul.f32 v38, v40  }
0x3bc: {  	v10 =	vld.idx.msk [tilespmem:v10+s13+$0x0], $0xffff;
	v51 =	vand.u32 $0xFFFFFF80, v49;
	v18 =	vmul.f32 v18, v63;
	v21 =	vmul.f32 v21, v42  }
0x3bd: {  	v7 =	vld.idx.msk [tilespmem:v7+s13+$0x0], $0xffff;
	v29 =	vand.u32 $0x7F, v49;
	v12 =	vmul.f32 v12, v31;
	v40 =	vadd.s32 v1, v51  }
0x3be: {  	v15 =	vmul.f32 v15, v33;
	v9 =	vld.idx.msk [tilespmem:v9+s12+$0x0], $0xffff;
	v29 =	vor.u32 v29, v40;
	v21 =	vmul.f32 v50, v21  }
0x3bf: {  	v61 =	vand.u32 $0xFFFFFF80, v60;
	v27 =	vmul.f32 v27, v32;
	v30 =	vmul.f32 v30, v38;
	v8 =	vld.idx.msk [tilespmem:v8+s13+$0x0], $0xffff  }
0x3c0: {  	v40 =	vadd.s32 v1, v53;
	v18 =	vmul.f32 v37, v18;
	v0 =	vld.idx.msk [tilespmem:v0+s12+$0x0], $0xffff;
	v21 =	vadd.f32 v21, v59  }
0x3c1: {  	v55 =	vor.u32 v39, v40;
	v20 =	vadd.f32 v30, v20;
	v62 =	vld.idx.msk [tilespmem:v35+s13+$0x0], $0xffff;
	v10 =	vmul.f32 v10, v15  }
0x3c2: {  	v15 =	vand.u32 $0x7F, v60;
	v26 =	vld.idx.msk [tilespmem:v26+s12+$0x0], $0xffff;
	v18 =	vadd.f32 v18, v21;
	v21 =	vadd.s32 v1, v61  }
0x3c3: {  	v24 =	vmul.f32 v24, v28;
	v9 =	vmul.f32 v9, v13;
	v63 =	vld.idx.msk [tilespmem:v29+s13+$0x0], $0xffff;
	v21 =	vor.u32 v15, v21  }
0x3c4: {  	v20 =	vadd.f32 v27, v20;
	v13 =	vld.idx.msk [tilespmem:v5+s13+$0x0], $0xffff;
	v8 =	vmul.f32 v8, v12;
	v10 =	vadd.f32 v10, v18  }
0x3c5: {  	v3 =	vadd.s32 $0x8, v3;
	v12 =	vmul.f32 v19, v25;
	v15 =	vld.idx.msk [tilespmem:v6+s11+$0x0], $0xffff;
	v0 =	vmul.f32 v0, v23  }
0x3c6: {  	v5 =	vld.idx.msk [tilespmem:v55+s12+$0x0], $0xffff;
	v18 =	vadd.f32 v24, v20;
	v19 =	vmul.f32 v62, v9;
	v8 =	vadd.f32 v8, v10  }
0x3c7: {  	v4 =	vadd.s32 $0x8, v4;
	v6 =	vld.idx.msk [tilespmem:v58+s13+$0x0], $0xffff;
	v9 =	vmul.f32 v26, v17;
	v10 =	vmul.f32 v14, v22  }
0x3c8: {  	s21 =	simm.s32 $0x0;
	v12 =	vadd.f32 v12, v18;
	v17 =	vmul.f32 v63, v0;
	v14 =	vadd.f32 v19, v8;
	v8 =	vld.idx.msk [tilespmem:v21+s13+$0x0], $0xffff  }
.LBB2_15:
0x3c9: {  	v0 =	vadd.s32 $0x7, v4  }
0x3ca: {  	v13 =	vmul.f32 v13, v16;
	v16 =	vadd.s32 $0x7, v3;
	v20 =	vadd.s32 $0x27, v2  }
0x3cb: {  	v22 =	vadd.s32 $0x5, v4;
	v23 =	vadd.s32 $0x25, v4;
	v24 =	vadd.s32 $0x6, v2  }
0x3cc: {  	v26 =	vadd.s32 $0x6, v3;
	v27 =	vadd.s32 $0x26, v2;
	v28 =	vadd.s32 $0x4, v4  }
0x3cd: {  	v29 =	vadd.s32 $0x24, v4;
	v34 =	vadd.s32 $0x26, v3;
	v35 =	vadd.s32 $0x5, v2  }
0x3ce: {  	v38 =	vadd.s32 $0x5, v3;
	v40 =	vadd.s32 $0x25, v2;
	v41 =	vadd.s32 $0x3, v4  }
0x3cf: {  	v43 =	vadd.s32 $0x23, v4;
	v44 =	vadd.s32 $0x25, v3;
	v46 =	vadd.s32 $0x4, v2  }
0x3d0: {  	v48 =	vadd.s32 $0x4, v3;
	v49 =	vadd.s32 $0x24, v2;
	v50 =	vadd.s32 $0x2, v4  }
0x3d1: {  	v51 =	vadd.s32 $0x22, v4;
	v52 =	vadd.s32 $0x24, v3;
	v53 =	vadd.s32 $0x3, v2  }
0x3d2: {  	v54 =	vadd.s32 $0x3, v3;
	v56 =	vand.u32 $0x7F, v4;
	v47 =	vadd.s32 $0x1, v4  }
0x3d3: {  	v57 =	vadd.s32 $0x23, v3;
	v58 =	vand.u32 $0xFFFFFF80, v4;
	v59 =	vand.u32 $0x7F, v2  }
0x3d4: {  	v60 =	vand.u32 $0x7F, v3;
	v61 =	vand.u32 $0xFFFFFF80, v2;
	v10 =	vadd.f32 v10, v12  }
0x3d5: {  	v62 =	vand.u32 $0xFFFFFF80, v3;
	v12 =	vadd.f32 v17, v14;
	v6 =	vmul.f32 v6, v9  }
0x3d6: {  	v10 =	vadd.f32 v13, v10;
	v5 =	vmul.f32 v5, v15;
	v7 =	vmul.f32 v7, v11  }
0x3d7: {  	v14 =	vadd.s32 $0x6, v4;
	v19 =	vand.u32 $0x7F, v16;
	v30 =	vand.u32 $0x7F, v20  }
0x3d8: {  	v6 =	vadd.f32 v6, v12;
	v8 =	vmul.f32 v8, v5;
	v5 =	vadd.f32 v7, v10  }
0x3d9: {  	v18 =	vand.u32 $0x7F, v24;
	v25 =	vand.u32 $0x7F, v26;
	v31 =	vand.u32 $0x7F, v27  }
0x3da: {  	v17 =	vand.u32 $0xFFFFFF80, v40;
	v61 =	vadd.s32 v1, v61;
	[tilespmem:$0x1FAE0] =	vst v5;
	v5 =	vadd.f32 v8, v6  }
0x3db: {  	v62 =	vadd.s32 v1, v62;
	v9 =	vadd.s32 $0x27, v4;
	v13 =	vadd.s32 $0x7, v2  }
0x3dc: {  	v12 =	vadd.s32 $0x26, v4;
	v15 =	vand.u32 $0x7F, v14;
	[tilespmem:$0x1FAF0] =	vst v5;
	v5 =	vadd.s32 $0x1, v3  }
0x3dd: {  	v63 =	vand.u32 $0x7F, v13;
	v13 =	vand.u32 $0xFFFFFF80, v13;
	[tilespmem:$0x1F970] =	vst v5;
	v5 =	vadd.s32 $0x21, v2  }
0x3de: {  	v11 =	vand.u32 $0xFFFFFF80, v20;
	v20 =	vand.u32 $0x7F, v28;
	[tilespmem:$0x1F980] =	vst v5;
	v5 =	vadd.s32 $0x21, v3  }
0x3df: {  	v10 =	vadd.s32 $0x27, v3;
	v7 =	vand.u32 $0xFFFFFF80, v28;
	[tilespmem:$0x1F990] =	vst v5;
	v5 =	vadd.s32 $0x20, v2  }
0x3e0: {  	v28 =	vand.u32 $0x7F, v54;
	v7 =	vadd.s32 v1, v7;
	[tilespmem:$0x1F9A0] =	vst v5;
	v5 =	vadd.s32 $0x20, v3  }
0x3e1: {  	v8 =	vand.u32 $0xFFFFFF80, v16;
	v16 =	vand.u32 $0x7F, v22;
	[tilespmem:$0x1F9B0] =	vst v5;
	v5 =	vand.u32 $0x7F, v0  }
0x3e2: {  	v6 =	vand.u32 $0xFFFFFF80, v22;
	v22 =	vand.u32 $0x7F, v35;
	v0 =	vand.u32 $0xFFFFFF80, v0;
	[tilespmem:$0x1FA60] =	vst v5  }
0x3e3: {  	v35 =	vand.u32 $0xFFFFFF80, v35;
	v20 =	vor.u32 v20, v7;
	[tilespmem:$0x1F9C0] =	vst v0;
	v0 =	vand.u32 $0xFFFFFF80, v9  }
0x3e4: {  	v6 =	vadd.s32 v1, v6;
	v7 =	vadd.s32 v1, v35;
	[tilespmem:$0x1F9D0] =	vst v0;
	v0 =	vand.u32 $0x7F, v9  }
0x3e5: {  	v6 =	vor.u32 v16, v6;
	v22 =	vor.u32 v22, v7;
	[tilespmem:$0x1FB00] =	vst v0;
	v0 =	vand.u32 $0x7F, v12  }
0x3e6: {  	v5 =	vand.u32 $0xFFFFFF80, v14;
	v14 =	vand.u32 $0xFFFFFF80, v27;
	[tilespmem:$0x1FAD0] =	vst v0;
	v0 =	vand.u32 $0x7F, v10  }
0x3e7: {  	v27 =	vand.u32 $0x7F, v40;
	v40 =	vand.u32 $0x7F, v57;
	[tilespmem:$0x1FAC0] =	vst v0;
	v0 =	vand.u32 $0xFFFFFF80, v12  }
0x3e8: {  	v9 =	vand.u32 $0xFFFFFF80, v24;
	v24 =	vand.u32 $0x7F, v46;
	[tilespmem:$0x1F9E0] =	vst v0;
	v0 =	vand.u32 $0xFFFFFF80, v10  }
0x3e9: {  	v5 =	vadd.s32 v1, v5;
	v14 =	vadd.s32 v1, v14;
	[tilespmem:$0x1F9F0] =	vst v0;
	v0 =	vand.u32 $0x7F, v23  }
0x3ea: {  	v15 =	vor.u32 v15, v5;
	v5 =	vadd.s32 v1, v13;
	[tilespmem:$0x1FAB0] =	vst v0;
	v0 =	vand.u32 $0x7F, v34  }
0x3eb: {  	v14 =	vor.u32 v31, v14;
	v12 =	vand.u32 $0xFFFFFF80, v38;
	[tilespmem:$0x1FAA0] =	vst v0;
	v0 =	vand.u32 $0xFFFFFF80, v23  }
0x3ec: {  	v10 =	vand.u32 $0xFFFFFF80, v26;
	v26 =	vand.u32 $0x7F, v48;
	[tilespmem:$0x1FA00] =	vst v0;
	v0 =	vand.u32 $0xFFFFFF80, v34  }
0x3ed: {  	v7 =	vadd.s32 v1, v12;
	v23 =	vand.u32 $0x7F, v38;
	[tilespmem:$0x1FA10] =	vst v0;
	v0 =	vand.u32 $0x7F, v29  }
0x3ee: {  	v38 =	vand.u32 $0x7F, v51;
	v34 =	vand.u32 $0xFFFFFF80, v52;
	[tilespmem:$0x1FA90] =	vst v0;
	v0 =	vand.u32 $0x7F, v44  }
0x3ef: {  	v12 =	vor.u32 v23, v7;
	v7 =	vadd.s32 v1, v17;
	[tilespmem:$0x1FA80] =	vst v0;
	v0 =	vand.u32 $0xFFFFFF80, v29  }
0x3f0: {  	[tilespmem:$0x1FA20] =	vst v0;
	v0 =	vand.u32 $0xFFFFFF80, v44;
	v44 =	vand.u32 $0x7F, v41;
	v41 =	vand.u32 $0xFFFFFF80, v41  }
0x3f1: {  	v29 =	vand.u32 $0x7F, v49;
	[tilespmem:$0x1FA30] =	vst v0;
	v0 =	vand.u32 $0x7F, v43;
	v17 =	vadd.s32 v1, v41  }
0x3f2: {  	[tilespmem:$0x1FA70] =	vst v0;
	v0 =	vand.u32 $0x7F, v52;
	v52 =	vand.u32 $0x7F, v53;
	v17 =	vor.u32 v44, v17  }
0x3f3: {  	[tilespmem:$0x1FA50] =	vst v0;
	v0 =	vand.u32 $0xFFFFFF80, v43;
	v43 =	vand.u32 $0xFFFFFF80, v46;
	v46 =	vand.u32 $0xFFFFFF80, v48  }
0x3f4: {  	v22 =	vld.idx.msk [tilespmem:v22+s11+$0x0], $0xffff;
	v48 =	vand.u32 $0xFFFFFF80, v49;
	v49 =	vand.u32 $0x7F, v50;
	v50 =	vand.u32 $0xFFFFFF80, v50  }
0x3f5: {  	v13 =	vld.idx.msk [tilespmem:v15+s13+$0x0], $0xffff;
	[tilespmem:$0x1FA40] =	vst v0;
	v0 =	vadd.s32 v1, v58;
	v58 =	vand.u32 $0xFFFFFF80, v51;
	v51 =	vor.u32 v59, v61  }
0x3f6: {  	v12 =	vld.idx.msk [tilespmem:v12+s12+$0x0], $0xffff;
	v59 =	vand.u32 $0xFFFFFF80, v54;
	v54 =	vand.u32 $0xFFFFFF80, v57;
	v61 =	vor.u32 v63, v5  }
0x3f7: {  	v44 =	vld [tilespmem:$0x1F970];
	v5 =	vadd.s32 v1, v8;
	v8 =	vadd.s32 v1, v9;
	v31 =	vadd.s32 v1, v43  }
0x3f8: {  	v41 =	vadd.s32 v1, v48;
	v43 =	vld [tilespmem:$0x1F980];
	v0 =	vor.u32 v56, v0;
	v56 =	vand.u32 $0xFFFFFF80, v53  }
0x3f9: {  	v48 =	vadd.s32 v1, v50;
	v16 =	vor.u32 v18, v8;
	v50 =	vadd.s32 v1, v56;
	v56 =	vld [tilespmem:$0x1F990]  }
0x3fa: {  	v18 =	vand.u32 $0xFFFFFF80, v47;
	v24 =	vor.u32 v24, v31;
	v31 =	vor.u32 v52, v50;
	v50 =	vld.idx.msk [tilespmem:v17+s13+$0x0], $0xffff  }
0x3fb: {  	v57 =	vand.u32 $0x7F, v47;
	v53 =	vor.u32 v60, v62;
	v18 =	vadd.s32 v1, v18;
	v52 =	vld [tilespmem:$0x1F9A0]  }
0x3fc: {  	v19 =	vor.u32 v19, v5;
	v18 =	vor.u32 v57, v18;
	v57 =	vld [tilespmem:$0x1F9B0]  }
0x3fd: {  	v5 =	vadd.s32 v1, v11;
	v8 =	vadd.s32 v1, v10;
	v11 =	vld.idx.msk [tilespmem:v51+s11+$0x0], $0xffff  }
0x3fe: {  	v10 =	vor.u32 v25, v8;
	v8 =	vld.idx.msk [tilespmem:v61+s11+$0x0], $0xffff  }
0x3ff: {  	v55 =	vadd.s32 $0x23, v2;
	v0 =	vld.idx.msk [tilespmem:v0+s13+$0x0], $0xffff  }
0x400: {  	v21 =	vadd.s32 $0x21, v4;
	v32 =	vadd.s32 $0x2, v2;
	v30 =	vor.u32 v30, v5;
	v5 =	vld.idx.msk [tilespmem:v53+s12+$0x0], $0xffff  }
0x401: {  	v33 =	vand.u32 $0x7F, v55;
	v60 =	vand.u32 $0xFFFFFF80, v55;
	v55 =	vand.u32 $0x7F, v21;
	v47 =	vld.idx.msk [tilespmem:v19+s12+$0x0], $0xffff  }
0x402: {  	v62 =	vand.u32 $0x7F, v32;
	v19 =	vand.u32 $0xFFFFFF80, v21;
	v21 =	vand.u32 $0xFFFFFF80, v32;
	v32 =	vld.idx.msk [tilespmem:v6+s13+$0x0], $0xffff  }
0x403: {  	v42 =	vadd.s32 $0x22, v2;
	v35 =	vadd.s32 v1, v46;
	v51 =	vld.idx.msk [tilespmem:v16+s11+$0x0], $0xffff  }
0x404: {  	v9 =	vand.u32 $0x7F, v42;
	v25 =	vor.u32 v26, v35;
	v16 =	vand.u32 $0xFFFFFF80, v42;
	v42 =	vld.idx.msk [tilespmem:v20+s13+$0x0], $0xffff  }
0x405: {  	v26 =	vor.u32 v29, v41;
	v24 =	vld.idx.msk [tilespmem:v24+s11+$0x0], $0xffff  }
0x406: {  	v15 =	vld.idx.msk [tilespmem:v30+s11+$0x0], $0xffff  }
0x407: {  	v39 =	vadd.s32 $0x22, v3;
	v46 =	vadd.s32 v1, v60;
	v61 =	vor.u32 v27, v7;
	v7 =	vld.idx.msk [tilespmem:v10+s12+$0x0], $0xffff  }
0x408: {  	v35 =	vor.u32 v33, v46;
	v53 =	vand.u32 $0x7F, v39;
	v10 =	vand.u32 $0xFFFFFF80, v39;
	v39 =	vld.idx.msk [tilespmem:v14+s11+$0x0], $0xffff  }
0x409: {  	v25 =	vld.idx.msk [tilespmem:v25+s12+$0x0], $0xffff  }
0x40a: {  	v45 =	vadd.s32 $0x2, v3;
	v33 =	vld.idx.msk [tilespmem:v26+s11+$0x0], $0xffff  }
0x40b: {  	v27 =	vand.u32 $0x7F, v44;
	v30 =	vor.u32 v49, v48;
	v48 =	vand.u32 $0xFFFFFF80, v44;
	v44 =	vld [tilespmem:$0x1F9C0]  }
0x40c: {  	v63 =	vand.u32 $0x7F, v45;
	v6 =	vand.u32 $0xFFFFFF80, v45;
	v23 =	vand.u32 $0x7F, v56;
	v31 =	vld.idx.msk [tilespmem:v31+s11+$0x0], $0xffff  }
0x40d: {  	v21 =	vadd.s32 v1, v21;
	v49 =	vand.u32 $0xFFFFFF80, v43;
	v6 =	vadd.s32 v1, v6;
	v35 =	vld.idx.msk [tilespmem:v35+s11+$0x0], $0xffff  }
0x40e: {  	v41 =	vand.u32 $0xFFFFFF80, v56;
	v16 =	vadd.s32 v1, v16;
	v21 =	vor.u32 v62, v21;
	v18 =	vld.idx.msk [tilespmem:v18+s13+$0x0], $0xffff  }
0x40f: {  	v6 =	vor.u32 v63, v6;
	v56 =	vand.u32 $0x7F, v52;
	v26 =	vadd.s32 v1, v49;
	v49 =	vld [tilespmem:$0x1F9E0]  }
0x410: {  	v9 =	vor.u32 v9, v16;
	v60 =	vand.u32 $0xFFFFFF80, v52;
	v45 =	vld.idx.msk [tilespmem:v61+s11+$0x0], $0xffff;
	v61 =	vadd.s32 v1, v59  }
0x411: {  	v16 =	vand.u32 $0x7F, v57;
	v52 =	vld [tilespmem:$0x1F9F0];
	v28 =	vor.u32 v28, v61;
	v61 =	vadd.s32 v1, v60  }
0x412: {  	v62 =	vand.u32 $0xFFFFFF80, v57;
	v10 =	vadd.s32 v1, v10;
	v57 =	vld [tilespmem:$0x1FA10];
	v63 =	vor.u32 v56, v61  }
0x413: {  	v10 =	vor.u32 v53, v10;
	v53 =	vld [tilespmem:$0x1FA00]  }
0x414: {  	v29 =	vand.u32 $0x7F, v43;
	v43 =	vadd.s32 v1, v62;
	v62 =	vld [tilespmem:$0x1FA40]  }
0x415: {  	v59 =	vadd.s32 v1, v48;
	v48 =	vld [tilespmem:$0x1F9D0]  }
0x416: {  	v16 =	vor.u32 v16, v43;
	v60 =	vld [tilespmem:$0x1FA20]  }
0x417: {  	v26 =	vor.u32 v29, v26;
	v27 =	vor.u32 v27, v59;
	v29 =	vld.idx.msk [tilespmem:v63+s11+$0x0], $0xffff  }
0x418: {  	v37 =	vadd.s32 $0x20, v4;
	v63 =	vld [tilespmem:$0x1FA50]  }
0x419: {  	v36 =	vadd.s32 $0x1, v2;
	v17 =	vand.u32 $0xFFFFFF80, v37;
	v5 =	vmul.f32 v5, v11;
	v11 =	vld [tilespmem:$0x1FA70]  }
0x41a: {  	v17 =	vadd.s32 v1, v17;
	v20 =	vand.u32 $0x7F, v36;
	v30 =	vld.idx.msk [tilespmem:v30+s13+$0x0], $0xffff  }
0x41b: {  	v36 =	vand.u32 $0xFFFFFF80, v36;
	v14 =	vand.u32 $0x7F, v37;
	v59 =	vld.idx.msk [tilespmem:v16+s12+$0x0], $0xffff;
	v16 =	vadd.s32 v1, v58  }
0x41c: {  	v14 =	vor.u32 v14, v17;
	v17 =	vld.idx.msk [tilespmem:v27+s12+$0x0], $0xffff;
	v38 =	vor.u32 v38, v16;
	v16 =	vadd.s32 v1, v34  }
0x41d: {  	v36 =	vadd.s32 v1, v36;
	v27 =	vadd.s32 v1, v52;
	v52 =	vor.u32 v63, v16;
	v16 =	vld [tilespmem:$0x1FA60]  }
0x41e: {  	v20 =	vor.u32 v20, v36;
	v61 =	vld [tilespmem:$0x1FA30]  }
0x41f: {  	v21 =	vld.idx.msk [tilespmem:v21+s11+$0x0], $0xffff  }
0x420: {  	v6 =	vld.idx.msk [tilespmem:v6+s12+$0x0], $0xffff  }
0x421: {  	v19 =	vadd.s32 v1, v19;
	v37 =	vadd.s32 v1, v44;
	v9 =	vld.idx.msk [tilespmem:v9+s11+$0x0], $0xffff  }
0x422: {  	v19 =	vor.u32 v55, v19;
	v37 =	vor.u32 v16, v37;
	v16 =	vld [tilespmem:$0x1FA80]  }
0x423: {  	v46 =	vadd.s32 v1, v41;
	v20 =	vld.idx.msk [tilespmem:v20+s11+$0x0], $0xffff  }
0x424: {  	v23 =	vor.u32 v23, v46;
	v56 =	vadd.s32 v1, v54;
	v14 =	vld.idx.msk [tilespmem:v14+s13+$0x0], $0xffff  }
0x425: {  	v40 =	vor.u32 v40, v56;
	v56 =	vld [tilespmem:$0x1FAA0]  }
0x426: {  	v36 =	vadd.s32 v1, v49;
	v49 =	vadd.s32 v1, v62;
	v10 =	vld.idx.msk [tilespmem:v10+s12+$0x0], $0xffff;
	v34 =	vadd.s32 v1, v61  }
0x427: {  	v49 =	vor.u32 v11, v49;
	v11 =	vmul.f32 v47, v8;
	v8 =	vld.idx.msk [tilespmem:v19+s13+$0x0], $0xffff;
	v19 =	vor.u32 v16, v34  }
0x428: {  	v26 =	vld.idx.msk [tilespmem:v26+s11+$0x0], $0xffff  }
0x429: {  	v23 =	vld.idx.msk [tilespmem:v23+s12+$0x0], $0xffff  }
0x42a: {  	v43 =	vadd.s32 v1, v53;
	v53 =	vld [tilespmem:$0x1FA90]  }
0x42b: {  	v62 =	vld [tilespmem:$0x1FB00]  }
0x42c: {  	v9 =	vmul.f32 v10, v9;
	v10 =	vld.idx.msk [tilespmem:v19+s12+$0x0], $0xffff  }
0x42d: {  	v19 =	vld [tilespmem:$0x1FAE0]  }
0x42e: {  	v28 =	vld.idx.msk [tilespmem:v28+s12+$0x0], $0xffff  }
0x42f: {  	v17 =	vmul.f32 v17, v20;
	v54 =	vmul.f32 v59, v29;
	v59 =	vld [tilespmem:$0x1FAB0]  }
0x430: {  	v0 =	vmul.f32 v0, v5;
	v44 =	vadd.s32 v1, v60;
	v60 =	vld [tilespmem:$0x1FAC0]  }
0x431: {  	v17 =	vmul.f32 v18, v17;
	v18 =	vld [tilespmem:$0x1FAD0]  }
0x432: {  	v4 =	vadd.s32 $0x8, v4;
	v0 =	vadd.f32 v0, v19;
	v19 =	vld [tilespmem:$0x1FAF0]  }
0x433: {  	v55 =	vld.idx.msk [tilespmem:v38+s13+$0x0], $0xffff;
	v16 =	vmul.f32 v7, v51;
	v51 =	vmul.f32 v28, v31;
	v28 =	vor.u32 v53, v44  }
0x434: {  	v46 =	vadd.s32 v1, v57;
	v57 =	vmul.f32 v23, v26;
	v26 =	vor.u32 v59, v43;
	v7 =	vld.idx.msk [tilespmem:v40+s12+$0x0], $0xffff  }
0x435: {  	v6 =	vmul.f32 v6, v21;
	v21 =	vor.u32 v56, v46;
	v5 =	vmul.f32 v14, v54;
	v14 =	vld.idx.msk [tilespmem:v49+s13+$0x0], $0xffff  }
0x436: {  	v12 =	vmul.f32 v12, v22;
	v24 =	vmul.f32 v25, v24;
	v41 =	vadd.s32 v1, v48;
	v58 =	vld.idx.msk [tilespmem:v52+s12+$0x0], $0xffff  }
0x437: {  	v8 =	vmul.f32 v8, v57;
	v18 =	vor.u32 v18, v36;
	v5 =	vadd.f32 v5, v19  }
0x438: {  	v6 =	vmul.f32 v30, v6;
	v25 =	vor.u32 v60, v27;
	v0 =	vadd.f32 v17, v0;
	v19 =	vld.idx.msk [tilespmem:v28+s13+$0x0], $0xffff  }
0x439: {  	s21 =	sadd.s32 $0x8, s21;
	v9 =	vmul.f32 v55, v9;
	v7 =	vmul.f32 v7, v35;
	v17 =	vld.idx.msk [tilespmem:v26+s13+$0x0], $0xffff;
	v8 =	vadd.f32 v8, v5  }
0x43a: {  	p0 =	slt.u32 s21, $0x18;
	v61 =	vld.idx.msk [tilespmem:v21+s12+$0x0], $0xffff;
	v21 =	vor.u32 v62, v41;
	v22 =	vmul.f32 v50, v51;
	v0 =	vadd.f32 v6, v0  }
.Ltmp6:
0x43b: {  	v23 =	vmul.f32 v58, v33;
	v8 =	vadd.f32 v9, v8;
	v9 =	vmul.f32 v14, v7;
	(pc) =	sbr.rel @p0 .LBB2_15-.Ltmp6, $4  }
0x43c: {  	v2 =	vadd.s32 $0x8, v2;
	v6 =	vld.idx.msk [tilespmem:v18+s13+$0x0], $0xffff;
	v18 =	vmul.f32 v10, v45;
	v0 =	vadd.f32 v22, v0  }
0x43d: {  	v5 =	vld.idx.msk [tilespmem:v25+s12+$0x0], $0xffff;
	v14 =	vmul.f32 v42, v24;
	v19 =	vmul.f32 v19, v23;
	v63 =	vadd.f32 v9, v8  }
0x43e: {  	v3 =	vadd.s32 $0x8, v3;
	v10 =	vmul.f32 v32, v12;
	v17 =	vmul.f32 v17, v18;
	v7 =	vld.idx.msk [tilespmem:v37+s13+$0x0], $0xffff  }
0x43f: {  	v8 =	vld.idx.msk [tilespmem:v21+s13+$0x0], $0xffff;
	v9 =	vmul.f32 v61, v39;
	v12 =	vadd.f32 v14, v0;
	v14 =	vadd.f32 v19, v63  }
0x440: {  	_ = 	snop  }
0x441: {  	v0 =	vmul.f32 v13, v16;
	v2 =	vadd.f32 v10, v12  }
0x442: {  	v3 =	vadd.f32 v17, v14;
	v4 =	vmul.f32 v6, v9;
	v1 =	vmul.f32 v5, v15  }
0x443: {  	v62 =	vmul.f32 v7, v11  }
0x444: {  	s20 =	sadd.s32 $0x1, s20;
	v0 =	vadd.f32 v0, v2;
	v63 =	vadd.f32 v4, v3;
	v1 =	vmul.f32 v8, v1  }
0x445: {  	p0 =	sne.s32 s20, $0x8  }
.Ltmp7:
0x446: {  	v0 =	vadd.f32 v62, v0;
	v1 =	vadd.f32 v1, v63;
	(pc) =	sbr.rel @p0 .LBB2_14-.Ltmp7, $3  }
0x447: {  	_ = 	snop  }
0x448: {  	v0 =	vadd.f32 v1, v0;
	_ =	sdelay $0x1  }
0x449: {  	s19 =	sadd.s32 $0x10, s19;
	[tilespmem:s18+$0x18500] =	vst v0;
	s18 =	sadd.s32 $0x10, s18  }
0x44a: {  	s17 =	sadd.s32 $0x1, s17  }
0x44b: {  	p0 =	sne.s32 s17, s0  }
.Ltmp8:
0x44c: {  	s18 =	simm.s32 $0x18500;
	(pc) =	sbr.rel @p0 .LBB2_1-.Ltmp8, $4  }
0x44d: {  	[hbm4b:s31+s1] =	stream.linear.scatter [tilespmem:s18], [sflag:$0x7], $0x200, $0x38;
	[tilespmem:$0x18700] =	vst v63  }
0x44e: {  	_ =	swait.ge [sflag:s2], $0x200  }
0x44f: {  	[sflag:s2] =	ssyncset.done $0x0  }
0x450: {  	s21 =	simm.s32 $0x200;
	[sflag:s2] =	ssyncadd.s32 $0xFFFFFE00  }
0x451: {  	_ =	sfence.sel $0x180000  }
0x452: {  	[bflag:$0x0] =	sbarrier.arrive $0xFFFF  }
0x453: {  	_ =	strace $0x90000047  }
0x454: {  	s0 =	stileid.u32;
	[bflag:$0x2] =	sbarrier.arrive $0xFFFF  }
0x455: {  	p0 =	sne.s32 s0, $0x0;
	s0 =	rddreg [dreg:$0x2]  }
0x456: {  	s0 =	sadd.s32 @!p0 $0x100000, s0  }
0x457: {  	[sflag:s0] =	ssyncadd.tile.s32 @!p0 $0x1;
	_ =	shalt  }
.Lfunc_end2:
_tile_overlayer_lowered:
.L_overlay_start_2:
0x458: {  	(tag) =	ssettag $0x2  }
0x459: {  	s0 =	rddreg [dreg:$0x0];
	s2 =	stileid.u32  }
0x45a: {  	s1 =	rddreg [dreg:$0x1];
	p0 =	sne.s32 s2, $0x0  }
0x45b: {  	s3 =	rddreg [dreg:$0x2];
	[bflag:$0x3] =	sbarrier.arrive $0xFFFF;
	s2 =	simm.s32 @!p0 $0x1C07  }
0x45c: {  	[timem:s3], [sflag:s2] =	dma.local @!p0 [hbm:s0], s1  }
0x45d: {  	s0 =	simm.s32 @!p0 $0x7  }
0x45e: {  	_ =	swait.ge @!p0 [sflag:s0], s1  }
0x45f: {  	s1 =	ssub.s32 @!p0 $0x0, s1;
	[sflag:s0] =	ssyncset.done @!p0 $0x0  }
0x460: {  	[sflag:s0] =	ssyncadd.s32 @!p0 s1  }
0x461: {  	[bflag:$0x3] =	sbarrier.arrive $0xFFFF  }
0x462: {  	_ =	shalt  }

</sc_bundles>
